<compile_context>
chip_gen: v7x
topology: tpu7x:2x2x1
jax: 0.10.2.dev20260603
libtpu: 0.0.44.dev20260713+nightly
codegen_flags: <defaults>
</compile_context>

<pallas_src>
import functools

import jax
import jax.numpy as jnp
from jax import lax
from jax.experimental import pallas as pl
from jax.experimental.pallas import tpu as pltpu
from jax.experimental.pallas import tpu_sc as plsc

_N = 10000
_E = 320000
_G = 64
_NC = 2
_NS = 16
_NW = _NC * _NS
_CH = 128
_K = 80
_EP = _NW * _K * _CH
_NPAD = 10112
_RPT = _NPAD // _NS

_CP = pltpu.CompilerParams(use_tc_tiling_on_sc=False)


def _mesh():
    return plsc.VectorSubcoreMesh(core_axis_name="c", subcore_axis_name="s")


@functools.cache
def _deg_kernel(k0, k1):

    _W = 4
    km = max(k0, k1)

    def body(dst_hbm, ones_hbm, zeros_hbm, out_hbm, dstv, onesv, acc, sem):
        c = lax.axis_index("c")
        s = lax.axis_index("s")
        w = c * _NS + s
        kc = jnp.where(c == 0, k0, k1)
        pltpu.sync_copy(dst_hbm.at[w], dstv)
        pltpu.sync_copy(ones_hbm, onesv)
        pltpu.sync_copy(zeros_hbm.at[pl.ds(s * _RPT, _RPT)],
                        acc.at[pl.ds(s * _RPT, _RPT)])
        plsc.subcore_barrier()

        def step(j, carry):
            @pl.when(j >= _W)
            def _():
                pltpu.make_async_copy(onesv, acc.at[dstv.at[j]], sem).wait()

            pltpu.async_copy(onesv, acc.at[dstv.at[j]], sem, add=True)
            return carry

        lax.fori_loop(0, kc, step, 0)

        def dstep(j, carry):
            pltpu.make_async_copy(onesv, acc.at[dstv.at[j]], sem).wait()
            return carry

        lax.fori_loop(0, _W, dstep, 0)
        plsc.subcore_barrier()
        pltpu.sync_copy(acc.at[pl.ds(s * _RPT, _RPT)],
                        out_hbm.at[c, pl.ds(s * _RPT, _RPT)])

    return pl.kernel(
        body,
        out_type=jax.ShapeDtypeStruct((_NC, _NPAD, 8), jnp.float32),
        mesh=_mesh(),
        scratch_types=[
            pltpu.VMEM((km, _CH), jnp.int32),
            pltpu.VMEM((_CH, 8), jnp.float32),
            pltpu.VMEM_SHARED((_NPAD, 8), jnp.float32),
            pltpu.SemaphoreType.DMA,
        ],
        compiler_params=_CP,
    )


@functools.cache
def _prop_kernel(d, k0, k1):

    _NB = 8
    _D = 4
    km = max(k0, k1)

    def body(table_hbm, src_hbm, dst_hbm, zeros_hbm, out_hbm,
             srcv, dstv, *rest):
        rows = rest[:_NB]
        acc = rest[_NB]
        gs = rest[_NB + 1:2 * _NB + 1]
        ss = rest[2 * _NB + 1:]
        c = lax.axis_index("c")
        s = lax.axis_index("s")
        w = c * _NS + s
        kc = jnp.where(c == 0, k0, k1)
        pltpu.sync_copy(src_hbm.at[w], srcv)
        pltpu.sync_copy(dst_hbm.at[w], dstv)
        pltpu.sync_copy(zeros_hbm.at[pl.ds(s * _RPT, _RPT)],
                        acc.at[pl.ds(s * _RPT, _RPT)])
        plsc.subcore_barrier()

        for b in range(_D):
            pltpu.async_copy(table_hbm.at[srcv.at[b]], rows[b], gs[b])

        def step(i, carry):
            for b in range(_NB):
                j = _NB * i + b
                pltpu.make_async_copy(table_hbm.at[srcv.at[j]], rows[b],
                                      gs[b]).wait()
                pltpu.async_copy(rows[b], acc.at[dstv.at[j]], ss[b], add=True)
                jf = j + _D
                bf = (b + _D) % _NB

                @pl.when(jf < kc)
                def _():
                    @pl.when(jf >= _NB)
                    def _():
                        pltpu.make_async_copy(rows[bf], acc.at[dstv.at[j]],
                                              ss[bf]).wait()

                    pltpu.async_copy(table_hbm.at[srcv.at[jf]], rows[bf],
                                     gs[bf])

            return carry

        lax.fori_loop(0, kc // _NB, step, 0)
        for b in range(_NB):
            pltpu.make_async_copy(rows[b], acc.at[dstv.at[0]], ss[b]).wait()
        plsc.subcore_barrier()
        pltpu.sync_copy(acc.at[pl.ds(s * _RPT, _RPT)],
                        out_hbm.at[c, pl.ds(s * _RPT, _RPT)])

    return pl.kernel(
        body,
        out_type=jax.ShapeDtypeStruct((_NC, _NPAD, d), jnp.float32),
        mesh=_mesh(),
        scratch_types=(
            [pltpu.VMEM((km, _CH), jnp.int32),
             pltpu.VMEM((km, _CH), jnp.int32)]
            + [pltpu.VMEM((_CH, d), jnp.float32) for _ in range(_NB)]
            + [pltpu.VMEM_SHARED((_NPAD, d), jnp.float32)]
            + [pltpu.SemaphoreType.DMA for _ in range(2 * _NB)]
        ),
        compiler_params=_CP,
    )


@functools.cache
def _prep_call():

    def body(degp, xpad, t1, deg):
        dsum = degp[0][:, 0:1] + degp[1][:, 0:1] + 1.0
        deg[...] = dsum
        t1[...] = xpad[...] * lax.rsqrt(dsum)

    return pl.pallas_call(
        body,
        out_shape=(jax.ShapeDtypeStruct((_NPAD, 8), jnp.float32),
                   jax.ShapeDtypeStruct((_NPAD, 1), jnp.float32)),
    )


@functools.cache
def _layer_call(d_in, d_out, relu):

    def body(parts, hprev, deg, W, b, hout, tout):
        dsum = deg[...]
        dis = lax.rsqrt(dsum)
        ph = dis * (parts[0] + parts[1]) + hprev[...] / dsum
        h = jnp.dot(ph, W[...], preferred_element_type=jnp.float32) + b[...]
        if relu:
            h = jnp.maximum(h, 0.0)
        hout[...] = h
        tout[...] = dis * h

    return pl.pallas_call(
        body,
        out_shape=(jax.ShapeDtypeStruct((_NPAD, d_out), jnp.float32),
                   jax.ShapeDtypeStruct((_NPAD, d_out), jnp.float32)),
    )


@functools.cache
def _final_call():

    def body(parts, hprev, deg, W3, b3, Wl, bl, bat, out, pooled):
        dsum = deg[...]
        dis = lax.rsqrt(dsum)
        ph = dis * (parts[0] + parts[1]) + hprev[...] / dsum
        h3 = jnp.dot(ph, W3[...], preferred_element_type=jnp.float32) + b3[...]
        bvec = bat[...]
        neg = jnp.float32(-jnp.inf)

        def gstep(g, carry):
            col = jnp.max(jnp.where(bvec == g, h3, neg), axis=0)
            pooled[pl.ds(g, 1), :] = col[None, :]
            return carry

        lax.fori_loop(0, _G, gstep, 0)
        logits = jnp.dot(pooled[...], Wl[...],
                         preferred_element_type=jnp.float32) + bl[...]
        mx = jnp.max(logits, axis=1, keepdims=True)
        lse = mx + jnp.log(jnp.sum(jnp.exp(logits - mx), axis=1, keepdims=True))
        out[...] = logits - lse

    return pl.pallas_call(
        body,
        out_shape=jax.ShapeDtypeStruct((_G, 3), jnp.float32),
        scratch_shapes=[pltpu.VMEM((_G, 128), jnp.float32)],
    )


def _split3(a, k0, k1):
    km = max(k0, k1)
    n0 = _NS * k0 * _CH
    n1 = _NS * k1 * _CH
    need = n0 + n1
    a = jnp.concatenate([a, jnp.full((need - _E,), _N, jnp.int32)])
    a0 = a[:n0].reshape(_NS, k0, _CH)
    a1 = a[n0:].reshape(_NS, k1, _CH)
    padv = jnp.full((_NS, km - min(k0, k1), _CH), _N, jnp.int32)
    if k0 < km:
        a0 = jnp.concatenate([a0, padv], axis=1)
    if k1 < km:
        a1 = jnp.concatenate([a1, padv], axis=1)
    return jnp.concatenate([a0, a1], axis=0)


_SPL_A = (80, 80)
_SPL_B = (80, 80)


def kernel(x, edge_index, batch, W1, b1, W2, b2, W3, b3, Wl, bl):
    f32 = jnp.float32
    src = edge_index[0]
    dst = edge_index[1]
    src3 = _split3(src, *_SPL_A)
    dst3 = _split3(dst, *_SPL_A)
    src3b = _split3(src, *_SPL_B)
    dst3b = _split3(dst, *_SPL_B)
    xpad = jnp.zeros((_NPAD, 8), f32).at[:_N, :2].set(x)
    W1p = jnp.zeros((8, 8), f32).at[:2].set(W1)
    batp = jnp.concatenate(
        [batch, jnp.full((_NPAD - _N,), _G, jnp.int32)]).reshape(_NPAD, 1)

    degp = _deg_kernel(*_SPL_A)(dst3, jnp.ones((_CH, 8), f32),
                                jnp.zeros((_NPAD, 8), f32))
    t1, deg = _prep_call()(degp, xpad)
    p1 = _prop_kernel(8, *_SPL_A)(t1, src3, dst3, jnp.zeros((_NPAD, 8), f32))
    h1, t2 = _layer_call(8, 8, True)(p1, xpad, deg, W1p, b1.reshape(1, 8))
    p2 = _prop_kernel(8, *_SPL_A)(t2, src3, dst3, jnp.zeros((_NPAD, 8), f32))
    h2, t3 = _layer_call(8, 32, True)(p2, h1, deg, W2, b2.reshape(1, 32))
    p3 = _prop_kernel(32, *_SPL_B)(t3, src3b, dst3b,
                                   jnp.zeros((_NPAD, 32), f32))
    return _final_call()(p3, h2, deg, W3, b3.reshape(1, 128), Wl,
                         bl.reshape(1, 3), batp)

# --- scband reference (transcript-rebuilt; emitter-appended) ---
"""Pipeline reference for scband-net-33157147525943 (READ-ONLY COPY).

The authoritative reference and input builder live on the scoring server;
editing this copy changes nothing except your own understanding.
"""

import jax, jax.numpy as jnp
import numpy as np

N = 10000
E = 320000
G = 64


def setup_inputs(seed: int = 0) -> dict:
    key = jax.random.key(seed)
    ks = jax.random.split(key, 12)
    x = jax.random.normal(ks[0], (N, 2), dtype=jnp.float32)
    edge_index = jax.random.randint(ks[1], (2, E), 0, N, dtype=jnp.int32)
    batch = jnp.sort(jax.random.randint(ks[2], (N,), 0, G, dtype=jnp.int32))
    # GCNConv weights (glorot-ish) and biases
    W1 = jax.random.normal(ks[3], (2, 8), dtype=jnp.float32) * (1.0 / np.sqrt(2))
    b1 = jnp.zeros((8,), dtype=jnp.float32)
    W2 = jax.random.normal(ks[4], (8, 32), dtype=jnp.float32) * (1.0 / np.sqrt(8))
    b2 = jnp.zeros((32,), dtype=jnp.float32)
    W3 = jax.random.normal(ks[5], (32, 128), dtype=jnp.float32) * (1.0 / np.sqrt(32))
    b3 = jnp.zeros((128,), dtype=jnp.float32)
    Wl = jax.random.normal(ks[6], (128, 3), dtype=jnp.float32) * (1.0 / np.sqrt(128))
    bl = jnp.zeros((3,), dtype=jnp.float32)
    return {"x": x, "edge_index": edge_index, "batch": batch,
            "W1": W1, "b1": b1, "W2": W2, "b2": b2, "W3": W3, "b3": b3,
            "Wl": Wl, "bl": bl}


def _gcn_conv(x, W, b, src_sl, dst_sl, norm, n_nodes):
    # x' = D^{-1/2} (A + I) D^{-1/2} (x W) + b   (PyG GCNConv, add_self_loops=True)
    h = x @ W
    msg = h[src_sl] * norm[:, None]
    out = jnp.zeros((n_nodes, W.shape[1]), dtype=x.dtype).at[dst_sl].add(msg)
    return out + b


def reference(x, edge_index, batch, W1, b1, W2, b2, W3, b3, Wl, bl):
    src = edge_index[0]
    dst = edge_index[1]
    loop = jnp.arange(N, dtype=src.dtype)
    src_sl = jnp.concatenate([src, loop])
    dst_sl = jnp.concatenate([dst, loop])
    # symmetric normalization with self-loops
    deg = jnp.zeros((N,), dtype=x.dtype).at[dst_sl].add(1.0)
    dis = jax.lax.rsqrt(deg)  # deg >= 1 thanks to self-loops
    norm = dis[src_sl] * dis[dst_sl]

    h = jax.nn.relu(_gcn_conv(x, W1, b1, src_sl, dst_sl, norm, N))
    # dropout is identity in eval mode
    h = jax.nn.relu(_gcn_conv(h, W2, b2, src_sl, dst_sl, norm, N))
    h = _gcn_conv(h, W3, b3, src_sl, dst_sl, norm, N)
    pooled = jax.ops.segment_max(h, batch, num_segments=G)
    logits = pooled @ Wl + bl
    return jax.nn.log_softmax(logits, axis=1)

if __name__ == "__main__":
    import jax
    _d = setup_inputs()
    print(jax.jit(kernel)(*tuple(_d.values())))

</pallas_src>

<mosaic_0001>
#map = affine_map<(d0, d1) -> (0, 0, 0)>
#map1 = affine_map<(d0, d1) -> (0, 0)>
module attributes {stable_mosaic.version = 14 : i64} {
  func.func @body(%arg0: i32, %arg1: i32, %arg2: memref<32x80x128xi32, #tpu.memory_space<hbm>>, %arg3: memref<128x8xf32, #tpu.memory_space<hbm>>, %arg4: memref<10112x8xf32, #tpu.memory_space<hbm>>, %arg5: memref<2x10112x8xf32, #tpu.memory_space<hbm>>, %arg6: memref<80x128xi32, #tpu.memory_space<vmem>>, %arg7: memref<128x8xf32, #tpu.memory_space<vmem>>, %arg8: memref<10112x8xf32, #tpu.memory_space<vmem_shared>>, %arg9: memref<!tpu.dma_semaphore, #tpu.memory_space<semaphore_mem>>) attributes {dimension_semantics = [#tpu.dimension_semantics<core_parallel>, #tpu.dimension_semantics<subcore_parallel>], iteration_bounds = array<i64: 2, 16>, scalar_prefetch = 0 : i64, scratch_operands = 4 : i64, tpu.core_type = #tpu.core_type<sc_vector_subcore>, window_params = [{transform_indices = #map}, {transform_indices = #map1}, {transform_indices = #map1}, {transform_indices = #map}]} {
    %mul3A = arith.constant 16 : i32
    %mul3A_0 = arith.muli %arg0, %mul3A : i32
    %add3A = arith.addi %mul3A_0, %arg1 : i32
    %eq3A = arith.constant 0 : i32
    %eq3A_1 = arith.cmpi eq, %arg0, %eq3A : i32
    %jit3A = arith.constant 80 : i32
    %jit3A_2 = arith.constant 80 : i32
    %select_n3A = arith.select %eq3A_1, %jit3A, %jit3A_2 : i32
    "tpu.region"() ({
      %run_scoped3A = tpu.sem_alloc : memref<!tpu.dma_semaphore, #tpu.memory_space<semaphore_mem>>
      %dma_start3A = arith.constant 0 : i32
      %dma_start3A_26 = arith.constant 0 : i32
      %dma_start3A_27 = tpu.memref_slice %arg2[%add3A, %dma_start3A, %dma_start3A_26] : memref<32x80x128xi32, #tpu.memory_space<hbm>> -> memref<1x80x128xi32, #tpu.memory_space<hbm>>
      %dma_start3A_28 = tpu.memref_squeeze %dma_start3A_27 : memref<1x80x128xi32, #tpu.memory_space<hbm>> -> memref<80x128xi32, #tpu.memory_space<hbm>>
      %dma_start3A_29 = arith.constant 0 : i32
      %dma_start3A_30 = arith.constant 0 : i32
      %dma_start3A_31 = tpu.memref_slice %arg2[%add3A, %dma_start3A_29, %dma_start3A_30] : memref<32x80x128xi32, #tpu.memory_space<hbm>> -> memref<1x80x128xi32, #tpu.memory_space<hbm>>
      %dma_start3A_32 = tpu.memref_squeeze %dma_start3A_31 : memref<1x80x128xi32, #tpu.memory_space<hbm>> -> memref<80x128xi32, #tpu.memory_space<hbm>>
      tpu.enqueue_dma source(%dma_start3A_32 : memref<80x128xi32, #tpu.memory_space<hbm>>) target(%arg6 : memref<80x128xi32, #tpu.memory_space<vmem>>) target_semaphore(%run_scoped3A : memref<!tpu.dma_semaphore, #tpu.memory_space<semaphore_mem>>)
      %dma_wait3A = arith.constant 0 : i32
      %dma_wait3A_33 = arith.constant 0 : i32
      %dma_wait3A_34 = tpu.memref_slice %arg2[%add3A, %dma_wait3A, %dma_wait3A_33] : memref<32x80x128xi32, #tpu.memory_space<hbm>> -> memref<1x80x128xi32, #tpu.memory_space<hbm>>
      %dma_wait3A_35 = tpu.memref_squeeze %dma_wait3A_34 : memref<1x80x128xi32, #tpu.memory_space<hbm>> -> memref<80x128xi32, #tpu.memory_space<hbm>>
      %dma_wait3A_36 = arith.constant 0 : i32
      %dma_wait3A_37 = arith.constant 0 : i32
      %dma_wait3A_38 = tpu.memref_slice %arg2[%add3A, %dma_wait3A_36, %dma_wait3A_37] : memref<32x80x128xi32, #tpu.memory_space<hbm>> -> memref<1x80x128xi32, #tpu.memory_space<hbm>>
      %dma_wait3A_39 = tpu.memref_squeeze %dma_wait3A_38 : memref<1x80x128xi32, #tpu.memory_space<hbm>> -> memref<80x128xi32, #tpu.memory_space<hbm>>
      tpu.wait_dma2 semaphore(%run_scoped3A : memref<!tpu.dma_semaphore, #tpu.memory_space<semaphore_mem>>) src(%dma_wait3A_39 : memref<80x128xi32, #tpu.memory_space<hbm>>) dst(%arg6 : memref<80x128xi32, #tpu.memory_space<vmem>>)
      tpu.yield
    }) : () -> ()
    "tpu.region"() ({
      %run_scoped3A = tpu.sem_alloc : memref<!tpu.dma_semaphore, #tpu.memory_space<semaphore_mem>>
      tpu.enqueue_dma source(%arg3 : memref<128x8xf32, #tpu.memory_space<hbm>>) target(%arg7 : memref<128x8xf32, #tpu.memory_space<vmem>>) target_semaphore(%run_scoped3A : memref<!tpu.dma_semaphore, #tpu.memory_space<semaphore_mem>>)
      tpu.wait_dma2 semaphore(%run_scoped3A : memref<!tpu.dma_semaphore, #tpu.memory_space<semaphore_mem>>) src(%arg3 : memref<128x8xf32, #tpu.memory_space<hbm>>) dst(%arg7 : memref<128x8xf32, #tpu.memory_space<vmem>>)
      tpu.yield
    }) : () -> ()
    %mul3A_3 = arith.constant 632 : i32
    %mul3A_4 = arith.muli %arg1, %mul3A_3 : i32
    %mul3A_5 = arith.constant 632 : i32
    %mul3A_6 = arith.muli %arg1, %mul3A_5 : i32
    "tpu.region"() ({
      %run_scoped3A = tpu.sem_alloc : memref<!tpu.dma_semaphore, #tpu.memory_space<semaphore_mem>>
      %dma_start3A = arith.constant 0 : i32
      %dma_start3A_26 = tpu.memref_slice %arg8[%mul3A_6, %dma_start3A] : memref<10112x8xf32, #tpu.memory_space<vmem_shared>> -> memref<632x8xf32, #tpu.memory_space<vmem_shared>>
      %dma_start3A_27 = arith.constant 0 : i32
      %dma_start3A_28 = tpu.memref_slice %arg4[%mul3A_4, %dma_start3A_27] : memref<10112x8xf32, #tpu.memory_space<hbm>> -> memref<632x8xf32, #tpu.memory_space<hbm>>
      tpu.enqueue_dma source(%dma_start3A_28 : memref<632x8xf32, #tpu.memory_space<hbm>>) target(%dma_start3A_26 : memref<632x8xf32, #tpu.memory_space<vmem_shared>>) target_semaphore(%run_scoped3A : memref<!tpu.dma_semaphore, #tpu.memory_space<semaphore_mem>>)
      %dma_wait3A = arith.constant 0 : i32
      %dma_wait3A_29 = tpu.memref_slice %arg8[%mul3A_6, %dma_wait3A] : memref<10112x8xf32, #tpu.memory_space<vmem_shared>> -> memref<632x8xf32, #tpu.memory_space<vmem_shared>>
      %dma_wait3A_30 = arith.constant 0 : i32
      %dma_wait3A_31 = tpu.memref_slice %arg4[%mul3A_4, %dma_wait3A_30] : memref<10112x8xf32, #tpu.memory_space<hbm>> -> memref<632x8xf32, #tpu.memory_space<hbm>>
      tpu.wait_dma2 semaphore(%run_scoped3A : memref<!tpu.dma_semaphore, #tpu.memory_space<semaphore_mem>>) src(%dma_wait3A_31 : memref<632x8xf32, #tpu.memory_space<hbm>>) dst(%dma_wait3A_29 : memref<632x8xf32, #tpu.memory_space<vmem_shared>>)
      tpu.yield
    }) : () -> ()
    %barrier3A = arith.constant 0 : index
    tpu.barrier barrier_id(%barrier3A)
    %while3A = arith.constant 0 : i32
    %while3A_7 = arith.constant 0 : i32
    %while3A_8 = arith.subi %select_n3A, %while3A_7 : i32
    %while3A_9 = arith.addi %while3A_7, %while3A_8 : i32
    %while3A_10 = arith.constant 1 : i32
    %while3A_11 = arith.divsi %while3A_8, %while3A_10 : i32
    %while3A_12 = arith.muli %while3A_11, %while3A_10 : i32
    %while3A_13 = arith.addi %while3A_7, %while3A_12 : i32
    %while3A_14 = arith.constant 1 : i32
    scf.for %while3A_26 = %while3A_7 to %while3A_13 step %while3A_14  : i32 {
      %ge3A = arith.constant 4 : i32
      %ge3A_27 = arith.cmpi sge, %while3A_26, %ge3A : i32
      %convert_element_type3A = arith.extui %ge3A_27 : i1 to i32
      %cond3A = arith.constant 0 : i32
      %cond3A_28 = arith.cmpi ne, %convert_element_type3A, %cond3A : i32
      scf.if %cond3A_28 {
        %dma_wait3A = arith.constant 0 : i32
        %dma_wait3A_34 = tpu.memref_slice %arg6[%while3A_26, %dma_wait3A] : memref<80x128xi32, #tpu.memory_space<vmem>> -> memref<1x128xi32, #tpu.memory_space<vmem>>
        %dma_wait3A_35 = tpu.memref_squeeze %dma_wait3A_34 : memref<1x128xi32, #tpu.memory_space<vmem>> -> memref<128xi32, #tpu.memory_space<vmem>>
        %dma_wait3A_36 = arith.constant 0 : i32
        %dma_wait3A_37 = arith.constant 0 : i32
        %dma_wait3A_38 = tpu.memref_slice %arg8[%dma_wait3A_36, %dma_wait3A_37] : memref<10112x8xf32, #tpu.memory_space<vmem_shared>> -> memref<10112x8xf32, #tpu.memory_space<vmem_shared>>
        tpu.wait_indirect_dma semaphore(%arg9 : memref<!tpu.dma_semaphore, #tpu.memory_space<semaphore_mem>>) src(%arg7 : memref<128x8xf32, #tpu.memory_space<vmem>>) dst(%dma_wait3A_38 : memref<10112x8xf32, #tpu.memory_space<vmem_shared>>)
      } else {
      }
      %dma_start3A = arith.constant 0 : i32
      %dma_start3A_29 = tpu.memref_slice %arg6[%while3A_26, %dma_start3A] : memref<80x128xi32, #tpu.memory_space<vmem>> -> memref<1x128xi32, #tpu.memory_space<vmem>>
      %dma_start3A_30 = tpu.memref_squeeze %dma_start3A_29 : memref<1x128xi32, #tpu.memory_space<vmem>> -> memref<128xi32, #tpu.memory_space<vmem>>
      %dma_start3A_31 = arith.constant 0 : i32
      %dma_start3A_32 = arith.constant 0 : i32
      %dma_start3A_33 = tpu.memref_slice %arg8[%dma_start3A_31, %dma_start3A_32] : memref<10112x8xf32, #tpu.memory_space<vmem_shared>> -> memref<10112x8xf32, #tpu.memory_space<vmem_shared>>
      tpu.enqueue_indirect_dma source(%arg7 : memref<128x8xf32, #tpu.memory_space<vmem>>) target(%dma_start3A_33 : memref<10112x8xf32, #tpu.memory_space<vmem_shared>>) offsets(%dma_start3A_30 : memref<128xi32, #tpu.memory_space<vmem>>) semaphore(%arg9 : memref<!tpu.dma_semaphore, #tpu.memory_space<semaphore_mem>>) {add = true}
    }
    %while3A_15 = arith.constant 1 : i32
    scf.for %while3A_26 = %while3A_13 to %while3A_9 step %while3A_15  : i32 {
      %ge3A = arith.constant 4 : i32
      %ge3A_27 = arith.cmpi sge, %while3A_26, %ge3A : i32
      %convert_element_type3A = arith.extui %ge3A_27 : i1 to i32
      %cond3A = arith.constant 0 : i32
      %cond3A_28 = arith.cmpi ne, %convert_element_type3A, %cond3A : i32
      scf.if %cond3A_28 {
        %dma_wait3A = arith.constant 0 : i32
        %dma_wait3A_34 = tpu.memref_slice %arg6[%while3A_26, %dma_wait3A] : memref<80x128xi32, #tpu.memory_space<vmem>> -> memref<1x128xi32, #tpu.memory_space<vmem>>
        %dma_wait3A_35 = tpu.memref_squeeze %dma_wait3A_34 : memref<1x128xi32, #tpu.memory_space<vmem>> -> memref<128xi32, #tpu.memory_space<vmem>>
        %dma_wait3A_36 = arith.constant 0 : i32
        %dma_wait3A_37 = arith.constant 0 : i32
        %dma_wait3A_38 = tpu.memref_slice %arg8[%dma_wait3A_36, %dma_wait3A_37] : memref<10112x8xf32, #tpu.memory_space<vmem_shared>> -> memref<10112x8xf32, #tpu.memory_space<vmem_shared>>
        tpu.wait_indirect_dma semaphore(%arg9 : memref<!tpu.dma_semaphore, #tpu.memory_space<semaphore_mem>>) src(%arg7 : memref<128x8xf32, #tpu.memory_space<vmem>>) dst(%dma_wait3A_38 : memref<10112x8xf32, #tpu.memory_space<vmem_shared>>)
      } else {
      }
      %dma_start3A = arith.constant 0 : i32
      %dma_start3A_29 = tpu.memref_slice %arg6[%while3A_26, %dma_start3A] : memref<80x128xi32, #tpu.memory_space<vmem>> -> memref<1x128xi32, #tpu.memory_space<vmem>>
      %dma_start3A_30 = tpu.memref_squeeze %dma_start3A_29 : memref<1x128xi32, #tpu.memory_space<vmem>> -> memref<128xi32, #tpu.memory_space<vmem>>
      %dma_start3A_31 = arith.constant 0 : i32
      %dma_start3A_32 = arith.constant 0 : i32
      %dma_start3A_33 = tpu.memref_slice %arg8[%dma_start3A_31, %dma_start3A_32] : memref<10112x8xf32, #tpu.memory_space<vmem_shared>> -> memref<10112x8xf32, #tpu.memory_space<vmem_shared>>
      tpu.enqueue_indirect_dma source(%arg7 : memref<128x8xf32, #tpu.memory_space<vmem>>) target(%dma_start3A_33 : memref<10112x8xf32, #tpu.memory_space<vmem_shared>>) offsets(%dma_start3A_30 : memref<128xi32, #tpu.memory_space<vmem>>) semaphore(%arg9 : memref<!tpu.dma_semaphore, #tpu.memory_space<semaphore_mem>>) {add = true}
    }
    %scan3A = arith.constant 0 : i32
    %scan3A_16 = arith.constant 0 : i32
    %scan3A_17 = arith.constant 4 : i32
    %scan3A_18 = arith.addi %scan3A_16, %scan3A_17 : i32
    %scan3A_19 = arith.constant 1 : i32
    scf.for %scan3A_26 = %scan3A_16 to %scan3A_18 step %scan3A_19  : i32 {
      %dma_wait3A = arith.constant 0 : i32
      %dma_wait3A_27 = tpu.memref_slice %arg6[%scan3A_26, %dma_wait3A] : memref<80x128xi32, #tpu.memory_space<vmem>> -> memref<1x128xi32, #tpu.memory_space<vmem>>
      %dma_wait3A_28 = tpu.memref_squeeze %dma_wait3A_27 : memref<1x128xi32, #tpu.memory_space<vmem>> -> memref<128xi32, #tpu.memory_space<vmem>>
      %dma_wait3A_29 = arith.constant 0 : i32
      %dma_wait3A_30 = arith.constant 0 : i32
      %dma_wait3A_31 = tpu.memref_slice %arg8[%dma_wait3A_29, %dma_wait3A_30] : memref<10112x8xf32, #tpu.memory_space<vmem_shared>> -> memref<10112x8xf32, #tpu.memory_space<vmem_shared>>
      tpu.wait_indirect_dma semaphore(%arg9 : memref<!tpu.dma_semaphore, #tpu.memory_space<semaphore_mem>>) src(%arg7 : memref<128x8xf32, #tpu.memory_space<vmem>>) dst(%dma_wait3A_31 : memref<10112x8xf32, #tpu.memory_space<vmem_shared>>)
    }
    %scan3A_20 = arith.constant 4 : i32
    %barrier3A_21 = arith.constant 0 : index
    tpu.barrier barrier_id(%barrier3A_21)
    %mul3A_22 = arith.constant 632 : i32
    %mul3A_23 = arith.muli %arg1, %mul3A_22 : i32
    %mul3A_24 = arith.constant 632 : i32
    %mul3A_25 = arith.muli %arg1, %mul3A_24 : i32
    "tpu.region"() ({
      %run_scoped3A = tpu.sem_alloc : memref<!tpu.dma_semaphore, #tpu.memory_space<semaphore_mem>>
      %dma_start3A = arith.constant 0 : i32
      %dma_start3A_26 = tpu.memref_slice %arg5[%arg0, %mul3A_25, %dma_start3A] : memref<2x10112x8xf32, #tpu.memory_space<hbm>> -> memref<1x632x8xf32, #tpu.memory_space<hbm>>
      %dma_start3A_27 = tpu.memref_squeeze %dma_start3A_26 : memref<1x632x8xf32, #tpu.memory_space<hbm>> -> memref<632x8xf32, #tpu.memory_space<hbm>>
      %dma_start3A_28 = arith.constant 0 : i32
      %dma_start3A_29 = tpu.memref_slice %arg8[%mul3A_23, %dma_start3A_28] : memref<10112x8xf32, #tpu.memory_space<vmem_shared>> -> memref<632x8xf32, #tpu.memory_space<vmem_shared>>
      tpu.enqueue_dma source(%dma_start3A_29 : memref<632x8xf32, #tpu.memory_space<vmem_shared>>) target(%dma_start3A_27 : memref<632x8xf32, #tpu.memory_space<hbm>>) target_semaphore(%run_scoped3A : memref<!tpu.dma_semaphore, #tpu.memory_space<semaphore_mem>>)
      %dma_wait3A = arith.constant 0 : i32
      %dma_wait3A_30 = tpu.memref_slice %arg5[%arg0, %mul3A_25, %dma_wait3A] : memref<2x10112x8xf32, #tpu.memory_space<hbm>> -> memref<1x632x8xf32, #tpu.memory_space<hbm>>
      %dma_wait3A_31 = tpu.memref_squeeze %dma_wait3A_30 : memref<1x632x8xf32, #tpu.memory_space<hbm>> -> memref<632x8xf32, #tpu.memory_space<hbm>>
      %dma_wait3A_32 = arith.constant 0 : i32
      %dma_wait3A_33 = tpu.memref_slice %arg8[%mul3A_23, %dma_wait3A_32] : memref<10112x8xf32, #tpu.memory_space<vmem_shared>> -> memref<632x8xf32, #tpu.memory_space<vmem_shared>>
      tpu.wait_dma2 semaphore(%run_scoped3A : memref<!tpu.dma_semaphore, #tpu.memory_space<semaphore_mem>>) src(%dma_wait3A_33 : memref<632x8xf32, #tpu.memory_space<vmem_shared>>) dst(%dma_wait3A_31 : memref<632x8xf32, #tpu.memory_space<hbm>>)
      tpu.yield
    }) : () -> ()
    return
  }
}

#map = affine_map<(d0, d1) -> (0, 0)>
#map1 = affine_map<(d0, d1) -> (0, 0, 0)>
module attributes {stable_mosaic.version = 14 : i64} {
  func.func @body(%arg0: i32, %arg1: i32, %arg2: memref<10112x32xf32, #tpu.memory_space<hbm>>, %arg3: memref<32x80x128xi32, #tpu.memory_space<hbm>>, %arg4: memref<32x80x128xi32, #tpu.memory_space<hbm>>, %arg5: memref<10112x32xf32, #tpu.memory_space<hbm>>, %arg6: memref<2x10112x32xf32, #tpu.memory_space<hbm>>, %arg7: memref<80x128xi32, #tpu.memory_space<vmem>>, %arg8: memref<80x128xi32, #tpu.memory_space<vmem>>, %arg9: memref<128x32xf32, #tpu.memory_space<vmem>>, %arg10: memref<128x32xf32, #tpu.memory_space<vmem>>, %arg11: memref<128x32xf32, #tpu.memory_space<vmem>>, %arg12: memref<128x32xf32, #tpu.memory_space<vmem>>, %arg13: memref<128x32xf32, #tpu.memory_space<vmem>>, %arg14: memref<128x32xf32, #tpu.memory_space<vmem>>, %arg15: memref<128x32xf32, #tpu.memory_space<vmem>>, %arg16: memref<128x32xf32, #tpu.memory_space<vmem>>, %arg17: memref<10112x32xf32, #tpu.memory_space<vmem_shared>>, %arg18: memref<!tpu.dma_semaphore, #tpu.memory_space<semaphore_mem>>, %arg19: memref<!tpu.dma_semaphore, #tpu.memory_space<semaphore_mem>>, %arg20: memref<!tpu.dma_semaphore, #tpu.memory_space<semaphore_mem>>, %arg21: memref<!tpu.dma_semaphore, #tpu.memory_space<semaphore_mem>>, %arg22: memref<!tpu.dma_semaphore, #tpu.memory_space<semaphore_mem>>, %arg23: memref<!tpu.dma_semaphore, #tpu.memory_space<semaphore_mem>>, %arg24: memref<!tpu.dma_semaphore, #tpu.memory_space<semaphore_mem>>, %arg25: memref<!tpu.dma_semaphore, #tpu.memory_space<semaphore_mem>>, %arg26: memref<!tpu.dma_semaphore, #tpu.memory_space<semaphore_mem>>, %arg27: memref<!tpu.dma_semaphore, #tpu.memory_space<semaphore_mem>>, %arg28: memref<!tpu.dma_semaphore, #tpu.memory_space<semaphore_mem>>, %arg29: memref<!tpu.dma_semaphore, #tpu.memory_space<semaphore_mem>>, %arg30: memref<!tpu.dma_semaphore, #tpu.memory_space<semaphore_mem>>, %arg31: memref<!tpu.dma_semaphore, #tpu.memory_space<semaphore_mem>>, %arg32: memref<!tpu.dma_semaphore, #tpu.memory_space<semaphore_mem>>, %arg33: memref<!tpu.dma_semaphore, #tpu.memory_space<semaphore_mem>>) attributes {dimension_semantics = [#tpu.dimension_semantics<core_parallel>, #tpu.dimension_semantics<subcore_parallel>], iteration_bounds = array<i64: 2, 16>, scalar_prefetch = 0 : i64, scratch_operands = 27 : i64, tpu.core_type = #tpu.core_type<sc_vector_subcore>, window_params = [{transform_indices = #map}, {transform_indices = #map1}, {transform_indices = #map1}, {transform_indices = #map}, {transform_indices = #map1}]} {
    %mul3A = arith.constant 16 : i32
    %mul3A_0 = arith.muli %arg0, %mul3A : i32
    %add3A = arith.addi %mul3A_0, %arg1 : i32
    %eq3A = arith.constant 0 : i32
    %eq3A_1 = arith.cmpi eq, %arg0, %eq3A : i32
    %jit3A = arith.constant 80 : i32
    %jit3A_2 = arith.constant 80 : i32
    %select_n3A = arith.select %eq3A_1, %jit3A, %jit3A_2 : i32
    "tpu.region"() ({
      %run_scoped3A = tpu.sem_alloc : memref<!tpu.dma_semaphore, #tpu.memory_space<semaphore_mem>>
      %dma_start3A_121 = arith.constant 0 : i32
      %dma_start3A_122 = arith.constant 0 : i32
      %dma_start3A_123 = tpu.memref_slice %arg3[%add3A, %dma_start3A_121, %dma_start3A_122] : memref<32x80x128xi32, #tpu.memory_space<hbm>> -> memref<1x80x128xi32, #tpu.memory_space<hbm>>
      %dma_start3A_124 = tpu.memref_squeeze %dma_start3A_123 : memref<1x80x128xi32, #tpu.memory_space<hbm>> -> memref<80x128xi32, #tpu.memory_space<hbm>>
      %dma_start3A_125 = arith.constant 0 : i32
      %dma_start3A_126 = arith.constant 0 : i32
      %dma_start3A_127 = tpu.memref_slice %arg3[%add3A, %dma_start3A_125, %dma_start3A_126] : memref<32x80x128xi32, #tpu.memory_space<hbm>> -> memref<1x80x128xi32, #tpu.memory_space<hbm>>
      %dma_start3A_128 = tpu.memref_squeeze %dma_start3A_127 : memref<1x80x128xi32, #tpu.memory_space<hbm>> -> memref<80x128xi32, #tpu.memory_space<hbm>>
      tpu.enqueue_dma source(%dma_start3A_128 : memref<80x128xi32, #tpu.memory_space<hbm>>) target(%arg7 : memref<80x128xi32, #tpu.memory_space<vmem>>) target_semaphore(%run_scoped3A : memref<!tpu.dma_semaphore, #tpu.memory_space<semaphore_mem>>)
      %dma_wait3A_129 = arith.constant 0 : i32
      %dma_wait3A_130 = arith.constant 0 : i32
      %dma_wait3A_131 = tpu.memref_slice %arg3[%add3A, %dma_wait3A_129, %dma_wait3A_130] : memref<32x80x128xi32, #tpu.memory_space<hbm>> -> memref<1x80x128xi32, #tpu.memory_space<hbm>>
      %dma_wait3A_132 = tpu.memref_squeeze %dma_wait3A_131 : memref<1x80x128xi32, #tpu.memory_space<hbm>> -> memref<80x128xi32, #tpu.memory_space<hbm>>
      %dma_wait3A_133 = arith.constant 0 : i32
      %dma_wait3A_134 = arith.constant 0 : i32
      %dma_wait3A_135 = tpu.memref_slice %arg3[%add3A, %dma_wait3A_133, %dma_wait3A_134] : memref<32x80x128xi32, #tpu.memory_space<hbm>> -> memref<1x80x128xi32, #tpu.memory_space<hbm>>
      %dma_wait3A_136 = tpu.memref_squeeze %dma_wait3A_135 : memref<1x80x128xi32, #tpu.memory_space<hbm>> -> memref<80x128xi32, #tpu.memory_space<hbm>>
      tpu.wait_dma2 semaphore(%run_scoped3A : memref<!tpu.dma_semaphore, #tpu.memory_space<semaphore_mem>>) src(%dma_wait3A_136 : memref<80x128xi32, #tpu.memory_space<hbm>>) dst(%arg7 : memref<80x128xi32, #tpu.memory_space<vmem>>)
      tpu.yield
    }) : () -> ()
    "tpu.region"() ({
      %run_scoped3A = tpu.sem_alloc : memref<!tpu.dma_semaphore, #tpu.memory_space<semaphore_mem>>
      %dma_start3A_121 = arith.constant 0 : i32
      %dma_start3A_122 = arith.constant 0 : i32
      %dma_start3A_123 = tpu.memref_slice %arg4[%add3A, %dma_start3A_121, %dma_start3A_122] : memref<32x80x128xi32, #tpu.memory_space<hbm>> -> memref<1x80x128xi32, #tpu.memory_space<hbm>>
      %dma_start3A_124 = tpu.memref_squeeze %dma_start3A_123 : memref<1x80x128xi32, #tpu.memory_space<hbm>> -> memref<80x128xi32, #tpu.memory_space<hbm>>
      %dma_start3A_125 = arith.constant 0 : i32
      %dma_start3A_126 = arith.constant 0 : i32
      %dma_start3A_127 = tpu.memref_slice %arg4[%add3A, %dma_start3A_125, %dma_start3A_126] : memref<32x80x128xi32, #tpu.memory_space<hbm>> -> memref<1x80x128xi32, #tpu.memory_space<hbm>>
      %dma_start3A_128 = tpu.memref_squeeze %dma_start3A_127 : memref<1x80x128xi32, #tpu.memory_space<hbm>> -> memref<80x128xi32, #tpu.memory_space<hbm>>
      tpu.enqueue_dma source(%dma_start3A_128 : memref<80x128xi32, #tpu.memory_space<hbm>>) target(%arg8 : memref<80x128xi32, #tpu.memory_space<vmem>>) target_semaphore(%run_scoped3A : memref<!tpu.dma_semaphore, #tpu.memory_space<semaphore_mem>>)
      %dma_wait3A_129 = arith.constant 0 : i32
      %dma_wait3A_130 = arith.constant 0 : i32
      %dma_wait3A_131 = tpu.memref_slice %arg4[%add3A, %dma_wait3A_129, %dma_wait3A_130] : memref<32x80x128xi32, #tpu.memory_space<hbm>> -> memref<1x80x128xi32, #tpu.memory_space<hbm>>
      %dma_wait3A_132 = tpu.memref_squeeze %dma_wait3A_131 : memref<1x80x128xi32, #tpu.memory_space<hbm>> -> memref<80x128xi32, #tpu.memory_space<hbm>>
      %dma_wait3A_133 = arith.constant 0 : i32
      %dma_wait3A_134 = arith.constant 0 : i32
      %dma_wait3A_135 = tpu.memref_slice %arg4[%add3A, %dma_wait3A_133, %dma_wait3A_134] : memref<32x80x128xi32, #tpu.memory_space<hbm>> -> memref<1x80x128xi32, #tpu.memory_space<hbm>>
      %dma_wait3A_136 = tpu.memref_squeeze %dma_wait3A_135 : memref<1x80x128xi32, #tpu.memory_space<hbm>> -> memref<80x128xi32, #tpu.memory_space<hbm>>
      tpu.wait_dma2 semaphore(%run_scoped3A : memref<!tpu.dma_semaphore, #tpu.memory_space<semaphore_mem>>) src(%dma_wait3A_136 : memref<80x128xi32, #tpu.memory_space<hbm>>) dst(%arg8 : memref<80x128xi32, #tpu.memory_space<vmem>>)
      tpu.yield
    }) : () -> ()
    %mul3A_3 = arith.constant 632 : i32
    %mul3A_4 = arith.muli %arg1, %mul3A_3 : i32
    %mul3A_5 = arith.constant 632 : i32
    %mul3A_6 = arith.muli %arg1, %mul3A_5 : i32
    "tpu.region"() ({
      %run_scoped3A = tpu.sem_alloc : memref<!tpu.dma_semaphore, #tpu.memory_space<semaphore_mem>>
      %dma_start3A_121 = arith.constant 0 : i32
      %dma_start3A_122 = tpu.memref_slice %arg17[%mul3A_6, %dma_start3A_121] : memref<10112x32xf32, #tpu.memory_space<vmem_shared>> -> memref<632x32xf32, #tpu.memory_space<vmem_shared>>
      %dma_start3A_123 = arith.constant 0 : i32
      %dma_start3A_124 = tpu.memref_slice %arg5[%mul3A_4, %dma_start3A_123] : memref<10112x32xf32, #tpu.memory_space<hbm>> -> memref<632x32xf32, #tpu.memory_space<hbm>>
      tpu.enqueue_dma source(%dma_start3A_124 : memref<632x32xf32, #tpu.memory_space<hbm>>) target(%dma_start3A_122 : memref<632x32xf32, #tpu.memory_space<vmem_shared>>) target_semaphore(%run_scoped3A : memref<!tpu.dma_semaphore, #tpu.memory_space<semaphore_mem>>)
      %dma_wait3A_125 = arith.constant 0 : i32
      %dma_wait3A_126 = tpu.memref_slice %arg17[%mul3A_6, %dma_wait3A_125] : memref<10112x32xf32, #tpu.memory_space<vmem_shared>> -> memref<632x32xf32, #tpu.memory_space<vmem_shared>>
      %dma_wait3A_127 = arith.constant 0 : i32
      %dma_wait3A_128 = tpu.memref_slice %arg5[%mul3A_4, %dma_wait3A_127] : memref<10112x32xf32, #tpu.memory_space<hbm>> -> memref<632x32xf32, #tpu.memory_space<hbm>>
      tpu.wait_dma2 semaphore(%run_scoped3A : memref<!tpu.dma_semaphore, #tpu.memory_space<semaphore_mem>>) src(%dma_wait3A_128 : memref<632x32xf32, #tpu.memory_space<hbm>>) dst(%dma_wait3A_126 : memref<632x32xf32, #tpu.memory_space<vmem_shared>>)
      tpu.yield
    }) : () -> ()
    %barrier3A = arith.constant 0 : index
    tpu.barrier barrier_id(%barrier3A)
    %dma_start3A = arith.constant 0 : i32
    %dma_start3A_7 = arith.constant 0 : i32
    %dma_start3A_8 = tpu.memref_slice %arg7[%dma_start3A, %dma_start3A_7] : memref<80x128xi32, #tpu.memory_space<vmem>> -> memref<1x128xi32, #tpu.memory_space<vmem>>
    %dma_start3A_9 = tpu.memref_squeeze %dma_start3A_8 : memref<1x128xi32, #tpu.memory_space<vmem>> -> memref<128xi32, #tpu.memory_space<vmem>>
    %dma_start3A_10 = arith.constant 0 : i32
    %dma_start3A_11 = arith.constant 0 : i32
    %dma_start3A_12 = tpu.memref_slice %arg2[%dma_start3A_10, %dma_start3A_11] : memref<10112x32xf32, #tpu.memory_space<hbm>> -> memref<10112x32xf32, #tpu.memory_space<hbm>>
    tpu.enqueue_indirect_dma source(%dma_start3A_12 : memref<10112x32xf32, #tpu.memory_space<hbm>>) target(%arg9 : memref<128x32xf32, #tpu.memory_space<vmem>>) offsets(%dma_start3A_9 : memref<128xi32, #tpu.memory_space<vmem>>) semaphore(%arg18 : memref<!tpu.dma_semaphore, #tpu.memory_space<semaphore_mem>>)
    %dma_start3A_13 = arith.constant 1 : i32
    %dma_start3A_14 = arith.constant 0 : i32
    %dma_start3A_15 = tpu.memref_slice %arg7[%dma_start3A_13, %dma_start3A_14] : memref<80x128xi32, #tpu.memory_space<vmem>> -> memref<1x128xi32, #tpu.memory_space<vmem>>
    %dma_start3A_16 = tpu.memref_squeeze %dma_start3A_15 : memref<1x128xi32, #tpu.memory_space<vmem>> -> memref<128xi32, #tpu.memory_space<vmem>>
    %dma_start3A_17 = arith.constant 0 : i32
    %dma_start3A_18 = arith.constant 0 : i32
    %dma_start3A_19 = tpu.memref_slice %arg2[%dma_start3A_17, %dma_start3A_18] : memref<10112x32xf32, #tpu.memory_space<hbm>> -> memref<10112x32xf32, #tpu.memory_space<hbm>>
    tpu.enqueue_indirect_dma source(%dma_start3A_19 : memref<10112x32xf32, #tpu.memory_space<hbm>>) target(%arg10 : memref<128x32xf32, #tpu.memory_space<vmem>>) offsets(%dma_start3A_16 : memref<128xi32, #tpu.memory_space<vmem>>) semaphore(%arg19 : memref<!tpu.dma_semaphore, #tpu.memory_space<semaphore_mem>>)
    %dma_start3A_20 = arith.constant 2 : i32
    %dma_start3A_21 = arith.constant 0 : i32
    %dma_start3A_22 = tpu.memref_slice %arg7[%dma_start3A_20, %dma_start3A_21] : memref<80x128xi32, #tpu.memory_space<vmem>> -> memref<1x128xi32, #tpu.memory_space<vmem>>
    %dma_start3A_23 = tpu.memref_squeeze %dma_start3A_22 : memref<1x128xi32, #tpu.memory_space<vmem>> -> memref<128xi32, #tpu.memory_space<vmem>>
    %dma_start3A_24 = arith.constant 0 : i32
    %dma_start3A_25 = arith.constant 0 : i32
    %dma_start3A_26 = tpu.memref_slice %arg2[%dma_start3A_24, %dma_start3A_25] : memref<10112x32xf32, #tpu.memory_space<hbm>> -> memref<10112x32xf32, #tpu.memory_space<hbm>>
    tpu.enqueue_indirect_dma source(%dma_start3A_26 : memref<10112x32xf32, #tpu.memory_space<hbm>>) target(%arg11 : memref<128x32xf32, #tpu.memory_space<vmem>>) offsets(%dma_start3A_23 : memref<128xi32, #tpu.memory_space<vmem>>) semaphore(%arg20 : memref<!tpu.dma_semaphore, #tpu.memory_space<semaphore_mem>>)
    %dma_start3A_27 = arith.constant 3 : i32
    %dma_start3A_28 = arith.constant 0 : i32
    %dma_start3A_29 = tpu.memref_slice %arg7[%dma_start3A_27, %dma_start3A_28] : memref<80x128xi32, #tpu.memory_space<vmem>> -> memref<1x128xi32, #tpu.memory_space<vmem>>
    %dma_start3A_30 = tpu.memref_squeeze %dma_start3A_29 : memref<1x128xi32, #tpu.memory_space<vmem>> -> memref<128xi32, #tpu.memory_space<vmem>>
    %dma_start3A_31 = arith.constant 0 : i32
    %dma_start3A_32 = arith.constant 0 : i32
    %dma_start3A_33 = tpu.memref_slice %arg2[%dma_start3A_31, %dma_start3A_32] : memref<10112x32xf32, #tpu.memory_space<hbm>> -> memref<10112x32xf32, #tpu.memory_space<hbm>>
    tpu.enqueue_indirect_dma source(%dma_start3A_33 : memref<10112x32xf32, #tpu.memory_space<hbm>>) target(%arg12 : memref<128x32xf32, #tpu.memory_space<vmem>>) offsets(%dma_start3A_30 : memref<128xi32, #tpu.memory_space<vmem>>) semaphore(%arg21 : memref<!tpu.dma_semaphore, #tpu.memory_space<semaphore_mem>>)
    %jit3A_34 = arith.constant 8 : i32
    %div3A = arith.divsi %select_n3A, %jit3A_34 : i32
    %sign3A = arith.constant 0 : i32
    %sign3A_35 = arith.cmpi sgt, %select_n3A, %sign3A : i32
    %sign3A_36 = arith.extui %sign3A_35 : i1 to i32
    %sign3A_37 = arith.constant 0 : i32
    %sign3A_38 = arith.cmpi slt, %select_n3A, %sign3A_37 : i32
    %sign3A_39 = arith.extui %sign3A_38 : i1 to i32
    %sign3A_40 = arith.subi %sign3A_36, %sign3A_39 : i32
    %sign3A_41 = arith.constant 0 : i32
    %sign3A_42 = arith.cmpi sgt, %jit3A_34, %sign3A_41 : i32
    %sign3A_43 = arith.extui %sign3A_42 : i1 to i32
    %sign3A_44 = arith.constant 0 : i32
    %sign3A_45 = arith.cmpi slt, %jit3A_34, %sign3A_44 : i32
    %sign3A_46 = arith.extui %sign3A_45 : i1 to i32
    %sign3A_47 = arith.subi %sign3A_43, %sign3A_46 : i32
    %ne3A = arith.cmpi ne, %sign3A_40, %sign3A_47 : i32
    %rem3A = arith.remsi %select_n3A, %jit3A_34 : i32
    %ne3A_48 = arith.constant 0 : i32
    %ne3A_49 = arith.cmpi ne, %rem3A, %ne3A_48 : i32
    %and3A = arith.andi %ne3A, %ne3A_49 : i1
    %sub3A = arith.constant 1 : i32
    %sub3A_50 = arith.subi %div3A, %sub3A : i32
    %select_n3A_51 = arith.select %and3A, %sub3A_50, %div3A : i32
    %while3A = arith.constant 0 : i32
    %while3A_52 = arith.constant 0 : i32
    %while3A_53 = arith.subi %select_n3A_51, %while3A_52 : i32
    %while3A_54 = arith.addi %while3A_52, %while3A_53 : i32
    %while3A_55 = arith.constant 1 : i32
    %while3A_56 = arith.divsi %while3A_53, %while3A_55 : i32
    %while3A_57 = arith.muli %while3A_56, %while3A_55 : i32
    %while3A_58 = arith.addi %while3A_52, %while3A_57 : i32
    %while3A_59 = arith.constant 1 : i32
    scf.for %while3A_121 = %while3A_52 to %while3A_58 step %while3A_59  : i32 {
      %mul3A_122 = arith.constant 8 : i32
      %mul3A_123 = arith.muli %mul3A_122, %while3A_121 : i32
      %add3A_124 = arith.constant 0 : i32
      %add3A_125 = arith.addi %mul3A_123, %add3A_124 : i32
      %dma_wait3A_126 = arith.constant 0 : i32
      %dma_wait3A_127 = tpu.memref_slice %arg7[%add3A_125, %dma_wait3A_126] : memref<80x128xi32, #tpu.memory_space<vmem>> -> memref<1x128xi32, #tpu.memory_space<vmem>>
      %dma_wait3A_128 = tpu.memref_squeeze %dma_wait3A_127 : memref<1x128xi32, #tpu.memory_space<vmem>> -> memref<128xi32, #tpu.memory_space<vmem>>
      %dma_wait3A_129 = arith.constant 0 : i32
      %dma_wait3A_130 = arith.constant 0 : i32
      %dma_wait3A_131 = tpu.memref_slice %arg2[%dma_wait3A_129, %dma_wait3A_130] : memref<10112x32xf32, #tpu.memory_space<hbm>> -> memref<10112x32xf32, #tpu.memory_space<hbm>>
      tpu.wait_indirect_dma semaphore(%arg18 : memref<!tpu.dma_semaphore, #tpu.memory_space<semaphore_mem>>) src(%dma_wait3A_131 : memref<10112x32xf32, #tpu.memory_space<hbm>>) dst(%arg9 : memref<128x32xf32, #tpu.memory_space<vmem>>)
      %dma_start3A_132 = arith.constant 0 : i32
      %dma_start3A_133 = tpu.memref_slice %arg8[%add3A_125, %dma_start3A_132] : memref<80x128xi32, #tpu.memory_space<vmem>> -> memref<1x128xi32, #tpu.memory_space<vmem>>
      %dma_start3A_134 = tpu.memref_squeeze %dma_start3A_133 : memref<1x128xi32, #tpu.memory_space<vmem>> -> memref<128xi32, #tpu.memory_space<vmem>>
      %dma_start3A_135 = arith.constant 0 : i32
      %dma_start3A_136 = arith.constant 0 : i32
      %dma_start3A_137 = tpu.memref_slice %arg17[%dma_start3A_135, %dma_start3A_136] : memref<10112x32xf32, #tpu.memory_space<vmem_shared>> -> memref<10112x32xf32, #tpu.memory_space<vmem_shared>>
      tpu.enqueue_indirect_dma source(%arg9 : memref<128x32xf32, #tpu.memory_space<vmem>>) target(%dma_start3A_137 : memref<10112x32xf32, #tpu.memory_space<vmem_shared>>) offsets(%dma_start3A_134 : memref<128xi32, #tpu.memory_space<vmem>>) semaphore(%arg26 : memref<!tpu.dma_semaphore, #tpu.memory_space<semaphore_mem>>) {add = true}
      %add3A_138 = arith.constant 4 : i32
      %add3A_139 = arith.addi %add3A_125, %add3A_138 : i32
      %lt3A = arith.cmpi slt, %add3A_139, %select_n3A : i32
      %convert_element_type3A = arith.extui %lt3A : i1 to i32
      %cond3A = arith.constant 0 : i32
      %cond3A_140 = arith.cmpi ne, %convert_element_type3A, %cond3A : i32
      scf.if %cond3A_140 {
        %ge3A = arith.constant 8 : i32
        %ge3A_295 = arith.cmpi sge, %add3A_139, %ge3A : i32
        %convert_element_type3A_296 = arith.extui %ge3A_295 : i1 to i32
        %cond3A_297 = arith.constant 0 : i32
        %cond3A_298 = arith.cmpi ne, %convert_element_type3A_296, %cond3A_297 : i32
        scf.if %cond3A_298 {
          %dma_wait3A_305 = arith.constant 0 : i32
          %dma_wait3A_306 = tpu.memref_slice %arg8[%add3A_125, %dma_wait3A_305] : memref<80x128xi32, #tpu.memory_space<vmem>> -> memref<1x128xi32, #tpu.memory_space<vmem>>
          %dma_wait3A_307 = tpu.memref_squeeze %dma_wait3A_306 : memref<1x128xi32, #tpu.memory_space<vmem>> -> memref<128xi32, #tpu.memory_space<vmem>>
          %dma_wait3A_308 = arith.constant 0 : i32
          %dma_wait3A_309 = arith.constant 0 : i32
          %dma_wait3A_310 = tpu.memref_slice %arg17[%dma_wait3A_308, %dma_wait3A_309] : memref<10112x32xf32, #tpu.memory_space<vmem_shared>> -> memref<10112x32xf32, #tpu.memory_space<vmem_shared>>
          tpu.wait_indirect_dma semaphore(%arg30 : memref<!tpu.dma_semaphore, #tpu.memory_space<semaphore_mem>>) src(%arg13 : memref<128x32xf32, #tpu.memory_space<vmem>>) dst(%dma_wait3A_310 : memref<10112x32xf32, #tpu.memory_space<vmem_shared>>)
        } else {
        }
        %dma_start3A_299 = arith.constant 0 : i32
        %dma_start3A_300 = tpu.memref_slice %arg7[%add3A_139, %dma_start3A_299] : memref<80x128xi32, #tpu.memory_space<vmem>> -> memref<1x128xi32, #tpu.memory_space<vmem>>
        %dma_start3A_301 = tpu.memref_squeeze %dma_start3A_300 : memref<1x128xi32, #tpu.memory_space<vmem>> -> memref<128xi32, #tpu.memory_space<vmem>>
        %dma_start3A_302 = arith.constant 0 : i32
        %dma_start3A_303 = arith.constant 0 : i32
        %dma_start3A_304 = tpu.memref_slice %arg2[%dma_start3A_302, %dma_start3A_303] : memref<10112x32xf32, #tpu.memory_space<hbm>> -> memref<10112x32xf32, #tpu.memory_space<hbm>>
        tpu.enqueue_indirect_dma source(%dma_start3A_304 : memref<10112x32xf32, #tpu.memory_space<hbm>>) target(%arg13 : memref<128x32xf32, #tpu.memory_space<vmem>>) offsets(%dma_start3A_301 : memref<128xi32, #tpu.memory_space<vmem>>) semaphore(%arg22 : memref<!tpu.dma_semaphore, #tpu.memory_space<semaphore_mem>>)
      } else {
      }
      %mul3A_141 = arith.constant 8 : i32
      %mul3A_142 = arith.muli %mul3A_141, %while3A_121 : i32
      %add3A_143 = arith.constant 1 : i32
      %add3A_144 = arith.addi %mul3A_142, %add3A_143 : i32
      %dma_wait3A_145 = arith.constant 0 : i32
      %dma_wait3A_146 = tpu.memref_slice %arg7[%add3A_144, %dma_wait3A_145] : memref<80x128xi32, #tpu.memory_space<vmem>> -> memref<1x128xi32, #tpu.memory_space<vmem>>
      %dma_wait3A_147 = tpu.memref_squeeze %dma_wait3A_146 : memref<1x128xi32, #tpu.memory_space<vmem>> -> memref<128xi32, #tpu.memory_space<vmem>>
      %dma_wait3A_148 = arith.constant 0 : i32
      %dma_wait3A_149 = arith.constant 0 : i32
      %dma_wait3A_150 = tpu.memref_slice %arg2[%dma_wait3A_148, %dma_wait3A_149] : memref<10112x32xf32, #tpu.memory_space<hbm>> -> memref<10112x32xf32, #tpu.memory_space<hbm>>
      tpu.wait_indirect_dma semaphore(%arg19 : memref<!tpu.dma_semaphore, #tpu.memory_space<semaphore_mem>>) src(%dma_wait3A_150 : memref<10112x32xf32, #tpu.memory_space<hbm>>) dst(%arg10 : memref<128x32xf32, #tpu.memory_space<vmem>>)
      %dma_start3A_151 = arith.constant 0 : i32
      %dma_start3A_152 = tpu.memref_slice %arg8[%add3A_144, %dma_start3A_151] : memref<80x128xi32, #tpu.memory_space<vmem>> -> memref<1x128xi32, #tpu.memory_space<vmem>>
      %dma_start3A_153 = tpu.memref_squeeze %dma_start3A_152 : memref<1x128xi32, #tpu.memory_space<vmem>> -> memref<128xi32, #tpu.memory_space<vmem>>
      %dma_start3A_154 = arith.constant 0 : i32
      %dma_start3A_155 = arith.constant 0 : i32
      %dma_start3A_156 = tpu.memref_slice %arg17[%dma_start3A_154, %dma_start3A_155] : memref<10112x32xf32, #tpu.memory_space<vmem_shared>> -> memref<10112x32xf32, #tpu.memory_space<vmem_shared>>
      tpu.enqueue_indirect_dma source(%arg10 : memref<128x32xf32, #tpu.memory_space<vmem>>) target(%dma_start3A_156 : memref<10112x32xf32, #tpu.memory_space<vmem_shared>>) offsets(%dma_start3A_153 : memref<128xi32, #tpu.memory_space<vmem>>) semaphore(%arg27 : memref<!tpu.dma_semaphore, #tpu.memory_space<semaphore_mem>>) {add = true}
      %add3A_157 = arith.constant 4 : i32
      %add3A_158 = arith.addi %add3A_144, %add3A_157 : i32
      %lt3A_159 = arith.cmpi slt, %add3A_158, %select_n3A : i32
      %convert_element_type3A_160 = arith.extui %lt3A_159 : i1 to i32
      %cond3A_161 = arith.constant 0 : i32
      %cond3A_162 = arith.cmpi ne, %convert_element_type3A_160, %cond3A_161 : i32
      scf.if %cond3A_162 {
        %ge3A = arith.constant 8 : i32
        %ge3A_295 = arith.cmpi sge, %add3A_158, %ge3A : i32
        %convert_element_type3A_296 = arith.extui %ge3A_295 : i1 to i32
        %cond3A_297 = arith.constant 0 : i32
        %cond3A_298 = arith.cmpi ne, %convert_element_type3A_296, %cond3A_297 : i32
        scf.if %cond3A_298 {
          %dma_wait3A_305 = arith.constant 0 : i32
          %dma_wait3A_306 = tpu.memref_slice %arg8[%add3A_144, %dma_wait3A_305] : memref<80x128xi32, #tpu.memory_space<vmem>> -> memref<1x128xi32, #tpu.memory_space<vmem>>
          %dma_wait3A_307 = tpu.memref_squeeze %dma_wait3A_306 : memref<1x128xi32, #tpu.memory_space<vmem>> -> memref<128xi32, #tpu.memory_space<vmem>>
          %dma_wait3A_308 = arith.constant 0 : i32
          %dma_wait3A_309 = arith.constant 0 : i32
          %dma_wait3A_310 = tpu.memref_slice %arg17[%dma_wait3A_308, %dma_wait3A_309] : memref<10112x32xf32, #tpu.memory_space<vmem_shared>> -> memref<10112x32xf32, #tpu.memory_space<vmem_shared>>
          tpu.wait_indirect_dma semaphore(%arg31 : memref<!tpu.dma_semaphore, #tpu.memory_space<semaphore_mem>>) src(%arg14 : memref<128x32xf32, #tpu.memory_space<vmem>>) dst(%dma_wait3A_310 : memref<10112x32xf32, #tpu.memory_space<vmem_shared>>)
        } else {
        }
        %dma_start3A_299 = arith.constant 0 : i32
        %dma_start3A_300 = tpu.memref_slice %arg7[%add3A_158, %dma_start3A_299] : memref<80x128xi32, #tpu.memory_space<vmem>> -> memref<1x128xi32, #tpu.memory_space<vmem>>
        %dma_start3A_301 = tpu.memref_squeeze %dma_start3A_300 : memref<1x128xi32, #tpu.memory_space<vmem>> -> memref<128xi32, #tpu.memory_space<vmem>>
        %dma_start3A_302 = arith.constant 0 : i32
        %dma_start3A_303 = arith.constant 0 : i32
        %dma_start3A_304 = tpu.memref_slice %arg2[%dma_start3A_302, %dma_start3A_303] : memref<10112x32xf32, #tpu.memory_space<hbm>> -> memref<10112x32xf32, #tpu.memory_space<hbm>>
        tpu.enqueue_indirect_dma source(%dma_start3A_304 : memref<10112x32xf32, #tpu.memory_space<hbm>>) target(%arg14 : memref<128x32xf32, #tpu.memory_space<vmem>>) offsets(%dma_start3A_301 : memref<128xi32, #tpu.memory_space<vmem>>) semaphore(%arg23 : memref<!tpu.dma_semaphore, #tpu.memory_space<semaphore_mem>>)
      } else {
      }
      %mul3A_163 = arith.constant 8 : i32
      %mul3A_164 = arith.muli %mul3A_163, %while3A_121 : i32
      %add3A_165 = arith.constant 2 : i32
      %add3A_166 = arith.addi %mul3A_164, %add3A_165 : i32
      %dma_wait3A_167 = arith.constant 0 : i32
      %dma_wait3A_168 = tpu.memref_slice %arg7[%add3A_166, %dma_wait3A_167] : memref<80x128xi32, #tpu.memory_space<vmem>> -> memref<1x128xi32, #tpu.memory_space<vmem>>
      %dma_wait3A_169 = tpu.memref_squeeze %dma_wait3A_168 : memref<1x128xi32, #tpu.memory_space<vmem>> -> memref<128xi32, #tpu.memory_space<vmem>>
      %dma_wait3A_170 = arith.constant 0 : i32
      %dma_wait3A_171 = arith.constant 0 : i32
      %dma_wait3A_172 = tpu.memref_slice %arg2[%dma_wait3A_170, %dma_wait3A_171] : memref<10112x32xf32, #tpu.memory_space<hbm>> -> memref<10112x32xf32, #tpu.memory_space<hbm>>
      tpu.wait_indirect_dma semaphore(%arg20 : memref<!tpu.dma_semaphore, #tpu.memory_space<semaphore_mem>>) src(%dma_wait3A_172 : memref<10112x32xf32, #tpu.memory_space<hbm>>) dst(%arg11 : memref<128x32xf32, #tpu.memory_space<vmem>>)
      %dma_start3A_173 = arith.constant 0 : i32
      %dma_start3A_174 = tpu.memref_slice %arg8[%add3A_166, %dma_start3A_173] : memref<80x128xi32, #tpu.memory_space<vmem>> -> memref<1x128xi32, #tpu.memory_space<vmem>>
      %dma_start3A_175 = tpu.memref_squeeze %dma_start3A_174 : memref<1x128xi32, #tpu.memory_space<vmem>> -> memref<128xi32, #tpu.memory_space<vmem>>
      %dma_start3A_176 = arith.constant 0 : i32
      %dma_start3A_177 = arith.constant 0 : i32
      %dma_start3A_178 = tpu.memref_slice %arg17[%dma_start3A_176, %dma_start3A_177] : memref<10112x32xf32, #tpu.memory_space<vmem_shared>> -> memref<10112x32xf32, #tpu.memory_space<vmem_shared>>
      tpu.enqueue_indirect_dma source(%arg11 : memref<128x32xf32, #tpu.memory_space<vmem>>) target(%dma_start3A_178 : memref<10112x32xf32, #tpu.memory_space<vmem_shared>>) offsets(%dma_start3A_175 : memref<128xi32, #tpu.memory_space<vmem>>) semaphore(%arg28 : memref<!tpu.dma_semaphore, #tpu.memory_space<semaphore_mem>>) {add = true}
      %add3A_179 = arith.constant 4 : i32
      %add3A_180 = arith.addi %add3A_166, %add3A_179 : i32
      %lt3A_181 = arith.cmpi slt, %add3A_180, %select_n3A : i32
      %convert_element_type3A_182 = arith.extui %lt3A_181 : i1 to i32
      %cond3A_183 = arith.constant 0 : i32
      %cond3A_184 = arith.cmpi ne, %convert_element_type3A_182, %cond3A_183 : i32
      scf.if %cond3A_184 {
        %ge3A = arith.constant 8 : i32
        %ge3A_295 = arith.cmpi sge, %add3A_180, %ge3A : i32
        %convert_element_type3A_296 = arith.extui %ge3A_295 : i1 to i32
        %cond3A_297 = arith.constant 0 : i32
        %cond3A_298 = arith.cmpi ne, %convert_element_type3A_296, %cond3A_297 : i32
        scf.if %cond3A_298 {
          %dma_wait3A_305 = arith.constant 0 : i32
          %dma_wait3A_306 = tpu.memref_slice %arg8[%add3A_166, %dma_wait3A_305] : memref<80x128xi32, #tpu.memory_space<vmem>> -> memref<1x128xi32, #tpu.memory_space<vmem>>
          %dma_wait3A_307 = tpu.memref_squeeze %dma_wait3A_306 : memref<1x128xi32, #tpu.memory_space<vmem>> -> memref<128xi32, #tpu.memory_space<vmem>>
          %dma_wait3A_308 = arith.constant 0 : i32
          %dma_wait3A_309 = arith.constant 0 : i32
          %dma_wait3A_310 = tpu.memref_slice %arg17[%dma_wait3A_308, %dma_wait3A_309] : memref<10112x32xf32, #tpu.memory_space<vmem_shared>> -> memref<10112x32xf32, #tpu.memory_space<vmem_shared>>
          tpu.wait_indirect_dma semaphore(%arg32 : memref<!tpu.dma_semaphore, #tpu.memory_space<semaphore_mem>>) src(%arg15 : memref<128x32xf32, #tpu.memory_space<vmem>>) dst(%dma_wait3A_310 : memref<10112x32xf32, #tpu.memory_space<vmem_shared>>)
        } else {
        }
        %dma_start3A_299 = arith.constant 0 : i32
        %dma_start3A_300 = tpu.memref_slice %arg7[%add3A_180, %dma_start3A_299] : memref<80x128xi32, #tpu.memory_space<vmem>> -> memref<1x128xi32, #tpu.memory_space<vmem>>
        %dma_start3A_301 = tpu.memref_squeeze %dma_start3A_300 : memref<1x128xi32, #tpu.memory_space<vmem>> -> memref<128xi32, #tpu.memory_space<vmem>>
        %dma_start3A_302 = arith.constant 0 : i32
        %dma_start3A_303 = arith.constant 0 : i32
        %dma_start3A_304 = tpu.memref_slice %arg2[%dma_start3A_302, %dma_start3A_303] : memref<10112x32xf32, #tpu.memory_space<hbm>> -> memref<10112x32xf32, #tpu.memory_space<hbm>>
        tpu.enqueue_indirect_dma source(%dma_start3A_304 : memref<10112x32xf32, #tpu.memory_space<hbm>>) target(%arg15 : memref<128x32xf32, #tpu.memory_space<vmem>>) offsets(%dma_start3A_301 : memref<128xi32, #tpu.memory_space<vmem>>) semaphore(%arg24 : memref<!tpu.dma_semaphore, #tpu.memory_space<semaphore_mem>>)
      } else {
      }
      %mul3A_185 = arith.constant 8 : i32
      %mul3A_186 = arith.muli %mul3A_185, %while3A_121 : i32
      %add3A_187 = arith.constant 3 : i32
      %add3A_188 = arith.addi %mul3A_186, %add3A_187 : i32
      %dma_wait3A_189 = arith.constant 0 : i32
      %dma_wait3A_190 = tpu.memref_slice %arg7[%add3A_188, %dma_wait3A_189] : memref<80x128xi32, #tpu.memory_space<vmem>> -> memref<1x128xi32, #tpu.memory_space<vmem>>
      %dma_wait3A_191 = tpu.memref_squeeze %dma_wait3A_190 : memref<1x128xi32, #tpu.memory_space<vmem>> -> memref<128xi32, #tpu.memory_space<vmem>>
      %dma_wait3A_192 = arith.constant 0 : i32
      %dma_wait3A_193 = arith.constant 0 : i32
      %dma_wait3A_194 = tpu.memref_slice %arg2[%dma_wait3A_192, %dma_wait3A_193] : memref<10112x32xf32, #tpu.memory_space<hbm>> -> memref<10112x32xf32, #tpu.memory_space<hbm>>
      tpu.wait_indirect_dma semaphore(%arg21 : memref<!tpu.dma_semaphore, #tpu.memory_space<semaphore_mem>>) src(%dma_wait3A_194 : memref<10112x32xf32, #tpu.memory_space<hbm>>) dst(%arg12 : memref<128x32xf32, #tpu.memory_space<vmem>>)
      %dma_start3A_195 = arith.constant 0 : i32
      %dma_start3A_196 = tpu.memref_slice %arg8[%add3A_188, %dma_start3A_195] : memref<80x128xi32, #tpu.memory_space<vmem>> -> memref<1x128xi32, #tpu.memory_space<vmem>>
      %dma_start3A_197 = tpu.memref_squeeze %dma_start3A_196 : memref<1x128xi32, #tpu.memory_space<vmem>> -> memref<128xi32, #tpu.memory_space<vmem>>
      %dma_start3A_198 = arith.constant 0 : i32
      %dma_start3A_199 = arith.constant 0 : i32
      %dma_start3A_200 = tpu.memref_slice %arg17[%dma_start3A_198, %dma_start3A_199] : memref<10112x32xf32, #tpu.memory_space<vmem_shared>> -> memref<10112x32xf32, #tpu.memory_space<vmem_shared>>
      tpu.enqueue_indirect_dma source(%arg12 : memref<128x32xf32, #tpu.memory_space<vmem>>) target(%dma_start3A_200 : memref<10112x32xf32, #tpu.memory_space<vmem_shared>>) offsets(%dma_start3A_197 : memref<128xi32, #tpu.memory_space<vmem>>) semaphore(%arg29 : memref<!tpu.dma_semaphore, #tpu.memory_space<semaphore_mem>>) {add = true}
      %add3A_201 = arith.constant 4 : i32
      %add3A_202 = arith.addi %add3A_188, %add3A_201 : i32
      %lt3A_203 = arith.cmpi slt, %add3A_202, %select_n3A : i32
      %convert_element_type3A_204 = arith.extui %lt3A_203 : i1 to i32
      %cond3A_205 = arith.constant 0 : i32
      %cond3A_206 = arith.cmpi ne, %convert_element_type3A_204, %cond3A_205 : i32
      scf.if %cond3A_206 {
        %ge3A = arith.constant 8 : i32
        %ge3A_295 = arith.cmpi sge, %add3A_202, %ge3A : i32
        %convert_element_type3A_296 = arith.extui %ge3A_295 : i1 to i32
        %cond3A_297 = arith.constant 0 : i32
        %cond3A_298 = arith.cmpi ne, %convert_element_type3A_296, %cond3A_297 : i32
        scf.if %cond3A_298 {
          %dma_wait3A_305 = arith.constant 0 : i32
          %dma_wait3A_306 = tpu.memref_slice %arg8[%add3A_188, %dma_wait3A_305] : memref<80x128xi32, #tpu.memory_space<vmem>> -> memref<1x128xi32, #tpu.memory_space<vmem>>
          %dma_wait3A_307 = tpu.memref_squeeze %dma_wait3A_306 : memref<1x128xi32, #tpu.memory_space<vmem>> -> memref<128xi32, #tpu.memory_space<vmem>>
          %dma_wait3A_308 = arith.constant 0 : i32
          %dma_wait3A_309 = arith.constant 0 : i32
          %dma_wait3A_310 = tpu.memref_slice %arg17[%dma_wait3A_308, %dma_wait3A_309] : memref<10112x32xf32, #tpu.memory_space<vmem_shared>> -> memref<10112x32xf32, #tpu.memory_space<vmem_shared>>
          tpu.wait_indirect_dma semaphore(%arg33 : memref<!tpu.dma_semaphore, #tpu.memory_space<semaphore_mem>>) src(%arg16 : memref<128x32xf32, #tpu.memory_space<vmem>>) dst(%dma_wait3A_310 : memref<10112x32xf32, #tpu.memory_space<vmem_shared>>)
        } else {
        }
        %dma_start3A_299 = arith.constant 0 : i32
        %dma_start3A_300 = tpu.memref_slice %arg7[%add3A_202, %dma_start3A_299] : memref<80x128xi32, #tpu.memory_space<vmem>> -> memref<1x128xi32, #tpu.memory_space<vmem>>
        %dma_start3A_301 = tpu.memref_squeeze %dma_start3A_300 : memref<1x128xi32, #tpu.memory_space<vmem>> -> memref<128xi32, #tpu.memory_space<vmem>>
        %dma_start3A_302 = arith.constant 0 : i32
        %dma_start3A_303 = arith.constant 0 : i32
        %dma_start3A_304 = tpu.memref_slice %arg2[%dma_start3A_302, %dma_start3A_303] : memref<10112x32xf32, #tpu.memory_space<hbm>> -> memref<10112x32xf32, #tpu.memory_space<hbm>>
        tpu.enqueue_indirect_dma source(%dma_start3A_304 : memref<10112x32xf32, #tpu.memory_space<hbm>>) target(%arg16 : memref<128x32xf32, #tpu.memory_space<vmem>>) offsets(%dma_start3A_301 : memref<128xi32, #tpu.memory_space<vmem>>) semaphore(%arg25 : memref<!tpu.dma_semaphore, #tpu.memory_space<semaphore_mem>>)
      } else {
      }
      %mul3A_207 = arith.constant 8 : i32
      %mul3A_208 = arith.muli %mul3A_207, %while3A_121 : i32
      %add3A_209 = arith.constant 4 : i32
      %add3A_210 = arith.addi %mul3A_208, %add3A_209 : i32
      %dma_wait3A_211 = arith.constant 0 : i32
      %dma_wait3A_212 = tpu.memref_slice %arg7[%add3A_210, %dma_wait3A_211] : memref<80x128xi32, #tpu.memory_space<vmem>> -> memref<1x128xi32, #tpu.memory_space<vmem>>
      %dma_wait3A_213 = tpu.memref_squeeze %dma_wait3A_212 : memref<1x128xi32, #tpu.memory_space<vmem>> -> memref<128xi32, #tpu.memory_space<vmem>>
      %dma_wait3A_214 = arith.constant 0 : i32
      %dma_wait3A_215 = arith.constant 0 : i32
      %dma_wait3A_216 = tpu.memref_slice %arg2[%dma_wait3A_214, %dma_wait3A_215] : memref<10112x32xf32, #tpu.memory_space<hbm>> -> memref<10112x32xf32, #tpu.memory_space<hbm>>
      tpu.wait_indirect_dma semaphore(%arg22 : memref<!tpu.dma_semaphore, #tpu.memory_space<semaphore_mem>>) src(%dma_wait3A_216 : memref<10112x32xf32, #tpu.memory_space<hbm>>) dst(%arg13 : memref<128x32xf32, #tpu.memory_space<vmem>>)
      %dma_start3A_217 = arith.constant 0 : i32
      %dma_start3A_218 = tpu.memref_slice %arg8[%add3A_210, %dma_start3A_217] : memref<80x128xi32, #tpu.memory_space<vmem>> -> memref<1x128xi32, #tpu.memory_space<vmem>>
      %dma_start3A_219 = tpu.memref_squeeze %dma_start3A_218 : memref<1x128xi32, #tpu.memory_space<vmem>> -> memref<128xi32, #tpu.memory_space<vmem>>
      %dma_start3A_220 = arith.constant 0 : i32
      %dma_start3A_221 = arith.constant 0 : i32
      %dma_start3A_222 = tpu.memref_slice %arg17[%dma_start3A_220, %dma_start3A_221] : memref<10112x32xf32, #tpu.memory_space<vmem_shared>> -> memref<10112x32xf32, #tpu.memory_space<vmem_shared>>
      tpu.enqueue_indirect_dma source(%arg13 : memref<128x32xf32, #tpu.memory_space<vmem>>) target(%dma_start3A_222 : memref<10112x32xf32, #tpu.memory_space<vmem_shared>>) offsets(%dma_start3A_219 : memref<128xi32, #tpu.memory_space<vmem>>) semaphore(%arg30 : memref<!tpu.dma_semaphore, #tpu.memory_space<semaphore_mem>>) {add = true}
      %add3A_223 = arith.constant 4 : i32
      %add3A_224 = arith.addi %add3A_210, %add3A_223 : i32
      %lt3A_225 = arith.cmpi slt, %add3A_224, %select_n3A : i32
      %convert_element_type3A_226 = arith.extui %lt3A_225 : i1 to i32
      %cond3A_227 = arith.constant 0 : i32
      %cond3A_228 = arith.cmpi ne, %convert_element_type3A_226, %cond3A_227 : i32
      scf.if %cond3A_228 {
        %ge3A = arith.constant 8 : i32
        %ge3A_295 = arith.cmpi sge, %add3A_224, %ge3A : i32
        %convert_element_type3A_296 = arith.extui %ge3A_295 : i1 to i32
        %cond3A_297 = arith.constant 0 : i32
        %cond3A_298 = arith.cmpi ne, %convert_element_type3A_296, %cond3A_297 : i32
        scf.if %cond3A_298 {
          %dma_wait3A_305 = arith.constant 0 : i32
          %dma_wait3A_306 = tpu.memref_slice %arg8[%add3A_210, %dma_wait3A_305] : memref<80x128xi32, #tpu.memory_space<vmem>> -> memref<1x128xi32, #tpu.memory_space<vmem>>
          %dma_wait3A_307 = tpu.memref_squeeze %dma_wait3A_306 : memref<1x128xi32, #tpu.memory_space<vmem>> -> memref<128xi32, #tpu.memory_space<vmem>>
          %dma_wait3A_308 = arith.constant 0 : i32
          %dma_wait3A_309 = arith.constant 0 : i32
          %dma_wait3A_310 = tpu.memref_slice %arg17[%dma_wait3A_308, %dma_wait3A_309] : memref<10112x32xf32, #tpu.memory_space<vmem_shared>> -> memref<10112x32xf32, #tpu.memory_space<vmem_shared>>
          tpu.wait_indirect_dma semaphore(%arg26 : memref<!tpu.dma_semaphore, #tpu.memory_space<semaphore_mem>>) src(%arg9 : memref<128x32xf32, #tpu.memory_space<vmem>>) dst(%dma_wait3A_310 : memref<10112x32xf32, #tpu.memory_space<vmem_shared>>)
        } else {
        }
        %dma_start3A_299 = arith.constant 0 : i32
        %dma_start3A_300 = tpu.memref_slice %arg7[%add3A_224, %dma_start3A_299] : memref<80x128xi32, #tpu.memory_space<vmem>> -> memref<1x128xi32, #tpu.memory_space<vmem>>
        %dma_start3A_301 = tpu.memref_squeeze %dma_start3A_300 : memref<1x128xi32, #tpu.memory_space<vmem>> -> memref<128xi32, #tpu.memory_space<vmem>>
        %dma_start3A_302 = arith.constant 0 : i32
        %dma_start3A_303 = arith.constant 0 : i32
        %dma_start3A_304 = tpu.memref_slice %arg2[%dma_start3A_302, %dma_start3A_303] : memref<10112x32xf32, #tpu.memory_space<hbm>> -> memref<10112x32xf32, #tpu.memory_space<hbm>>
        tpu.enqueue_indirect_dma source(%dma_start3A_304 : memref<10112x32xf32, #tpu.memory_space<hbm>>) target(%arg9 : memref<128x32xf32, #tpu.memory_space<vmem>>) offsets(%dma_start3A_301 : memref<128xi32, #tpu.memory_space<vmem>>) semaphore(%arg18 : memref<!tpu.dma_semaphore, #tpu.memory_space<semaphore_mem>>)
      } else {
      }
      %mul3A_229 = arith.constant 8 : i32
      %mul3A_230 = arith.muli %mul3A_229, %while3A_121 : i32
      %add3A_231 = arith.constant 5 : i32
      %add3A_232 = arith.addi %mul3A_230, %add3A_231 : i32
      %dma_wait3A_233 = arith.constant 0 : i32
      %dma_wait3A_234 = tpu.memref_slice %arg7[%add3A_232, %dma_wait3A_233] : memref<80x128xi32, #tpu.memory_space<vmem>> -> memref<1x128xi32, #tpu.memory_space<vmem>>
      %dma_wait3A_235 = tpu.memref_squeeze %dma_wait3A_234 : memref<1x128xi32, #tpu.memory_space<vmem>> -> memref<128xi32, #tpu.memory_space<vmem>>
      %dma_wait3A_236 = arith.constant 0 : i32
      %dma_wait3A_237 = arith.constant 0 : i32
      %dma_wait3A_238 = tpu.memref_slice %arg2[%dma_wait3A_236, %dma_wait3A_237] : memref<10112x32xf32, #tpu.memory_space<hbm>> -> memref<10112x32xf32, #tpu.memory_space<hbm>>
      tpu.wait_indirect_dma semaphore(%arg23 : memref<!tpu.dma_semaphore, #tpu.memory_space<semaphore_mem>>) src(%dma_wait3A_238 : memref<10112x32xf32, #tpu.memory_space<hbm>>) dst(%arg14 : memref<128x32xf32, #tpu.memory_space<vmem>>)
      %dma_start3A_239 = arith.constant 0 : i32
      %dma_start3A_240 = tpu.memref_slice %arg8[%add3A_232, %dma_start3A_239] : memref<80x128xi32, #tpu.memory_space<vmem>> -> memref<1x128xi32, #tpu.memory_space<vmem>>
      %dma_start3A_241 = tpu.memref_squeeze %dma_start3A_240 : memref<1x128xi32, #tpu.memory_space<vmem>> -> memref<128xi32, #tpu.memory_space<vmem>>
      %dma_start3A_242 = arith.constant 0 : i32
      %dma_start3A_243 = arith.constant 0 : i32
      %dma_start3A_244 = tpu.memref_slice %arg17[%dma_start3A_242, %dma_start3A_243] : memref<10112x32xf32, #tpu.memory_space<vmem_shared>> -> memref<10112x32xf32, #tpu.memory_space<vmem_shared>>
      tpu.enqueue_indirect_dma source(%arg14 : memref<128x32xf32, #tpu.memory_space<vmem>>) target(%dma_start3A_244 : memref<10112x32xf32, #tpu.memory_space<vmem_shared>>) offsets(%dma_start3A_241 : memref<128xi32, #tpu.memory_space<vmem>>) semaphore(%arg31 : memref<!tpu.dma_semaphore, #tpu.memory_space<semaphore_mem>>) {add = true}
      %add3A_245 = arith.constant 4 : i32
      %add3A_246 = arith.addi %add3A_232, %add3A_245 : i32
      %lt3A_247 = arith.cmpi slt, %add3A_246, %select_n3A : i32
      %convert_element_type3A_248 = arith.extui %lt3A_247 : i1 to i32
      %cond3A_249 = arith.constant 0 : i32
      %cond3A_250 = arith.cmpi ne, %convert_element_type3A_248, %cond3A_249 : i32
      scf.if %cond3A_250 {
        %ge3A = arith.constant 8 : i32
        %ge3A_295 = arith.cmpi sge, %add3A_246, %ge3A : i32
        %convert_element_type3A_296 = arith.extui %ge3A_295 : i1 to i32
        %cond3A_297 = arith.constant 0 : i32
        %cond3A_298 = arith.cmpi ne, %convert_element_type3A_296, %cond3A_297 : i32
        scf.if %cond3A_298 {
          %dma_wait3A_305 = arith.constant 0 : i32
          %dma_wait3A_306 = tpu.memref_slice %arg8[%add3A_232, %dma_wait3A_305] : memref<80x128xi32, #tpu.memory_space<vmem>> -> memref<1x128xi32, #tpu.memory_space<vmem>>
          %dma_wait3A_307 = tpu.memref_squeeze %dma_wait3A_306 : memref<1x128xi32, #tpu.memory_space<vmem>> -> memref<128xi32, #tpu.memory_space<vmem>>
          %dma_wait3A_308 = arith.constant 0 : i32
          %dma_wait3A_309 = arith.constant 0 : i32
          %dma_wait3A_310 = tpu.memref_slice %arg17[%dma_wait3A_308, %dma_wait3A_309] : memref<10112x32xf32, #tpu.memory_space<vmem_shared>> -> memref<10112x32xf32, #tpu.memory_space<vmem_shared>>
          tpu.wait_indirect_dma semaphore(%arg27 : memref<!tpu.dma_semaphore, #tpu.memory_space<semaphore_mem>>) src(%arg10 : memref<128x32xf32, #tpu.memory_space<vmem>>) dst(%dma_wait3A_310 : memref<10112x32xf32, #tpu.memory_space<vmem_shared>>)
        } else {
        }
        %dma_start3A_299 = arith.constant 0 : i32
        %dma_start3A_300 = tpu.memref_slice %arg7[%add3A_246, %dma_start3A_299] : memref<80x128xi32, #tpu.memory_space<vmem>> -> memref<1x128xi32, #tpu.memory_space<vmem>>
        %dma_start3A_301 = tpu.memref_squeeze %dma_start3A_300 : memref<1x128xi32, #tpu.memory_space<vmem>> -> memref<128xi32, #tpu.memory_space<vmem>>
        %dma_start3A_302 = arith.constant 0 : i32
        %dma_start3A_303 = arith.constant 0 : i32
        %dma_start3A_304 = tpu.memref_slice %arg2[%dma_start3A_302, %dma_start3A_303] : memref<10112x32xf32, #tpu.memory_space<hbm>> -> memref<10112x32xf32, #tpu.memory_space<hbm>>
        tpu.enqueue_indirect_dma source(%dma_start3A_304 : memref<10112x32xf32, #tpu.memory_space<hbm>>) target(%arg10 : memref<128x32xf32, #tpu.memory_space<vmem>>) offsets(%dma_start3A_301 : memref<128xi32, #tpu.memory_space<vmem>>) semaphore(%arg19 : memref<!tpu.dma_semaphore, #tpu.memory_space<semaphore_mem>>)
      } else {
      }
      %mul3A_251 = arith.constant 8 : i32
      %mul3A_252 = arith.muli %mul3A_251, %while3A_121 : i32
      %add3A_253 = arith.constant 6 : i32
      %add3A_254 = arith.addi %mul3A_252, %add3A_253 : i32
      %dma_wait3A_255 = arith.constant 0 : i32
      %dma_wait3A_256 = tpu.memref_slice %arg7[%add3A_254, %dma_wait3A_255] : memref<80x128xi32, #tpu.memory_space<vmem>> -> memref<1x128xi32, #tpu.memory_space<vmem>>
      %dma_wait3A_257 = tpu.memref_squeeze %dma_wait3A_256 : memref<1x128xi32, #tpu.memory_space<vmem>> -> memref<128xi32, #tpu.memory_space<vmem>>
      %dma_wait3A_258 = arith.constant 0 : i32
      %dma_wait3A_259 = arith.constant 0 : i32
      %dma_wait3A_260 = tpu.memref_slice %arg2[%dma_wait3A_258, %dma_wait3A_259] : memref<10112x32xf32, #tpu.memory_space<hbm>> -> memref<10112x32xf32, #tpu.memory_space<hbm>>
      tpu.wait_indirect_dma semaphore(%arg24 : memref<!tpu.dma_semaphore, #tpu.memory_space<semaphore_mem>>) src(%dma_wait3A_260 : memref<10112x32xf32, #tpu.memory_space<hbm>>) dst(%arg15 : memref<128x32xf32, #tpu.memory_space<vmem>>)
      %dma_start3A_261 = arith.constant 0 : i32
      %dma_start3A_262 = tpu.memref_slice %arg8[%add3A_254, %dma_start3A_261] : memref<80x128xi32, #tpu.memory_space<vmem>> -> memref<1x128xi32, #tpu.memory_space<vmem>>
      %dma_start3A_263 = tpu.memref_squeeze %dma_start3A_262 : memref<1x128xi32, #tpu.memory_space<vmem>> -> memref<128xi32, #tpu.memory_space<vmem>>
      %dma_start3A_264 = arith.constant 0 : i32
      %dma_start3A_265 = arith.constant 0 : i32
      %dma_start3A_266 = tpu.memref_slice %arg17[%dma_start3A_264, %dma_start3A_265] : memref<10112x32xf32, #tpu.memory_space<vmem_shared>> -> memref<10112x32xf32, #tpu.memory_space<vmem_shared>>
      tpu.enqueue_indirect_dma source(%arg15 : memref<128x32xf32, #tpu.memory_space<vmem>>) target(%dma_start3A_266 : memref<10112x32xf32, #tpu.memory_space<vmem_shared>>) offsets(%dma_start3A_263 : memref<128xi32, #tpu.memory_space<vmem>>) semaphore(%arg32 : memref<!tpu.dma_semaphore, #tpu.memory_space<semaphore_mem>>) {add = true}
      %add3A_267 = arith.constant 4 : i32
      %add3A_268 = arith.addi %add3A_254, %add3A_267 : i32
      %lt3A_269 = arith.cmpi slt, %add3A_268, %select_n3A : i32
      %convert_element_type3A_270 = arith.extui %lt3A_269 : i1 to i32
      %cond3A_271 = arith.constant 0 : i32
      %cond3A_272 = arith.cmpi ne, %convert_element_type3A_270, %cond3A_271 : i32
      scf.if %cond3A_272 {
        %ge3A = arith.constant 8 : i32
        %ge3A_295 = arith.cmpi sge, %add3A_268, %ge3A : i32
        %convert_element_type3A_296 = arith.extui %ge3A_295 : i1 to i32
        %cond3A_297 = arith.constant 0 : i32
        %cond3A_298 = arith.cmpi ne, %convert_element_type3A_296, %cond3A_297 : i32
        scf.if %cond3A_298 {
          %dma_wait3A_305 = arith.constant 0 : i32
          %dma_wait3A_306 = tpu.memref_slice %arg8[%add3A_254, %dma_wait3A_305] : memref<80x128xi32, #tpu.memory_space<vmem>> -> memref<1x128xi32, #tpu.memory_space<vmem>>
          %dma_wait3A_307 = tpu.memref_squeeze %dma_wait3A_306 : memref<1x128xi32, #tpu.memory_space<vmem>> -> memref<128xi32, #tpu.memory_space<vmem>>
          %dma_wait3A_308 = arith.constant 0 : i32
          %dma_wait3A_309 = arith.constant 0 : i32
          %dma_wait3A_310 = tpu.memref_slice %arg17[%dma_wait3A_308, %dma_wait3A_309] : memref<10112x32xf32, #tpu.memory_space<vmem_shared>> -> memref<10112x32xf32, #tpu.memory_space<vmem_shared>>
          tpu.wait_indirect_dma semaphore(%arg28 : memref<!tpu.dma_semaphore, #tpu.memory_space<semaphore_mem>>) src(%arg11 : memref<128x32xf32, #tpu.memory_space<vmem>>) dst(%dma_wait3A_310 : memref<10112x32xf32, #tpu.memory_space<vmem_shared>>)
        } else {
        }
        %dma_start3A_299 = arith.constant 0 : i32
        %dma_start3A_300 = tpu.memref_slice %arg7[%add3A_268, %dma_start3A_299] : memref<80x128xi32, #tpu.memory_space<vmem>> -> memref<1x128xi32, #tpu.memory_space<vmem>>
        %dma_start3A_301 = tpu.memref_squeeze %dma_start3A_300 : memref<1x128xi32, #tpu.memory_space<vmem>> -> memref<128xi32, #tpu.memory_space<vmem>>
        %dma_start3A_302 = arith.constant 0 : i32
        %dma_start3A_303 = arith.constant 0 : i32
        %dma_start3A_304 = tpu.memref_slice %arg2[%dma_start3A_302, %dma_start3A_303] : memref<10112x32xf32, #tpu.memory_space<hbm>> -> memref<10112x32xf32, #tpu.memory_space<hbm>>
        tpu.enqueue_indirect_dma source(%dma_start3A_304 : memref<10112x32xf32, #tpu.memory_space<hbm>>) target(%arg11 : memref<128x32xf32, #tpu.memory_space<vmem>>) offsets(%dma_start3A_301 : memref<128xi32, #tpu.memory_space<vmem>>) semaphore(%arg20 : memref<!tpu.dma_semaphore, #tpu.memory_space<semaphore_mem>>)
      } else {
      }
      %mul3A_273 = arith.constant 8 : i32
      %mul3A_274 = arith.muli %mul3A_273, %while3A_121 : i32
      %add3A_275 = arith.constant 7 : i32
      %add3A_276 = arith.addi %mul3A_274, %add3A_275 : i32
      %dma_wait3A_277 = arith.constant 0 : i32
      %dma_wait3A_278 = tpu.memref_slice %arg7[%add3A_276, %dma_wait3A_277] : memref<80x128xi32, #tpu.memory_space<vmem>> -> memref<1x128xi32, #tpu.memory_space<vmem>>
      %dma_wait3A_279 = tpu.memref_squeeze %dma_wait3A_278 : memref<1x128xi32, #tpu.memory_space<vmem>> -> memref<128xi32, #tpu.memory_space<vmem>>
      %dma_wait3A_280 = arith.constant 0 : i32
      %dma_wait3A_281 = arith.constant 0 : i32
      %dma_wait3A_282 = tpu.memref_slice %arg2[%dma_wait3A_280, %dma_wait3A_281] : memref<10112x32xf32, #tpu.memory_space<hbm>> -> memref<10112x32xf32, #tpu.memory_space<hbm>>
      tpu.wait_indirect_dma semaphore(%arg25 : memref<!tpu.dma_semaphore, #tpu.memory_space<semaphore_mem>>) src(%dma_wait3A_282 : memref<10112x32xf32, #tpu.memory_space<hbm>>) dst(%arg16 : memref<128x32xf32, #tpu.memory_space<vmem>>)
      %dma_start3A_283 = arith.constant 0 : i32
      %dma_start3A_284 = tpu.memref_slice %arg8[%add3A_276, %dma_start3A_283] : memref<80x128xi32, #tpu.memory_space<vmem>> -> memref<1x128xi32, #tpu.memory_space<vmem>>
      %dma_start3A_285 = tpu.memref_squeeze %dma_start3A_284 : memref<1x128xi32, #tpu.memory_space<vmem>> -> memref<128xi32, #tpu.memory_space<vmem>>
      %dma_start3A_286 = arith.constant 0 : i32
      %dma_start3A_287 = arith.constant 0 : i32
      %dma_start3A_288 = tpu.memref_slice %arg17[%dma_start3A_286, %dma_start3A_287] : memref<10112x32xf32, #tpu.memory_space<vmem_shared>> -> memref<10112x32xf32, #tpu.memory_space<vmem_shared>>
      tpu.enqueue_indirect_dma source(%arg16 : memref<128x32xf32, #tpu.memory_space<vmem>>) target(%dma_start3A_288 : memref<10112x32xf32, #tpu.memory_space<vmem_shared>>) offsets(%dma_start3A_285 : memref<128xi32, #tpu.memory_space<vmem>>) semaphore(%arg33 : memref<!tpu.dma_semaphore, #tpu.memory_space<semaphore_mem>>) {add = true}
      %add3A_289 = arith.constant 4 : i32
      %add3A_290 = arith.addi %add3A_276, %add3A_289 : i32
      %lt3A_291 = arith.cmpi slt, %add3A_290, %select_n3A : i32
      %convert_element_type3A_292 = arith.extui %lt3A_291 : i1 to i32
      %cond3A_293 = arith.constant 0 : i32
      %cond3A_294 = arith.cmpi ne, %convert_element_type3A_292, %cond3A_293 : i32
      scf.if %cond3A_294 {
        %ge3A = arith.constant 8 : i32
        %ge3A_295 = arith.cmpi sge, %add3A_290, %ge3A : i32
        %convert_element_type3A_296 = arith.extui %ge3A_295 : i1 to i32
        %cond3A_297 = arith.constant 0 : i32
        %cond3A_298 = arith.cmpi ne, %convert_element_type3A_296, %cond3A_297 : i32
        scf.if %cond3A_298 {
          %dma_wait3A_305 = arith.constant 0 : i32
          %dma_wait3A_306 = tpu.memref_slice %arg8[%add3A_276, %dma_wait3A_305] : memref<80x128xi32, #tpu.memory_space<vmem>> -> memref<1x128xi32, #tpu.memory_space<vmem>>
          %dma_wait3A_307 = tpu.memref_squeeze %dma_wait3A_306 : memref<1x128xi32, #tpu.memory_space<vmem>> -> memref<128xi32, #tpu.memory_space<vmem>>
          %dma_wait3A_308 = arith.constant 0 : i32
          %dma_wait3A_309 = arith.constant 0 : i32
          %dma_wait3A_310 = tpu.memref_slice %arg17[%dma_wait3A_308, %dma_wait3A_309] : memref<10112x32xf32, #tpu.memory_space<vmem_shared>> -> memref<10112x32xf32, #tpu.memory_space<vmem_shared>>
          tpu.wait_indirect_dma semaphore(%arg29 : memref<!tpu.dma_semaphore, #tpu.memory_space<semaphore_mem>>) src(%arg12 : memref<128x32xf32, #tpu.memory_space<vmem>>) dst(%dma_wait3A_310 : memref<10112x32xf32, #tpu.memory_space<vmem_shared>>)
        } else {
        }
        %dma_start3A_299 = arith.constant 0 : i32
        %dma_start3A_300 = tpu.memref_slice %arg7[%add3A_290, %dma_start3A_299] : memref<80x128xi32, #tpu.memory_space<vmem>> -> memref<1x128xi32, #tpu.memory_space<vmem>>
        %dma_start3A_301 = tpu.memref_squeeze %dma_start3A_300 : memref<1x128xi32, #tpu.memory_space<vmem>> -> memref<128xi32, #tpu.memory_space<vmem>>
        %dma_start3A_302 = arith.constant 0 : i32
        %dma_start3A_303 = arith.constant 0 : i32
        %dma_start3A_304 = tpu.memref_slice %arg2[%dma_start3A_302, %dma_start3A_303] : memref<10112x32xf32, #tpu.memory_space<hbm>> -> memref<10112x32xf32, #tpu.memory_space<hbm>>
        tpu.enqueue_indirect_dma source(%dma_start3A_304 : memref<10112x32xf32, #tpu.memory_space<hbm>>) target(%arg12 : memref<128x32xf32, #tpu.memory_space<vmem>>) offsets(%dma_start3A_301 : memref<128xi32, #tpu.memory_space<vmem>>) semaphore(%arg21 : memref<!tpu.dma_semaphore, #tpu.memory_space<semaphore_mem>>)
      } else {
      }
    }
    %while3A_60 = arith.constant 1 : i32
    scf.for %while3A_121 = %while3A_58 to %while3A_54 step %while3A_60  : i32 {
      %mul3A_122 = arith.constant 8 : i32
      %mul3A_123 = arith.muli %mul3A_122, %while3A_121 : i32
      %add3A_124 = arith.constant 0 : i32
      %add3A_125 = arith.addi %mul3A_123, %add3A_124 : i32
      %dma_wait3A_126 = arith.constant 0 : i32
      %dma_wait3A_127 = tpu.memref_slice %arg7[%add3A_125, %dma_wait3A_126] : memref<80x128xi32, #tpu.memory_space<vmem>> -> memref<1x128xi32, #tpu.memory_space<vmem>>
      %dma_wait3A_128 = tpu.memref_squeeze %dma_wait3A_127 : memref<1x128xi32, #tpu.memory_space<vmem>> -> memref<128xi32, #tpu.memory_space<vmem>>
      %dma_wait3A_129 = arith.constant 0 : i32
      %dma_wait3A_130 = arith.constant 0 : i32
      %dma_wait3A_131 = tpu.memref_slice %arg2[%dma_wait3A_129, %dma_wait3A_130] : memref<10112x32xf32, #tpu.memory_space<hbm>> -> memref<10112x32xf32, #tpu.memory_space<hbm>>
      tpu.wait_indirect_dma semaphore(%arg18 : memref<!tpu.dma_semaphore, #tpu.memory_space<semaphore_mem>>) src(%dma_wait3A_131 : memref<10112x32xf32, #tpu.memory_space<hbm>>) dst(%arg9 : memref<128x32xf32, #tpu.memory_space<vmem>>)
      %dma_start3A_132 = arith.constant 0 : i32
      %dma_start3A_133 = tpu.memref_slice %arg8[%add3A_125, %dma_start3A_132] : memref<80x128xi32, #tpu.memory_space<vmem>> -> memref<1x128xi32, #tpu.memory_space<vmem>>
      %dma_start3A_134 = tpu.memref_squeeze %dma_start3A_133 : memref<1x128xi32, #tpu.memory_space<vmem>> -> memref<128xi32, #tpu.memory_space<vmem>>
      %dma_start3A_135 = arith.constant 0 : i32
      %dma_start3A_136 = arith.constant 0 : i32
      %dma_start3A_137 = tpu.memref_slice %arg17[%dma_start3A_135, %dma_start3A_136] : memref<10112x32xf32, #tpu.memory_space<vmem_shared>> -> memref<10112x32xf32, #tpu.memory_space<vmem_shared>>
      tpu.enqueue_indirect_dma source(%arg9 : memref<128x32xf32, #tpu.memory_space<vmem>>) target(%dma_start3A_137 : memref<10112x32xf32, #tpu.memory_space<vmem_shared>>) offsets(%dma_start3A_134 : memref<128xi32, #tpu.memory_space<vmem>>) semaphore(%arg26 : memref<!tpu.dma_semaphore, #tpu.memory_space<semaphore_mem>>) {add = true}
      %add3A_138 = arith.constant 4 : i32
      %add3A_139 = arith.addi %add3A_125, %add3A_138 : i32
      %lt3A = arith.cmpi slt, %add3A_139, %select_n3A : i32
      %convert_element_type3A = arith.extui %lt3A : i1 to i32
      %cond3A = arith.constant 0 : i32
      %cond3A_140 = arith.cmpi ne, %convert_element_type3A, %cond3A : i32
      scf.if %cond3A_140 {
        %ge3A = arith.constant 8 : i32
        %ge3A_295 = arith.cmpi sge, %add3A_139, %ge3A : i32
        %convert_element_type3A_296 = arith.extui %ge3A_295 : i1 to i32
        %cond3A_297 = arith.constant 0 : i32
        %cond3A_298 = arith.cmpi ne, %convert_element_type3A_296, %cond3A_297 : i32
        scf.if %cond3A_298 {
          %dma_wait3A_305 = arith.constant 0 : i32
          %dma_wait3A_306 = tpu.memref_slice %arg8[%add3A_125, %dma_wait3A_305] : memref<80x128xi32, #tpu.memory_space<vmem>> -> memref<1x128xi32, #tpu.memory_space<vmem>>
          %dma_wait3A_307 = tpu.memref_squeeze %dma_wait3A_306 : memref<1x128xi32, #tpu.memory_space<vmem>> -> memref<128xi32, #tpu.memory_space<vmem>>
          %dma_wait3A_308 = arith.constant 0 : i32
          %dma_wait3A_309 = arith.constant 0 : i32
          %dma_wait3A_310 = tpu.memref_slice %arg17[%dma_wait3A_308, %dma_wait3A_309] : memref<10112x32xf32, #tpu.memory_space<vmem_shared>> -> memref<10112x32xf32, #tpu.memory_space<vmem_shared>>
          tpu.wait_indirect_dma semaphore(%arg30 : memref<!tpu.dma_semaphore, #tpu.memory_space<semaphore_mem>>) src(%arg13 : memref<128x32xf32, #tpu.memory_space<vmem>>) dst(%dma_wait3A_310 : memref<10112x32xf32, #tpu.memory_space<vmem_shared>>)
        } else {
        }
        %dma_start3A_299 = arith.constant 0 : i32
        %dma_start3A_300 = tpu.memref_slice %arg7[%add3A_139, %dma_start3A_299] : memref<80x128xi32, #tpu.memory_space<vmem>> -> memref<1x128xi32, #tpu.memory_space<vmem>>
        %dma_start3A_301 = tpu.memref_squeeze %dma_start3A_300 : memref<1x128xi32, #tpu.memory_space<vmem>> -> memref<128xi32, #tpu.memory_space<vmem>>
        %dma_start3A_302 = arith.constant 0 : i32
        %dma_start3A_303 = arith.constant 0 : i32
        %dma_start3A_304 = tpu.memref_slice %arg2[%dma_start3A_302, %dma_start3A_303] : memref<10112x32xf32, #tpu.memory_space<hbm>> -> memref<10112x32xf32, #tpu.memory_space<hbm>>
        tpu.enqueue_indirect_dma source(%dma_start3A_304 : memref<10112x32xf32, #tpu.memory_space<hbm>>) target(%arg13 : memref<128x32xf32, #tpu.memory_space<vmem>>) offsets(%dma_start3A_301 : memref<128xi32, #tpu.memory_space<vmem>>) semaphore(%arg22 : memref<!tpu.dma_semaphore, #tpu.memory_space<semaphore_mem>>)
      } else {
      }
      %mul3A_141 = arith.constant 8 : i32
      %mul3A_142 = arith.muli %mul3A_141, %while3A_121 : i32
      %add3A_143 = arith.constant 1 : i32
      %add3A_144 = arith.addi %mul3A_142, %add3A_143 : i32
      %dma_wait3A_145 = arith.constant 0 : i32
      %dma_wait3A_146 = tpu.memref_slice %arg7[%add3A_144, %dma_wait3A_145] : memref<80x128xi32, #tpu.memory_space<vmem>> -> memref<1x128xi32, #tpu.memory_space<vmem>>
      %dma_wait3A_147 = tpu.memref_squeeze %dma_wait3A_146 : memref<1x128xi32, #tpu.memory_space<vmem>> -> memref<128xi32, #tpu.memory_space<vmem>>
      %dma_wait3A_148 = arith.constant 0 : i32
      %dma_wait3A_149 = arith.constant 0 : i32
      %dma_wait3A_150 = tpu.memref_slice %arg2[%dma_wait3A_148, %dma_wait3A_149] : memref<10112x32xf32, #tpu.memory_space<hbm>> -> memref<10112x32xf32, #tpu.memory_space<hbm>>
      tpu.wait_indirect_dma semaphore(%arg19 : memref<!tpu.dma_semaphore, #tpu.memory_space<semaphore_mem>>) src(%dma_wait3A_150 : memref<10112x32xf32, #tpu.memory_space<hbm>>) dst(%arg10 : memref<128x32xf32, #tpu.memory_space<vmem>>)
      %dma_start3A_151 = arith.constant 0 : i32
      %dma_start3A_152 = tpu.memref_slice %arg8[%add3A_144, %dma_start3A_151] : memref<80x128xi32, #tpu.memory_space<vmem>> -> memref<1x128xi32, #tpu.memory_space<vmem>>
      %dma_start3A_153 = tpu.memref_squeeze %dma_start3A_152 : memref<1x128xi32, #tpu.memory_space<vmem>> -> memref<128xi32, #tpu.memory_space<vmem>>
      %dma_start3A_154 = arith.constant 0 : i32
      %dma_start3A_155 = arith.constant 0 : i32
      %dma_start3A_156 = tpu.memref_slice %arg17[%dma_start3A_154, %dma_start3A_155] : memref<10112x32xf32, #tpu.memory_space<vmem_shared>> -> memref<10112x32xf32, #tpu.memory_space<vmem_shared>>
      tpu.enqueue_indirect_dma source(%arg10 : memref<128x32xf32, #tpu.memory_space<vmem>>) target(%dma_start3A_156 : memref<10112x32xf32, #tpu.memory_space<vmem_shared>>) offsets(%dma_start3A_153 : memref<128xi32, #tpu.memory_space<vmem>>) semaphore(%arg27 : memref<!tpu.dma_semaphore, #tpu.memory_space<semaphore_mem>>) {add = true}
      %add3A_157 = arith.constant 4 : i32
      %add3A_158 = arith.addi %add3A_144, %add3A_157 : i32
      %lt3A_159 = arith.cmpi slt, %add3A_158, %select_n3A : i32
      %convert_element_type3A_160 = arith.extui %lt3A_159 : i1 to i32
      %cond3A_161 = arith.constant 0 : i32
      %cond3A_162 = arith.cmpi ne, %convert_element_type3A_160, %cond3A_161 : i32
      scf.if %cond3A_162 {
        %ge3A = arith.constant 8 : i32
        %ge3A_295 = arith.cmpi sge, %add3A_158, %ge3A : i32
        %convert_element_type3A_296 = arith.extui %ge3A_295 : i1 to i32
        %cond3A_297 = arith.constant 0 : i32
        %cond3A_298 = arith.cmpi ne, %convert_element_type3A_296, %cond3A_297 : i32
        scf.if %cond3A_298 {
          %dma_wait3A_305 = arith.constant 0 : i32
          %dma_wait3A_306 = tpu.memref_slice %arg8[%add3A_144, %dma_wait3A_305] : memref<80x128xi32, #tpu.memory_space<vmem>> -> memref<1x128xi32, #tpu.memory_space<vmem>>
          %dma_wait3A_307 = tpu.memref_squeeze %dma_wait3A_306 : memref<1x128xi32, #tpu.memory_space<vmem>> -> memref<128xi32, #tpu.memory_space<vmem>>
          %dma_wait3A_308 = arith.constant 0 : i32
          %dma_wait3A_309 = arith.constant 0 : i32
          %dma_wait3A_310 = tpu.memref_slice %arg17[%dma_wait3A_308, %dma_wait3A_309] : memref<10112x32xf32, #tpu.memory_space<vmem_shared>> -> memref<10112x32xf32, #tpu.memory_space<vmem_shared>>
          tpu.wait_indirect_dma semaphore(%arg31 : memref<!tpu.dma_semaphore, #tpu.memory_space<semaphore_mem>>) src(%arg14 : memref<128x32xf32, #tpu.memory_space<vmem>>) dst(%dma_wait3A_310 : memref<10112x32xf32, #tpu.memory_space<vmem_shared>>)
        } else {
        }
        %dma_start3A_299 = arith.constant 0 : i32
        %dma_start3A_300 = tpu.memref_slice %arg7[%add3A_158, %dma_start3A_299] : memref<80x128xi32, #tpu.memory_space<vmem>> -> memref<1x128xi32, #tpu.memory_space<vmem>>
        %dma_start3A_301 = tpu.memref_squeeze %dma_start3A_300 : memref<1x128xi32, #tpu.memory_space<vmem>> -> memref<128xi32, #tpu.memory_space<vmem>>
        %dma_start3A_302 = arith.constant 0 : i32
        %dma_start3A_303 = arith.constant 0 : i32
        %dma_start3A_304 = tpu.memref_slice %arg2[%dma_start3A_302, %dma_start3A_303] : memref<10112x32xf32, #tpu.memory_space<hbm>> -> memref<10112x32xf32, #tpu.memory_space<hbm>>
        tpu.enqueue_indirect_dma source(%dma_start3A_304 : memref<10112x32xf32, #tpu.memory_space<hbm>>) target(%arg14 : memref<128x32xf32, #tpu.memory_space<vmem>>) offsets(%dma_start3A_301 : memref<128xi32, #tpu.memory_space<vmem>>) semaphore(%arg23 : memref<!tpu.dma_semaphore, #tpu.memory_space<semaphore_mem>>)
      } else {
      }
      %mul3A_163 = arith.constant 8 : i32
      %mul3A_164 = arith.muli %mul3A_163, %while3A_121 : i32
      %add3A_165 = arith.constant 2 : i32
      %add3A_166 = arith.addi %mul3A_164, %add3A_165 : i32
      %dma_wait3A_167 = arith.constant 0 : i32
      %dma_wait3A_168 = tpu.memref_slice %arg7[%add3A_166, %dma_wait3A_167] : memref<80x128xi32, #tpu.memory_space<vmem>> -> memref<1x128xi32, #tpu.memory_space<vmem>>
      %dma_wait3A_169 = tpu.memref_squeeze %dma_wait3A_168 : memref<1x128xi32, #tpu.memory_space<vmem>> -> memref<128xi32, #tpu.memory_space<vmem>>
      %dma_wait3A_170 = arith.constant 0 : i32
      %dma_wait3A_171 = arith.constant 0 : i32
      %dma_wait3A_172 = tpu.memref_slice %arg2[%dma_wait3A_170, %dma_wait3A_171] : memref<10112x32xf32, #tpu.memory_space<hbm>> -> memref<10112x32xf32, #tpu.memory_space<hbm>>
      tpu.wait_indirect_dma semaphore(%arg20 : memref<!tpu.dma_semaphore, #tpu.memory_space<semaphore_mem>>) src(%dma_wait3A_172 : memref<10112x32xf32, #tpu.memory_space<hbm>>) dst(%arg11 : memref<128x32xf32, #tpu.memory_space<vmem>>)
      %dma_start3A_173 = arith.constant 0 : i32
      %dma_start3A_174 = tpu.memref_slice %arg8[%add3A_166, %dma_start3A_173] : memref<80x128xi32, #tpu.memory_space<vmem>> -> memref<1x128xi32, #tpu.memory_space<vmem>>
      %dma_start3A_175 = tpu.memref_squeeze %dma_start3A_174 : memref<1x128xi32, #tpu.memory_space<vmem>> -> memref<128xi32, #tpu.memory_space<vmem>>
      %dma_start3A_176 = arith.constant 0 : i32
      %dma_start3A_177 = arith.constant 0 : i32
      %dma_start3A_178 = tpu.memref_slice %arg17[%dma_start3A_176, %dma_start3A_177] : memref<10112x32xf32, #tpu.memory_space<vmem_shared>> -> memref<10112x32xf32, #tpu.memory_space<vmem_shared>>
      tpu.enqueue_indirect_dma source(%arg11 : memref<128x32xf32, #tpu.memory_space<vmem>>) target(%dma_start3A_178 : memref<10112x32xf32, #tpu.memory_space<vmem_shared>>) offsets(%dma_start3A_175 : memref<128xi32, #tpu.memory_space<vmem>>) semaphore(%arg28 : memref<!tpu.dma_semaphore, #tpu.memory_space<semaphore_mem>>) {add = true}
      %add3A_179 = arith.constant 4 : i32
      %add3A_180 = arith.addi %add3A_166, %add3A_179 : i32
      %lt3A_181 = arith.cmpi slt, %add3A_180, %select_n3A : i32
      %convert_element_type3A_182 = arith.extui %lt3A_181 : i1 to i32
      %cond3A_183 = arith.constant 0 : i32
      %cond3A_184 = arith.cmpi ne, %convert_element_type3A_182, %cond3A_183 : i32
      scf.if %cond3A_184 {
        %ge3A = arith.constant 8 : i32
        %ge3A_295 = arith.cmpi sge, %add3A_180, %ge3A : i32
        %convert_element_type3A_296 = arith.extui %ge3A_295 : i1 to i32
        %cond3A_297 = arith.constant 0 : i32
        %cond3A_298 = arith.cmpi ne, %convert_element_type3A_296, %cond3A_297 : i32
        scf.if %cond3A_298 {
          %dma_wait3A_305 = arith.constant 0 : i32
          %dma_wait3A_306 = tpu.memref_slice %arg8[%add3A_166, %dma_wait3A_305] : memref<80x128xi32, #tpu.memory_space<vmem>> -> memref<1x128xi32, #tpu.memory_space<vmem>>
          %dma_wait3A_307 = tpu.memref_squeeze %dma_wait3A_306 : memref<1x128xi32, #tpu.memory_space<vmem>> -> memref<128xi32, #tpu.memory_space<vmem>>
          %dma_wait3A_308 = arith.constant 0 : i32
          %dma_wait3A_309 = arith.constant 0 : i32
          %dma_wait3A_310 = tpu.memref_slice %arg17[%dma_wait3A_308, %dma_wait3A_309] : memref<10112x32xf32, #tpu.memory_space<vmem_shared>> -> memref<10112x32xf32, #tpu.memory_space<vmem_shared>>
          tpu.wait_indirect_dma semaphore(%arg32 : memref<!tpu.dma_semaphore, #tpu.memory_space<semaphore_mem>>) src(%arg15 : memref<128x32xf32, #tpu.memory_space<vmem>>) dst(%dma_wait3A_310 : memref<10112x32xf32, #tpu.memory_space<vmem_shared>>)
        } else {
        }
        %dma_start3A_299 = arith.constant 0 : i32
        %dma_start3A_300 = tpu.memref_slice %arg7[%add3A_180, %dma_start3A_299] : memref<80x128xi32, #tpu.memory_space<vmem>> -> memref<1x128xi32, #tpu.memory_space<vmem>>
        %dma_start3A_301 = tpu.memref_squeeze %dma_start3A_300 : memref<1x128xi32, #tpu.memory_space<vmem>> -> memref<128xi32, #tpu.memory_space<vmem>>
        %dma_start3A_302 = arith.constant 0 : i32
        %dma_start3A_303 = arith.constant 0 : i32
        %dma_start3A_304 = tpu.memref_slice %arg2[%dma_start3A_302, %dma_start3A_303] : memref<10112x32xf32, #tpu.memory_space<hbm>> -> memref<10112x32xf32, #tpu.memory_space<hbm>>
        tpu.enqueue_indirect_dma source(%dma_start3A_304 : memref<10112x32xf32, #tpu.memory_space<hbm>>) target(%arg15 : memref<128x32xf32, #tpu.memory_space<vmem>>) offsets(%dma_start3A_301 : memref<128xi32, #tpu.memory_space<vmem>>) semaphore(%arg24 : memref<!tpu.dma_semaphore, #tpu.memory_space<semaphore_mem>>)
      } else {
      }
      %mul3A_185 = arith.constant 8 : i32
      %mul3A_186 = arith.muli %mul3A_185, %while3A_121 : i32
      %add3A_187 = arith.constant 3 : i32
      %add3A_188 = arith.addi %mul3A_186, %add3A_187 : i32
      %dma_wait3A_189 = arith.constant 0 : i32
      %dma_wait3A_190 = tpu.memref_slice %arg7[%add3A_188, %dma_wait3A_189] : memref<80x128xi32, #tpu.memory_space<vmem>> -> memref<1x128xi32, #tpu.memory_space<vmem>>
      %dma_wait3A_191 = tpu.memref_squeeze %dma_wait3A_190 : memref<1x128xi32, #tpu.memory_space<vmem>> -> memref<128xi32, #tpu.memory_space<vmem>>
      %dma_wait3A_192 = arith.constant 0 : i32
      %dma_wait3A_193 = arith.constant 0 : i32
      %dma_wait3A_194 = tpu.memref_slice %arg2[%dma_wait3A_192, %dma_wait3A_193] : memref<10112x32xf32, #tpu.memory_space<hbm>> -> memref<10112x32xf32, #tpu.memory_space<hbm>>
      tpu.wait_indirect_dma semaphore(%arg21 : memref<!tpu.dma_semaphore, #tpu.memory_space<semaphore_mem>>) src(%dma_wait3A_194 : memref<10112x32xf32, #tpu.memory_space<hbm>>) dst(%arg12 : memref<128x32xf32, #tpu.memory_space<vmem>>)
      %dma_start3A_195 = arith.constant 0 : i32
      %dma_start3A_196 = tpu.memref_slice %arg8[%add3A_188, %dma_start3A_195] : memref<80x128xi32, #tpu.memory_space<vmem>> -> memref<1x128xi32, #tpu.memory_space<vmem>>
      %dma_start3A_197 = tpu.memref_squeeze %dma_start3A_196 : memref<1x128xi32, #tpu.memory_space<vmem>> -> memref<128xi32, #tpu.memory_space<vmem>>
      %dma_start3A_198 = arith.constant 0 : i32
      %dma_start3A_199 = arith.constant 0 : i32
      %dma_start3A_200 = tpu.memref_slice %arg17[%dma_start3A_198, %dma_start3A_199] : memref<10112x32xf32, #tpu.memory_space<vmem_shared>> -> memref<10112x32xf32, #tpu.memory_space<vmem_shared>>
      tpu.enqueue_indirect_dma source(%arg12 : memref<128x32xf32, #tpu.memory_space<vmem>>) target(%dma_start3A_200 : memref<10112x32xf32, #tpu.memory_space<vmem_shared>>) offsets(%dma_start3A_197 : memref<128xi32, #tpu.memory_space<vmem>>) semaphore(%arg29 : memref<!tpu.dma_semaphore, #tpu.memory_space<semaphore_mem>>) {add = true}
      %add3A_201 = arith.constant 4 : i32
      %add3A_202 = arith.addi %add3A_188, %add3A_201 : i32
      %lt3A_203 = arith.cmpi slt, %add3A_202, %select_n3A : i32
      %convert_element_type3A_204 = arith.extui %lt3A_203 : i1 to i32
      %cond3A_205 = arith.constant 0 : i32
      %cond3A_206 = arith.cmpi ne, %convert_element_type3A_204, %cond3A_205 : i32
      scf.if %cond3A_206 {
        %ge3A = arith.constant 8 : i32
        %ge3A_295 = arith.cmpi sge, %add3A_202, %ge3A : i32
        %convert_element_type3A_296 = arith.extui %ge3A_295 : i1 to i32
        %cond3A_297 = arith.constant 0 : i32
        %cond3A_298 = arith.cmpi ne, %convert_element_type3A_296, %cond3A_297 : i32
        scf.if %cond3A_298 {
          %dma_wait3A_305 = arith.constant 0 : i32
          %dma_wait3A_306 = tpu.memref_slice %arg8[%add3A_188, %dma_wait3A_305] : memref<80x128xi32, #tpu.memory_space<vmem>> -> memref<1x128xi32, #tpu.memory_space<vmem>>
          %dma_wait3A_307 = tpu.memref_squeeze %dma_wait3A_306 : memref<1x128xi32, #tpu.memory_space<vmem>> -> memref<128xi32, #tpu.memory_space<vmem>>
          %dma_wait3A_308 = arith.constant 0 : i32
          %dma_wait3A_309 = arith.constant 0 : i32
          %dma_wait3A_310 = tpu.memref_slice %arg17[%dma_wait3A_308, %dma_wait3A_309] : memref<10112x32xf32, #tpu.memory_space<vmem_shared>> -> memref<10112x32xf32, #tpu.memory_space<vmem_shared>>
          tpu.wait_indirect_dma semaphore(%arg33 : memref<!tpu.dma_semaphore, #tpu.memory_space<semaphore_mem>>) src(%arg16 : memref<128x32xf32, #tpu.memory_space<vmem>>) dst(%dma_wait3A_310 : memref<10112x32xf32, #tpu.memory_space<vmem_shared>>)
        } else {
        }
        %dma_start3A_299 = arith.constant 0 : i32
        %dma_start3A_300 = tpu.memref_slice %arg7[%add3A_202, %dma_start3A_299] : memref<80x128xi32, #tpu.memory_space<vmem>> -> memref<1x128xi32, #tpu.memory_space<vmem>>
        %dma_start3A_301 = tpu.memref_squeeze %dma_start3A_300 : memref<1x128xi32, #tpu.memory_space<vmem>> -> memref<128xi32, #tpu.memory_space<vmem>>
        %dma_start3A_302 = arith.constant 0 : i32
        %dma_start3A_303 = arith.constant 0 : i32
        %dma_start3A_304 = tpu.memref_slice %arg2[%dma_start3A_302, %dma_start3A_303] : memref<10112x32xf32, #tpu.memory_space<hbm>> -> memref<10112x32xf32, #tpu.memory_space<hbm>>
        tpu.enqueue_indirect_dma source(%dma_start3A_304 : memref<10112x32xf32, #tpu.memory_space<hbm>>) target(%arg16 : memref<128x32xf32, #tpu.memory_space<vmem>>) offsets(%dma_start3A_301 : memref<128xi32, #tpu.memory_space<vmem>>) semaphore(%arg25 : memref<!tpu.dma_semaphore, #tpu.memory_space<semaphore_mem>>)
      } else {
      }
      %mul3A_207 = arith.constant 8 : i32
      %mul3A_208 = arith.muli %mul3A_207, %while3A_121 : i32
      %add3A_209 = arith.constant 4 : i32
      %add3A_210 = arith.addi %mul3A_208, %add3A_209 : i32
      %dma_wait3A_211 = arith.constant 0 : i32
      %dma_wait3A_212 = tpu.memref_slice %arg7[%add3A_210, %dma_wait3A_211] : memref<80x128xi32, #tpu.memory_space<vmem>> -> memref<1x128xi32, #tpu.memory_space<vmem>>
      %dma_wait3A_213 = tpu.memref_squeeze %dma_wait3A_212 : memref<1x128xi32, #tpu.memory_space<vmem>> -> memref<128xi32, #tpu.memory_space<vmem>>
      %dma_wait3A_214 = arith.constant 0 : i32
      %dma_wait3A_215 = arith.constant 0 : i32
      %dma_wait3A_216 = tpu.memref_slice %arg2[%dma_wait3A_214, %dma_wait3A_215] : memref<10112x32xf32, #tpu.memory_space<hbm>> -> memref<10112x32xf32, #tpu.memory_space<hbm>>
      tpu.wait_indirect_dma semaphore(%arg22 : memref<!tpu.dma_semaphore, #tpu.memory_space<semaphore_mem>>) src(%dma_wait3A_216 : memref<10112x32xf32, #tpu.memory_space<hbm>>) dst(%arg13 : memref<128x32xf32, #tpu.memory_space<vmem>>)
      %dma_start3A_217 = arith.constant 0 : i32
      %dma_start3A_218 = tpu.memref_slice %arg8[%add3A_210, %dma_start3A_217] : memref<80x128xi32, #tpu.memory_space<vmem>> -> memref<1x128xi32, #tpu.memory_space<vmem>>
      %dma_start3A_219 = tpu.memref_squeeze %dma_start3A_218 : memref<1x128xi32, #tpu.memory_space<vmem>> -> memref<128xi32, #tpu.memory_space<vmem>>
      %dma_start3A_220 = arith.constant 0 : i32
      %dma_start3A_221 = arith.constant 0 : i32
      %dma_start3A_222 = tpu.memref_slice %arg17[%dma_start3A_220, %dma_start3A_221] : memref<10112x32xf32, #tpu.memory_space<vmem_shared>> -> memref<10112x32xf32, #tpu.memory_space<vmem_shared>>
      tpu.enqueue_indirect_dma source(%arg13 : memref<128x32xf32, #tpu.memory_space<vmem>>) target(%dma_start3A_222 : memref<10112x32xf32, #tpu.memory_space<vmem_shared>>) offsets(%dma_start3A_219 : memref<128xi32, #tpu.memory_space<vmem>>) semaphore(%arg30 : memref<!tpu.dma_semaphore, #tpu.memory_space<semaphore_mem>>) {add = true}
      %add3A_223 = arith.constant 4 : i32
      %add3A_224 = arith.addi %add3A_210, %add3A_223 : i32
      %lt3A_225 = arith.cmpi slt, %add3A_224, %select_n3A : i32
      %convert_element_type3A_226 = arith.extui %lt3A_225 : i1 to i32
      %cond3A_227 = arith.constant 0 : i32
      %cond3A_228 = arith.cmpi ne, %convert_element_type3A_226, %cond3A_227 : i32
      scf.if %cond3A_228 {
        %ge3A = arith.constant 8 : i32
        %ge3A_295 = arith.cmpi sge, %add3A_224, %ge3A : i32
        %convert_element_type3A_296 = arith.extui %ge3A_295 : i1 to i32
        %cond3A_297 = arith.constant 0 : i32
        %cond3A_298 = arith.cmpi ne, %convert_element_type3A_296, %cond3A_297 : i32
        scf.if %cond3A_298 {
          %dma_wait3A_305 = arith.constant 0 : i32
          %dma_wait3A_306 = tpu.memref_slice %arg8[%add3A_210, %dma_wait3A_305] : memref<80x128xi32, #tpu.memory_space<vmem>> -> memref<1x128xi32, #tpu.memory_space<vmem>>
          %dma_wait3A_307 = tpu.memref_squeeze %dma_wait3A_306 : memref<1x128xi32, #tpu.memory_space<vmem>> -> memref<128xi32, #tpu.memory_space<vmem>>
          %dma_wait3A_308 = arith.constant 0 : i32
          %dma_wait3A_309 = arith.constant 0 : i32
          %dma_wait3A_310 = tpu.memref_slice %arg17[%dma_wait3A_308, %dma_wait3A_309] : memref<10112x32xf32, #tpu.memory_space<vmem_shared>> -> memref<10112x32xf32, #tpu.memory_space<vmem_shared>>
          tpu.wait_indirect_dma semaphore(%arg26 : memref<!tpu.dma_semaphore, #tpu.memory_space<semaphore_mem>>) src(%arg9 : memref<128x32xf32, #tpu.memory_space<vmem>>) dst(%dma_wait3A_310 : memref<10112x32xf32, #tpu.memory_space<vmem_shared>>)
        } else {
        }
        %dma_start3A_299 = arith.constant 0 : i32
        %dma_start3A_300 = tpu.memref_slice %arg7[%add3A_224, %dma_start3A_299] : memref<80x128xi32, #tpu.memory_space<vmem>> -> memref<1x128xi32, #tpu.memory_space<vmem>>
        %dma_start3A_301 = tpu.memref_squeeze %dma_start3A_300 : memref<1x128xi32, #tpu.memory_space<vmem>> -> memref<128xi32, #tpu.memory_space<vmem>>
        %dma_start3A_302 = arith.constant 0 : i32
        %dma_start3A_303 = arith.constant 0 : i32
        %dma_start3A_304 = tpu.memref_slice %arg2[%dma_start3A_302, %dma_start3A_303] : memref<10112x32xf32, #tpu.memory_space<hbm>> -> memref<10112x32xf32, #tpu.memory_space<hbm>>
        tpu.enqueue_indirect_dma source(%dma_start3A_304 : memref<10112x32xf32, #tpu.memory_space<hbm>>) target(%arg9 : memref<128x32xf32, #tpu.memory_space<vmem>>) offsets(%dma_start3A_301 : memref<128xi32, #tpu.memory_space<vmem>>) semaphore(%arg18 : memref<!tpu.dma_semaphore, #tpu.memory_space<semaphore_mem>>)
      } else {
      }
      %mul3A_229 = arith.constant 8 : i32
      %mul3A_230 = arith.muli %mul3A_229, %while3A_121 : i32
      %add3A_231 = arith.constant 5 : i32
      %add3A_232 = arith.addi %mul3A_230, %add3A_231 : i32
      %dma_wait3A_233 = arith.constant 0 : i32
      %dma_wait3A_234 = tpu.memref_slice %arg7[%add3A_232, %dma_wait3A_233] : memref<80x128xi32, #tpu.memory_space<vmem>> -> memref<1x128xi32, #tpu.memory_space<vmem>>
      %dma_wait3A_235 = tpu.memref_squeeze %dma_wait3A_234 : memref<1x128xi32, #tpu.memory_space<vmem>> -> memref<128xi32, #tpu.memory_space<vmem>>
      %dma_wait3A_236 = arith.constant 0 : i32
      %dma_wait3A_237 = arith.constant 0 : i32
      %dma_wait3A_238 = tpu.memref_slice %arg2[%dma_wait3A_236, %dma_wait3A_237] : memref<10112x32xf32, #tpu.memory_space<hbm>> -> memref<10112x32xf32, #tpu.memory_space<hbm>>
      tpu.wait_indirect_dma semaphore(%arg23 : memref<!tpu.dma_semaphore, #tpu.memory_space<semaphore_mem>>) src(%dma_wait3A_238 : memref<10112x32xf32, #tpu.memory_space<hbm>>) dst(%arg14 : memref<128x32xf32, #tpu.memory_space<vmem>>)
      %dma_start3A_239 = arith.constant 0 : i32
      %dma_start3A_240 = tpu.memref_slice %arg8[%add3A_232, %dma_start3A_239] : memref<80x128xi32, #tpu.memory_space<vmem>> -> memref<1x128xi32, #tpu.memory_space<vmem>>
      %dma_start3A_241 = tpu.memref_squeeze %dma_start3A_240 : memref<1x128xi32, #tpu.memory_space<vmem>> -> memref<128xi32, #tpu.memory_space<vmem>>
      %dma_start3A_242 = arith.constant 0 : i32
      %dma_start3A_243 = arith.constant 0 : i32
      %dma_start3A_244 = tpu.memref_slice %arg17[%dma_start3A_242, %dma_start3A_243] : memref<10112x32xf32, #tpu.memory_space<vmem_shared>> -> memref<10112x32xf32, #tpu.memory_space<vmem_shared>>
      tpu.enqueue_indirect_dma source(%arg14 : memref<128x32xf32, #tpu.memory_space<vmem>>) target(%dma_start3A_244 : memref<10112x32xf32, #tpu.memory_space<vmem_shared>>) offsets(%dma_start3A_241 : memref<128xi32, #tpu.memory_space<vmem>>) semaphore(%arg31 : memref<!tpu.dma_semaphore, #tpu.memory_space<semaphore_mem>>) {add = true}
      %add3A_245 = arith.constant 4 : i32
      %add3A_246 = arith.addi %add3A_232, %add3A_245 : i32
      %lt3A_247 = arith.cmpi slt, %add3A_246, %select_n3A : i32
      %convert_element_type3A_248 = arith.extui %lt3A_247 : i1 to i32
      %cond3A_249 = arith.constant 0 : i32
      %cond3A_250 = arith.cmpi ne, %convert_element_type3A_248, %cond3A_249 : i32
      scf.if %cond3A_250 {
        %ge3A = arith.constant 8 : i32
        %ge3A_295 = arith.cmpi sge, %add3A_246, %ge3A : i32
        %convert_element_type3A_296 = arith.extui %ge3A_295 : i1 to i32
        %cond3A_297 = arith.constant 0 : i32
        %cond3A_298 = arith.cmpi ne, %convert_element_type3A_296, %cond3A_297 : i32
        scf.if %cond3A_298 {
          %dma_wait3A_305 = arith.constant 0 : i32
          %dma_wait3A_306 = tpu.memref_slice %arg8[%add3A_232, %dma_wait3A_305] : memref<80x128xi32, #tpu.memory_space<vmem>> -> memref<1x128xi32, #tpu.memory_space<vmem>>
          %dma_wait3A_307 = tpu.memref_squeeze %dma_wait3A_306 : memref<1x128xi32, #tpu.memory_space<vmem>> -> memref<128xi32, #tpu.memory_space<vmem>>
          %dma_wait3A_308 = arith.constant 0 : i32
          %dma_wait3A_309 = arith.constant 0 : i32
          %dma_wait3A_310 = tpu.memref_slice %arg17[%dma_wait3A_308, %dma_wait3A_309] : memref<10112x32xf32, #tpu.memory_space<vmem_shared>> -> memref<10112x32xf32, #tpu.memory_space<vmem_shared>>
          tpu.wait_indirect_dma semaphore(%arg27 : memref<!tpu.dma_semaphore, #tpu.memory_space<semaphore_mem>>) src(%arg10 : memref<128x32xf32, #tpu.memory_space<vmem>>) dst(%dma_wait3A_310 : memref<10112x32xf32, #tpu.memory_space<vmem_shared>>)
        } else {
        }
        %dma_start3A_299 = arith.constant 0 : i32
        %dma_start3A_300 = tpu.memref_slice %arg7[%add3A_246, %dma_start3A_299] : memref<80x128xi32, #tpu.memory_space<vmem>> -> memref<1x128xi32, #tpu.memory_space<vmem>>
        %dma_start3A_301 = tpu.memref_squeeze %dma_start3A_300 : memref<1x128xi32, #tpu.memory_space<vmem>> -> memref<128xi32, #tpu.memory_space<vmem>>
        %dma_start3A_302 = arith.constant 0 : i32
        %dma_start3A_303 = arith.constant 0 : i32
        %dma_start3A_304 = tpu.memref_slice %arg2[%dma_start3A_302, %dma_start3A_303] : memref<10112x32xf32, #tpu.memory_space<hbm>> -> memref<10112x32xf32, #tpu.memory_space<hbm>>
        tpu.enqueue_indirect_dma source(%dma_start3A_304 : memref<10112x32xf32, #tpu.memory_space<hbm>>) target(%arg10 : memref<128x32xf32, #tpu.memory_space<vmem>>) offsets(%dma_start3A_301 : memref<128xi32, #tpu.memory_space<vmem>>) semaphore(%arg19 : memref<!tpu.dma_semaphore, #tpu.memory_space<semaphore_mem>>)
      } else {
      }
      %mul3A_251 = arith.constant 8 : i32
      %mul3A_252 = arith.muli %mul3A_251, %while3A_121 : i32
      %add3A_253 = arith.constant 6 : i32
      %add3A_254 = arith.addi %mul3A_252, %add3A_253 : i32
      %dma_wait3A_255 = arith.constant 0 : i32
      %dma_wait3A_256 = tpu.memref_slice %arg7[%add3A_254, %dma_wait3A_255] : memref<80x128xi32, #tpu.memory_space<vmem>> -> memref<1x128xi32, #tpu.memory_space<vmem>>
      %dma_wait3A_257 = tpu.memref_squeeze %dma_wait3A_256 : memref<1x128xi32, #tpu.memory_space<vmem>> -> memref<128xi32, #tpu.memory_space<vmem>>
      %dma_wait3A_258 = arith.constant 0 : i32
      %dma_wait3A_259 = arith.constant 0 : i32
      %dma_wait3A_260 = tpu.memref_slice %arg2[%dma_wait3A_258, %dma_wait3A_259] : memref<10112x32xf32, #tpu.memory_space<hbm>> -> memref<10112x32xf32, #tpu.memory_space<hbm>>
      tpu.wait_indirect_dma semaphore(%arg24 : memref<!tpu.dma_semaphore, #tpu.memory_space<semaphore_mem>>) src(%dma_wait3A_260 : memref<10112x32xf32, #tpu.memory_space<hbm>>) dst(%arg15 : memref<128x32xf32, #tpu.memory_space<vmem>>)
      %dma_start3A_261 = arith.constant 0 : i32
      %dma_start3A_262 = tpu.memref_slice %arg8[%add3A_254, %dma_start3A_261] : memref<80x128xi32, #tpu.memory_space<vmem>> -> memref<1x128xi32, #tpu.memory_space<vmem>>
      %dma_start3A_263 = tpu.memref_squeeze %dma_start3A_262 : memref<1x128xi32, #tpu.memory_space<vmem>> -> memref<128xi32, #tpu.memory_space<vmem>>
      %dma_start3A_264 = arith.constant 0 : i32
      %dma_start3A_265 = arith.constant 0 : i32
      %dma_start3A_266 = tpu.memref_slice %arg17[%dma_start3A_264, %dma_start3A_265] : memref<10112x32xf32, #tpu.memory_space<vmem_shared>> -> memref<10112x32xf32, #tpu.memory_space<vmem_shared>>
      tpu.enqueue_indirect_dma source(%arg15 : memref<128x32xf32, #tpu.memory_space<vmem>>) target(%dma_start3A_266 : memref<10112x32xf32, #tpu.memory_space<vmem_shared>>) offsets(%dma_start3A_263 : memref<128xi32, #tpu.memory_space<vmem>>) semaphore(%arg32 : memref<!tpu.dma_semaphore, #tpu.memory_space<semaphore_mem>>) {add = true}
      %add3A_267 = arith.constant 4 : i32
      %add3A_268 = arith.addi %add3A_254, %add3A_267 : i32
      %lt3A_269 = arith.cmpi slt, %add3A_268, %select_n3A : i32
      %convert_element_type3A_270 = arith.extui %lt3A_269 : i1 to i32
      %cond3A_271 = arith.constant 0 : i32
      %cond3A_272 = arith.cmpi ne, %convert_element_type3A_270, %cond3A_271 : i32
      scf.if %cond3A_272 {
        %ge3A = arith.constant 8 : i32
        %ge3A_295 = arith.cmpi sge, %add3A_268, %ge3A : i32
        %convert_element_type3A_296 = arith.extui %ge3A_295 : i1 to i32
        %cond3A_297 = arith.constant 0 : i32
        %cond3A_298 = arith.cmpi ne, %convert_element_type3A_296, %cond3A_297 : i32
        scf.if %cond3A_298 {
          %dma_wait3A_305 = arith.constant 0 : i32
          %dma_wait3A_306 = tpu.memref_slice %arg8[%add3A_254, %dma_wait3A_305] : memref<80x128xi32, #tpu.memory_space<vmem>> -> memref<1x128xi32, #tpu.memory_space<vmem>>
          %dma_wait3A_307 = tpu.memref_squeeze %dma_wait3A_306 : memref<1x128xi32, #tpu.memory_space<vmem>> -> memref<128xi32, #tpu.memory_space<vmem>>
          %dma_wait3A_308 = arith.constant 0 : i32
          %dma_wait3A_309 = arith.constant 0 : i32
          %dma_wait3A_310 = tpu.memref_slice %arg17[%dma_wait3A_308, %dma_wait3A_309] : memref<10112x32xf32, #tpu.memory_space<vmem_shared>> -> memref<10112x32xf32, #tpu.memory_space<vmem_shared>>
          tpu.wait_indirect_dma semaphore(%arg28 : memref<!tpu.dma_semaphore, #tpu.memory_space<semaphore_mem>>) src(%arg11 : memref<128x32xf32, #tpu.memory_space<vmem>>) dst(%dma_wait3A_310 : memref<10112x32xf32, #tpu.memory_space<vmem_shared>>)
        } else {
        }
        %dma_start3A_299 = arith.constant 0 : i32
        %dma_start3A_300 = tpu.memref_slice %arg7[%add3A_268, %dma_start3A_299] : memref<80x128xi32, #tpu.memory_space<vmem>> -> memref<1x128xi32, #tpu.memory_space<vmem>>
        %dma_start3A_301 = tpu.memref_squeeze %dma_start3A_300 : memref<1x128xi32, #tpu.memory_space<vmem>> -> memref<128xi32, #tpu.memory_space<vmem>>
        %dma_start3A_302 = arith.constant 0 : i32
        %dma_start3A_303 = arith.constant 0 : i32
        %dma_start3A_304 = tpu.memref_slice %arg2[%dma_start3A_302, %dma_start3A_303] : memref<10112x32xf32, #tpu.memory_space<hbm>> -> memref<10112x32xf32, #tpu.memory_space<hbm>>
        tpu.enqueue_indirect_dma source(%dma_start3A_304 : memref<10112x32xf32, #tpu.memory_space<hbm>>) target(%arg11 : memref<128x32xf32, #tpu.memory_space<vmem>>) offsets(%dma_start3A_301 : memref<128xi32, #tpu.memory_space<vmem>>) semaphore(%arg20 : memref<!tpu.dma_semaphore, #tpu.memory_space<semaphore_mem>>)
      } else {
      }
      %mul3A_273 = arith.constant 8 : i32
      %mul3A_274 = arith.muli %mul3A_273, %while3A_121 : i32
      %add3A_275 = arith.constant 7 : i32
      %add3A_276 = arith.addi %mul3A_274, %add3A_275 : i32
      %dma_wait3A_277 = arith.constant 0 : i32
      %dma_wait3A_278 = tpu.memref_slice %arg7[%add3A_276, %dma_wait3A_277] : memref<80x128xi32, #tpu.memory_space<vmem>> -> memref<1x128xi32, #tpu.memory_space<vmem>>
      %dma_wait3A_279 = tpu.memref_squeeze %dma_wait3A_278 : memref<1x128xi32, #tpu.memory_space<vmem>> -> memref<128xi32, #tpu.memory_space<vmem>>
      %dma_wait3A_280 = arith.constant 0 : i32
      %dma_wait3A_281 = arith.constant 0 : i32
      %dma_wait3A_282 = tpu.memref_slice %arg2[%dma_wait3A_280, %dma_wait3A_281] : memref<10112x32xf32, #tpu.memory_space<hbm>> -> memref<10112x32xf32, #tpu.memory_space<hbm>>
      tpu.wait_indirect_dma semaphore(%arg25 : memref<!tpu.dma_semaphore, #tpu.memory_space<semaphore_mem>>) src(%dma_wait3A_282 : memref<10112x32xf32, #tpu.memory_space<hbm>>) dst(%arg16 : memref<128x32xf32, #tpu.memory_space<vmem>>)
      %dma_start3A_283 = arith.constant 0 : i32
      %dma_start3A_284 = tpu.memref_slice %arg8[%add3A_276, %dma_start3A_283] : memref<80x128xi32, #tpu.memory_space<vmem>> -> memref<1x128xi32, #tpu.memory_space<vmem>>
      %dma_start3A_285 = tpu.memref_squeeze %dma_start3A_284 : memref<1x128xi32, #tpu.memory_space<vmem>> -> memref<128xi32, #tpu.memory_space<vmem>>
      %dma_start3A_286 = arith.constant 0 : i32
      %dma_start3A_287 = arith.constant 0 : i32
      %dma_start3A_288 = tpu.memref_slice %arg17[%dma_start3A_286, %dma_start3A_287] : memref<10112x32xf32, #tpu.memory_space<vmem_shared>> -> memref<10112x32xf32, #tpu.memory_space<vmem_shared>>
      tpu.enqueue_indirect_dma source(%arg16 : memref<128x32xf32, #tpu.memory_space<vmem>>) target(%dma_start3A_288 : memref<10112x32xf32, #tpu.memory_space<vmem_shared>>) offsets(%dma_start3A_285 : memref<128xi32, #tpu.memory_space<vmem>>) semaphore(%arg33 : memref<!tpu.dma_semaphore, #tpu.memory_space<semaphore_mem>>) {add = true}
      %add3A_289 = arith.constant 4 : i32
      %add3A_290 = arith.addi %add3A_276, %add3A_289 : i32
      %lt3A_291 = arith.cmpi slt, %add3A_290, %select_n3A : i32
      %convert_element_type3A_292 = arith.extui %lt3A_291 : i1 to i32
      %cond3A_293 = arith.constant 0 : i32
      %cond3A_294 = arith.cmpi ne, %convert_element_type3A_292, %cond3A_293 : i32
      scf.if %cond3A_294 {
        %ge3A = arith.constant 8 : i32
        %ge3A_295 = arith.cmpi sge, %add3A_290, %ge3A : i32
        %convert_element_type3A_296 = arith.extui %ge3A_295 : i1 to i32
        %cond3A_297 = arith.constant 0 : i32
        %cond3A_298 = arith.cmpi ne, %convert_element_type3A_296, %cond3A_297 : i32
        scf.if %cond3A_298 {
          %dma_wait3A_305 = arith.constant 0 : i32
          %dma_wait3A_306 = tpu.memref_slice %arg8[%add3A_276, %dma_wait3A_305] : memref<80x128xi32, #tpu.memory_space<vmem>> -> memref<1x128xi32, #tpu.memory_space<vmem>>
          %dma_wait3A_307 = tpu.memref_squeeze %dma_wait3A_306 : memref<1x128xi32, #tpu.memory_space<vmem>> -> memref<128xi32, #tpu.memory_space<vmem>>
          %dma_wait3A_308 = arith.constant 0 : i32
          %dma_wait3A_309 = arith.constant 0 : i32
          %dma_wait3A_310 = tpu.memref_slice %arg17[%dma_wait3A_308, %dma_wait3A_309] : memref<10112x32xf32, #tpu.memory_space<vmem_shared>> -> memref<10112x32xf32, #tpu.memory_space<vmem_shared>>
          tpu.wait_indirect_dma semaphore(%arg29 : memref<!tpu.dma_semaphore, #tpu.memory_space<semaphore_mem>>) src(%arg12 : memref<128x32xf32, #tpu.memory_space<vmem>>) dst(%dma_wait3A_310 : memref<10112x32xf32, #tpu.memory_space<vmem_shared>>)
        } else {
        }
        %dma_start3A_299 = arith.constant 0 : i32
        %dma_start3A_300 = tpu.memref_slice %arg7[%add3A_290, %dma_start3A_299] : memref<80x128xi32, #tpu.memory_space<vmem>> -> memref<1x128xi32, #tpu.memory_space<vmem>>
        %dma_start3A_301 = tpu.memref_squeeze %dma_start3A_300 : memref<1x128xi32, #tpu.memory_space<vmem>> -> memref<128xi32, #tpu.memory_space<vmem>>
        %dma_start3A_302 = arith.constant 0 : i32
        %dma_start3A_303 = arith.constant 0 : i32
        %dma_start3A_304 = tpu.memref_slice %arg2[%dma_start3A_302, %dma_start3A_303] : memref<10112x32xf32, #tpu.memory_space<hbm>> -> memref<10112x32xf32, #tpu.memory_space<hbm>>
        tpu.enqueue_indirect_dma source(%dma_start3A_304 : memref<10112x32xf32, #tpu.memory_space<hbm>>) target(%arg12 : memref<128x32xf32, #tpu.memory_space<vmem>>) offsets(%dma_start3A_301 : memref<128xi32, #tpu.memory_space<vmem>>) semaphore(%arg21 : memref<!tpu.dma_semaphore, #tpu.memory_space<semaphore_mem>>)
      } else {
      }
    }
    %dma_wait3A = arith.constant 0 : i32
    %dma_wait3A_61 = arith.constant 0 : i32
    %dma_wait3A_62 = tpu.memref_slice %arg8[%dma_wait3A, %dma_wait3A_61] : memref<80x128xi32, #tpu.memory_space<vmem>> -> memref<1x128xi32, #tpu.memory_space<vmem>>
    %dma_wait3A_63 = tpu.memref_squeeze %dma_wait3A_62 : memref<1x128xi32, #tpu.memory_space<vmem>> -> memref<128xi32, #tpu.memory_space<vmem>>
    %dma_wait3A_64 = arith.constant 0 : i32
    %dma_wait3A_65 = arith.constant 0 : i32
    %dma_wait3A_66 = tpu.memref_slice %arg17[%dma_wait3A_64, %dma_wait3A_65] : memref<10112x32xf32, #tpu.memory_space<vmem_shared>> -> memref<10112x32xf32, #tpu.memory_space<vmem_shared>>
    tpu.wait_indirect_dma semaphore(%arg26 : memref<!tpu.dma_semaphore, #tpu.memory_space<semaphore_mem>>) src(%arg9 : memref<128x32xf32, #tpu.memory_space<vmem>>) dst(%dma_wait3A_66 : memref<10112x32xf32, #tpu.memory_space<vmem_shared>>)
    %dma_wait3A_67 = arith.constant 0 : i32
    %dma_wait3A_68 = arith.constant 0 : i32
    %dma_wait3A_69 = tpu.memref_slice %arg8[%dma_wait3A_67, %dma_wait3A_68] : memref<80x128xi32, #tpu.memory_space<vmem>> -> memref<1x128xi32, #tpu.memory_space<vmem>>
    %dma_wait3A_70 = tpu.memref_squeeze %dma_wait3A_69 : memref<1x128xi32, #tpu.memory_space<vmem>> -> memref<128xi32, #tpu.memory_space<vmem>>
    %dma_wait3A_71 = arith.constant 0 : i32
    %dma_wait3A_72 = arith.constant 0 : i32
    %dma_wait3A_73 = tpu.memref_slice %arg17[%dma_wait3A_71, %dma_wait3A_72] : memref<10112x32xf32, #tpu.memory_space<vmem_shared>> -> memref<10112x32xf32, #tpu.memory_space<vmem_shared>>
    tpu.wait_indirect_dma semaphore(%arg27 : memref<!tpu.dma_semaphore, #tpu.memory_space<semaphore_mem>>) src(%arg10 : memref<128x32xf32, #tpu.memory_space<vmem>>) dst(%dma_wait3A_73 : memref<10112x32xf32, #tpu.memory_space<vmem_shared>>)
    %dma_wait3A_74 = arith.constant 0 : i32
    %dma_wait3A_75 = arith.constant 0 : i32
    %dma_wait3A_76 = tpu.memref_slice %arg8[%dma_wait3A_74, %dma_wait3A_75] : memref<80x128xi32, #tpu.memory_space<vmem>> -> memref<1x128xi32, #tpu.memory_space<vmem>>
    %dma_wait3A_77 = tpu.memref_squeeze %dma_wait3A_76 : memref<1x128xi32, #tpu.memory_space<vmem>> -> memref<128xi32, #tpu.memory_space<vmem>>
    %dma_wait3A_78 = arith.constant 0 : i32
    %dma_wait3A_79 = arith.constant 0 : i32
    %dma_wait3A_80 = tpu.memref_slice %arg17[%dma_wait3A_78, %dma_wait3A_79] : memref<10112x32xf32, #tpu.memory_space<vmem_shared>> -> memref<10112x32xf32, #tpu.memory_space<vmem_shared>>
    tpu.wait_indirect_dma semaphore(%arg28 : memref<!tpu.dma_semaphore, #tpu.memory_space<semaphore_mem>>) src(%arg11 : memref<128x32xf32, #tpu.memory_space<vmem>>) dst(%dma_wait3A_80 : memref<10112x32xf32, #tpu.memory_space<vmem_shared>>)
    %dma_wait3A_81 = arith.constant 0 : i32
    %dma_wait3A_82 = arith.constant 0 : i32
    %dma_wait3A_83 = tpu.memref_slice %arg8[%dma_wait3A_81, %dma_wait3A_82] : memref<80x128xi32, #tpu.memory_space<vmem>> -> memref<1x128xi32, #tpu.memory_space<vmem>>
    %dma_wait3A_84 = tpu.memref_squeeze %dma_wait3A_83 : memref<1x128xi32, #tpu.memory_space<vmem>> -> memref<128xi32, #tpu.memory_space<vmem>>
    %dma_wait3A_85 = arith.constant 0 : i32
    %dma_wait3A_86 = arith.constant 0 : i32
    %dma_wait3A_87 = tpu.memref_slice %arg17[%dma_wait3A_85, %dma_wait3A_86] : memref<10112x32xf32, #tpu.memory_space<vmem_shared>> -> memref<10112x32xf32, #tpu.memory_space<vmem_shared>>
    tpu.wait_indirect_dma semaphore(%arg29 : memref<!tpu.dma_semaphore, #tpu.memory_space<semaphore_mem>>) src(%arg12 : memref<128x32xf32, #tpu.memory_space<vmem>>) dst(%dma_wait3A_87 : memref<10112x32xf32, #tpu.memory_space<vmem_shared>>)
    %dma_wait3A_88 = arith.constant 0 : i32
    %dma_wait3A_89 = arith.constant 0 : i32
    %dma_wait3A_90 = tpu.memref_slice %arg8[%dma_wait3A_88, %dma_wait3A_89] : memref<80x128xi32, #tpu.memory_space<vmem>> -> memref<1x128xi32, #tpu.memory_space<vmem>>
    %dma_wait3A_91 = tpu.memref_squeeze %dma_wait3A_90 : memref<1x128xi32, #tpu.memory_space<vmem>> -> memref<128xi32, #tpu.memory_space<vmem>>
    %dma_wait3A_92 = arith.constant 0 : i32
    %dma_wait3A_93 = arith.constant 0 : i32
    %dma_wait3A_94 = tpu.memref_slice %arg17[%dma_wait3A_92, %dma_wait3A_93] : memref<10112x32xf32, #tpu.memory_space<vmem_shared>> -> memref<10112x32xf32, #tpu.memory_space<vmem_shared>>
    tpu.wait_indirect_dma semaphore(%arg30 : memref<!tpu.dma_semaphore, #tpu.memory_space<semaphore_mem>>) src(%arg13 : memref<128x32xf32, #tpu.memory_space<vmem>>) dst(%dma_wait3A_94 : memref<10112x32xf32, #tpu.memory_space<vmem_shared>>)
    %dma_wait3A_95 = arith.constant 0 : i32
    %dma_wait3A_96 = arith.constant 0 : i32
    %dma_wait3A_97 = tpu.memref_slice %arg8[%dma_wait3A_95, %dma_wait3A_96] : memref<80x128xi32, #tpu.memory_space<vmem>> -> memref<1x128xi32, #tpu.memory_space<vmem>>
    %dma_wait3A_98 = tpu.memref_squeeze %dma_wait3A_97 : memref<1x128xi32, #tpu.memory_space<vmem>> -> memref<128xi32, #tpu.memory_space<vmem>>
    %dma_wait3A_99 = arith.constant 0 : i32
    %dma_wait3A_100 = arith.constant 0 : i32
    %dma_wait3A_101 = tpu.memref_slice %arg17[%dma_wait3A_99, %dma_wait3A_100] : memref<10112x32xf32, #tpu.memory_space<vmem_shared>> -> memref<10112x32xf32, #tpu.memory_space<vmem_shared>>
    tpu.wait_indirect_dma semaphore(%arg31 : memref<!tpu.dma_semaphore, #tpu.memory_space<semaphore_mem>>) src(%arg14 : memref<128x32xf32, #tpu.memory_space<vmem>>) dst(%dma_wait3A_101 : memref<10112x32xf32, #tpu.memory_space<vmem_shared>>)
    %dma_wait3A_102 = arith.constant 0 : i32
    %dma_wait3A_103 = arith.constant 0 : i32
    %dma_wait3A_104 = tpu.memref_slice %arg8[%dma_wait3A_102, %dma_wait3A_103] : memref<80x128xi32, #tpu.memory_space<vmem>> -> memref<1x128xi32, #tpu.memory_space<vmem>>
    %dma_wait3A_105 = tpu.memref_squeeze %dma_wait3A_104 : memref<1x128xi32, #tpu.memory_space<vmem>> -> memref<128xi32, #tpu.memory_space<vmem>>
    %dma_wait3A_106 = arith.constant 0 : i32
    %dma_wait3A_107 = arith.constant 0 : i32
    %dma_wait3A_108 = tpu.memref_slice %arg17[%dma_wait3A_106, %dma_wait3A_107] : memref<10112x32xf32, #tpu.memory_space<vmem_shared>> -> memref<10112x32xf32, #tpu.memory_space<vmem_shared>>
    tpu.wait_indirect_dma semaphore(%arg32 : memref<!tpu.dma_semaphore, #tpu.memory_space<semaphore_mem>>) src(%arg15 : memref<128x32xf32, #tpu.memory_space<vmem>>) dst(%dma_wait3A_108 : memref<10112x32xf32, #tpu.memory_space<vmem_shared>>)
    %dma_wait3A_109 = arith.constant 0 : i32
    %dma_wait3A_110 = arith.constant 0 : i32
    %dma_wait3A_111 = tpu.memref_slice %arg8[%dma_wait3A_109, %dma_wait3A_110] : memref<80x128xi32, #tpu.memory_space<vmem>> -> memref<1x128xi32, #tpu.memory_space<vmem>>
    %dma_wait3A_112 = tpu.memref_squeeze %dma_wait3A_111 : memref<1x128xi32, #tpu.memory_space<vmem>> -> memref<128xi32, #tpu.memory_space<vmem>>
    %dma_wait3A_113 = arith.constant 0 : i32
    %dma_wait3A_114 = arith.constant 0 : i32
    %dma_wait3A_115 = tpu.memref_slice %arg17[%dma_wait3A_113, %dma_wait3A_114] : memref<10112x32xf32, #tpu.memory_space<vmem_shared>> -> memref<10112x32xf32, #tpu.memory_space<vmem_shared>>
    tpu.wait_indirect_dma semaphore(%arg33 : memref<!tpu.dma_semaphore, #tpu.memory_space<semaphore_mem>>) src(%arg16 : memref<128x32xf32, #tpu.memory_space<vmem>>) dst(%dma_wait3A_115 : memref<10112x32xf32, #tpu.memory_space<vmem_shared>>)
    %barrier3A_116 = arith.constant 0 : index
    tpu.barrier barrier_id(%barrier3A_116)
    %mul3A_117 = arith.constant 632 : i32
    %mul3A_118 = arith.muli %arg1, %mul3A_117 : i32
    %mul3A_119 = arith.constant 632 : i32
    %mul3A_120 = arith.muli %arg1, %mul3A_119 : i32
    "tpu.region"() ({
      %run_scoped3A = tpu.sem_alloc : memref<!tpu.dma_semaphore, #tpu.memory_space<semaphore_mem>>
      %dma_start3A_121 = arith.constant 0 : i32
      %dma_start3A_122 = tpu.memref_slice %arg6[%arg0, %mul3A_120, %dma_start3A_121] : memref<2x10112x32xf32, #tpu.memory_space<hbm>> -> memref<1x632x32xf32, #tpu.memory_space<hbm>>
      %dma_start3A_123 = tpu.memref_squeeze %dma_start3A_122 : memref<1x632x32xf32, #tpu.memory_space<hbm>> -> memref<632x32xf32, #tpu.memory_space<hbm>>
      %dma_start3A_124 = arith.constant 0 : i32
      %dma_start3A_125 = tpu.memref_slice %arg17[%mul3A_118, %dma_start3A_124] : memref<10112x32xf32, #tpu.memory_space<vmem_shared>> -> memref<632x32xf32, #tpu.memory_space<vmem_shared>>
      tpu.enqueue_dma source(%dma_start3A_125 : memref<632x32xf32, #tpu.memory_space<vmem_shared>>) target(%dma_start3A_123 : memref<632x32xf32, #tpu.memory_space<hbm>>) target_semaphore(%run_scoped3A : memref<!tpu.dma_semaphore, #tpu.memory_space<semaphore_mem>>)
      %dma_wait3A_126 = arith.constant 0 : i32
      %dma_wait3A_127 = tpu.memref_slice %arg6[%arg0, %mul3A_120, %dma_wait3A_126] : memref<2x10112x32xf32, #tpu.memory_space<hbm>> -> memref<1x632x32xf32, #tpu.memory_space<hbm>>
      %dma_wait3A_128 = tpu.memref_squeeze %dma_wait3A_127 : memref<1x632x32xf32, #tpu.memory_space<hbm>> -> memref<632x32xf32, #tpu.memory_space<hbm>>
      %dma_wait3A_129 = arith.constant 0 : i32
      %dma_wait3A_130 = tpu.memref_slice %arg17[%mul3A_118, %dma_wait3A_129] : memref<10112x32xf32, #tpu.memory_space<vmem_shared>> -> memref<632x32xf32, #tpu.memory_space<vmem_shared>>
      tpu.wait_dma2 semaphore(%run_scoped3A : memref<!tpu.dma_semaphore, #tpu.memory_space<semaphore_mem>>) src(%dma_wait3A_130 : memref<632x32xf32, #tpu.memory_space<vmem_shared>>) dst(%dma_wait3A_128 : memref<632x32xf32, #tpu.memory_space<hbm>>)
      tpu.yield
    }) : () -> ()
    return
  }
}

#map = affine_map<(d0, d1) -> (0, 0)>
#map1 = affine_map<(d0, d1) -> (0, 0, 0)>
module attributes {stable_mosaic.version = 14 : i64} {
  func.func @body(%arg0: i32, %arg1: i32, %arg2: memref<10112x8xf32, #tpu.memory_space<hbm>>, %arg3: memref<32x80x128xi32, #tpu.memory_space<hbm>>, %arg4: memref<32x80x128xi32, #tpu.memory_space<hbm>>, %arg5: memref<10112x8xf32, #tpu.memory_space<hbm>>, %arg6: memref<2x10112x8xf32, #tpu.memory_space<hbm>>, %arg7: memref<80x128xi32, #tpu.memory_space<vmem>>, %arg8: memref<80x128xi32, #tpu.memory_space<vmem>>, %arg9: memref<128x8xf32, #tpu.memory_space<vmem>>, %arg10: memref<128x8xf32, #tpu.memory_space<vmem>>, %arg11: memref<128x8xf32, #tpu.memory_space<vmem>>, %arg12: memref<128x8xf32, #tpu.memory_space<vmem>>, %arg13: memref<128x8xf32, #tpu.memory_space<vmem>>, %arg14: memref<128x8xf32, #tpu.memory_space<vmem>>, %arg15: memref<128x8xf32, #tpu.memory_space<vmem>>, %arg16: memref<128x8xf32, #tpu.memory_space<vmem>>, %arg17: memref<10112x8xf32, #tpu.memory_space<vmem_shared>>, %arg18: memref<!tpu.dma_semaphore, #tpu.memory_space<semaphore_mem>>, %arg19: memref<!tpu.dma_semaphore, #tpu.memory_space<semaphore_mem>>, %arg20: memref<!tpu.dma_semaphore, #tpu.memory_space<semaphore_mem>>, %arg21: memref<!tpu.dma_semaphore, #tpu.memory_space<semaphore_mem>>, %arg22: memref<!tpu.dma_semaphore, #tpu.memory_space<semaphore_mem>>, %arg23: memref<!tpu.dma_semaphore, #tpu.memory_space<semaphore_mem>>, %arg24: memref<!tpu.dma_semaphore, #tpu.memory_space<semaphore_mem>>, %arg25: memref<!tpu.dma_semaphore, #tpu.memory_space<semaphore_mem>>, %arg26: memref<!tpu.dma_semaphore, #tpu.memory_space<semaphore_mem>>, %arg27: memref<!tpu.dma_semaphore, #tpu.memory_space<semaphore_mem>>, %arg28: memref<!tpu.dma_semaphore, #tpu.memory_space<semaphore_mem>>, %arg29: memref<!tpu.dma_semaphore, #tpu.memory_space<semaphore_mem>>, %arg30: memref<!tpu.dma_semaphore, #tpu.memory_space<semaphore_mem>>, %arg31: memref<!tpu.dma_semaphore, #tpu.memory_space<semaphore_mem>>, %arg32: memref<!tpu.dma_semaphore, #tpu.memory_space<semaphore_mem>>, %arg33: memref<!tpu.dma_semaphore, #tpu.memory_space<semaphore_mem>>) attributes {dimension_semantics = [#tpu.dimension_semantics<core_parallel>, #tpu.dimension_semantics<subcore_parallel>], iteration_bounds = array<i64: 2, 16>, scalar_prefetch = 0 : i64, scratch_operands = 27 : i64, tpu.core_type = #tpu.core_type<sc_vector_subcore>, window_params = [{transform_indices = #map}, {transform_indices = #map1}, {transform_indices = #map1}, {transform_indices = #map}, {transform_indices = #map1}]} {
    %mul3A = arith.constant 16 : i32
    %mul3A_0 = arith.muli %arg0, %mul3A : i32
    %add3A = arith.addi %mul3A_0, %arg1 : i32
    %eq3A = arith.constant 0 : i32
    %eq3A_1 = arith.cmpi eq, %arg0, %eq3A : i32
    %jit3A = arith.constant 80 : i32
    %jit3A_2 = arith.constant 80 : i32
    %select_n3A = arith.select %eq3A_1, %jit3A, %jit3A_2 : i32
    "tpu.region"() ({
      %run_scoped3A = tpu.sem_alloc : memref<!tpu.dma_semaphore, #tpu.memory_space<semaphore_mem>>
      %dma_start3A_121 = arith.constant 0 : i32
      %dma_start3A_122 = arith.constant 0 : i32
      %dma_start3A_123 = tpu.memref_slice %arg3[%add3A, %dma_start3A_121, %dma_start3A_122] : memref<32x80x128xi32, #tpu.memory_space<hbm>> -> memref<1x80x128xi32, #tpu.memory_space<hbm>>
      %dma_start3A_124 = tpu.memref_squeeze %dma_start3A_123 : memref<1x80x128xi32, #tpu.memory_space<hbm>> -> memref<80x128xi32, #tpu.memory_space<hbm>>
      %dma_start3A_125 = arith.constant 0 : i32
      %dma_start3A_126 = arith.constant 0 : i32
      %dma_start3A_127 = tpu.memref_slice %arg3[%add3A, %dma_start3A_125, %dma_start3A_126] : memref<32x80x128xi32, #tpu.memory_space<hbm>> -> memref<1x80x128xi32, #tpu.memory_space<hbm>>
      %dma_start3A_128 = tpu.memref_squeeze %dma_start3A_127 : memref<1x80x128xi32, #tpu.memory_space<hbm>> -> memref<80x128xi32, #tpu.memory_space<hbm>>
      tpu.enqueue_dma source(%dma_start3A_128 : memref<80x128xi32, #tpu.memory_space<hbm>>) target(%arg7 : memref<80x128xi32, #tpu.memory_space<vmem>>) target_semaphore(%run_scoped3A : memref<!tpu.dma_semaphore, #tpu.memory_space<semaphore_mem>>)
      %dma_wait3A_129 = arith.constant 0 : i32
      %dma_wait3A_130 = arith.constant 0 : i32
      %dma_wait3A_131 = tpu.memref_slice %arg3[%add3A, %dma_wait3A_129, %dma_wait3A_130] : memref<32x80x128xi32, #tpu.memory_space<hbm>> -> memref<1x80x128xi32, #tpu.memory_space<hbm>>
      %dma_wait3A_132 = tpu.memref_squeeze %dma_wait3A_131 : memref<1x80x128xi32, #tpu.memory_space<hbm>> -> memref<80x128xi32, #tpu.memory_space<hbm>>
      %dma_wait3A_133 = arith.constant 0 : i32
      %dma_wait3A_134 = arith.constant 0 : i32
      %dma_wait3A_135 = tpu.memref_slice %arg3[%add3A, %dma_wait3A_133, %dma_wait3A_134] : memref<32x80x128xi32, #tpu.memory_space<hbm>> -> memref<1x80x128xi32, #tpu.memory_space<hbm>>
      %dma_wait3A_136 = tpu.memref_squeeze %dma_wait3A_135 : memref<1x80x128xi32, #tpu.memory_space<hbm>> -> memref<80x128xi32, #tpu.memory_space<hbm>>
      tpu.wait_dma2 semaphore(%run_scoped3A : memref<!tpu.dma_semaphore, #tpu.memory_space<semaphore_mem>>) src(%dma_wait3A_136 : memref<80x128xi32, #tpu.memory_space<hbm>>) dst(%arg7 : memref<80x128xi32, #tpu.memory_space<vmem>>)
      tpu.yield
    }) : () -> ()
    "tpu.region"() ({
      %run_scoped3A = tpu.sem_alloc : memref<!tpu.dma_semaphore, #tpu.memory_space<semaphore_mem>>
      %dma_start3A_121 = arith.constant 0 : i32
      %dma_start3A_122 = arith.constant 0 : i32
      %dma_start3A_123 = tpu.memref_slice %arg4[%add3A, %dma_start3A_121, %dma_start3A_122] : memref<32x80x128xi32, #tpu.memory_space<hbm>> -> memref<1x80x128xi32, #tpu.memory_space<hbm>>
      %dma_start3A_124 = tpu.memref_squeeze %dma_start3A_123 : memref<1x80x128xi32, #tpu.memory_space<hbm>> -> memref<80x128xi32, #tpu.memory_space<hbm>>
      %dma_start3A_125 = arith.constant 0 : i32
      %dma_start3A_126 = arith.constant 0 : i32
      %dma_start3A_127 = tpu.memref_slice %arg4[%add3A, %dma_start3A_125, %dma_start3A_126] : memref<32x80x128xi32, #tpu.memory_space<hbm>> -> memref<1x80x128xi32, #tpu.memory_space<hbm>>
      %dma_start3A_128 = tpu.memref_squeeze %dma_start3A_127 : memref<1x80x128xi32, #tpu.memory_space<hbm>> -> memref<80x128xi32, #tpu.memory_space<hbm>>
      tpu.enqueue_dma source(%dma_start3A_128 : memref<80x128xi32, #tpu.memory_space<hbm>>) target(%arg8 : memref<80x128xi32, #tpu.memory_space<vmem>>) target_semaphore(%run_scoped3A : memref<!tpu.dma_semaphore, #tpu.memory_space<semaphore_mem>>)
      %dma_wait3A_129 = arith.constant 0 : i32
      %dma_wait3A_130 = arith.constant 0 : i32
      %dma_wait3A_131 = tpu.memref_slice %arg4[%add3A, %dma_wait3A_129, %dma_wait3A_130] : memref<32x80x128xi32, #tpu.memory_space<hbm>> -> memref<1x80x128xi32, #tpu.memory_space<hbm>>
      %dma_wait3A_132 = tpu.memref_squeeze %dma_wait3A_131 : memref<1x80x128xi32, #tpu.memory_space<hbm>> -> memref<80x128xi32, #tpu.memory_space<hbm>>
      %dma_wait3A_133 = arith.constant 0 : i32
      %dma_wait3A_134 = arith.constant 0 : i32
      %dma_wait3A_135 = tpu.memref_slice %arg4[%add3A, %dma_wait3A_133, %dma_wait3A_134] : memref<32x80x128xi32, #tpu.memory_space<hbm>> -> memref<1x80x128xi32, #tpu.memory_space<hbm>>
      %dma_wait3A_136 = tpu.memref_squeeze %dma_wait3A_135 : memref<1x80x128xi32, #tpu.memory_space<hbm>> -> memref<80x128xi32, #tpu.memory_space<hbm>>
      tpu.wait_dma2 semaphore(%run_scoped3A : memref<!tpu.dma_semaphore, #tpu.memory_space<semaphore_mem>>) src(%dma_wait3A_136 : memref<80x128xi32, #tpu.memory_space<hbm>>) dst(%arg8 : memref<80x128xi32, #tpu.memory_space<vmem>>)
      tpu.yield
    }) : () -> ()
    %mul3A_3 = arith.constant 632 : i32
    %mul3A_4 = arith.muli %arg1, %mul3A_3 : i32
    %mul3A_5 = arith.constant 632 : i32
    %mul3A_6 = arith.muli %arg1, %mul3A_5 : i32
    "tpu.region"() ({
      %run_scoped3A = tpu.sem_alloc : memref<!tpu.dma_semaphore, #tpu.memory_space<semaphore_mem>>
      %dma_start3A_121 = arith.constant 0 : i32
      %dma_start3A_122 = tpu.memref_slice %arg17[%mul3A_6, %dma_start3A_121] : memref<10112x8xf32, #tpu.memory_space<vmem_shared>> -> memref<632x8xf32, #tpu.memory_space<vmem_shared>>
      %dma_start3A_123 = arith.constant 0 : i32
      %dma_start3A_124 = tpu.memref_slice %arg5[%mul3A_4, %dma_start3A_123] : memref<10112x8xf32, #tpu.memory_space<hbm>> -> memref<632x8xf32, #tpu.memory_space<hbm>>
      tpu.enqueue_dma source(%dma_start3A_124 : memref<632x8xf32, #tpu.memory_space<hbm>>) target(%dma_start3A_122 : memref<632x8xf32, #tpu.memory_space<vmem_shared>>) target_semaphore(%run_scoped3A : memref<!tpu.dma_semaphore, #tpu.memory_space<semaphore_mem>>)
      %dma_wait3A_125 = arith.constant 0 : i32
      %dma_wait3A_126 = tpu.memref_slice %arg17[%mul3A_6, %dma_wait3A_125] : memref<10112x8xf32, #tpu.memory_space<vmem_shared>> -> memref<632x8xf32, #tpu.memory_space<vmem_shared>>
      %dma_wait3A_127 = arith.constant 0 : i32
      %dma_wait3A_128 = tpu.memref_slice %arg5[%mul3A_4, %dma_wait3A_127] : memref<10112x8xf32, #tpu.memory_space<hbm>> -> memref<632x8xf32, #tpu.memory_space<hbm>>
      tpu.wait_dma2 semaphore(%run_scoped3A : memref<!tpu.dma_semaphore, #tpu.memory_space<semaphore_mem>>) src(%dma_wait3A_128 : memref<632x8xf32, #tpu.memory_space<hbm>>) dst(%dma_wait3A_126 : memref<632x8xf32, #tpu.memory_space<vmem_shared>>)
      tpu.yield
    }) : () -> ()
    %barrier3A = arith.constant 0 : index
    tpu.barrier barrier_id(%barrier3A)
    %dma_start3A = arith.constant 0 : i32
    %dma_start3A_7 = arith.constant 0 : i32
    %dma_start3A_8 = tpu.memref_slice %arg7[%dma_start3A, %dma_start3A_7] : memref<80x128xi32, #tpu.memory_space<vmem>> -> memref<1x128xi32, #tpu.memory_space<vmem>>
    %dma_start3A_9 = tpu.memref_squeeze %dma_start3A_8 : memref<1x128xi32, #tpu.memory_space<vmem>> -> memref<128xi32, #tpu.memory_space<vmem>>
    %dma_start3A_10 = arith.constant 0 : i32
    %dma_start3A_11 = arith.constant 0 : i32
    %dma_start3A_12 = tpu.memref_slice %arg2[%dma_start3A_10, %dma_start3A_11] : memref<10112x8xf32, #tpu.memory_space<hbm>> -> memref<10112x8xf32, #tpu.memory_space<hbm>>
    tpu.enqueue_indirect_dma source(%dma_start3A_12 : memref<10112x8xf32, #tpu.memory_space<hbm>>) target(%arg9 : memref<128x8xf32, #tpu.memory_space<vmem>>) offsets(%dma_start3A_9 : memref<128xi32, #tpu.memory_space<vmem>>) semaphore(%arg18 : memref<!tpu.dma_semaphore, #tpu.memory_space<semaphore_mem>>)
    %dma_start3A_13 = arith.constant 1 : i32
    %dma_start3A_14 = arith.constant 0 : i32
    %dma_start3A_15 = tpu.memref_slice %arg7[%dma_start3A_13, %dma_start3A_14] : memref<80x128xi32, #tpu.memory_space<vmem>> -> memref<1x128xi32, #tpu.memory_space<vmem>>
    %dma_start3A_16 = tpu.memref_squeeze %dma_start3A_15 : memref<1x128xi32, #tpu.memory_space<vmem>> -> memref<128xi32, #tpu.memory_space<vmem>>
    %dma_start3A_17 = arith.constant 0 : i32
    %dma_start3A_18 = arith.constant 0 : i32
    %dma_start3A_19 = tpu.memref_slice %arg2[%dma_start3A_17, %dma_start3A_18] : memref<10112x8xf32, #tpu.memory_space<hbm>> -> memref<10112x8xf32, #tpu.memory_space<hbm>>
    tpu.enqueue_indirect_dma source(%dma_start3A_19 : memref<10112x8xf32, #tpu.memory_space<hbm>>) target(%arg10 : memref<128x8xf32, #tpu.memory_space<vmem>>) offsets(%dma_start3A_16 : memref<128xi32, #tpu.memory_space<vmem>>) semaphore(%arg19 : memref<!tpu.dma_semaphore, #tpu.memory_space<semaphore_mem>>)
    %dma_start3A_20 = arith.constant 2 : i32
    %dma_start3A_21 = arith.constant 0 : i32
    %dma_start3A_22 = tpu.memref_slice %arg7[%dma_start3A_20, %dma_start3A_21] : memref<80x128xi32, #tpu.memory_space<vmem>> -> memref<1x128xi32, #tpu.memory_space<vmem>>
    %dma_start3A_23 = tpu.memref_squeeze %dma_start3A_22 : memref<1x128xi32, #tpu.memory_space<vmem>> -> memref<128xi32, #tpu.memory_space<vmem>>
    %dma_start3A_24 = arith.constant 0 : i32
    %dma_start3A_25 = arith.constant 0 : i32
    %dma_start3A_26 = tpu.memref_slice %arg2[%dma_start3A_24, %dma_start3A_25] : memref<10112x8xf32, #tpu.memory_space<hbm>> -> memref<10112x8xf32, #tpu.memory_space<hbm>>
    tpu.enqueue_indirect_dma source(%dma_start3A_26 : memref<10112x8xf32, #tpu.memory_space<hbm>>) target(%arg11 : memref<128x8xf32, #tpu.memory_space<vmem>>) offsets(%dma_start3A_23 : memref<128xi32, #tpu.memory_space<vmem>>) semaphore(%arg20 : memref<!tpu.dma_semaphore, #tpu.memory_space<semaphore_mem>>)
    %dma_start3A_27 = arith.constant 3 : i32
    %dma_start3A_28 = arith.constant 0 : i32
    %dma_start3A_29 = tpu.memref_slice %arg7[%dma_start3A_27, %dma_start3A_28] : memref<80x128xi32, #tpu.memory_space<vmem>> -> memref<1x128xi32, #tpu.memory_space<vmem>>
    %dma_start3A_30 = tpu.memref_squeeze %dma_start3A_29 : memref<1x128xi32, #tpu.memory_space<vmem>> -> memref<128xi32, #tpu.memory_space<vmem>>
    %dma_start3A_31 = arith.constant 0 : i32
    %dma_start3A_32 = arith.constant 0 : i32
    %dma_start3A_33 = tpu.memref_slice %arg2[%dma_start3A_31, %dma_start3A_32] : memref<10112x8xf32, #tpu.memory_space<hbm>> -> memref<10112x8xf32, #tpu.memory_space<hbm>>
    tpu.enqueue_indirect_dma source(%dma_start3A_33 : memref<10112x8xf32, #tpu.memory_space<hbm>>) target(%arg12 : memref<128x8xf32, #tpu.memory_space<vmem>>) offsets(%dma_start3A_30 : memref<128xi32, #tpu.memory_space<vmem>>) semaphore(%arg21 : memref<!tpu.dma_semaphore, #tpu.memory_space<semaphore_mem>>)
    %jit3A_34 = arith.constant 8 : i32
    %div3A = arith.divsi %select_n3A, %jit3A_34 : i32
    %sign3A = arith.constant 0 : i32
    %sign3A_35 = arith.cmpi sgt, %select_n3A, %sign3A : i32
    %sign3A_36 = arith.extui %sign3A_35 : i1 to i32
    %sign3A_37 = arith.constant 0 : i32
    %sign3A_38 = arith.cmpi slt, %select_n3A, %sign3A_37 : i32
    %sign3A_39 = arith.extui %sign3A_38 : i1 to i32
    %sign3A_40 = arith.subi %sign3A_36, %sign3A_39 : i32
    %sign3A_41 = arith.constant 0 : i32
    %sign3A_42 = arith.cmpi sgt, %jit3A_34, %sign3A_41 : i32
    %sign3A_43 = arith.extui %sign3A_42 : i1 to i32
    %sign3A_44 = arith.constant 0 : i32
    %sign3A_45 = arith.cmpi slt, %jit3A_34, %sign3A_44 : i32
    %sign3A_46 = arith.extui %sign3A_45 : i1 to i32
    %sign3A_47 = arith.subi %sign3A_43, %sign3A_46 : i32
    %ne3A = arith.cmpi ne, %sign3A_40, %sign3A_47 : i32
    %rem3A = arith.remsi %select_n3A, %jit3A_34 : i32
    %ne3A_48 = arith.constant 0 : i32
    %ne3A_49 = arith.cmpi ne, %rem3A, %ne3A_48 : i32
    %and3A = arith.andi %ne3A, %ne3A_49 : i1
    %sub3A = arith.constant 1 : i32
    %sub3A_50 = arith.subi %div3A, %sub3A : i32
    %select_n3A_51 = arith.select %and3A, %sub3A_50, %div3A : i32
    %while3A = arith.constant 0 : i32
    %while3A_52 = arith.constant 0 : i32
    %while3A_53 = arith.subi %select_n3A_51, %while3A_52 : i32
    %while3A_54 = arith.addi %while3A_52, %while3A_53 : i32
    %while3A_55 = arith.constant 1 : i32
    %while3A_56 = arith.divsi %while3A_53, %while3A_55 : i32
    %while3A_57 = arith.muli %while3A_56, %while3A_55 : i32
    %while3A_58 = arith.addi %while3A_52, %while3A_57 : i32
    %while3A_59 = arith.constant 1 : i32
    scf.for %while3A_121 = %while3A_52 to %while3A_58 step %while3A_59  : i32 {
      %mul3A_122 = arith.constant 8 : i32
      %mul3A_123 = arith.muli %mul3A_122, %while3A_121 : i32
      %add3A_124 = arith.constant 0 : i32
      %add3A_125 = arith.addi %mul3A_123, %add3A_124 : i32
      %dma_wait3A_126 = arith.constant 0 : i32
      %dma_wait3A_127 = tpu.memref_slice %arg7[%add3A_125, %dma_wait3A_126] : memref<80x128xi32, #tpu.memory_space<vmem>> -> memref<1x128xi32, #tpu.memory_space<vmem>>
      %dma_wait3A_128 = tpu.memref_squeeze %dma_wait3A_127 : memref<1x128xi32, #tpu.memory_space<vmem>> -> memref<128xi32, #tpu.memory_space<vmem>>
      %dma_wait3A_129 = arith.constant 0 : i32
      %dma_wait3A_130 = arith.constant 0 : i32
      %dma_wait3A_131 = tpu.memref_slice %arg2[%dma_wait3A_129, %dma_wait3A_130] : memref<10112x8xf32, #tpu.memory_space<hbm>> -> memref<10112x8xf32, #tpu.memory_space<hbm>>
      tpu.wait_indirect_dma semaphore(%arg18 : memref<!tpu.dma_semaphore, #tpu.memory_space<semaphore_mem>>) src(%dma_wait3A_131 : memref<10112x8xf32, #tpu.memory_space<hbm>>) dst(%arg9 : memref<128x8xf32, #tpu.memory_space<vmem>>)
      %dma_start3A_132 = arith.constant 0 : i32
      %dma_start3A_133 = tpu.memref_slice %arg8[%add3A_125, %dma_start3A_132] : memref<80x128xi32, #tpu.memory_space<vmem>> -> memref<1x128xi32, #tpu.memory_space<vmem>>
      %dma_start3A_134 = tpu.memref_squeeze %dma_start3A_133 : memref<1x128xi32, #tpu.memory_space<vmem>> -> memref<128xi32, #tpu.memory_space<vmem>>
      %dma_start3A_135 = arith.constant 0 : i32
      %dma_start3A_136 = arith.constant 0 : i32
      %dma_start3A_137 = tpu.memref_slice %arg17[%dma_start3A_135, %dma_start3A_136] : memref<10112x8xf32, #tpu.memory_space<vmem_shared>> -> memref<10112x8xf32, #tpu.memory_space<vmem_shared>>
      tpu.enqueue_indirect_dma source(%arg9 : memref<128x8xf32, #tpu.memory_space<vmem>>) target(%dma_start3A_137 : memref<10112x8xf32, #tpu.memory_space<vmem_shared>>) offsets(%dma_start3A_134 : memref<128xi32, #tpu.memory_space<vmem>>) semaphore(%arg26 : memref<!tpu.dma_semaphore, #tpu.memory_space<semaphore_mem>>) {add = true}
      %add3A_138 = arith.constant 4 : i32
      %add3A_139 = arith.addi %add3A_125, %add3A_138 : i32
      %lt3A = arith.cmpi slt, %add3A_139, %select_n3A : i32
      %convert_element_type3A = arith.extui %lt3A : i1 to i32
      %cond3A = arith.constant 0 : i32
      %cond3A_140 = arith.cmpi ne, %convert_element_type3A, %cond3A : i32
      scf.if %cond3A_140 {
        %ge3A = arith.constant 8 : i32
        %ge3A_295 = arith.cmpi sge, %add3A_139, %ge3A : i32
        %convert_element_type3A_296 = arith.extui %ge3A_295 : i1 to i32
        %cond3A_297 = arith.constant 0 : i32
        %cond3A_298 = arith.cmpi ne, %convert_element_type3A_296, %cond3A_297 : i32
        scf.if %cond3A_298 {
          %dma_wait3A_305 = arith.constant 0 : i32
          %dma_wait3A_306 = tpu.memref_slice %arg8[%add3A_125, %dma_wait3A_305] : memref<80x128xi32, #tpu.memory_space<vmem>> -> memref<1x128xi32, #tpu.memory_space<vmem>>
          %dma_wait3A_307 = tpu.memref_squeeze %dma_wait3A_306 : memref<1x128xi32, #tpu.memory_space<vmem>> -> memref<128xi32, #tpu.memory_space<vmem>>
          %dma_wait3A_308 = arith.constant 0 : i32
          %dma_wait3A_309 = arith.constant 0 : i32
          %dma_wait3A_310 = tpu.memref_slice %arg17[%dma_wait3A_308, %dma_wait3A_309] : memref<10112x8xf32, #tpu.memory_space<vmem_shared>> -> memref<10112x8xf32, #tpu.memory_space<vmem_shared>>
          tpu.wait_indirect_dma semaphore(%arg30 : memref<!tpu.dma_semaphore, #tpu.memory_space<semaphore_mem>>) src(%arg13 : memref<128x8xf32, #tpu.memory_space<vmem>>) dst(%dma_wait3A_310 : memref<10112x8xf32, #tpu.memory_space<vmem_shared>>)
        } else {
        }
        %dma_start3A_299 = arith.constant 0 : i32
        %dma_start3A_300 = tpu.memref_slice %arg7[%add3A_139, %dma_start3A_299] : memref<80x128xi32, #tpu.memory_space<vmem>> -> memref<1x128xi32, #tpu.memory_space<vmem>>
        %dma_start3A_301 = tpu.memref_squeeze %dma_start3A_300 : memref<1x128xi32, #tpu.memory_space<vmem>> -> memref<128xi32, #tpu.memory_space<vmem>>
        %dma_start3A_302 = arith.constant 0 : i32
        %dma_start3A_303 = arith.constant 0 : i32
        %dma_start3A_304 = tpu.memref_slice %arg2[%dma_start3A_302, %dma_start3A_303] : memref<10112x8xf32, #tpu.memory_space<hbm>> -> memref<10112x8xf32, #tpu.memory_space<hbm>>
        tpu.enqueue_indirect_dma source(%dma_start3A_304 : memref<10112x8xf32, #tpu.memory_space<hbm>>) target(%arg13 : memref<128x8xf32, #tpu.memory_space<vmem>>) offsets(%dma_start3A_301 : memref<128xi32, #tpu.memory_space<vmem>>) semaphore(%arg22 : memref<!tpu.dma_semaphore, #tpu.memory_space<semaphore_mem>>)
      } else {
      }
      %mul3A_141 = arith.constant 8 : i32
      %mul3A_142 = arith.muli %mul3A_141, %while3A_121 : i32
      %add3A_143 = arith.constant 1 : i32
      %add3A_144 = arith.addi %mul3A_142, %add3A_143 : i32
      %dma_wait3A_145 = arith.constant 0 : i32
      %dma_wait3A_146 = tpu.memref_slice %arg7[%add3A_144, %dma_wait3A_145] : memref<80x128xi32, #tpu.memory_space<vmem>> -> memref<1x128xi32, #tpu.memory_space<vmem>>
      %dma_wait3A_147 = tpu.memref_squeeze %dma_wait3A_146 : memref<1x128xi32, #tpu.memory_space<vmem>> -> memref<128xi32, #tpu.memory_space<vmem>>
      %dma_wait3A_148 = arith.constant 0 : i32
      %dma_wait3A_149 = arith.constant 0 : i32
      %dma_wait3A_150 = tpu.memref_slice %arg2[%dma_wait3A_148, %dma_wait3A_149] : memref<10112x8xf32, #tpu.memory_space<hbm>> -> memref<10112x8xf32, #tpu.memory_space<hbm>>
      tpu.wait_indirect_dma semaphore(%arg19 : memref<!tpu.dma_semaphore, #tpu.memory_space<semaphore_mem>>) src(%dma_wait3A_150 : memref<10112x8xf32, #tpu.memory_space<hbm>>) dst(%arg10 : memref<128x8xf32, #tpu.memory_space<vmem>>)
      %dma_start3A_151 = arith.constant 0 : i32
      %dma_start3A_152 = tpu.memref_slice %arg8[%add3A_144, %dma_start3A_151] : memref<80x128xi32, #tpu.memory_space<vmem>> -> memref<1x128xi32, #tpu.memory_space<vmem>>
      %dma_start3A_153 = tpu.memref_squeeze %dma_start3A_152 : memref<1x128xi32, #tpu.memory_space<vmem>> -> memref<128xi32, #tpu.memory_space<vmem>>
      %dma_start3A_154 = arith.constant 0 : i32
      %dma_start3A_155 = arith.constant 0 : i32
      %dma_start3A_156 = tpu.memref_slice %arg17[%dma_start3A_154, %dma_start3A_155] : memref<10112x8xf32, #tpu.memory_space<vmem_shared>> -> memref<10112x8xf32, #tpu.memory_space<vmem_shared>>
      tpu.enqueue_indirect_dma source(%arg10 : memref<128x8xf32, #tpu.memory_space<vmem>>) target(%dma_start3A_156 : memref<10112x8xf32, #tpu.memory_space<vmem_shared>>) offsets(%dma_start3A_153 : memref<128xi32, #tpu.memory_space<vmem>>) semaphore(%arg27 : memref<!tpu.dma_semaphore, #tpu.memory_space<semaphore_mem>>) {add = true}
      %add3A_157 = arith.constant 4 : i32
      %add3A_158 = arith.addi %add3A_144, %add3A_157 : i32
      %lt3A_159 = arith.cmpi slt, %add3A_158, %select_n3A : i32
      %convert_element_type3A_160 = arith.extui %lt3A_159 : i1 to i32
      %cond3A_161 = arith.constant 0 : i32
      %cond3A_162 = arith.cmpi ne, %convert_element_type3A_160, %cond3A_161 : i32
      scf.if %cond3A_162 {
        %ge3A = arith.constant 8 : i32
        %ge3A_295 = arith.cmpi sge, %add3A_158, %ge3A : i32
        %convert_element_type3A_296 = arith.extui %ge3A_295 : i1 to i32
        %cond3A_297 = arith.constant 0 : i32
        %cond3A_298 = arith.cmpi ne, %convert_element_type3A_296, %cond3A_297 : i32
        scf.if %cond3A_298 {
          %dma_wait3A_305 = arith.constant 0 : i32
          %dma_wait3A_306 = tpu.memref_slice %arg8[%add3A_144, %dma_wait3A_305] : memref<80x128xi32, #tpu.memory_space<vmem>> -> memref<1x128xi32, #tpu.memory_space<vmem>>
          %dma_wait3A_307 = tpu.memref_squeeze %dma_wait3A_306 : memref<1x128xi32, #tpu.memory_space<vmem>> -> memref<128xi32, #tpu.memory_space<vmem>>
          %dma_wait3A_308 = arith.constant 0 : i32
          %dma_wait3A_309 = arith.constant 0 : i32
          %dma_wait3A_310 = tpu.memref_slice %arg17[%dma_wait3A_308, %dma_wait3A_309] : memref<10112x8xf32, #tpu.memory_space<vmem_shared>> -> memref<10112x8xf32, #tpu.memory_space<vmem_shared>>
          tpu.wait_indirect_dma semaphore(%arg31 : memref<!tpu.dma_semaphore, #tpu.memory_space<semaphore_mem>>) src(%arg14 : memref<128x8xf32, #tpu.memory_space<vmem>>) dst(%dma_wait3A_310 : memref<10112x8xf32, #tpu.memory_space<vmem_shared>>)
        } else {
        }
        %dma_start3A_299 = arith.constant 0 : i32
        %dma_start3A_300 = tpu.memref_slice %arg7[%add3A_158, %dma_start3A_299] : memref<80x128xi32, #tpu.memory_space<vmem>> -> memref<1x128xi32, #tpu.memory_space<vmem>>
        %dma_start3A_301 = tpu.memref_squeeze %dma_start3A_300 : memref<1x128xi32, #tpu.memory_space<vmem>> -> memref<128xi32, #tpu.memory_space<vmem>>
        %dma_start3A_302 = arith.constant 0 : i32
        %dma_start3A_303 = arith.constant 0 : i32
        %dma_start3A_304 = tpu.memref_slice %arg2[%dma_start3A_302, %dma_start3A_303] : memref<10112x8xf32, #tpu.memory_space<hbm>> -> memref<10112x8xf32, #tpu.memory_space<hbm>>
        tpu.enqueue_indirect_dma source(%dma_start3A_304 : memref<10112x8xf32, #tpu.memory_space<hbm>>) target(%arg14 : memref<128x8xf32, #tpu.memory_space<vmem>>) offsets(%dma_start3A_301 : memref<128xi32, #tpu.memory_space<vmem>>) semaphore(%arg23 : memref<!tpu.dma_semaphore, #tpu.memory_space<semaphore_mem>>)
      } else {
      }
      %mul3A_163 = arith.constant 8 : i32
      %mul3A_164 = arith.muli %mul3A_163, %while3A_121 : i32
      %add3A_165 = arith.constant 2 : i32
      %add3A_166 = arith.addi %mul3A_164, %add3A_165 : i32
      %dma_wait3A_167 = arith.constant 0 : i32
      %dma_wait3A_168 = tpu.memref_slice %arg7[%add3A_166, %dma_wait3A_167] : memref<80x128xi32, #tpu.memory_space<vmem>> -> memref<1x128xi32, #tpu.memory_space<vmem>>
      %dma_wait3A_169 = tpu.memref_squeeze %dma_wait3A_168 : memref<1x128xi32, #tpu.memory_space<vmem>> -> memref<128xi32, #tpu.memory_space<vmem>>
      %dma_wait3A_170 = arith.constant 0 : i32
      %dma_wait3A_171 = arith.constant 0 : i32
      %dma_wait3A_172 = tpu.memref_slice %arg2[%dma_wait3A_170, %dma_wait3A_171] : memref<10112x8xf32, #tpu.memory_space<hbm>> -> memref<10112x8xf32, #tpu.memory_space<hbm>>
      tpu.wait_indirect_dma semaphore(%arg20 : memref<!tpu.dma_semaphore, #tpu.memory_space<semaphore_mem>>) src(%dma_wait3A_172 : memref<10112x8xf32, #tpu.memory_space<hbm>>) dst(%arg11 : memref<128x8xf32, #tpu.memory_space<vmem>>)
      %dma_start3A_173 = arith.constant 0 : i32
      %dma_start3A_174 = tpu.memref_slice %arg8[%add3A_166, %dma_start3A_173] : memref<80x128xi32, #tpu.memory_space<vmem>> -> memref<1x128xi32, #tpu.memory_space<vmem>>
      %dma_start3A_175 = tpu.memref_squeeze %dma_start3A_174 : memref<1x128xi32, #tpu.memory_space<vmem>> -> memref<128xi32, #tpu.memory_space<vmem>>
      %dma_start3A_176 = arith.constant 0 : i32
      %dma_start3A_177 = arith.constant 0 : i32
      %dma_start3A_178 = tpu.memref_slice %arg17[%dma_start3A_176, %dma_start3A_177] : memref<10112x8xf32, #tpu.memory_space<vmem_shared>> -> memref<10112x8xf32, #tpu.memory_space<vmem_shared>>
      tpu.enqueue_indirect_dma source(%arg11 : memref<128x8xf32, #tpu.memory_space<vmem>>) target(%dma_start3A_178 : memref<10112x8xf32, #tpu.memory_space<vmem_shared>>) offsets(%dma_start3A_175 : memref<128xi32, #tpu.memory_space<vmem>>) semaphore(%arg28 : memref<!tpu.dma_semaphore, #tpu.memory_space<semaphore_mem>>) {add = true}
      %add3A_179 = arith.constant 4 : i32
      %add3A_180 = arith.addi %add3A_166, %add3A_179 : i32
      %lt3A_181 = arith.cmpi slt, %add3A_180, %select_n3A : i32
      %convert_element_type3A_182 = arith.extui %lt3A_181 : i1 to i32
      %cond3A_183 = arith.constant 0 : i32
      %cond3A_184 = arith.cmpi ne, %convert_element_type3A_182, %cond3A_183 : i32
      scf.if %cond3A_184 {
        %ge3A = arith.constant 8 : i32
        %ge3A_295 = arith.cmpi sge, %add3A_180, %ge3A : i32
        %convert_element_type3A_296 = arith.extui %ge3A_295 : i1 to i32
        %cond3A_297 = arith.constant 0 : i32
        %cond3A_298 = arith.cmpi ne, %convert_element_type3A_296, %cond3A_297 : i32
        scf.if %cond3A_298 {
          %dma_wait3A_305 = arith.constant 0 : i32
          %dma_wait3A_306 = tpu.memref_slice %arg8[%add3A_166, %dma_wait3A_305] : memref<80x128xi32, #tpu.memory_space<vmem>> -> memref<1x128xi32, #tpu.memory_space<vmem>>
          %dma_wait3A_307 = tpu.memref_squeeze %dma_wait3A_306 : memref<1x128xi32, #tpu.memory_space<vmem>> -> memref<128xi32, #tpu.memory_space<vmem>>
          %dma_wait3A_308 = arith.constant 0 : i32
          %dma_wait3A_309 = arith.constant 0 : i32
          %dma_wait3A_310 = tpu.memref_slice %arg17[%dma_wait3A_308, %dma_wait3A_309] : memref<10112x8xf32, #tpu.memory_space<vmem_shared>> -> memref<10112x8xf32, #tpu.memory_space<vmem_shared>>
          tpu.wait_indirect_dma semaphore(%arg32 : memref<!tpu.dma_semaphore, #tpu.memory_space<semaphore_mem>>) src(%arg15 : memref<128x8xf32, #tpu.memory_space<vmem>>) dst(%dma_wait3A_310 : memref<10112x8xf32, #tpu.memory_space<vmem_shared>>)
        } else {
        }
        %dma_start3A_299 = arith.constant 0 : i32
        %dma_start3A_300 = tpu.memref_slice %arg7[%add3A_180, %dma_start3A_299] : memref<80x128xi32, #tpu.memory_space<vmem>> -> memref<1x128xi32, #tpu.memory_space<vmem>>
        %dma_start3A_301 = tpu.memref_squeeze %dma_start3A_300 : memref<1x128xi32, #tpu.memory_space<vmem>> -> memref<128xi32, #tpu.memory_space<vmem>>
        %dma_start3A_302 = arith.constant 0 : i32
        %dma_start3A_303 = arith.constant 0 : i32
        %dma_start3A_304 = tpu.memref_slice %arg2[%dma_start3A_302, %dma_start3A_303] : memref<10112x8xf32, #tpu.memory_space<hbm>> -> memref<10112x8xf32, #tpu.memory_space<hbm>>
        tpu.enqueue_indirect_dma source(%dma_start3A_304 : memref<10112x8xf32, #tpu.memory_space<hbm>>) target(%arg15 : memref<128x8xf32, #tpu.memory_space<vmem>>) offsets(%dma_start3A_301 : memref<128xi32, #tpu.memory_space<vmem>>) semaphore(%arg24 : memref<!tpu.dma_semaphore, #tpu.memory_space<semaphore_mem>>)
      } else {
      }
      %mul3A_185 = arith.constant 8 : i32
      %mul3A_186 = arith.muli %mul3A_185, %while3A_121 : i32
      %add3A_187 = arith.constant 3 : i32
      %add3A_188 = arith.addi %mul3A_186, %add3A_187 : i32
      %dma_wait3A_189 = arith.constant 0 : i32
      %dma_wait3A_190 = tpu.memref_slice %arg7[%add3A_188, %dma_wait3A_189] : memref<80x128xi32, #tpu.memory_space<vmem>> -> memref<1x128xi32, #tpu.memory_space<vmem>>
      %dma_wait3A_191 = tpu.memref_squeeze %dma_wait3A_190 : memref<1x128xi32, #tpu.memory_space<vmem>> -> memref<128xi32, #tpu.memory_space<vmem>>
      %dma_wait3A_192 = arith.constant 0 : i32
      %dma_wait3A_193 = arith.constant 0 : i32
      %dma_wait3A_194 = tpu.memref_slice %arg2[%dma_wait3A_192, %dma_wait3A_193] : memref<10112x8xf32, #tpu.memory_space<hbm>> -> memref<10112x8xf32, #tpu.memory_space<hbm>>
      tpu.wait_indirect_dma semaphore(%arg21 : memref<!tpu.dma_semaphore, #tpu.memory_space<semaphore_mem>>) src(%dma_wait3A_194 : memref<10112x8xf32, #tpu.memory_space<hbm>>) dst(%arg12 : memref<128x8xf32, #tpu.memory_space<vmem>>)
      %dma_start3A_195 = arith.constant 0 : i32
      %dma_start3A_196 = tpu.memref_slice %arg8[%add3A_188, %dma_start3A_195] : memref<80x128xi32, #tpu.memory_space<vmem>> -> memref<1x128xi32, #tpu.memory_space<vmem>>
      %dma_start3A_197 = tpu.memref_squeeze %dma_start3A_196 : memref<1x128xi32, #tpu.memory_space<vmem>> -> memref<128xi32, #tpu.memory_space<vmem>>
      %dma_start3A_198 = arith.constant 0 : i32
      %dma_start3A_199 = arith.constant 0 : i32
      %dma_start3A_200 = tpu.memref_slice %arg17[%dma_start3A_198, %dma_start3A_199] : memref<10112x8xf32, #tpu.memory_space<vmem_shared>> -> memref<10112x8xf32, #tpu.memory_space<vmem_shared>>
      tpu.enqueue_indirect_dma source(%arg12 : memref<128x8xf32, #tpu.memory_space<vmem>>) target(%dma_start3A_200 : memref<10112x8xf32, #tpu.memory_space<vmem_shared>>) offsets(%dma_start3A_197 : memref<128xi32, #tpu.memory_space<vmem>>) semaphore(%arg29 : memref<!tpu.dma_semaphore, #tpu.memory_space<semaphore_mem>>) {add = true}
      %add3A_201 = arith.constant 4 : i32
      %add3A_202 = arith.addi %add3A_188, %add3A_201 : i32
      %lt3A_203 = arith.cmpi slt, %add3A_202, %select_n3A : i32
      %convert_element_type3A_204 = arith.extui %lt3A_203 : i1 to i32
      %cond3A_205 = arith.constant 0 : i32
      %cond3A_206 = arith.cmpi ne, %convert_element_type3A_204, %cond3A_205 : i32
      scf.if %cond3A_206 {
        %ge3A = arith.constant 8 : i32
        %ge3A_295 = arith.cmpi sge, %add3A_202, %ge3A : i32
        %convert_element_type3A_296 = arith.extui %ge3A_295 : i1 to i32
        %cond3A_297 = arith.constant 0 : i32
        %cond3A_298 = arith.cmpi ne, %convert_element_type3A_296, %cond3A_297 : i32
        scf.if %cond3A_298 {
          %dma_wait3A_305 = arith.constant 0 : i32
          %dma_wait3A_306 = tpu.memref_slice %arg8[%add3A_188, %dma_wait3A_305] : memref<80x128xi32, #tpu.memory_space<vmem>> -> memref<1x128xi32, #tpu.memory_space<vmem>>
          %dma_wait3A_307 = tpu.memref_squeeze %dma_wait3A_306 : memref<1x128xi32, #tpu.memory_space<vmem>> -> memref<128xi32, #tpu.memory_space<vmem>>
          %dma_wait3A_308 = arith.constant 0 : i32
          %dma_wait3A_309 = arith.constant 0 : i32
          %dma_wait3A_310 = tpu.memref_slice %arg17[%dma_wait3A_308, %dma_wait3A_309] : memref<10112x8xf32, #tpu.memory_space<vmem_shared>> -> memref<10112x8xf32, #tpu.memory_space<vmem_shared>>
          tpu.wait_indirect_dma semaphore(%arg33 : memref<!tpu.dma_semaphore, #tpu.memory_space<semaphore_mem>>) src(%arg16 : memref<128x8xf32, #tpu.memory_space<vmem>>) dst(%dma_wait3A_310 : memref<10112x8xf32, #tpu.memory_space<vmem_shared>>)
        } else {
        }
        %dma_start3A_299 = arith.constant 0 : i32
        %dma_start3A_300 = tpu.memref_slice %arg7[%add3A_202, %dma_start3A_299] : memref<80x128xi32, #tpu.memory_space<vmem>> -> memref<1x128xi32, #tpu.memory_space<vmem>>
        %dma_start3A_301 = tpu.memref_squeeze %dma_start3A_300 : memref<1x128xi32, #tpu.memory_space<vmem>> -> memref<128xi32, #tpu.memory_space<vmem>>
        %dma_start3A_302 = arith.constant 0 : i32
        %dma_start3A_303 = arith.constant 0 : i32
        %dma_start3A_304 = tpu.memref_slice %arg2[%dma_start3A_302, %dma_start3A_303] : memref<10112x8xf32, #tpu.memory_space<hbm>> -> memref<10112x8xf32, #tpu.memory_space<hbm>>
        tpu.enqueue_indirect_dma source(%dma_start3A_304 : memref<10112x8xf32, #tpu.memory_space<hbm>>) target(%arg16 : memref<128x8xf32, #tpu.memory_space<vmem>>) offsets(%dma_start3A_301 : memref<128xi32, #tpu.memory_space<vmem>>) semaphore(%arg25 : memref<!tpu.dma_semaphore, #tpu.memory_space<semaphore_mem>>)
      } else {
      }
      %mul3A_207 = arith.constant 8 : i32
      %mul3A_208 = arith.muli %mul3A_207, %while3A_121 : i32
      %add3A_209 = arith.constant 4 : i32
      %add3A_210 = arith.addi %mul3A_208, %add3A_209 : i32
      %dma_wait3A_211 = arith.constant 0 : i32
      %dma_wait3A_212 = tpu.memref_slice %arg7[%add3A_210, %dma_wait3A_211] : memref<80x128xi32, #tpu.memory_space<vmem>> -> memref<1x128xi32, #tpu.memory_space<vmem>>
      %dma_wait3A_213 = tpu.memref_squeeze %dma_wait3A_212 : memref<1x128xi32, #tpu.memory_space<vmem>> -> memref<128xi32, #tpu.memory_space<vmem>>
      %dma_wait3A_214 = arith.constant 0 : i32
      %dma_wait3A_215 = arith.constant 0 : i32
      %dma_wait3A_216 = tpu.memref_slice %arg2[%dma_wait3A_214, %dma_wait3A_215] : memref<10112x8xf32, #tpu.memory_space<hbm>> -> memref<10112x8xf32, #tpu.memory_space<hbm>>
      tpu.wait_indirect_dma semaphore(%arg22 : memref<!tpu.dma_semaphore, #tpu.memory_space<semaphore_mem>>) src(%dma_wait3A_216 : memref<10112x8xf32, #tpu.memory_space<hbm>>) dst(%arg13 : memref<128x8xf32, #tpu.memory_space<vmem>>)
      %dma_start3A_217 = arith.constant 0 : i32
      %dma_start3A_218 = tpu.memref_slice %arg8[%add3A_210, %dma_start3A_217] : memref<80x128xi32, #tpu.memory_space<vmem>> -> memref<1x128xi32, #tpu.memory_space<vmem>>
      %dma_start3A_219 = tpu.memref_squeeze %dma_start3A_218 : memref<1x128xi32, #tpu.memory_space<vmem>> -> memref<128xi32, #tpu.memory_space<vmem>>
      %dma_start3A_220 = arith.constant 0 : i32
      %dma_start3A_221 = arith.constant 0 : i32
      %dma_start3A_222 = tpu.memref_slice %arg17[%dma_start3A_220, %dma_start3A_221] : memref<10112x8xf32, #tpu.memory_space<vmem_shared>> -> memref<10112x8xf32, #tpu.memory_space<vmem_shared>>
      tpu.enqueue_indirect_dma source(%arg13 : memref<128x8xf32, #tpu.memory_space<vmem>>) target(%dma_start3A_222 : memref<10112x8xf32, #tpu.memory_space<vmem_shared>>) offsets(%dma_start3A_219 : memref<128xi32, #tpu.memory_space<vmem>>) semaphore(%arg30 : memref<!tpu.dma_semaphore, #tpu.memory_space<semaphore_mem>>) {add = true}
      %add3A_223 = arith.constant 4 : i32
      %add3A_224 = arith.addi %add3A_210, %add3A_223 : i32
      %lt3A_225 = arith.cmpi slt, %add3A_224, %select_n3A : i32
      %convert_element_type3A_226 = arith.extui %lt3A_225 : i1 to i32
      %cond3A_227 = arith.constant 0 : i32
      %cond3A_228 = arith.cmpi ne, %convert_element_type3A_226, %cond3A_227 : i32
      scf.if %cond3A_228 {
        %ge3A = arith.constant 8 : i32
        %ge3A_295 = arith.cmpi sge, %add3A_224, %ge3A : i32
        %convert_element_type3A_296 = arith.extui %ge3A_295 : i1 to i32
        %cond3A_297 = arith.constant 0 : i32
        %cond3A_298 = arith.cmpi ne, %convert_element_type3A_296, %cond3A_297 : i32
        scf.if %cond3A_298 {
          %dma_wait3A_305 = arith.constant 0 : i32
          %dma_wait3A_306 = tpu.memref_slice %arg8[%add3A_210, %dma_wait3A_305] : memref<80x128xi32, #tpu.memory_space<vmem>> -> memref<1x128xi32, #tpu.memory_space<vmem>>
          %dma_wait3A_307 = tpu.memref_squeeze %dma_wait3A_306 : memref<1x128xi32, #tpu.memory_space<vmem>> -> memref<128xi32, #tpu.memory_space<vmem>>
          %dma_wait3A_308 = arith.constant 0 : i32
          %dma_wait3A_309 = arith.constant 0 : i32
          %dma_wait3A_310 = tpu.memref_slice %arg17[%dma_wait3A_308, %dma_wait3A_309] : memref<10112x8xf32, #tpu.memory_space<vmem_shared>> -> memref<10112x8xf32, #tpu.memory_space<vmem_shared>>
          tpu.wait_indirect_dma semaphore(%arg26 : memref<!tpu.dma_semaphore, #tpu.memory_space<semaphore_mem>>) src(%arg9 : memref<128x8xf32, #tpu.memory_space<vmem>>) dst(%dma_wait3A_310 : memref<10112x8xf32, #tpu.memory_space<vmem_shared>>)
        } else {
        }
        %dma_start3A_299 = arith.constant 0 : i32
        %dma_start3A_300 = tpu.memref_slice %arg7[%add3A_224, %dma_start3A_299] : memref<80x128xi32, #tpu.memory_space<vmem>> -> memref<1x128xi32, #tpu.memory_space<vmem>>
        %dma_start3A_301 = tpu.memref_squeeze %dma_start3A_300 : memref<1x128xi32, #tpu.memory_space<vmem>> -> memref<128xi32, #tpu.memory_space<vmem>>
        %dma_start3A_302 = arith.constant 0 : i32
        %dma_start3A_303 = arith.constant 0 : i32
        %dma_start3A_304 = tpu.memref_slice %arg2[%dma_start3A_302, %dma_start3A_303] : memref<10112x8xf32, #tpu.memory_space<hbm>> -> memref<10112x8xf32, #tpu.memory_space<hbm>>
        tpu.enqueue_indirect_dma source(%dma_start3A_304 : memref<10112x8xf32, #tpu.memory_space<hbm>>) target(%arg9 : memref<128x8xf32, #tpu.memory_space<vmem>>) offsets(%dma_start3A_301 : memref<128xi32, #tpu.memory_space<vmem>>) semaphore(%arg18 : memref<!tpu.dma_semaphore, #tpu.memory_space<semaphore_mem>>)
      } else {
      }
      %mul3A_229 = arith.constant 8 : i32
      %mul3A_230 = arith.muli %mul3A_229, %while3A_121 : i32
      %add3A_231 = arith.constant 5 : i32
      %add3A_232 = arith.addi %mul3A_230, %add3A_231 : i32
      %dma_wait3A_233 = arith.constant 0 : i32
      %dma_wait3A_234 = tpu.memref_slice %arg7[%add3A_232, %dma_wait3A_233] : memref<80x128xi32, #tpu.memory_space<vmem>> -> memref<1x128xi32, #tpu.memory_space<vmem>>
      %dma_wait3A_235 = tpu.memref_squeeze %dma_wait3A_234 : memref<1x128xi32, #tpu.memory_space<vmem>> -> memref<128xi32, #tpu.memory_space<vmem>>
      %dma_wait3A_236 = arith.constant 0 : i32
      %dma_wait3A_237 = arith.constant 0 : i32
      %dma_wait3A_238 = tpu.memref_slice %arg2[%dma_wait3A_236, %dma_wait3A_237] : memref<10112x8xf32, #tpu.memory_space<hbm>> -> memref<10112x8xf32, #tpu.memory_space<hbm>>
      tpu.wait_indirect_dma semaphore(%arg23 : memref<!tpu.dma_semaphore, #tpu.memory_space<semaphore_mem>>) src(%dma_wait3A_238 : memref<10112x8xf32, #tpu.memory_space<hbm>>) dst(%arg14 : memref<128x8xf32, #tpu.memory_space<vmem>>)
      %dma_start3A_239 = arith.constant 0 : i32
      %dma_start3A_240 = tpu.memref_slice %arg8[%add3A_232, %dma_start3A_239] : memref<80x128xi32, #tpu.memory_space<vmem>> -> memref<1x128xi32, #tpu.memory_space<vmem>>
      %dma_start3A_241 = tpu.memref_squeeze %dma_start3A_240 : memref<1x128xi32, #tpu.memory_space<vmem>> -> memref<128xi32, #tpu.memory_space<vmem>>
      %dma_start3A_242 = arith.constant 0 : i32
      %dma_start3A_243 = arith.constant 0 : i32
      %dma_start3A_244 = tpu.memref_slice %arg17[%dma_start3A_242, %dma_start3A_243] : memref<10112x8xf32, #tpu.memory_space<vmem_shared>> -> memref<10112x8xf32, #tpu.memory_space<vmem_shared>>
      tpu.enqueue_indirect_dma source(%arg14 : memref<128x8xf32, #tpu.memory_space<vmem>>) target(%dma_start3A_244 : memref<10112x8xf32, #tpu.memory_space<vmem_shared>>) offsets(%dma_start3A_241 : memref<128xi32, #tpu.memory_space<vmem>>) semaphore(%arg31 : memref<!tpu.dma_semaphore, #tpu.memory_space<semaphore_mem>>) {add = true}
      %add3A_245 = arith.constant 4 : i32
      %add3A_246 = arith.addi %add3A_232, %add3A_245 : i32
      %lt3A_247 = arith.cmpi slt, %add3A_246, %select_n3A : i32
      %convert_element_type3A_248 = arith.extui %lt3A_247 : i1 to i32
      %cond3A_249 = arith.constant 0 : i32
      %cond3A_250 = arith.cmpi ne, %convert_element_type3A_248, %cond3A_249 : i32
      scf.if %cond3A_250 {
        %ge3A = arith.constant 8 : i32
        %ge3A_295 = arith.cmpi sge, %add3A_246, %ge3A : i32
        %convert_element_type3A_296 = arith.extui %ge3A_295 : i1 to i32
        %cond3A_297 = arith.constant 0 : i32
        %cond3A_298 = arith.cmpi ne, %convert_element_type3A_296, %cond3A_297 : i32
        scf.if %cond3A_298 {
          %dma_wait3A_305 = arith.constant 0 : i32
          %dma_wait3A_306 = tpu.memref_slice %arg8[%add3A_232, %dma_wait3A_305] : memref<80x128xi32, #tpu.memory_space<vmem>> -> memref<1x128xi32, #tpu.memory_space<vmem>>
          %dma_wait3A_307 = tpu.memref_squeeze %dma_wait3A_306 : memref<1x128xi32, #tpu.memory_space<vmem>> -> memref<128xi32, #tpu.memory_space<vmem>>
          %dma_wait3A_308 = arith.constant 0 : i32
          %dma_wait3A_309 = arith.constant 0 : i32
          %dma_wait3A_310 = tpu.memref_slice %arg17[%dma_wait3A_308, %dma_wait3A_309] : memref<10112x8xf32, #tpu.memory_space<vmem_shared>> -> memref<10112x8xf32, #tpu.memory_space<vmem_shared>>
          tpu.wait_indirect_dma semaphore(%arg27 : memref<!tpu.dma_semaphore, #tpu.memory_space<semaphore_mem>>) src(%arg10 : memref<128x8xf32, #tpu.memory_space<vmem>>) dst(%dma_wait3A_310 : memref<10112x8xf32, #tpu.memory_space<vmem_shared>>)
        } else {
        }
        %dma_start3A_299 = arith.constant 0 : i32
        %dma_start3A_300 = tpu.memref_slice %arg7[%add3A_246, %dma_start3A_299] : memref<80x128xi32, #tpu.memory_space<vmem>> -> memref<1x128xi32, #tpu.memory_space<vmem>>
        %dma_start3A_301 = tpu.memref_squeeze %dma_start3A_300 : memref<1x128xi32, #tpu.memory_space<vmem>> -> memref<128xi32, #tpu.memory_space<vmem>>
        %dma_start3A_302 = arith.constant 0 : i32
        %dma_start3A_303 = arith.constant 0 : i32
        %dma_start3A_304 = tpu.memref_slice %arg2[%dma_start3A_302, %dma_start3A_303] : memref<10112x8xf32, #tpu.memory_space<hbm>> -> memref<10112x8xf32, #tpu.memory_space<hbm>>
        tpu.enqueue_indirect_dma source(%dma_start3A_304 : memref<10112x8xf32, #tpu.memory_space<hbm>>) target(%arg10 : memref<128x8xf32, #tpu.memory_space<vmem>>) offsets(%dma_start3A_301 : memref<128xi32, #tpu.memory_space<vmem>>) semaphore(%arg19 : memref<!tpu.dma_semaphore, #tpu.memory_space<semaphore_mem>>)
      } else {
      }
      %mul3A_251 = arith.constant 8 : i32
      %mul3A_252 = arith.muli %mul3A_251, %while3A_121 : i32
      %add3A_253 = arith.constant 6 : i32
      %add3A_254 = arith.addi %mul3A_252, %add3A_253 : i32
      %dma_wait3A_255 = arith.constant 0 : i32
      %dma_wait3A_256 = tpu.memref_slice %arg7[%add3A_254, %dma_wait3A_255] : memref<80x128xi32, #tpu.memory_space<vmem>> -> memref<1x128xi32, #tpu.memory_space<vmem>>
      %dma_wait3A_257 = tpu.memref_squeeze %dma_wait3A_256 : memref<1x128xi32, #tpu.memory_space<vmem>> -> memref<128xi32, #tpu.memory_space<vmem>>
      %dma_wait3A_258 = arith.constant 0 : i32
      %dma_wait3A_259 = arith.constant 0 : i32
      %dma_wait3A_260 = tpu.memref_slice %arg2[%dma_wait3A_258, %dma_wait3A_259] : memref<10112x8xf32, #tpu.memory_space<hbm>> -> memref<10112x8xf32, #tpu.memory_space<hbm>>
      tpu.wait_indirect_dma semaphore(%arg24 : memref<!tpu.dma_semaphore, #tpu.memory_space<semaphore_mem>>) src(%dma_wait3A_260 : memref<10112x8xf32, #tpu.memory_space<hbm>>) dst(%arg15 : memref<128x8xf32, #tpu.memory_space<vmem>>)
      %dma_start3A_261 = arith.constant 0 : i32
      %dma_start3A_262 = tpu.memref_slice %arg8[%add3A_254, %dma_start3A_261] : memref<80x128xi32, #tpu.memory_space<vmem>> -> memref<1x128xi32, #tpu.memory_space<vmem>>
      %dma_start3A_263 = tpu.memref_squeeze %dma_start3A_262 : memref<1x128xi32, #tpu.memory_space<vmem>> -> memref<128xi32, #tpu.memory_space<vmem>>
      %dma_start3A_264 = arith.constant 0 : i32
      %dma_start3A_265 = arith.constant 0 : i32
      %dma_start3A_266 = tpu.memref_slice %arg17[%dma_start3A_264, %dma_start3A_265] : memref<10112x8xf32, #tpu.memory_space<vmem_shared>> -> memref<10112x8xf32, #tpu.memory_space<vmem_shared>>
      tpu.enqueue_indirect_dma source(%arg15 : memref<128x8xf32, #tpu.memory_space<vmem>>) target(%dma_start3A_266 : memref<10112x8xf32, #tpu.memory_space<vmem_shared>>) offsets(%dma_start3A_263 : memref<128xi32, #tpu.memory_space<vmem>>) semaphore(%arg32 : memref<!tpu.dma_semaphore, #tpu.memory_space<semaphore_mem>>) {add = true}
      %add3A_267 = arith.constant 4 : i32
      %add3A_268 = arith.addi %add3A_254, %add3A_267 : i32
      %lt3A_269 = arith.cmpi slt, %add3A_268, %select_n3A : i32
      %convert_element_type3A_270 = arith.extui %lt3A_269 : i1 to i32
      %cond3A_271 = arith.constant 0 : i32
      %cond3A_272 = arith.cmpi ne, %convert_element_type3A_270, %cond3A_271 : i32
      scf.if %cond3A_272 {
        %ge3A = arith.constant 8 : i32
        %ge3A_295 = arith.cmpi sge, %add3A_268, %ge3A : i32
        %convert_element_type3A_296 = arith.extui %ge3A_295 : i1 to i32
        %cond3A_297 = arith.constant 0 : i32
        %cond3A_298 = arith.cmpi ne, %convert_element_type3A_296, %cond3A_297 : i32
        scf.if %cond3A_298 {
          %dma_wait3A_305 = arith.constant 0 : i32
          %dma_wait3A_306 = tpu.memref_slice %arg8[%add3A_254, %dma_wait3A_305] : memref<80x128xi32, #tpu.memory_space<vmem>> -> memref<1x128xi32, #tpu.memory_space<vmem>>
          %dma_wait3A_307 = tpu.memref_squeeze %dma_wait3A_306 : memref<1x128xi32, #tpu.memory_space<vmem>> -> memref<128xi32, #tpu.memory_space<vmem>>
          %dma_wait3A_308 = arith.constant 0 : i32
          %dma_wait3A_309 = arith.constant 0 : i32
          %dma_wait3A_310 = tpu.memref_slice %arg17[%dma_wait3A_308, %dma_wait3A_309] : memref<10112x8xf32, #tpu.memory_space<vmem_shared>> -> memref<10112x8xf32, #tpu.memory_space<vmem_shared>>
          tpu.wait_indirect_dma semaphore(%arg28 : memref<!tpu.dma_semaphore, #tpu.memory_space<semaphore_mem>>) src(%arg11 : memref<128x8xf32, #tpu.memory_space<vmem>>) dst(%dma_wait3A_310 : memref<10112x8xf32, #tpu.memory_space<vmem_shared>>)
        } else {
        }
        %dma_start3A_299 = arith.constant 0 : i32
        %dma_start3A_300 = tpu.memref_slice %arg7[%add3A_268, %dma_start3A_299] : memref<80x128xi32, #tpu.memory_space<vmem>> -> memref<1x128xi32, #tpu.memory_space<vmem>>
        %dma_start3A_301 = tpu.memref_squeeze %dma_start3A_300 : memref<1x128xi32, #tpu.memory_space<vmem>> -> memref<128xi32, #tpu.memory_space<vmem>>
        %dma_start3A_302 = arith.constant 0 : i32
        %dma_start3A_303 = arith.constant 0 : i32
        %dma_start3A_304 = tpu.memref_slice %arg2[%dma_start3A_302, %dma_start3A_303] : memref<10112x8xf32, #tpu.memory_space<hbm>> -> memref<10112x8xf32, #tpu.memory_space<hbm>>
        tpu.enqueue_indirect_dma source(%dma_start3A_304 : memref<10112x8xf32, #tpu.memory_space<hbm>>) target(%arg11 : memref<128x8xf32, #tpu.memory_space<vmem>>) offsets(%dma_start3A_301 : memref<128xi32, #tpu.memory_space<vmem>>) semaphore(%arg20 : memref<!tpu.dma_semaphore, #tpu.memory_space<semaphore_mem>>)
      } else {
      }
      %mul3A_273 = arith.constant 8 : i32
      %mul3A_274 = arith.muli %mul3A_273, %while3A_121 : i32
      %add3A_275 = arith.constant 7 : i32
      %add3A_276 = arith.addi %mul3A_274, %add3A_275 : i32
      %dma_wait3A_277 = arith.constant 0 : i32
      %dma_wait3A_278 = tpu.memref_slice %arg7[%add3A_276, %dma_wait3A_277] : memref<80x128xi32, #tpu.memory_space<vmem>> -> memref<1x128xi32, #tpu.memory_space<vmem>>
      %dma_wait3A_279 = tpu.memref_squeeze %dma_wait3A_278 : memref<1x128xi32, #tpu.memory_space<vmem>> -> memref<128xi32, #tpu.memory_space<vmem>>
      %dma_wait3A_280 = arith.constant 0 : i32
      %dma_wait3A_281 = arith.constant 0 : i32
      %dma_wait3A_282 = tpu.memref_slice %arg2[%dma_wait3A_280, %dma_wait3A_281] : memref<10112x8xf32, #tpu.memory_space<hbm>> -> memref<10112x8xf32, #tpu.memory_space<hbm>>
      tpu.wait_indirect_dma semaphore(%arg25 : memref<!tpu.dma_semaphore, #tpu.memory_space<semaphore_mem>>) src(%dma_wait3A_282 : memref<10112x8xf32, #tpu.memory_space<hbm>>) dst(%arg16 : memref<128x8xf32, #tpu.memory_space<vmem>>)
      %dma_start3A_283 = arith.constant 0 : i32
      %dma_start3A_284 = tpu.memref_slice %arg8[%add3A_276, %dma_start3A_283] : memref<80x128xi32, #tpu.memory_space<vmem>> -> memref<1x128xi32, #tpu.memory_space<vmem>>
      %dma_start3A_285 = tpu.memref_squeeze %dma_start3A_284 : memref<1x128xi32, #tpu.memory_space<vmem>> -> memref<128xi32, #tpu.memory_space<vmem>>
      %dma_start3A_286 = arith.constant 0 : i32
      %dma_start3A_287 = arith.constant 0 : i32
      %dma_start3A_288 = tpu.memref_slice %arg17[%dma_start3A_286, %dma_start3A_287] : memref<10112x8xf32, #tpu.memory_space<vmem_shared>> -> memref<10112x8xf32, #tpu.memory_space<vmem_shared>>
      tpu.enqueue_indirect_dma source(%arg16 : memref<128x8xf32, #tpu.memory_space<vmem>>) target(%dma_start3A_288 : memref<10112x8xf32, #tpu.memory_space<vmem_shared>>) offsets(%dma_start3A_285 : memref<128xi32, #tpu.memory_space<vmem>>) semaphore(%arg33 : memref<!tpu.dma_semaphore, #tpu.memory_space<semaphore_mem>>) {add = true}
      %add3A_289 = arith.constant 4 : i32
      %add3A_290 = arith.addi %add3A_276, %add3A_289 : i32
      %lt3A_291 = arith.cmpi slt, %add3A_290, %select_n3A : i32
      %convert_element_type3A_292 = arith.extui %lt3A_291 : i1 to i32
      %cond3A_293 = arith.constant 0 : i32
      %cond3A_294 = arith.cmpi ne, %convert_element_type3A_292, %cond3A_293 : i32
      scf.if %cond3A_294 {
        %ge3A = arith.constant 8 : i32
        %ge3A_295 = arith.cmpi sge, %add3A_290, %ge3A : i32
        %convert_element_type3A_296 = arith.extui %ge3A_295 : i1 to i32
        %cond3A_297 = arith.constant 0 : i32
        %cond3A_298 = arith.cmpi ne, %convert_element_type3A_296, %cond3A_297 : i32
        scf.if %cond3A_298 {
          %dma_wait3A_305 = arith.constant 0 : i32
          %dma_wait3A_306 = tpu.memref_slice %arg8[%add3A_276, %dma_wait3A_305] : memref<80x128xi32, #tpu.memory_space<vmem>> -> memref<1x128xi32, #tpu.memory_space<vmem>>
          %dma_wait3A_307 = tpu.memref_squeeze %dma_wait3A_306 : memref<1x128xi32, #tpu.memory_space<vmem>> -> memref<128xi32, #tpu.memory_space<vmem>>
          %dma_wait3A_308 = arith.constant 0 : i32
          %dma_wait3A_309 = arith.constant 0 : i32
          %dma_wait3A_310 = tpu.memref_slice %arg17[%dma_wait3A_308, %dma_wait3A_309] : memref<10112x8xf32, #tpu.memory_space<vmem_shared>> -> memref<10112x8xf32, #tpu.memory_space<vmem_shared>>
          tpu.wait_indirect_dma semaphore(%arg29 : memref<!tpu.dma_semaphore, #tpu.memory_space<semaphore_mem>>) src(%arg12 : memref<128x8xf32, #tpu.memory_space<vmem>>) dst(%dma_wait3A_310 : memref<10112x8xf32, #tpu.memory_space<vmem_shared>>)
        } else {
        }
        %dma_start3A_299 = arith.constant 0 : i32
        %dma_start3A_300 = tpu.memref_slice %arg7[%add3A_290, %dma_start3A_299] : memref<80x128xi32, #tpu.memory_space<vmem>> -> memref<1x128xi32, #tpu.memory_space<vmem>>
        %dma_start3A_301 = tpu.memref_squeeze %dma_start3A_300 : memref<1x128xi32, #tpu.memory_space<vmem>> -> memref<128xi32, #tpu.memory_space<vmem>>
        %dma_start3A_302 = arith.constant 0 : i32
        %dma_start3A_303 = arith.constant 0 : i32
        %dma_start3A_304 = tpu.memref_slice %arg2[%dma_start3A_302, %dma_start3A_303] : memref<10112x8xf32, #tpu.memory_space<hbm>> -> memref<10112x8xf32, #tpu.memory_space<hbm>>
        tpu.enqueue_indirect_dma source(%dma_start3A_304 : memref<10112x8xf32, #tpu.memory_space<hbm>>) target(%arg12 : memref<128x8xf32, #tpu.memory_space<vmem>>) offsets(%dma_start3A_301 : memref<128xi32, #tpu.memory_space<vmem>>) semaphore(%arg21 : memref<!tpu.dma_semaphore, #tpu.memory_space<semaphore_mem>>)
      } else {
      }
    }
    %while3A_60 = arith.constant 1 : i32
    scf.for %while3A_121 = %while3A_58 to %while3A_54 step %while3A_60  : i32 {
      %mul3A_122 = arith.constant 8 : i32
      %mul3A_123 = arith.muli %mul3A_122, %while3A_121 : i32
      %add3A_124 = arith.constant 0 : i32
      %add3A_125 = arith.addi %mul3A_123, %add3A_124 : i32
      %dma_wait3A_126 = arith.constant 0 : i32
      %dma_wait3A_127 = tpu.memref_slice %arg7[%add3A_125, %dma_wait3A_126] : memref<80x128xi32, #tpu.memory_space<vmem>> -> memref<1x128xi32, #tpu.memory_space<vmem>>
      %dma_wait3A_128 = tpu.memref_squeeze %dma_wait3A_127 : memref<1x128xi32, #tpu.memory_space<vmem>> -> memref<128xi32, #tpu.memory_space<vmem>>
      %dma_wait3A_129 = arith.constant 0 : i32
      %dma_wait3A_130 = arith.constant 0 : i32
      %dma_wait3A_131 = tpu.memref_slice %arg2[%dma_wait3A_129, %dma_wait3A_130] : memref<10112x8xf32, #tpu.memory_space<hbm>> -> memref<10112x8xf32, #tpu.memory_space<hbm>>
      tpu.wait_indirect_dma semaphore(%arg18 : memref<!tpu.dma_semaphore, #tpu.memory_space<semaphore_mem>>) src(%dma_wait3A_131 : memref<10112x8xf32, #tpu.memory_space<hbm>>) dst(%arg9 : memref<128x8xf32, #tpu.memory_space<vmem>>)
      %dma_start3A_132 = arith.constant 0 : i32
      %dma_start3A_133 = tpu.memref_slice %arg8[%add3A_125, %dma_start3A_132] : memref<80x128xi32, #tpu.memory_space<vmem>> -> memref<1x128xi32, #tpu.memory_space<vmem>>
      %dma_start3A_134 = tpu.memref_squeeze %dma_start3A_133 : memref<1x128xi32, #tpu.memory_space<vmem>> -> memref<128xi32, #tpu.memory_space<vmem>>
      %dma_start3A_135 = arith.constant 0 : i32
      %dma_start3A_136 = arith.constant 0 : i32
      %dma_start3A_137 = tpu.memref_slice %arg17[%dma_start3A_135, %dma_start3A_136] : memref<10112x8xf32, #tpu.memory_space<vmem_shared>> -> memref<10112x8xf32, #tpu.memory_space<vmem_shared>>
      tpu.enqueue_indirect_dma source(%arg9 : memref<128x8xf32, #tpu.memory_space<vmem>>) target(%dma_start3A_137 : memref<10112x8xf32, #tpu.memory_space<vmem_shared>>) offsets(%dma_start3A_134 : memref<128xi32, #tpu.memory_space<vmem>>) semaphore(%arg26 : memref<!tpu.dma_semaphore, #tpu.memory_space<semaphore_mem>>) {add = true}
      %add3A_138 = arith.constant 4 : i32
      %add3A_139 = arith.addi %add3A_125, %add3A_138 : i32
      %lt3A = arith.cmpi slt, %add3A_139, %select_n3A : i32
      %convert_element_type3A = arith.extui %lt3A : i1 to i32
      %cond3A = arith.constant 0 : i32
      %cond3A_140 = arith.cmpi ne, %convert_element_type3A, %cond3A : i32
      scf.if %cond3A_140 {
        %ge3A = arith.constant 8 : i32
        %ge3A_295 = arith.cmpi sge, %add3A_139, %ge3A : i32
        %convert_element_type3A_296 = arith.extui %ge3A_295 : i1 to i32
        %cond3A_297 = arith.constant 0 : i32
        %cond3A_298 = arith.cmpi ne, %convert_element_type3A_296, %cond3A_297 : i32
        scf.if %cond3A_298 {
          %dma_wait3A_305 = arith.constant 0 : i32
          %dma_wait3A_306 = tpu.memref_slice %arg8[%add3A_125, %dma_wait3A_305] : memref<80x128xi32, #tpu.memory_space<vmem>> -> memref<1x128xi32, #tpu.memory_space<vmem>>
          %dma_wait3A_307 = tpu.memref_squeeze %dma_wait3A_306 : memref<1x128xi32, #tpu.memory_space<vmem>> -> memref<128xi32, #tpu.memory_space<vmem>>
          %dma_wait3A_308 = arith.constant 0 : i32
          %dma_wait3A_309 = arith.constant 0 : i32
          %dma_wait3A_310 = tpu.memref_slice %arg17[%dma_wait3A_308, %dma_wait3A_309] : memref<10112x8xf32, #tpu.memory_space<vmem_shared>> -> memref<10112x8xf32, #tpu.memory_space<vmem_shared>>
          tpu.wait_indirect_dma semaphore(%arg30 : memref<!tpu.dma_semaphore, #tpu.memory_space<semaphore_mem>>) src(%arg13 : memref<128x8xf32, #tpu.memory_space<vmem>>) dst(%dma_wait3A_310 : memref<10112x8xf32, #tpu.memory_space<vmem_shared>>)
        } else {
        }
        %dma_start3A_299 = arith.constant 0 : i32
        %dma_start3A_300 = tpu.memref_slice %arg7[%add3A_139, %dma_start3A_299] : memref<80x128xi32, #tpu.memory_space<vmem>> -> memref<1x128xi32, #tpu.memory_space<vmem>>
        %dma_start3A_301 = tpu.memref_squeeze %dma_start3A_300 : memref<1x128xi32, #tpu.memory_space<vmem>> -> memref<128xi32, #tpu.memory_space<vmem>>
        %dma_start3A_302 = arith.constant 0 : i32
        %dma_start3A_303 = arith.constant 0 : i32
        %dma_start3A_304 = tpu.memref_slice %arg2[%dma_start3A_302, %dma_start3A_303] : memref<10112x8xf32, #tpu.memory_space<hbm>> -> memref<10112x8xf32, #tpu.memory_space<hbm>>
        tpu.enqueue_indirect_dma source(%dma_start3A_304 : memref<10112x8xf32, #tpu.memory_space<hbm>>) target(%arg13 : memref<128x8xf32, #tpu.memory_space<vmem>>) offsets(%dma_start3A_301 : memref<128xi32, #tpu.memory_space<vmem>>) semaphore(%arg22 : memref<!tpu.dma_semaphore, #tpu.memory_space<semaphore_mem>>)
      } else {
      }
      %mul3A_141 = arith.constant 8 : i32
      %mul3A_142 = arith.muli %mul3A_141, %while3A_121 : i32
      %add3A_143 = arith.constant 1 : i32
      %add3A_144 = arith.addi %mul3A_142, %add3A_143 : i32
      %dma_wait3A_145 = arith.constant 0 : i32
      %dma_wait3A_146 = tpu.memref_slice %arg7[%add3A_144, %dma_wait3A_145] : memref<80x128xi32, #tpu.memory_space<vmem>> -> memref<1x128xi32, #tpu.memory_space<vmem>>
      %dma_wait3A_147 = tpu.memref_squeeze %dma_wait3A_146 : memref<1x128xi32, #tpu.memory_space<vmem>> -> memref<128xi32, #tpu.memory_space<vmem>>
      %dma_wait3A_148 = arith.constant 0 : i32
      %dma_wait3A_149 = arith.constant 0 : i32
      %dma_wait3A_150 = tpu.memref_slice %arg2[%dma_wait3A_148, %dma_wait3A_149] : memref<10112x8xf32, #tpu.memory_space<hbm>> -> memref<10112x8xf32, #tpu.memory_space<hbm>>
      tpu.wait_indirect_dma semaphore(%arg19 : memref<!tpu.dma_semaphore, #tpu.memory_space<semaphore_mem>>) src(%dma_wait3A_150 : memref<10112x8xf32, #tpu.memory_space<hbm>>) dst(%arg10 : memref<128x8xf32, #tpu.memory_space<vmem>>)
      %dma_start3A_151 = arith.constant 0 : i32
      %dma_start3A_152 = tpu.memref_slice %arg8[%add3A_144, %dma_start3A_151] : memref<80x128xi32, #tpu.memory_space<vmem>> -> memref<1x128xi32, #tpu.memory_space<vmem>>
      %dma_start3A_153 = tpu.memref_squeeze %dma_start3A_152 : memref<1x128xi32, #tpu.memory_space<vmem>> -> memref<128xi32, #tpu.memory_space<vmem>>
      %dma_start3A_154 = arith.constant 0 : i32
      %dma_start3A_155 = arith.constant 0 : i32
      %dma_start3A_156 = tpu.memref_slice %arg17[%dma_start3A_154, %dma_start3A_155] : memref<10112x8xf32, #tpu.memory_space<vmem_shared>> -> memref<10112x8xf32, #tpu.memory_space<vmem_shared>>
      tpu.enqueue_indirect_dma source(%arg10 : memref<128x8xf32, #tpu.memory_space<vmem>>) target(%dma_start3A_156 : memref<10112x8xf32, #tpu.memory_space<vmem_shared>>) offsets(%dma_start3A_153 : memref<128xi32, #tpu.memory_space<vmem>>) semaphore(%arg27 : memref<!tpu.dma_semaphore, #tpu.memory_space<semaphore_mem>>) {add = true}
      %add3A_157 = arith.constant 4 : i32
      %add3A_158 = arith.addi %add3A_144, %add3A_157 : i32
      %lt3A_159 = arith.cmpi slt, %add3A_158, %select_n3A : i32
      %convert_element_type3A_160 = arith.extui %lt3A_159 : i1 to i32
      %cond3A_161 = arith.constant 0 : i32
      %cond3A_162 = arith.cmpi ne, %convert_element_type3A_160, %cond3A_161 : i32
      scf.if %cond3A_162 {
        %ge3A = arith.constant 8 : i32
        %ge3A_295 = arith.cmpi sge, %add3A_158, %ge3A : i32
        %convert_element_type3A_296 = arith.extui %ge3A_295 : i1 to i32
        %cond3A_297 = arith.constant 0 : i32
        %cond3A_298 = arith.cmpi ne, %convert_element_type3A_296, %cond3A_297 : i32
        scf.if %cond3A_298 {
          %dma_wait3A_305 = arith.constant 0 : i32
          %dma_wait3A_306 = tpu.memref_slice %arg8[%add3A_144, %dma_wait3A_305] : memref<80x128xi32, #tpu.memory_space<vmem>> -> memref<1x128xi32, #tpu.memory_space<vmem>>
          %dma_wait3A_307 = tpu.memref_squeeze %dma_wait3A_306 : memref<1x128xi32, #tpu.memory_space<vmem>> -> memref<128xi32, #tpu.memory_space<vmem>>
          %dma_wait3A_308 = arith.constant 0 : i32
          %dma_wait3A_309 = arith.constant 0 : i32
          %dma_wait3A_310 = tpu.memref_slice %arg17[%dma_wait3A_308, %dma_wait3A_309] : memref<10112x8xf32, #tpu.memory_space<vmem_shared>> -> memref<10112x8xf32, #tpu.memory_space<vmem_shared>>
          tpu.wait_indirect_dma semaphore(%arg31 : memref<!tpu.dma_semaphore, #tpu.memory_space<semaphore_mem>>) src(%arg14 : memref<128x8xf32, #tpu.memory_space<vmem>>) dst(%dma_wait3A_310 : memref<10112x8xf32, #tpu.memory_space<vmem_shared>>)
        } else {
        }
        %dma_start3A_299 = arith.constant 0 : i32
        %dma_start3A_300 = tpu.memref_slice %arg7[%add3A_158, %dma_start3A_299] : memref<80x128xi32, #tpu.memory_space<vmem>> -> memref<1x128xi32, #tpu.memory_space<vmem>>
        %dma_start3A_301 = tpu.memref_squeeze %dma_start3A_300 : memref<1x128xi32, #tpu.memory_space<vmem>> -> memref<128xi32, #tpu.memory_space<vmem>>
        %dma_start3A_302 = arith.constant 0 : i32
        %dma_start3A_303 = arith.constant 0 : i32
        %dma_start3A_304 = tpu.memref_slice %arg2[%dma_start3A_302, %dma_start3A_303] : memref<10112x8xf32, #tpu.memory_space<hbm>> -> memref<10112x8xf32, #tpu.memory_space<hbm>>
        tpu.enqueue_indirect_dma source(%dma_start3A_304 : memref<10112x8xf32, #tpu.memory_space<hbm>>) target(%arg14 : memref<128x8xf32, #tpu.memory_space<vmem>>) offsets(%dma_start3A_301 : memref<128xi32, #tpu.memory_space<vmem>>) semaphore(%arg23 : memref<!tpu.dma_semaphore, #tpu.memory_space<semaphore_mem>>)
      } else {
      }
      %mul3A_163 = arith.constant 8 : i32
      %mul3A_164 = arith.muli %mul3A_163, %while3A_121 : i32
      %add3A_165 = arith.constant 2 : i32
      %add3A_166 = arith.addi %mul3A_164, %add3A_165 : i32
      %dma_wait3A_167 = arith.constant 0 : i32
      %dma_wait3A_168 = tpu.memref_slice %arg7[%add3A_166, %dma_wait3A_167] : memref<80x128xi32, #tpu.memory_space<vmem>> -> memref<1x128xi32, #tpu.memory_space<vmem>>
      %dma_wait3A_169 = tpu.memref_squeeze %dma_wait3A_168 : memref<1x128xi32, #tpu.memory_space<vmem>> -> memref<128xi32, #tpu.memory_space<vmem>>
      %dma_wait3A_170 = arith.constant 0 : i32
      %dma_wait3A_171 = arith.constant 0 : i32
      %dma_wait3A_172 = tpu.memref_slice %arg2[%dma_wait3A_170, %dma_wait3A_171] : memref<10112x8xf32, #tpu.memory_space<hbm>> -> memref<10112x8xf32, #tpu.memory_space<hbm>>
      tpu.wait_indirect_dma semaphore(%arg20 : memref<!tpu.dma_semaphore, #tpu.memory_space<semaphore_mem>>) src(%dma_wait3A_172 : memref<10112x8xf32, #tpu.memory_space<hbm>>) dst(%arg11 : memref<128x8xf32, #tpu.memory_space<vmem>>)
      %dma_start3A_173 = arith.constant 0 : i32
      %dma_start3A_174 = tpu.memref_slice %arg8[%add3A_166, %dma_start3A_173] : memref<80x128xi32, #tpu.memory_space<vmem>> -> memref<1x128xi32, #tpu.memory_space<vmem>>
      %dma_start3A_175 = tpu.memref_squeeze %dma_start3A_174 : memref<1x128xi32, #tpu.memory_space<vmem>> -> memref<128xi32, #tpu.memory_space<vmem>>
      %dma_start3A_176 = arith.constant 0 : i32
      %dma_start3A_177 = arith.constant 0 : i32
      %dma_start3A_178 = tpu.memref_slice %arg17[%dma_start3A_176, %dma_start3A_177] : memref<10112x8xf32, #tpu.memory_space<vmem_shared>> -> memref<10112x8xf32, #tpu.memory_space<vmem_shared>>
      tpu.enqueue_indirect_dma source(%arg11 : memref<128x8xf32, #tpu.memory_space<vmem>>) target(%dma_start3A_178 : memref<10112x8xf32, #tpu.memory_space<vmem_shared>>) offsets(%dma_start3A_175 : memref<128xi32, #tpu.memory_space<vmem>>) semaphore(%arg28 : memref<!tpu.dma_semaphore, #tpu.memory_space<semaphore_mem>>) {add = true}
      %add3A_179 = arith.constant 4 : i32
      %add3A_180 = arith.addi %add3A_166, %add3A_179 : i32
      %lt3A_181 = arith.cmpi slt, %add3A_180, %select_n3A : i32
      %convert_element_type3A_182 = arith.extui %lt3A_181 : i1 to i32
      %cond3A_183 = arith.constant 0 : i32
      %cond3A_184 = arith.cmpi ne, %convert_element_type3A_182, %cond3A_183 : i32
      scf.if %cond3A_184 {
        %ge3A = arith.constant 8 : i32
        %ge3A_295 = arith.cmpi sge, %add3A_180, %ge3A : i32
        %convert_element_type3A_296 = arith.extui %ge3A_295 : i1 to i32
        %cond3A_297 = arith.constant 0 : i32
        %cond3A_298 = arith.cmpi ne, %convert_element_type3A_296, %cond3A_297 : i32
        scf.if %cond3A_298 {
          %dma_wait3A_305 = arith.constant 0 : i32
          %dma_wait3A_306 = tpu.memref_slice %arg8[%add3A_166, %dma_wait3A_305] : memref<80x128xi32, #tpu.memory_space<vmem>> -> memref<1x128xi32, #tpu.memory_space<vmem>>
          %dma_wait3A_307 = tpu.memref_squeeze %dma_wait3A_306 : memref<1x128xi32, #tpu.memory_space<vmem>> -> memref<128xi32, #tpu.memory_space<vmem>>
          %dma_wait3A_308 = arith.constant 0 : i32
          %dma_wait3A_309 = arith.constant 0 : i32
          %dma_wait3A_310 = tpu.memref_slice %arg17[%dma_wait3A_308, %dma_wait3A_309] : memref<10112x8xf32, #tpu.memory_space<vmem_shared>> -> memref<10112x8xf32, #tpu.memory_space<vmem_shared>>
          tpu.wait_indirect_dma semaphore(%arg32 : memref<!tpu.dma_semaphore, #tpu.memory_space<semaphore_mem>>) src(%arg15 : memref<128x8xf32, #tpu.memory_space<vmem>>) dst(%dma_wait3A_310 : memref<10112x8xf32, #tpu.memory_space<vmem_shared>>)
        } else {
        }
        %dma_start3A_299 = arith.constant 0 : i32
        %dma_start3A_300 = tpu.memref_slice %arg7[%add3A_180, %dma_start3A_299] : memref<80x128xi32, #tpu.memory_space<vmem>> -> memref<1x128xi32, #tpu.memory_space<vmem>>
        %dma_start3A_301 = tpu.memref_squeeze %dma_start3A_300 : memref<1x128xi32, #tpu.memory_space<vmem>> -> memref<128xi32, #tpu.memory_space<vmem>>
        %dma_start3A_302 = arith.constant 0 : i32
        %dma_start3A_303 = arith.constant 0 : i32
        %dma_start3A_304 = tpu.memref_slice %arg2[%dma_start3A_302, %dma_start3A_303] : memref<10112x8xf32, #tpu.memory_space<hbm>> -> memref<10112x8xf32, #tpu.memory_space<hbm>>
        tpu.enqueue_indirect_dma source(%dma_start3A_304 : memref<10112x8xf32, #tpu.memory_space<hbm>>) target(%arg15 : memref<128x8xf32, #tpu.memory_space<vmem>>) offsets(%dma_start3A_301 : memref<128xi32, #tpu.memory_space<vmem>>) semaphore(%arg24 : memref<!tpu.dma_semaphore, #tpu.memory_space<semaphore_mem>>)
      } else {
      }
      %mul3A_185 = arith.constant 8 : i32
      %mul3A_186 = arith.muli %mul3A_185, %while3A_121 : i32
      %add3A_187 = arith.constant 3 : i32
      %add3A_188 = arith.addi %mul3A_186, %add3A_187 : i32
      %dma_wait3A_189 = arith.constant 0 : i32
      %dma_wait3A_190 = tpu.memref_slice %arg7[%add3A_188, %dma_wait3A_189] : memref<80x128xi32, #tpu.memory_space<vmem>> -> memref<1x128xi32, #tpu.memory_space<vmem>>
      %dma_wait3A_191 = tpu.memref_squeeze %dma_wait3A_190 : memref<1x128xi32, #tpu.memory_space<vmem>> -> memref<128xi32, #tpu.memory_space<vmem>>
      %dma_wait3A_192 = arith.constant 0 : i32
      %dma_wait3A_193 = arith.constant 0 : i32
      %dma_wait3A_194 = tpu.memref_slice %arg2[%dma_wait3A_192, %dma_wait3A_193] : memref<10112x8xf32, #tpu.memory_space<hbm>> -> memref<10112x8xf32, #tpu.memory_space<hbm>>
      tpu.wait_indirect_dma semaphore(%arg21 : memref<!tpu.dma_semaphore, #tpu.memory_space<semaphore_mem>>) src(%dma_wait3A_194 : memref<10112x8xf32, #tpu.memory_space<hbm>>) dst(%arg12 : memref<128x8xf32, #tpu.memory_space<vmem>>)
      %dma_start3A_195 = arith.constant 0 : i32
      %dma_start3A_196 = tpu.memref_slice %arg8[%add3A_188, %dma_start3A_195] : memref<80x128xi32, #tpu.memory_space<vmem>> -> memref<1x128xi32, #tpu.memory_space<vmem>>
      %dma_start3A_197 = tpu.memref_squeeze %dma_start3A_196 : memref<1x128xi32, #tpu.memory_space<vmem>> -> memref<128xi32, #tpu.memory_space<vmem>>
      %dma_start3A_198 = arith.constant 0 : i32
      %dma_start3A_199 = arith.constant 0 : i32
      %dma_start3A_200 = tpu.memref_slice %arg17[%dma_start3A_198, %dma_start3A_199] : memref<10112x8xf32, #tpu.memory_space<vmem_shared>> -> memref<10112x8xf32, #tpu.memory_space<vmem_shared>>
      tpu.enqueue_indirect_dma source(%arg12 : memref<128x8xf32, #tpu.memory_space<vmem>>) target(%dma_start3A_200 : memref<10112x8xf32, #tpu.memory_space<vmem_shared>>) offsets(%dma_start3A_197 : memref<128xi32, #tpu.memory_space<vmem>>) semaphore(%arg29 : memref<!tpu.dma_semaphore, #tpu.memory_space<semaphore_mem>>) {add = true}
      %add3A_201 = arith.constant 4 : i32
      %add3A_202 = arith.addi %add3A_188, %add3A_201 : i32
      %lt3A_203 = arith.cmpi slt, %add3A_202, %select_n3A : i32
      %convert_element_type3A_204 = arith.extui %lt3A_203 : i1 to i32
      %cond3A_205 = arith.constant 0 : i32
      %cond3A_206 = arith.cmpi ne, %convert_element_type3A_204, %cond3A_205 : i32
      scf.if %cond3A_206 {
        %ge3A = arith.constant 8 : i32
        %ge3A_295 = arith.cmpi sge, %add3A_202, %ge3A : i32
        %convert_element_type3A_296 = arith.extui %ge3A_295 : i1 to i32
        %cond3A_297 = arith.constant 0 : i32
        %cond3A_298 = arith.cmpi ne, %convert_element_type3A_296, %cond3A_297 : i32
        scf.if %cond3A_298 {
          %dma_wait3A_305 = arith.constant 0 : i32
          %dma_wait3A_306 = tpu.memref_slice %arg8[%add3A_188, %dma_wait3A_305] : memref<80x128xi32, #tpu.memory_space<vmem>> -> memref<1x128xi32, #tpu.memory_space<vmem>>
          %dma_wait3A_307 = tpu.memref_squeeze %dma_wait3A_306 : memref<1x128xi32, #tpu.memory_space<vmem>> -> memref<128xi32, #tpu.memory_space<vmem>>
          %dma_wait3A_308 = arith.constant 0 : i32
          %dma_wait3A_309 = arith.constant 0 : i32
          %dma_wait3A_310 = tpu.memref_slice %arg17[%dma_wait3A_308, %dma_wait3A_309] : memref<10112x8xf32, #tpu.memory_space<vmem_shared>> -> memref<10112x8xf32, #tpu.memory_space<vmem_shared>>
          tpu.wait_indirect_dma semaphore(%arg33 : memref<!tpu.dma_semaphore, #tpu.memory_space<semaphore_mem>>) src(%arg16 : memref<128x8xf32, #tpu.memory_space<vmem>>) dst(%dma_wait3A_310 : memref<10112x8xf32, #tpu.memory_space<vmem_shared>>)
        } else {
        }
        %dma_start3A_299 = arith.constant 0 : i32
        %dma_start3A_300 = tpu.memref_slice %arg7[%add3A_202, %dma_start3A_299] : memref<80x128xi32, #tpu.memory_space<vmem>> -> memref<1x128xi32, #tpu.memory_space<vmem>>
        %dma_start3A_301 = tpu.memref_squeeze %dma_start3A_300 : memref<1x128xi32, #tpu.memory_space<vmem>> -> memref<128xi32, #tpu.memory_space<vmem>>
        %dma_start3A_302 = arith.constant 0 : i32
        %dma_start3A_303 = arith.constant 0 : i32
        %dma_start3A_304 = tpu.memref_slice %arg2[%dma_start3A_302, %dma_start3A_303] : memref<10112x8xf32, #tpu.memory_space<hbm>> -> memref<10112x8xf32, #tpu.memory_space<hbm>>
        tpu.enqueue_indirect_dma source(%dma_start3A_304 : memref<10112x8xf32, #tpu.memory_space<hbm>>) target(%arg16 : memref<128x8xf32, #tpu.memory_space<vmem>>) offsets(%dma_start3A_301 : memref<128xi32, #tpu.memory_space<vmem>>) semaphore(%arg25 : memref<!tpu.dma_semaphore, #tpu.memory_space<semaphore_mem>>)
      } else {
      }
      %mul3A_207 = arith.constant 8 : i32
      %mul3A_208 = arith.muli %mul3A_207, %while3A_121 : i32
      %add3A_209 = arith.constant 4 : i32
      %add3A_210 = arith.addi %mul3A_208, %add3A_209 : i32
      %dma_wait3A_211 = arith.constant 0 : i32
      %dma_wait3A_212 = tpu.memref_slice %arg7[%add3A_210, %dma_wait3A_211] : memref<80x128xi32, #tpu.memory_space<vmem>> -> memref<1x128xi32, #tpu.memory_space<vmem>>
      %dma_wait3A_213 = tpu.memref_squeeze %dma_wait3A_212 : memref<1x128xi32, #tpu.memory_space<vmem>> -> memref<128xi32, #tpu.memory_space<vmem>>
      %dma_wait3A_214 = arith.constant 0 : i32
      %dma_wait3A_215 = arith.constant 0 : i32
      %dma_wait3A_216 = tpu.memref_slice %arg2[%dma_wait3A_214, %dma_wait3A_215] : memref<10112x8xf32, #tpu.memory_space<hbm>> -> memref<10112x8xf32, #tpu.memory_space<hbm>>
      tpu.wait_indirect_dma semaphore(%arg22 : memref<!tpu.dma_semaphore, #tpu.memory_space<semaphore_mem>>) src(%dma_wait3A_216 : memref<10112x8xf32, #tpu.memory_space<hbm>>) dst(%arg13 : memref<128x8xf32, #tpu.memory_space<vmem>>)
      %dma_start3A_217 = arith.constant 0 : i32
      %dma_start3A_218 = tpu.memref_slice %arg8[%add3A_210, %dma_start3A_217] : memref<80x128xi32, #tpu.memory_space<vmem>> -> memref<1x128xi32, #tpu.memory_space<vmem>>
      %dma_start3A_219 = tpu.memref_squeeze %dma_start3A_218 : memref<1x128xi32, #tpu.memory_space<vmem>> -> memref<128xi32, #tpu.memory_space<vmem>>
      %dma_start3A_220 = arith.constant 0 : i32
      %dma_start3A_221 = arith.constant 0 : i32
      %dma_start3A_222 = tpu.memref_slice %arg17[%dma_start3A_220, %dma_start3A_221] : memref<10112x8xf32, #tpu.memory_space<vmem_shared>> -> memref<10112x8xf32, #tpu.memory_space<vmem_shared>>
      tpu.enqueue_indirect_dma source(%arg13 : memref<128x8xf32, #tpu.memory_space<vmem>>) target(%dma_start3A_222 : memref<10112x8xf32, #tpu.memory_space<vmem_shared>>) offsets(%dma_start3A_219 : memref<128xi32, #tpu.memory_space<vmem>>) semaphore(%arg30 : memref<!tpu.dma_semaphore, #tpu.memory_space<semaphore_mem>>) {add = true}
      %add3A_223 = arith.constant 4 : i32
      %add3A_224 = arith.addi %add3A_210, %add3A_223 : i32
      %lt3A_225 = arith.cmpi slt, %add3A_224, %select_n3A : i32
      %convert_element_type3A_226 = arith.extui %lt3A_225 : i1 to i32
      %cond3A_227 = arith.constant 0 : i32
      %cond3A_228 = arith.cmpi ne, %convert_element_type3A_226, %cond3A_227 : i32
      scf.if %cond3A_228 {
        %ge3A = arith.constant 8 : i32
        %ge3A_295 = arith.cmpi sge, %add3A_224, %ge3A : i32
        %convert_element_type3A_296 = arith.extui %ge3A_295 : i1 to i32
        %cond3A_297 = arith.constant 0 : i32
        %cond3A_298 = arith.cmpi ne, %convert_element_type3A_296, %cond3A_297 : i32
        scf.if %cond3A_298 {
          %dma_wait3A_305 = arith.constant 0 : i32
          %dma_wait3A_306 = tpu.memref_slice %arg8[%add3A_210, %dma_wait3A_305] : memref<80x128xi32, #tpu.memory_space<vmem>> -> memref<1x128xi32, #tpu.memory_space<vmem>>
          %dma_wait3A_307 = tpu.memref_squeeze %dma_wait3A_306 : memref<1x128xi32, #tpu.memory_space<vmem>> -> memref<128xi32, #tpu.memory_space<vmem>>
          %dma_wait3A_308 = arith.constant 0 : i32
          %dma_wait3A_309 = arith.constant 0 : i32
          %dma_wait3A_310 = tpu.memref_slice %arg17[%dma_wait3A_308, %dma_wait3A_309] : memref<10112x8xf32, #tpu.memory_space<vmem_shared>> -> memref<10112x8xf32, #tpu.memory_space<vmem_shared>>
          tpu.wait_indirect_dma semaphore(%arg26 : memref<!tpu.dma_semaphore, #tpu.memory_space<semaphore_mem>>) src(%arg9 : memref<128x8xf32, #tpu.memory_space<vmem>>) dst(%dma_wait3A_310 : memref<10112x8xf32, #tpu.memory_space<vmem_shared>>)
        } else {
        }
        %dma_start3A_299 = arith.constant 0 : i32
        %dma_start3A_300 = tpu.memref_slice %arg7[%add3A_224, %dma_start3A_299] : memref<80x128xi32, #tpu.memory_space<vmem>> -> memref<1x128xi32, #tpu.memory_space<vmem>>
        %dma_start3A_301 = tpu.memref_squeeze %dma_start3A_300 : memref<1x128xi32, #tpu.memory_space<vmem>> -> memref<128xi32, #tpu.memory_space<vmem>>
        %dma_start3A_302 = arith.constant 0 : i32
        %dma_start3A_303 = arith.constant 0 : i32
        %dma_start3A_304 = tpu.memref_slice %arg2[%dma_start3A_302, %dma_start3A_303] : memref<10112x8xf32, #tpu.memory_space<hbm>> -> memref<10112x8xf32, #tpu.memory_space<hbm>>
        tpu.enqueue_indirect_dma source(%dma_start3A_304 : memref<10112x8xf32, #tpu.memory_space<hbm>>) target(%arg9 : memref<128x8xf32, #tpu.memory_space<vmem>>) offsets(%dma_start3A_301 : memref<128xi32, #tpu.memory_space<vmem>>) semaphore(%arg18 : memref<!tpu.dma_semaphore, #tpu.memory_space<semaphore_mem>>)
      } else {
      }
      %mul3A_229 = arith.constant 8 : i32
      %mul3A_230 = arith.muli %mul3A_229, %while3A_121 : i32
      %add3A_231 = arith.constant 5 : i32
      %add3A_232 = arith.addi %mul3A_230, %add3A_231 : i32
      %dma_wait3A_233 = arith.constant 0 : i32
      %dma_wait3A_234 = tpu.memref_slice %arg7[%add3A_232, %dma_wait3A_233] : memref<80x128xi32, #tpu.memory_space<vmem>> -> memref<1x128xi32, #tpu.memory_space<vmem>>
      %dma_wait3A_235 = tpu.memref_squeeze %dma_wait3A_234 : memref<1x128xi32, #tpu.memory_space<vmem>> -> memref<128xi32, #tpu.memory_space<vmem>>
      %dma_wait3A_236 = arith.constant 0 : i32
      %dma_wait3A_237 = arith.constant 0 : i32
      %dma_wait3A_238 = tpu.memref_slice %arg2[%dma_wait3A_236, %dma_wait3A_237] : memref<10112x8xf32, #tpu.memory_space<hbm>> -> memref<10112x8xf32, #tpu.memory_space<hbm>>
      tpu.wait_indirect_dma semaphore(%arg23 : memref<!tpu.dma_semaphore, #tpu.memory_space<semaphore_mem>>) src(%dma_wait3A_238 : memref<10112x8xf32, #tpu.memory_space<hbm>>) dst(%arg14 : memref<128x8xf32, #tpu.memory_space<vmem>>)
      %dma_start3A_239 = arith.constant 0 : i32
      %dma_start3A_240 = tpu.memref_slice %arg8[%add3A_232, %dma_start3A_239] : memref<80x128xi32, #tpu.memory_space<vmem>> -> memref<1x128xi32, #tpu.memory_space<vmem>>
      %dma_start3A_241 = tpu.memref_squeeze %dma_start3A_240 : memref<1x128xi32, #tpu.memory_space<vmem>> -> memref<128xi32, #tpu.memory_space<vmem>>
      %dma_start3A_242 = arith.constant 0 : i32
      %dma_start3A_243 = arith.constant 0 : i32
      %dma_start3A_244 = tpu.memref_slice %arg17[%dma_start3A_242, %dma_start3A_243] : memref<10112x8xf32, #tpu.memory_space<vmem_shared>> -> memref<10112x8xf32, #tpu.memory_space<vmem_shared>>
      tpu.enqueue_indirect_dma source(%arg14 : memref<128x8xf32, #tpu.memory_space<vmem>>) target(%dma_start3A_244 : memref<10112x8xf32, #tpu.memory_space<vmem_shared>>) offsets(%dma_start3A_241 : memref<128xi32, #tpu.memory_space<vmem>>) semaphore(%arg31 : memref<!tpu.dma_semaphore, #tpu.memory_space<semaphore_mem>>) {add = true}
      %add3A_245 = arith.constant 4 : i32
      %add3A_246 = arith.addi %add3A_232, %add3A_245 : i32
      %lt3A_247 = arith.cmpi slt, %add3A_246, %select_n3A : i32
      %convert_element_type3A_248 = arith.extui %lt3A_247 : i1 to i32
      %cond3A_249 = arith.constant 0 : i32
      %cond3A_250 = arith.cmpi ne, %convert_element_type3A_248, %cond3A_249 : i32
      scf.if %cond3A_250 {
        %ge3A = arith.constant 8 : i32
        %ge3A_295 = arith.cmpi sge, %add3A_246, %ge3A : i32
        %convert_element_type3A_296 = arith.extui %ge3A_295 : i1 to i32
        %cond3A_297 = arith.constant 0 : i32
        %cond3A_298 = arith.cmpi ne, %convert_element_type3A_296, %cond3A_297 : i32
        scf.if %cond3A_298 {
          %dma_wait3A_305 = arith.constant 0 : i32
          %dma_wait3A_306 = tpu.memref_slice %arg8[%add3A_232, %dma_wait3A_305] : memref<80x128xi32, #tpu.memory_space<vmem>> -> memref<1x128xi32, #tpu.memory_space<vmem>>
          %dma_wait3A_307 = tpu.memref_squeeze %dma_wait3A_306 : memref<1x128xi32, #tpu.memory_space<vmem>> -> memref<128xi32, #tpu.memory_space<vmem>>
          %dma_wait3A_308 = arith.constant 0 : i32
          %dma_wait3A_309 = arith.constant 0 : i32
          %dma_wait3A_310 = tpu.memref_slice %arg17[%dma_wait3A_308, %dma_wait3A_309] : memref<10112x8xf32, #tpu.memory_space<vmem_shared>> -> memref<10112x8xf32, #tpu.memory_space<vmem_shared>>
          tpu.wait_indirect_dma semaphore(%arg27 : memref<!tpu.dma_semaphore, #tpu.memory_space<semaphore_mem>>) src(%arg10 : memref<128x8xf32, #tpu.memory_space<vmem>>) dst(%dma_wait3A_310 : memref<10112x8xf32, #tpu.memory_space<vmem_shared>>)
        } else {
        }
        %dma_start3A_299 = arith.constant 0 : i32
        %dma_start3A_300 = tpu.memref_slice %arg7[%add3A_246, %dma_start3A_299] : memref<80x128xi32, #tpu.memory_space<vmem>> -> memref<1x128xi32, #tpu.memory_space<vmem>>
        %dma_start3A_301 = tpu.memref_squeeze %dma_start3A_300 : memref<1x128xi32, #tpu.memory_space<vmem>> -> memref<128xi32, #tpu.memory_space<vmem>>
        %dma_start3A_302 = arith.constant 0 : i32
        %dma_start3A_303 = arith.constant 0 : i32
        %dma_start3A_304 = tpu.memref_slice %arg2[%dma_start3A_302, %dma_start3A_303] : memref<10112x8xf32, #tpu.memory_space<hbm>> -> memref<10112x8xf32, #tpu.memory_space<hbm>>
        tpu.enqueue_indirect_dma source(%dma_start3A_304 : memref<10112x8xf32, #tpu.memory_space<hbm>>) target(%arg10 : memref<128x8xf32, #tpu.memory_space<vmem>>) offsets(%dma_start3A_301 : memref<128xi32, #tpu.memory_space<vmem>>) semaphore(%arg19 : memref<!tpu.dma_semaphore, #tpu.memory_space<semaphore_mem>>)
      } else {
      }
      %mul3A_251 = arith.constant 8 : i32
      %mul3A_252 = arith.muli %mul3A_251, %while3A_121 : i32
      %add3A_253 = arith.constant 6 : i32
      %add3A_254 = arith.addi %mul3A_252, %add3A_253 : i32
      %dma_wait3A_255 = arith.constant 0 : i32
      %dma_wait3A_256 = tpu.memref_slice %arg7[%add3A_254, %dma_wait3A_255] : memref<80x128xi32, #tpu.memory_space<vmem>> -> memref<1x128xi32, #tpu.memory_space<vmem>>
      %dma_wait3A_257 = tpu.memref_squeeze %dma_wait3A_256 : memref<1x128xi32, #tpu.memory_space<vmem>> -> memref<128xi32, #tpu.memory_space<vmem>>
      %dma_wait3A_258 = arith.constant 0 : i32
      %dma_wait3A_259 = arith.constant 0 : i32
      %dma_wait3A_260 = tpu.memref_slice %arg2[%dma_wait3A_258, %dma_wait3A_259] : memref<10112x8xf32, #tpu.memory_space<hbm>> -> memref<10112x8xf32, #tpu.memory_space<hbm>>
      tpu.wait_indirect_dma semaphore(%arg24 : memref<!tpu.dma_semaphore, #tpu.memory_space<semaphore_mem>>) src(%dma_wait3A_260 : memref<10112x8xf32, #tpu.memory_space<hbm>>) dst(%arg15 : memref<128x8xf32, #tpu.memory_space<vmem>>)
      %dma_start3A_261 = arith.constant 0 : i32
      %dma_start3A_262 = tpu.memref_slice %arg8[%add3A_254, %dma_start3A_261] : memref<80x128xi32, #tpu.memory_space<vmem>> -> memref<1x128xi32, #tpu.memory_space<vmem>>
      %dma_start3A_263 = tpu.memref_squeeze %dma_start3A_262 : memref<1x128xi32, #tpu.memory_space<vmem>> -> memref<128xi32, #tpu.memory_space<vmem>>
      %dma_start3A_264 = arith.constant 0 : i32
      %dma_start3A_265 = arith.constant 0 : i32
      %dma_start3A_266 = tpu.memref_slice %arg17[%dma_start3A_264, %dma_start3A_265] : memref<10112x8xf32, #tpu.memory_space<vmem_shared>> -> memref<10112x8xf32, #tpu.memory_space<vmem_shared>>
      tpu.enqueue_indirect_dma source(%arg15 : memref<128x8xf32, #tpu.memory_space<vmem>>) target(%dma_start3A_266 : memref<10112x8xf32, #tpu.memory_space<vmem_shared>>) offsets(%dma_start3A_263 : memref<128xi32, #tpu.memory_space<vmem>>) semaphore(%arg32 : memref<!tpu.dma_semaphore, #tpu.memory_space<semaphore_mem>>) {add = true}
      %add3A_267 = arith.constant 4 : i32
      %add3A_268 = arith.addi %add3A_254, %add3A_267 : i32
      %lt3A_269 = arith.cmpi slt, %add3A_268, %select_n3A : i32
      %convert_element_type3A_270 = arith.extui %lt3A_269 : i1 to i32
      %cond3A_271 = arith.constant 0 : i32
      %cond3A_272 = arith.cmpi ne, %convert_element_type3A_270, %cond3A_271 : i32
      scf.if %cond3A_272 {
        %ge3A = arith.constant 8 : i32
        %ge3A_295 = arith.cmpi sge, %add3A_268, %ge3A : i32
        %convert_element_type3A_296 = arith.extui %ge3A_295 : i1 to i32
        %cond3A_297 = arith.constant 0 : i32
        %cond3A_298 = arith.cmpi ne, %convert_element_type3A_296, %cond3A_297 : i32
        scf.if %cond3A_298 {
          %dma_wait3A_305 = arith.constant 0 : i32
          %dma_wait3A_306 = tpu.memref_slice %arg8[%add3A_254, %dma_wait3A_305] : memref<80x128xi32, #tpu.memory_space<vmem>> -> memref<1x128xi32, #tpu.memory_space<vmem>>
          %dma_wait3A_307 = tpu.memref_squeeze %dma_wait3A_306 : memref<1x128xi32, #tpu.memory_space<vmem>> -> memref<128xi32, #tpu.memory_space<vmem>>
          %dma_wait3A_308 = arith.constant 0 : i32
          %dma_wait3A_309 = arith.constant 0 : i32
          %dma_wait3A_310 = tpu.memref_slice %arg17[%dma_wait3A_308, %dma_wait3A_309] : memref<10112x8xf32, #tpu.memory_space<vmem_shared>> -> memref<10112x8xf32, #tpu.memory_space<vmem_shared>>
          tpu.wait_indirect_dma semaphore(%arg28 : memref<!tpu.dma_semaphore, #tpu.memory_space<semaphore_mem>>) src(%arg11 : memref<128x8xf32, #tpu.memory_space<vmem>>) dst(%dma_wait3A_310 : memref<10112x8xf32, #tpu.memory_space<vmem_shared>>)
        } else {
        }
        %dma_start3A_299 = arith.constant 0 : i32
        %dma_start3A_300 = tpu.memref_slice %arg7[%add3A_268, %dma_start3A_299] : memref<80x128xi32, #tpu.memory_space<vmem>> -> memref<1x128xi32, #tpu.memory_space<vmem>>
        %dma_start3A_301 = tpu.memref_squeeze %dma_start3A_300 : memref<1x128xi32, #tpu.memory_space<vmem>> -> memref<128xi32, #tpu.memory_space<vmem>>
        %dma_start3A_302 = arith.constant 0 : i32
        %dma_start3A_303 = arith.constant 0 : i32
        %dma_start3A_304 = tpu.memref_slice %arg2[%dma_start3A_302, %dma_start3A_303] : memref<10112x8xf32, #tpu.memory_space<hbm>> -> memref<10112x8xf32, #tpu.memory_space<hbm>>
        tpu.enqueue_indirect_dma source(%dma_start3A_304 : memref<10112x8xf32, #tpu.memory_space<hbm>>) target(%arg11 : memref<128x8xf32, #tpu.memory_space<vmem>>) offsets(%dma_start3A_301 : memref<128xi32, #tpu.memory_space<vmem>>) semaphore(%arg20 : memref<!tpu.dma_semaphore, #tpu.memory_space<semaphore_mem>>)
      } else {
      }
      %mul3A_273 = arith.constant 8 : i32
      %mul3A_274 = arith.muli %mul3A_273, %while3A_121 : i32
      %add3A_275 = arith.constant 7 : i32
      %add3A_276 = arith.addi %mul3A_274, %add3A_275 : i32
      %dma_wait3A_277 = arith.constant 0 : i32
      %dma_wait3A_278 = tpu.memref_slice %arg7[%add3A_276, %dma_wait3A_277] : memref<80x128xi32, #tpu.memory_space<vmem>> -> memref<1x128xi32, #tpu.memory_space<vmem>>
      %dma_wait3A_279 = tpu.memref_squeeze %dma_wait3A_278 : memref<1x128xi32, #tpu.memory_space<vmem>> -> memref<128xi32, #tpu.memory_space<vmem>>
      %dma_wait3A_280 = arith.constant 0 : i32
      %dma_wait3A_281 = arith.constant 0 : i32
      %dma_wait3A_282 = tpu.memref_slice %arg2[%dma_wait3A_280, %dma_wait3A_281] : memref<10112x8xf32, #tpu.memory_space<hbm>> -> memref<10112x8xf32, #tpu.memory_space<hbm>>
      tpu.wait_indirect_dma semaphore(%arg25 : memref<!tpu.dma_semaphore, #tpu.memory_space<semaphore_mem>>) src(%dma_wait3A_282 : memref<10112x8xf32, #tpu.memory_space<hbm>>) dst(%arg16 : memref<128x8xf32, #tpu.memory_space<vmem>>)
      %dma_start3A_283 = arith.constant 0 : i32
      %dma_start3A_284 = tpu.memref_slice %arg8[%add3A_276, %dma_start3A_283] : memref<80x128xi32, #tpu.memory_space<vmem>> -> memref<1x128xi32, #tpu.memory_space<vmem>>
      %dma_start3A_285 = tpu.memref_squeeze %dma_start3A_284 : memref<1x128xi32, #tpu.memory_space<vmem>> -> memref<128xi32, #tpu.memory_space<vmem>>
      %dma_start3A_286 = arith.constant 0 : i32
      %dma_start3A_287 = arith.constant 0 : i32
      %dma_start3A_288 = tpu.memref_slice %arg17[%dma_start3A_286, %dma_start3A_287] : memref<10112x8xf32, #tpu.memory_space<vmem_shared>> -> memref<10112x8xf32, #tpu.memory_space<vmem_shared>>
      tpu.enqueue_indirect_dma source(%arg16 : memref<128x8xf32, #tpu.memory_space<vmem>>) target(%dma_start3A_288 : memref<10112x8xf32, #tpu.memory_space<vmem_shared>>) offsets(%dma_start3A_285 : memref<128xi32, #tpu.memory_space<vmem>>) semaphore(%arg33 : memref<!tpu.dma_semaphore, #tpu.memory_space<semaphore_mem>>) {add = true}
      %add3A_289 = arith.constant 4 : i32
      %add3A_290 = arith.addi %add3A_276, %add3A_289 : i32
      %lt3A_291 = arith.cmpi slt, %add3A_290, %select_n3A : i32
      %convert_element_type3A_292 = arith.extui %lt3A_291 : i1 to i32
      %cond3A_293 = arith.constant 0 : i32
      %cond3A_294 = arith.cmpi ne, %convert_element_type3A_292, %cond3A_293 : i32
      scf.if %cond3A_294 {
        %ge3A = arith.constant 8 : i32
        %ge3A_295 = arith.cmpi sge, %add3A_290, %ge3A : i32
        %convert_element_type3A_296 = arith.extui %ge3A_295 : i1 to i32
        %cond3A_297 = arith.constant 0 : i32
        %cond3A_298 = arith.cmpi ne, %convert_element_type3A_296, %cond3A_297 : i32
        scf.if %cond3A_298 {
          %dma_wait3A_305 = arith.constant 0 : i32
          %dma_wait3A_306 = tpu.memref_slice %arg8[%add3A_276, %dma_wait3A_305] : memref<80x128xi32, #tpu.memory_space<vmem>> -> memref<1x128xi32, #tpu.memory_space<vmem>>
          %dma_wait3A_307 = tpu.memref_squeeze %dma_wait3A_306 : memref<1x128xi32, #tpu.memory_space<vmem>> -> memref<128xi32, #tpu.memory_space<vmem>>
          %dma_wait3A_308 = arith.constant 0 : i32
          %dma_wait3A_309 = arith.constant 0 : i32
          %dma_wait3A_310 = tpu.memref_slice %arg17[%dma_wait3A_308, %dma_wait3A_309] : memref<10112x8xf32, #tpu.memory_space<vmem_shared>> -> memref<10112x8xf32, #tpu.memory_space<vmem_shared>>
          tpu.wait_indirect_dma semaphore(%arg29 : memref<!tpu.dma_semaphore, #tpu.memory_space<semaphore_mem>>) src(%arg12 : memref<128x8xf32, #tpu.memory_space<vmem>>) dst(%dma_wait3A_310 : memref<10112x8xf32, #tpu.memory_space<vmem_shared>>)
        } else {
        }
        %dma_start3A_299 = arith.constant 0 : i32
        %dma_start3A_300 = tpu.memref_slice %arg7[%add3A_290, %dma_start3A_299] : memref<80x128xi32, #tpu.memory_space<vmem>> -> memref<1x128xi32, #tpu.memory_space<vmem>>
        %dma_start3A_301 = tpu.memref_squeeze %dma_start3A_300 : memref<1x128xi32, #tpu.memory_space<vmem>> -> memref<128xi32, #tpu.memory_space<vmem>>
        %dma_start3A_302 = arith.constant 0 : i32
        %dma_start3A_303 = arith.constant 0 : i32
        %dma_start3A_304 = tpu.memref_slice %arg2[%dma_start3A_302, %dma_start3A_303] : memref<10112x8xf32, #tpu.memory_space<hbm>> -> memref<10112x8xf32, #tpu.memory_space<hbm>>
        tpu.enqueue_indirect_dma source(%dma_start3A_304 : memref<10112x8xf32, #tpu.memory_space<hbm>>) target(%arg12 : memref<128x8xf32, #tpu.memory_space<vmem>>) offsets(%dma_start3A_301 : memref<128xi32, #tpu.memory_space<vmem>>) semaphore(%arg21 : memref<!tpu.dma_semaphore, #tpu.memory_space<semaphore_mem>>)
      } else {
      }
    }
    %dma_wait3A = arith.constant 0 : i32
    %dma_wait3A_61 = arith.constant 0 : i32
    %dma_wait3A_62 = tpu.memref_slice %arg8[%dma_wait3A, %dma_wait3A_61] : memref<80x128xi32, #tpu.memory_space<vmem>> -> memref<1x128xi32, #tpu.memory_space<vmem>>
    %dma_wait3A_63 = tpu.memref_squeeze %dma_wait3A_62 : memref<1x128xi32, #tpu.memory_space<vmem>> -> memref<128xi32, #tpu.memory_space<vmem>>
    %dma_wait3A_64 = arith.constant 0 : i32
    %dma_wait3A_65 = arith.constant 0 : i32
    %dma_wait3A_66 = tpu.memref_slice %arg17[%dma_wait3A_64, %dma_wait3A_65] : memref<10112x8xf32, #tpu.memory_space<vmem_shared>> -> memref<10112x8xf32, #tpu.memory_space<vmem_shared>>
    tpu.wait_indirect_dma semaphore(%arg26 : memref<!tpu.dma_semaphore, #tpu.memory_space<semaphore_mem>>) src(%arg9 : memref<128x8xf32, #tpu.memory_space<vmem>>) dst(%dma_wait3A_66 : memref<10112x8xf32, #tpu.memory_space<vmem_shared>>)
    %dma_wait3A_67 = arith.constant 0 : i32
    %dma_wait3A_68 = arith.constant 0 : i32
    %dma_wait3A_69 = tpu.memref_slice %arg8[%dma_wait3A_67, %dma_wait3A_68] : memref<80x128xi32, #tpu.memory_space<vmem>> -> memref<1x128xi32, #tpu.memory_space<vmem>>
    %dma_wait3A_70 = tpu.memref_squeeze %dma_wait3A_69 : memref<1x128xi32, #tpu.memory_space<vmem>> -> memref<128xi32, #tpu.memory_space<vmem>>
    %dma_wait3A_71 = arith.constant 0 : i32
    %dma_wait3A_72 = arith.constant 0 : i32
    %dma_wait3A_73 = tpu.memref_slice %arg17[%dma_wait3A_71, %dma_wait3A_72] : memref<10112x8xf32, #tpu.memory_space<vmem_shared>> -> memref<10112x8xf32, #tpu.memory_space<vmem_shared>>
    tpu.wait_indirect_dma semaphore(%arg27 : memref<!tpu.dma_semaphore, #tpu.memory_space<semaphore_mem>>) src(%arg10 : memref<128x8xf32, #tpu.memory_space<vmem>>) dst(%dma_wait3A_73 : memref<10112x8xf32, #tpu.memory_space<vmem_shared>>)
    %dma_wait3A_74 = arith.constant 0 : i32
    %dma_wait3A_75 = arith.constant 0 : i32
    %dma_wait3A_76 = tpu.memref_slice %arg8[%dma_wait3A_74, %dma_wait3A_75] : memref<80x128xi32, #tpu.memory_space<vmem>> -> memref<1x128xi32, #tpu.memory_space<vmem>>
    %dma_wait3A_77 = tpu.memref_squeeze %dma_wait3A_76 : memref<1x128xi32, #tpu.memory_space<vmem>> -> memref<128xi32, #tpu.memory_space<vmem>>
    %dma_wait3A_78 = arith.constant 0 : i32
    %dma_wait3A_79 = arith.constant 0 : i32
    %dma_wait3A_80 = tpu.memref_slice %arg17[%dma_wait3A_78, %dma_wait3A_79] : memref<10112x8xf32, #tpu.memory_space<vmem_shared>> -> memref<10112x8xf32, #tpu.memory_space<vmem_shared>>
    tpu.wait_indirect_dma semaphore(%arg28 : memref<!tpu.dma_semaphore, #tpu.memory_space<semaphore_mem>>) src(%arg11 : memref<128x8xf32, #tpu.memory_space<vmem>>) dst(%dma_wait3A_80 : memref<10112x8xf32, #tpu.memory_space<vmem_shared>>)
    %dma_wait3A_81 = arith.constant 0 : i32
    %dma_wait3A_82 = arith.constant 0 : i32
    %dma_wait3A_83 = tpu.memref_slice %arg8[%dma_wait3A_81, %dma_wait3A_82] : memref<80x128xi32, #tpu.memory_space<vmem>> -> memref<1x128xi32, #tpu.memory_space<vmem>>
    %dma_wait3A_84 = tpu.memref_squeeze %dma_wait3A_83 : memref<1x128xi32, #tpu.memory_space<vmem>> -> memref<128xi32, #tpu.memory_space<vmem>>
    %dma_wait3A_85 = arith.constant 0 : i32
    %dma_wait3A_86 = arith.constant 0 : i32
    %dma_wait3A_87 = tpu.memref_slice %arg17[%dma_wait3A_85, %dma_wait3A_86] : memref<10112x8xf32, #tpu.memory_space<vmem_shared>> -> memref<10112x8xf32, #tpu.memory_space<vmem_shared>>
    tpu.wait_indirect_dma semaphore(%arg29 : memref<!tpu.dma_semaphore, #tpu.memory_space<semaphore_mem>>) src(%arg12 : memref<128x8xf32, #tpu.memory_space<vmem>>) dst(%dma_wait3A_87 : memref<10112x8xf32, #tpu.memory_space<vmem_shared>>)
    %dma_wait3A_88 = arith.constant 0 : i32
    %dma_wait3A_89 = arith.constant 0 : i32
    %dma_wait3A_90 = tpu.memref_slice %arg8[%dma_wait3A_88, %dma_wait3A_89] : memref<80x128xi32, #tpu.memory_space<vmem>> -> memref<1x128xi32, #tpu.memory_space<vmem>>
    %dma_wait3A_91 = tpu.memref_squeeze %dma_wait3A_90 : memref<1x128xi32, #tpu.memory_space<vmem>> -> memref<128xi32, #tpu.memory_space<vmem>>
    %dma_wait3A_92 = arith.constant 0 : i32
    %dma_wait3A_93 = arith.constant 0 : i32
    %dma_wait3A_94 = tpu.memref_slice %arg17[%dma_wait3A_92, %dma_wait3A_93] : memref<10112x8xf32, #tpu.memory_space<vmem_shared>> -> memref<10112x8xf32, #tpu.memory_space<vmem_shared>>
    tpu.wait_indirect_dma semaphore(%arg30 : memref<!tpu.dma_semaphore, #tpu.memory_space<semaphore_mem>>) src(%arg13 : memref<128x8xf32, #tpu.memory_space<vmem>>) dst(%dma_wait3A_94 : memref<10112x8xf32, #tpu.memory_space<vmem_shared>>)
    %dma_wait3A_95 = arith.constant 0 : i32
    %dma_wait3A_96 = arith.constant 0 : i32
    %dma_wait3A_97 = tpu.memref_slice %arg8[%dma_wait3A_95, %dma_wait3A_96] : memref<80x128xi32, #tpu.memory_space<vmem>> -> memref<1x128xi32, #tpu.memory_space<vmem>>
    %dma_wait3A_98 = tpu.memref_squeeze %dma_wait3A_97 : memref<1x128xi32, #tpu.memory_space<vmem>> -> memref<128xi32, #tpu.memory_space<vmem>>
    %dma_wait3A_99 = arith.constant 0 : i32
    %dma_wait3A_100 = arith.constant 0 : i32
    %dma_wait3A_101 = tpu.memref_slice %arg17[%dma_wait3A_99, %dma_wait3A_100] : memref<10112x8xf32, #tpu.memory_space<vmem_shared>> -> memref<10112x8xf32, #tpu.memory_space<vmem_shared>>
    tpu.wait_indirect_dma semaphore(%arg31 : memref<!tpu.dma_semaphore, #tpu.memory_space<semaphore_mem>>) src(%arg14 : memref<128x8xf32, #tpu.memory_space<vmem>>) dst(%dma_wait3A_101 : memref<10112x8xf32, #tpu.memory_space<vmem_shared>>)
    %dma_wait3A_102 = arith.constant 0 : i32
    %dma_wait3A_103 = arith.constant 0 : i32
    %dma_wait3A_104 = tpu.memref_slice %arg8[%dma_wait3A_102, %dma_wait3A_103] : memref<80x128xi32, #tpu.memory_space<vmem>> -> memref<1x128xi32, #tpu.memory_space<vmem>>
    %dma_wait3A_105 = tpu.memref_squeeze %dma_wait3A_104 : memref<1x128xi32, #tpu.memory_space<vmem>> -> memref<128xi32, #tpu.memory_space<vmem>>
    %dma_wait3A_106 = arith.constant 0 : i32
    %dma_wait3A_107 = arith.constant 0 : i32
    %dma_wait3A_108 = tpu.memref_slice %arg17[%dma_wait3A_106, %dma_wait3A_107] : memref<10112x8xf32, #tpu.memory_space<vmem_shared>> -> memref<10112x8xf32, #tpu.memory_space<vmem_shared>>
    tpu.wait_indirect_dma semaphore(%arg32 : memref<!tpu.dma_semaphore, #tpu.memory_space<semaphore_mem>>) src(%arg15 : memref<128x8xf32, #tpu.memory_space<vmem>>) dst(%dma_wait3A_108 : memref<10112x8xf32, #tpu.memory_space<vmem_shared>>)
    %dma_wait3A_109 = arith.constant 0 : i32
    %dma_wait3A_110 = arith.constant 0 : i32
    %dma_wait3A_111 = tpu.memref_slice %arg8[%dma_wait3A_109, %dma_wait3A_110] : memref<80x128xi32, #tpu.memory_space<vmem>> -> memref<1x128xi32, #tpu.memory_space<vmem>>
    %dma_wait3A_112 = tpu.memref_squeeze %dma_wait3A_111 : memref<1x128xi32, #tpu.memory_space<vmem>> -> memref<128xi32, #tpu.memory_space<vmem>>
    %dma_wait3A_113 = arith.constant 0 : i32
    %dma_wait3A_114 = arith.constant 0 : i32
    %dma_wait3A_115 = tpu.memref_slice %arg17[%dma_wait3A_113, %dma_wait3A_114] : memref<10112x8xf32, #tpu.memory_space<vmem_shared>> -> memref<10112x8xf32, #tpu.memory_space<vmem_shared>>
    tpu.wait_indirect_dma semaphore(%arg33 : memref<!tpu.dma_semaphore, #tpu.memory_space<semaphore_mem>>) src(%arg16 : memref<128x8xf32, #tpu.memory_space<vmem>>) dst(%dma_wait3A_115 : memref<10112x8xf32, #tpu.memory_space<vmem_shared>>)
    %barrier3A_116 = arith.constant 0 : index
    tpu.barrier barrier_id(%barrier3A_116)
    %mul3A_117 = arith.constant 632 : i32
    %mul3A_118 = arith.muli %arg1, %mul3A_117 : i32
    %mul3A_119 = arith.constant 632 : i32
    %mul3A_120 = arith.muli %arg1, %mul3A_119 : i32
    "tpu.region"() ({
      %run_scoped3A = tpu.sem_alloc : memref<!tpu.dma_semaphore, #tpu.memory_space<semaphore_mem>>
      %dma_start3A_121 = arith.constant 0 : i32
      %dma_start3A_122 = tpu.memref_slice %arg6[%arg0, %mul3A_120, %dma_start3A_121] : memref<2x10112x8xf32, #tpu.memory_space<hbm>> -> memref<1x632x8xf32, #tpu.memory_space<hbm>>
      %dma_start3A_123 = tpu.memref_squeeze %dma_start3A_122 : memref<1x632x8xf32, #tpu.memory_space<hbm>> -> memref<632x8xf32, #tpu.memory_space<hbm>>
      %dma_start3A_124 = arith.constant 0 : i32
      %dma_start3A_125 = tpu.memref_slice %arg17[%mul3A_118, %dma_start3A_124] : memref<10112x8xf32, #tpu.memory_space<vmem_shared>> -> memref<632x8xf32, #tpu.memory_space<vmem_shared>>
      tpu.enqueue_dma source(%dma_start3A_125 : memref<632x8xf32, #tpu.memory_space<vmem_shared>>) target(%dma_start3A_123 : memref<632x8xf32, #tpu.memory_space<hbm>>) target_semaphore(%run_scoped3A : memref<!tpu.dma_semaphore, #tpu.memory_space<semaphore_mem>>)
      %dma_wait3A_126 = arith.constant 0 : i32
      %dma_wait3A_127 = tpu.memref_slice %arg6[%arg0, %mul3A_120, %dma_wait3A_126] : memref<2x10112x8xf32, #tpu.memory_space<hbm>> -> memref<1x632x8xf32, #tpu.memory_space<hbm>>
      %dma_wait3A_128 = tpu.memref_squeeze %dma_wait3A_127 : memref<1x632x8xf32, #tpu.memory_space<hbm>> -> memref<632x8xf32, #tpu.memory_space<hbm>>
      %dma_wait3A_129 = arith.constant 0 : i32
      %dma_wait3A_130 = tpu.memref_slice %arg17[%mul3A_118, %dma_wait3A_129] : memref<10112x8xf32, #tpu.memory_space<vmem_shared>> -> memref<632x8xf32, #tpu.memory_space<vmem_shared>>
      tpu.wait_dma2 semaphore(%run_scoped3A : memref<!tpu.dma_semaphore, #tpu.memory_space<semaphore_mem>>) src(%dma_wait3A_130 : memref<632x8xf32, #tpu.memory_space<vmem_shared>>) dst(%dma_wait3A_128 : memref<632x8xf32, #tpu.memory_space<hbm>>)
      tpu.yield
    }) : () -> ()
    return
  }
}

#map = affine_map<(d0, d1) -> (0, 0)>
#map1 = affine_map<(d0, d1) -> (0, 0, 0)>
module attributes {stable_mosaic.version = 14 : i64} {
  func.func @body(%arg0: i32, %arg1: i32, %arg2: memref<10112x8xf32, #tpu.memory_space<hbm>>, %arg3: memref<32x80x128xi32, #tpu.memory_space<hbm>>, %arg4: memref<32x80x128xi32, #tpu.memory_space<hbm>>, %arg5: memref<10112x8xf32, #tpu.memory_space<hbm>>, %arg6: memref<2x10112x8xf32, #tpu.memory_space<hbm>>, %arg7: memref<80x128xi32, #tpu.memory_space<vmem>>, %arg8: memref<80x128xi32, #tpu.memory_space<vmem>>, %arg9: memref<128x8xf32, #tpu.memory_space<vmem>>, %arg10: memref<128x8xf32, #tpu.memory_space<vmem>>, %arg11: memref<128x8xf32, #tpu.memory_space<vmem>>, %arg12: memref<128x8xf32, #tpu.memory_space<vmem>>, %arg13: memref<128x8xf32, #tpu.memory_space<vmem>>, %arg14: memref<128x8xf32, #tpu.memory_space<vmem>>, %arg15: memref<128x8xf32, #tpu.memory_space<vmem>>, %arg16: memref<128x8xf32, #tpu.memory_space<vmem>>, %arg17: memref<10112x8xf32, #tpu.memory_space<vmem_shared>>, %arg18: memref<!tpu.dma_semaphore, #tpu.memory_space<semaphore_mem>>, %arg19: memref<!tpu.dma_semaphore, #tpu.memory_space<semaphore_mem>>, %arg20: memref<!tpu.dma_semaphore, #tpu.memory_space<semaphore_mem>>, %arg21: memref<!tpu.dma_semaphore, #tpu.memory_space<semaphore_mem>>, %arg22: memref<!tpu.dma_semaphore, #tpu.memory_space<semaphore_mem>>, %arg23: memref<!tpu.dma_semaphore, #tpu.memory_space<semaphore_mem>>, %arg24: memref<!tpu.dma_semaphore, #tpu.memory_space<semaphore_mem>>, %arg25: memref<!tpu.dma_semaphore, #tpu.memory_space<semaphore_mem>>, %arg26: memref<!tpu.dma_semaphore, #tpu.memory_space<semaphore_mem>>, %arg27: memref<!tpu.dma_semaphore, #tpu.memory_space<semaphore_mem>>, %arg28: memref<!tpu.dma_semaphore, #tpu.memory_space<semaphore_mem>>, %arg29: memref<!tpu.dma_semaphore, #tpu.memory_space<semaphore_mem>>, %arg30: memref<!tpu.dma_semaphore, #tpu.memory_space<semaphore_mem>>, %arg31: memref<!tpu.dma_semaphore, #tpu.memory_space<semaphore_mem>>, %arg32: memref<!tpu.dma_semaphore, #tpu.memory_space<semaphore_mem>>, %arg33: memref<!tpu.dma_semaphore, #tpu.memory_space<semaphore_mem>>) attributes {dimension_semantics = [#tpu.dimension_semantics<core_parallel>, #tpu.dimension_semantics<subcore_parallel>], iteration_bounds = array<i64: 2, 16>, scalar_prefetch = 0 : i64, scratch_operands = 27 : i64, tpu.core_type = #tpu.core_type<sc_vector_subcore>, window_params = [{transform_indices = #map}, {transform_indices = #map1}, {transform_indices = #map1}, {transform_indices = #map}, {transform_indices = #map1}]} {
    %mul3A = arith.constant 16 : i32
    %mul3A_0 = arith.muli %arg0, %mul3A : i32
    %add3A = arith.addi %mul3A_0, %arg1 : i32
    %eq3A = arith.constant 0 : i32
    %eq3A_1 = arith.cmpi eq, %arg0, %eq3A : i32
    %jit3A = arith.constant 80 : i32
    %jit3A_2 = arith.constant 80 : i32
    %select_n3A = arith.select %eq3A_1, %jit3A, %jit3A_2 : i32
    "tpu.region"() ({
      %run_scoped3A = tpu.sem_alloc : memref<!tpu.dma_semaphore, #tpu.memory_space<semaphore_mem>>
      %dma_start3A_121 = arith.constant 0 : i32
      %dma_start3A_122 = arith.constant 0 : i32
      %dma_start3A_123 = tpu.memref_slice %arg3[%add3A, %dma_start3A_121, %dma_start3A_122] : memref<32x80x128xi32, #tpu.memory_space<hbm>> -> memref<1x80x128xi32, #tpu.memory_space<hbm>>
      %dma_start3A_124 = tpu.memref_squeeze %dma_start3A_123 : memref<1x80x128xi32, #tpu.memory_space<hbm>> -> memref<80x128xi32, #tpu.memory_space<hbm>>
      %dma_start3A_125 = arith.constant 0 : i32
      %dma_start3A_126 = arith.constant 0 : i32
      %dma_start3A_127 = tpu.memref_slice %arg3[%add3A, %dma_start3A_125, %dma_start3A_126] : memref<32x80x128xi32, #tpu.memory_space<hbm>> -> memref<1x80x128xi32, #tpu.memory_space<hbm>>
      %dma_start3A_128 = tpu.memref_squeeze %dma_start3A_127 : memref<1x80x128xi32, #tpu.memory_space<hbm>> -> memref<80x128xi32, #tpu.memory_space<hbm>>
      tpu.enqueue_dma source(%dma_start3A_128 : memref<80x128xi32, #tpu.memory_space<hbm>>) target(%arg7 : memref<80x128xi32, #tpu.memory_space<vmem>>) target_semaphore(%run_scoped3A : memref<!tpu.dma_semaphore, #tpu.memory_space<semaphore_mem>>)
      %dma_wait3A_129 = arith.constant 0 : i32
      %dma_wait3A_130 = arith.constant 0 : i32
      %dma_wait3A_131 = tpu.memref_slice %arg3[%add3A, %dma_wait3A_129, %dma_wait3A_130] : memref<32x80x128xi32, #tpu.memory_space<hbm>> -> memref<1x80x128xi32, #tpu.memory_space<hbm>>
      %dma_wait3A_132 = tpu.memref_squeeze %dma_wait3A_131 : memref<1x80x128xi32, #tpu.memory_space<hbm>> -> memref<80x128xi32, #tpu.memory_space<hbm>>
      %dma_wait3A_133 = arith.constant 0 : i32
      %dma_wait3A_134 = arith.constant 0 : i32
      %dma_wait3A_135 = tpu.memref_slice %arg3[%add3A, %dma_wait3A_133, %dma_wait3A_134] : memref<32x80x128xi32, #tpu.memory_space<hbm>> -> memref<1x80x128xi32, #tpu.memory_space<hbm>>
      %dma_wait3A_136 = tpu.memref_squeeze %dma_wait3A_135 : memref<1x80x128xi32, #tpu.memory_space<hbm>> -> memref<80x128xi32, #tpu.memory_space<hbm>>
      tpu.wait_dma2 semaphore(%run_scoped3A : memref<!tpu.dma_semaphore, #tpu.memory_space<semaphore_mem>>) src(%dma_wait3A_136 : memref<80x128xi32, #tpu.memory_space<hbm>>) dst(%arg7 : memref<80x128xi32, #tpu.memory_space<vmem>>)
      tpu.yield
    }) : () -> ()
    "tpu.region"() ({
      %run_scoped3A = tpu.sem_alloc : memref<!tpu.dma_semaphore, #tpu.memory_space<semaphore_mem>>
      %dma_start3A_121 = arith.constant 0 : i32
      %dma_start3A_122 = arith.constant 0 : i32
      %dma_start3A_123 = tpu.memref_slice %arg4[%add3A, %dma_start3A_121, %dma_start3A_122] : memref<32x80x128xi32, #tpu.memory_space<hbm>> -> memref<1x80x128xi32, #tpu.memory_space<hbm>>
      %dma_start3A_124 = tpu.memref_squeeze %dma_start3A_123 : memref<1x80x128xi32, #tpu.memory_space<hbm>> -> memref<80x128xi32, #tpu.memory_space<hbm>>
      %dma_start3A_125 = arith.constant 0 : i32
      %dma_start3A_126 = arith.constant 0 : i32
      %dma_start3A_127 = tpu.memref_slice %arg4[%add3A, %dma_start3A_125, %dma_start3A_126] : memref<32x80x128xi32, #tpu.memory_space<hbm>> -> memref<1x80x128xi32, #tpu.memory_space<hbm>>
      %dma_start3A_128 = tpu.memref_squeeze %dma_start3A_127 : memref<1x80x128xi32, #tpu.memory_space<hbm>> -> memref<80x128xi32, #tpu.memory_space<hbm>>
      tpu.enqueue_dma source(%dma_start3A_128 : memref<80x128xi32, #tpu.memory_space<hbm>>) target(%arg8 : memref<80x128xi32, #tpu.memory_space<vmem>>) target_semaphore(%run_scoped3A : memref<!tpu.dma_semaphore, #tpu.memory_space<semaphore_mem>>)
      %dma_wait3A_129 = arith.constant 0 : i32
      %dma_wait3A_130 = arith.constant 0 : i32
      %dma_wait3A_131 = tpu.memref_slice %arg4[%add3A, %dma_wait3A_129, %dma_wait3A_130] : memref<32x80x128xi32, #tpu.memory_space<hbm>> -> memref<1x80x128xi32, #tpu.memory_space<hbm>>
      %dma_wait3A_132 = tpu.memref_squeeze %dma_wait3A_131 : memref<1x80x128xi32, #tpu.memory_space<hbm>> -> memref<80x128xi32, #tpu.memory_space<hbm>>
      %dma_wait3A_133 = arith.constant 0 : i32
      %dma_wait3A_134 = arith.constant 0 : i32
      %dma_wait3A_135 = tpu.memref_slice %arg4[%add3A, %dma_wait3A_133, %dma_wait3A_134] : memref<32x80x128xi32, #tpu.memory_space<hbm>> -> memref<1x80x128xi32, #tpu.memory_space<hbm>>
      %dma_wait3A_136 = tpu.memref_squeeze %dma_wait3A_135 : memref<1x80x128xi32, #tpu.memory_space<hbm>> -> memref<80x128xi32, #tpu.memory_space<hbm>>
      tpu.wait_dma2 semaphore(%run_scoped3A : memref<!tpu.dma_semaphore, #tpu.memory_space<semaphore_mem>>) src(%dma_wait3A_136 : memref<80x128xi32, #tpu.memory_space<hbm>>) dst(%arg8 : memref<80x128xi32, #tpu.memory_space<vmem>>)
      tpu.yield
    }) : () -> ()
    %mul3A_3 = arith.constant 632 : i32
    %mul3A_4 = arith.muli %arg1, %mul3A_3 : i32
    %mul3A_5 = arith.constant 632 : i32
    %mul3A_6 = arith.muli %arg1, %mul3A_5 : i32
    "tpu.region"() ({
      %run_scoped3A = tpu.sem_alloc : memref<!tpu.dma_semaphore, #tpu.memory_space<semaphore_mem>>
      %dma_start3A_121 = arith.constant 0 : i32
      %dma_start3A_122 = tpu.memref_slice %arg17[%mul3A_6, %dma_start3A_121] : memref<10112x8xf32, #tpu.memory_space<vmem_shared>> -> memref<632x8xf32, #tpu.memory_space<vmem_shared>>
      %dma_start3A_123 = arith.constant 0 : i32
      %dma_start3A_124 = tpu.memref_slice %arg5[%mul3A_4, %dma_start3A_123] : memref<10112x8xf32, #tpu.memory_space<hbm>> -> memref<632x8xf32, #tpu.memory_space<hbm>>
      tpu.enqueue_dma source(%dma_start3A_124 : memref<632x8xf32, #tpu.memory_space<hbm>>) target(%dma_start3A_122 : memref<632x8xf32, #tpu.memory_space<vmem_shared>>) target_semaphore(%run_scoped3A : memref<!tpu.dma_semaphore, #tpu.memory_space<semaphore_mem>>)
      %dma_wait3A_125 = arith.constant 0 : i32
      %dma_wait3A_126 = tpu.memref_slice %arg17[%mul3A_6, %dma_wait3A_125] : memref<10112x8xf32, #tpu.memory_space<vmem_shared>> -> memref<632x8xf32, #tpu.memory_space<vmem_shared>>
      %dma_wait3A_127 = arith.constant 0 : i32
      %dma_wait3A_128 = tpu.memref_slice %arg5[%mul3A_4, %dma_wait3A_127] : memref<10112x8xf32, #tpu.memory_space<hbm>> -> memref<632x8xf32, #tpu.memory_space<hbm>>
      tpu.wait_dma2 semaphore(%run_scoped3A : memref<!tpu.dma_semaphore, #tpu.memory_space<semaphore_mem>>) src(%dma_wait3A_128 : memref<632x8xf32, #tpu.memory_space<hbm>>) dst(%dma_wait3A_126 : memref<632x8xf32, #tpu.memory_space<vmem_shared>>)
      tpu.yield
    }) : () -> ()
    %barrier3A = arith.constant 0 : index
    tpu.barrier barrier_id(%barrier3A)
    %dma_start3A = arith.constant 0 : i32
    %dma_start3A_7 = arith.constant 0 : i32
    %dma_start3A_8 = tpu.memref_slice %arg7[%dma_start3A, %dma_start3A_7] : memref<80x128xi32, #tpu.memory_space<vmem>> -> memref<1x128xi32, #tpu.memory_space<vmem>>
    %dma_start3A_9 = tpu.memref_squeeze %dma_start3A_8 : memref<1x128xi32, #tpu.memory_space<vmem>> -> memref<128xi32, #tpu.memory_space<vmem>>
    %dma_start3A_10 = arith.constant 0 : i32
    %dma_start3A_11 = arith.constant 0 : i32
    %dma_start3A_12 = tpu.memref_slice %arg2[%dma_start3A_10, %dma_start3A_11] : memref<10112x8xf32, #tpu.memory_space<hbm>> -> memref<10112x8xf32, #tpu.memory_space<hbm>>
    tpu.enqueue_indirect_dma source(%dma_start3A_12 : memref<10112x8xf32, #tpu.memory_space<hbm>>) target(%arg9 : memref<128x8xf32, #tpu.memory_space<vmem>>) offsets(%dma_start3A_9 : memref<128xi32, #tpu.memory_space<vmem>>) semaphore(%arg18 : memref<!tpu.dma_semaphore, #tpu.memory_space<semaphore_mem>>)
    %dma_start3A_13 = arith.constant 1 : i32
    %dma_start3A_14 = arith.constant 0 : i32
    %dma_start3A_15 = tpu.memref_slice %arg7[%dma_start3A_13, %dma_start3A_14] : memref<80x128xi32, #tpu.memory_space<vmem>> -> memref<1x128xi32, #tpu.memory_space<vmem>>
    %dma_start3A_16 = tpu.memref_squeeze %dma_start3A_15 : memref<1x128xi32, #tpu.memory_space<vmem>> -> memref<128xi32, #tpu.memory_space<vmem>>
    %dma_start3A_17 = arith.constant 0 : i32
    %dma_start3A_18 = arith.constant 0 : i32
    %dma_start3A_19 = tpu.memref_slice %arg2[%dma_start3A_17, %dma_start3A_18] : memref<10112x8xf32, #tpu.memory_space<hbm>> -> memref<10112x8xf32, #tpu.memory_space<hbm>>
    tpu.enqueue_indirect_dma source(%dma_start3A_19 : memref<10112x8xf32, #tpu.memory_space<hbm>>) target(%arg10 : memref<128x8xf32, #tpu.memory_space<vmem>>) offsets(%dma_start3A_16 : memref<128xi32, #tpu.memory_space<vmem>>) semaphore(%arg19 : memref<!tpu.dma_semaphore, #tpu.memory_space<semaphore_mem>>)
    %dma_start3A_20 = arith.constant 2 : i32
    %dma_start3A_21 = arith.constant 0 : i32
    %dma_start3A_22 = tpu.memref_slice %arg7[%dma_start3A_20, %dma_start3A_21] : memref<80x128xi32, #tpu.memory_space<vmem>> -> memref<1x128xi32, #tpu.memory_space<vmem>>
    %dma_start3A_23 = tpu.memref_squeeze %dma_start3A_22 : memref<1x128xi32, #tpu.memory_space<vmem>> -> memref<128xi32, #tpu.memory_space<vmem>>
    %dma_start3A_24 = arith.constant 0 : i32
    %dma_start3A_25 = arith.constant 0 : i32
    %dma_start3A_26 = tpu.memref_slice %arg2[%dma_start3A_24, %dma_start3A_25] : memref<10112x8xf32, #tpu.memory_space<hbm>> -> memref<10112x8xf32, #tpu.memory_space<hbm>>
    tpu.enqueue_indirect_dma source(%dma_start3A_26 : memref<10112x8xf32, #tpu.memory_space<hbm>>) target(%arg11 : memref<128x8xf32, #tpu.memory_space<vmem>>) offsets(%dma_start3A_23 : memref<128xi32, #tpu.memory_space<vmem>>) semaphore(%arg20 : memref<!tpu.dma_semaphore, #tpu.memory_space<semaphore_mem>>)
    %dma_start3A_27 = arith.constant 3 : i32
    %dma_start3A_28 = arith.constant 0 : i32
    %dma_start3A_29 = tpu.memref_slice %arg7[%dma_start3A_27, %dma_start3A_28] : memref<80x128xi32, #tpu.memory_space<vmem>> -> memref<1x128xi32, #tpu.memory_space<vmem>>
    %dma_start3A_30 = tpu.memref_squeeze %dma_start3A_29 : memref<1x128xi32, #tpu.memory_space<vmem>> -> memref<128xi32, #tpu.memory_space<vmem>>
    %dma_start3A_31 = arith.constant 0 : i32
    %dma_start3A_32 = arith.constant 0 : i32
    %dma_start3A_33 = tpu.memref_slice %arg2[%dma_start3A_31, %dma_start3A_32] : memref<10112x8xf32, #tpu.memory_space<hbm>> -> memref<10112x8xf32, #tpu.memory_space<hbm>>
    tpu.enqueue_indirect_dma source(%dma_start3A_33 : memref<10112x8xf32, #tpu.memory_space<hbm>>) target(%arg12 : memref<128x8xf32, #tpu.memory_space<vmem>>) offsets(%dma_start3A_30 : memref<128xi32, #tpu.memory_space<vmem>>) semaphore(%arg21 : memref<!tpu.dma_semaphore, #tpu.memory_space<semaphore_mem>>)
    %jit3A_34 = arith.constant 8 : i32
    %div3A = arith.divsi %select_n3A, %jit3A_34 : i32
    %sign3A = arith.constant 0 : i32
    %sign3A_35 = arith.cmpi sgt, %select_n3A, %sign3A : i32
    %sign3A_36 = arith.extui %sign3A_35 : i1 to i32
    %sign3A_37 = arith.constant 0 : i32
    %sign3A_38 = arith.cmpi slt, %select_n3A, %sign3A_37 : i32
    %sign3A_39 = arith.extui %sign3A_38 : i1 to i32
    %sign3A_40 = arith.subi %sign3A_36, %sign3A_39 : i32
    %sign3A_41 = arith.constant 0 : i32
    %sign3A_42 = arith.cmpi sgt, %jit3A_34, %sign3A_41 : i32
    %sign3A_43 = arith.extui %sign3A_42 : i1 to i32
    %sign3A_44 = arith.constant 0 : i32
    %sign3A_45 = arith.cmpi slt, %jit3A_34, %sign3A_44 : i32
    %sign3A_46 = arith.extui %sign3A_45 : i1 to i32
    %sign3A_47 = arith.subi %sign3A_43, %sign3A_46 : i32
    %ne3A = arith.cmpi ne, %sign3A_40, %sign3A_47 : i32
    %rem3A = arith.remsi %select_n3A, %jit3A_34 : i32
    %ne3A_48 = arith.constant 0 : i32
    %ne3A_49 = arith.cmpi ne, %rem3A, %ne3A_48 : i32
    %and3A = arith.andi %ne3A, %ne3A_49 : i1
    %sub3A = arith.constant 1 : i32
    %sub3A_50 = arith.subi %div3A, %sub3A : i32
    %select_n3A_51 = arith.select %and3A, %sub3A_50, %div3A : i32
    %while3A = arith.constant 0 : i32
    %while3A_52 = arith.constant 0 : i32
    %while3A_53 = arith.subi %select_n3A_51, %while3A_52 : i32
    %while3A_54 = arith.addi %while3A_52, %while3A_53 : i32
    %while3A_55 = arith.constant 1 : i32
    %while3A_56 = arith.divsi %while3A_53, %while3A_55 : i32
    %while3A_57 = arith.muli %while3A_56, %while3A_55 : i32
    %while3A_58 = arith.addi %while3A_52, %while3A_57 : i32
    %while3A_59 = arith.constant 1 : i32
    scf.for %while3A_121 = %while3A_52 to %while3A_58 step %while3A_59  : i32 {
      %mul3A_122 = arith.constant 8 : i32
      %mul3A_123 = arith.muli %mul3A_122, %while3A_121 : i32
      %add3A_124 = arith.constant 0 : i32
      %add3A_125 = arith.addi %mul3A_123, %add3A_124 : i32
      %dma_wait3A_126 = arith.constant 0 : i32
      %dma_wait3A_127 = tpu.memref_slice %arg7[%add3A_125, %dma_wait3A_126] : memref<80x128xi32, #tpu.memory_space<vmem>> -> memref<1x128xi32, #tpu.memory_space<vmem>>
      %dma_wait3A_128 = tpu.memref_squeeze %dma_wait3A_127 : memref<1x128xi32, #tpu.memory_space<vmem>> -> memref<128xi32, #tpu.memory_space<vmem>>
      %dma_wait3A_129 = arith.constant 0 : i32
      %dma_wait3A_130 = arith.constant 0 : i32
      %dma_wait3A_131 = tpu.memref_slice %arg2[%dma_wait3A_129, %dma_wait3A_130] : memref<10112x8xf32, #tpu.memory_space<hbm>> -> memref<10112x8xf32, #tpu.memory_space<hbm>>
      tpu.wait_indirect_dma semaphore(%arg18 : memref<!tpu.dma_semaphore, #tpu.memory_space<semaphore_mem>>) src(%dma_wait3A_131 : memref<10112x8xf32, #tpu.memory_space<hbm>>) dst(%arg9 : memref<128x8xf32, #tpu.memory_space<vmem>>)
      %dma_start3A_132 = arith.constant 0 : i32
      %dma_start3A_133 = tpu.memref_slice %arg8[%add3A_125, %dma_start3A_132] : memref<80x128xi32, #tpu.memory_space<vmem>> -> memref<1x128xi32, #tpu.memory_space<vmem>>
      %dma_start3A_134 = tpu.memref_squeeze %dma_start3A_133 : memref<1x128xi32, #tpu.memory_space<vmem>> -> memref<128xi32, #tpu.memory_space<vmem>>
      %dma_start3A_135 = arith.constant 0 : i32
      %dma_start3A_136 = arith.constant 0 : i32
      %dma_start3A_137 = tpu.memref_slice %arg17[%dma_start3A_135, %dma_start3A_136] : memref<10112x8xf32, #tpu.memory_space<vmem_shared>> -> memref<10112x8xf32, #tpu.memory_space<vmem_shared>>
      tpu.enqueue_indirect_dma source(%arg9 : memref<128x8xf32, #tpu.memory_space<vmem>>) target(%dma_start3A_137 : memref<10112x8xf32, #tpu.memory_space<vmem_shared>>) offsets(%dma_start3A_134 : memref<128xi32, #tpu.memory_space<vmem>>) semaphore(%arg26 : memref<!tpu.dma_semaphore, #tpu.memory_space<semaphore_mem>>) {add = true}
      %add3A_138 = arith.constant 4 : i32
      %add3A_139 = arith.addi %add3A_125, %add3A_138 : i32
      %lt3A = arith.cmpi slt, %add3A_139, %select_n3A : i32
      %convert_element_type3A = arith.extui %lt3A : i1 to i32
      %cond3A = arith.constant 0 : i32
      %cond3A_140 = arith.cmpi ne, %convert_element_type3A, %cond3A : i32
      scf.if %cond3A_140 {
        %ge3A = arith.constant 8 : i32
        %ge3A_295 = arith.cmpi sge, %add3A_139, %ge3A : i32
        %convert_element_type3A_296 = arith.extui %ge3A_295 : i1 to i32
        %cond3A_297 = arith.constant 0 : i32
        %cond3A_298 = arith.cmpi ne, %convert_element_type3A_296, %cond3A_297 : i32
        scf.if %cond3A_298 {
          %dma_wait3A_305 = arith.constant 0 : i32
          %dma_wait3A_306 = tpu.memref_slice %arg8[%add3A_125, %dma_wait3A_305] : memref<80x128xi32, #tpu.memory_space<vmem>> -> memref<1x128xi32, #tpu.memory_space<vmem>>
          %dma_wait3A_307 = tpu.memref_squeeze %dma_wait3A_306 : memref<1x128xi32, #tpu.memory_space<vmem>> -> memref<128xi32, #tpu.memory_space<vmem>>
          %dma_wait3A_308 = arith.constant 0 : i32
          %dma_wait3A_309 = arith.constant 0 : i32
          %dma_wait3A_310 = tpu.memref_slice %arg17[%dma_wait3A_308, %dma_wait3A_309] : memref<10112x8xf32, #tpu.memory_space<vmem_shared>> -> memref<10112x8xf32, #tpu.memory_space<vmem_shared>>
          tpu.wait_indirect_dma semaphore(%arg30 : memref<!tpu.dma_semaphore, #tpu.memory_space<semaphore_mem>>) src(%arg13 : memref<128x8xf32, #tpu.memory_space<vmem>>) dst(%dma_wait3A_310 : memref<10112x8xf32, #tpu.memory_space<vmem_shared>>)
        } else {
        }
        %dma_start3A_299 = arith.constant 0 : i32
        %dma_start3A_300 = tpu.memref_slice %arg7[%add3A_139, %dma_start3A_299] : memref<80x128xi32, #tpu.memory_space<vmem>> -> memref<1x128xi32, #tpu.memory_space<vmem>>
        %dma_start3A_301 = tpu.memref_squeeze %dma_start3A_300 : memref<1x128xi32, #tpu.memory_space<vmem>> -> memref<128xi32, #tpu.memory_space<vmem>>
        %dma_start3A_302 = arith.constant 0 : i32
        %dma_start3A_303 = arith.constant 0 : i32
        %dma_start3A_304 = tpu.memref_slice %arg2[%dma_start3A_302, %dma_start3A_303] : memref<10112x8xf32, #tpu.memory_space<hbm>> -> memref<10112x8xf32, #tpu.memory_space<hbm>>
        tpu.enqueue_indirect_dma source(%dma_start3A_304 : memref<10112x8xf32, #tpu.memory_space<hbm>>) target(%arg13 : memref<128x8xf32, #tpu.memory_space<vmem>>) offsets(%dma_start3A_301 : memref<128xi32, #tpu.memory_space<vmem>>) semaphore(%arg22 : memref<!tpu.dma_semaphore, #tpu.memory_space<semaphore_mem>>)
      } else {
      }
      %mul3A_141 = arith.constant 8 : i32
      %mul3A_142 = arith.muli %mul3A_141, %while3A_121 : i32
      %add3A_143 = arith.constant 1 : i32
      %add3A_144 = arith.addi %mul3A_142, %add3A_143 : i32
      %dma_wait3A_145 = arith.constant 0 : i32
      %dma_wait3A_146 = tpu.memref_slice %arg7[%add3A_144, %dma_wait3A_145] : memref<80x128xi32, #tpu.memory_space<vmem>> -> memref<1x128xi32, #tpu.memory_space<vmem>>
      %dma_wait3A_147 = tpu.memref_squeeze %dma_wait3A_146 : memref<1x128xi32, #tpu.memory_space<vmem>> -> memref<128xi32, #tpu.memory_space<vmem>>
      %dma_wait3A_148 = arith.constant 0 : i32
      %dma_wait3A_149 = arith.constant 0 : i32
      %dma_wait3A_150 = tpu.memref_slice %arg2[%dma_wait3A_148, %dma_wait3A_149] : memref<10112x8xf32, #tpu.memory_space<hbm>> -> memref<10112x8xf32, #tpu.memory_space<hbm>>
      tpu.wait_indirect_dma semaphore(%arg19 : memref<!tpu.dma_semaphore, #tpu.memory_space<semaphore_mem>>) src(%dma_wait3A_150 : memref<10112x8xf32, #tpu.memory_space<hbm>>) dst(%arg10 : memref<128x8xf32, #tpu.memory_space<vmem>>)
      %dma_start3A_151 = arith.constant 0 : i32
      %dma_start3A_152 = tpu.memref_slice %arg8[%add3A_144, %dma_start3A_151] : memref<80x128xi32, #tpu.memory_space<vmem>> -> memref<1x128xi32, #tpu.memory_space<vmem>>
      %dma_start3A_153 = tpu.memref_squeeze %dma_start3A_152 : memref<1x128xi32, #tpu.memory_space<vmem>> -> memref<128xi32, #tpu.memory_space<vmem>>
      %dma_start3A_154 = arith.constant 0 : i32
      %dma_start3A_155 = arith.constant 0 : i32
      %dma_start3A_156 = tpu.memref_slice %arg17[%dma_start3A_154, %dma_start3A_155] : memref<10112x8xf32, #tpu.memory_space<vmem_shared>> -> memref<10112x8xf32, #tpu.memory_space<vmem_shared>>
      tpu.enqueue_indirect_dma source(%arg10 : memref<128x8xf32, #tpu.memory_space<vmem>>) target(%dma_start3A_156 : memref<10112x8xf32, #tpu.memory_space<vmem_shared>>) offsets(%dma_start3A_153 : memref<128xi32, #tpu.memory_space<vmem>>) semaphore(%arg27 : memref<!tpu.dma_semaphore, #tpu.memory_space<semaphore_mem>>) {add = true}
      %add3A_157 = arith.constant 4 : i32
      %add3A_158 = arith.addi %add3A_144, %add3A_157 : i32
      %lt3A_159 = arith.cmpi slt, %add3A_158, %select_n3A : i32
      %convert_element_type3A_160 = arith.extui %lt3A_159 : i1 to i32
      %cond3A_161 = arith.constant 0 : i32
      %cond3A_162 = arith.cmpi ne, %convert_element_type3A_160, %cond3A_161 : i32
      scf.if %cond3A_162 {
        %ge3A = arith.constant 8 : i32
        %ge3A_295 = arith.cmpi sge, %add3A_158, %ge3A : i32
        %convert_element_type3A_296 = arith.extui %ge3A_295 : i1 to i32
        %cond3A_297 = arith.constant 0 : i32
        %cond3A_298 = arith.cmpi ne, %convert_element_type3A_296, %cond3A_297 : i32
        scf.if %cond3A_298 {
          %dma_wait3A_305 = arith.constant 0 : i32
          %dma_wait3A_306 = tpu.memref_slice %arg8[%add3A_144, %dma_wait3A_305] : memref<80x128xi32, #tpu.memory_space<vmem>> -> memref<1x128xi32, #tpu.memory_space<vmem>>
          %dma_wait3A_307 = tpu.memref_squeeze %dma_wait3A_306 : memref<1x128xi32, #tpu.memory_space<vmem>> -> memref<128xi32, #tpu.memory_space<vmem>>
          %dma_wait3A_308 = arith.constant 0 : i32
          %dma_wait3A_309 = arith.constant 0 : i32
          %dma_wait3A_310 = tpu.memref_slice %arg17[%dma_wait3A_308, %dma_wait3A_309] : memref<10112x8xf32, #tpu.memory_space<vmem_shared>> -> memref<10112x8xf32, #tpu.memory_space<vmem_shared>>
          tpu.wait_indirect_dma semaphore(%arg31 : memref<!tpu.dma_semaphore, #tpu.memory_space<semaphore_mem>>) src(%arg14 : memref<128x8xf32, #tpu.memory_space<vmem>>) dst(%dma_wait3A_310 : memref<10112x8xf32, #tpu.memory_space<vmem_shared>>)
        } else {
        }
        %dma_start3A_299 = arith.constant 0 : i32
        %dma_start3A_300 = tpu.memref_slice %arg7[%add3A_158, %dma_start3A_299] : memref<80x128xi32, #tpu.memory_space<vmem>> -> memref<1x128xi32, #tpu.memory_space<vmem>>
        %dma_start3A_301 = tpu.memref_squeeze %dma_start3A_300 : memref<1x128xi32, #tpu.memory_space<vmem>> -> memref<128xi32, #tpu.memory_space<vmem>>
        %dma_start3A_302 = arith.constant 0 : i32
        %dma_start3A_303 = arith.constant 0 : i32
        %dma_start3A_304 = tpu.memref_slice %arg2[%dma_start3A_302, %dma_start3A_303] : memref<10112x8xf32, #tpu.memory_space<hbm>> -> memref<10112x8xf32, #tpu.memory_space<hbm>>
        tpu.enqueue_indirect_dma source(%dma_start3A_304 : memref<10112x8xf32, #tpu.memory_space<hbm>>) target(%arg14 : memref<128x8xf32, #tpu.memory_space<vmem>>) offsets(%dma_start3A_301 : memref<128xi32, #tpu.memory_space<vmem>>) semaphore(%arg23 : memref<!tpu.dma_semaphore, #tpu.memory_space<semaphore_mem>>)
      } else {
      }
      %mul3A_163 = arith.constant 8 : i32
      %mul3A_164 = arith.muli %mul3A_163, %while3A_121 : i32
      %add3A_165 = arith.constant 2 : i32
      %add3A_166 = arith.addi %mul3A_164, %add3A_165 : i32
      %dma_wait3A_167 = arith.constant 0 : i32
      %dma_wait3A_168 = tpu.memref_slice %arg7[%add3A_166, %dma_wait3A_167] : memref<80x128xi32, #tpu.memory_space<vmem>> -> memref<1x128xi32, #tpu.memory_space<vmem>>
      %dma_wait3A_169 = tpu.memref_squeeze %dma_wait3A_168 : memref<1x128xi32, #tpu.memory_space<vmem>> -> memref<128xi32, #tpu.memory_space<vmem>>
      %dma_wait3A_170 = arith.constant 0 : i32
      %dma_wait3A_171 = arith.constant 0 : i32
      %dma_wait3A_172 = tpu.memref_slice %arg2[%dma_wait3A_170, %dma_wait3A_171] : memref<10112x8xf32, #tpu.memory_space<hbm>> -> memref<10112x8xf32, #tpu.memory_space<hbm>>
      tpu.wait_indirect_dma semaphore(%arg20 : memref<!tpu.dma_semaphore, #tpu.memory_space<semaphore_mem>>) src(%dma_wait3A_172 : memref<10112x8xf32, #tpu.memory_space<hbm>>) dst(%arg11 : memref<128x8xf32, #tpu.memory_space<vmem>>)
      %dma_start3A_173 = arith.constant 0 : i32
      %dma_start3A_174 = tpu.memref_slice %arg8[%add3A_166, %dma_start3A_173] : memref<80x128xi32, #tpu.memory_space<vmem>> -> memref<1x128xi32, #tpu.memory_space<vmem>>
      %dma_start3A_175 = tpu.memref_squeeze %dma_start3A_174 : memref<1x128xi32, #tpu.memory_space<vmem>> -> memref<128xi32, #tpu.memory_space<vmem>>
      %dma_start3A_176 = arith.constant 0 : i32
      %dma_start3A_177 = arith.constant 0 : i32
      %dma_start3A_178 = tpu.memref_slice %arg17[%dma_start3A_176, %dma_start3A_177] : memref<10112x8xf32, #tpu.memory_space<vmem_shared>> -> memref<10112x8xf32, #tpu.memory_space<vmem_shared>>
      tpu.enqueue_indirect_dma source(%arg11 : memref<128x8xf32, #tpu.memory_space<vmem>>) target(%dma_start3A_178 : memref<10112x8xf32, #tpu.memory_space<vmem_shared>>) offsets(%dma_start3A_175 : memref<128xi32, #tpu.memory_space<vmem>>) semaphore(%arg28 : memref<!tpu.dma_semaphore, #tpu.memory_space<semaphore_mem>>) {add = true}
      %add3A_179 = arith.constant 4 : i32
      %add3A_180 = arith.addi %add3A_166, %add3A_179 : i32
      %lt3A_181 = arith.cmpi slt, %add3A_180, %select_n3A : i32
      %convert_element_type3A_182 = arith.extui %lt3A_181 : i1 to i32
      %cond3A_183 = arith.constant 0 : i32
      %cond3A_184 = arith.cmpi ne, %convert_element_type3A_182, %cond3A_183 : i32
      scf.if %cond3A_184 {
        %ge3A = arith.constant 8 : i32
        %ge3A_295 = arith.cmpi sge, %add3A_180, %ge3A : i32
        %convert_element_type3A_296 = arith.extui %ge3A_295 : i1 to i32
        %cond3A_297 = arith.constant 0 : i32
        %cond3A_298 = arith.cmpi ne, %convert_element_type3A_296, %cond3A_297 : i32
        scf.if %cond3A_298 {
          %dma_wait3A_305 = arith.constant 0 : i32
          %dma_wait3A_306 = tpu.memref_slice %arg8[%add3A_166, %dma_wait3A_305] : memref<80x128xi32, #tpu.memory_space<vmem>> -> memref<1x128xi32, #tpu.memory_space<vmem>>
          %dma_wait3A_307 = tpu.memref_squeeze %dma_wait3A_306 : memref<1x128xi32, #tpu.memory_space<vmem>> -> memref<128xi32, #tpu.memory_space<vmem>>
          %dma_wait3A_308 = arith.constant 0 : i32
          %dma_wait3A_309 = arith.constant 0 : i32
          %dma_wait3A_310 = tpu.memref_slice %arg17[%dma_wait3A_308, %dma_wait3A_309] : memref<10112x8xf32, #tpu.memory_space<vmem_shared>> -> memref<10112x8xf32, #tpu.memory_space<vmem_shared>>
          tpu.wait_indirect_dma semaphore(%arg32 : memref<!tpu.dma_semaphore, #tpu.memory_space<semaphore_mem>>) src(%arg15 : memref<128x8xf32, #tpu.memory_space<vmem>>) dst(%dma_wait3A_310 : memref<10112x8xf32, #tpu.memory_space<vmem_shared>>)
        } else {
        }
        %dma_start3A_299 = arith.constant 0 : i32
        %dma_start3A_300 = tpu.memref_slice %arg7[%add3A_180, %dma_start3A_299] : memref<80x128xi32, #tpu.memory_space<vmem>> -> memref<1x128xi32, #tpu.memory_space<vmem>>
        %dma_start3A_301 = tpu.memref_squeeze %dma_start3A_300 : memref<1x128xi32, #tpu.memory_space<vmem>> -> memref<128xi32, #tpu.memory_space<vmem>>
        %dma_start3A_302 = arith.constant 0 : i32
        %dma_start3A_303 = arith.constant 0 : i32
        %dma_start3A_304 = tpu.memref_slice %arg2[%dma_start3A_302, %dma_start3A_303] : memref<10112x8xf32, #tpu.memory_space<hbm>> -> memref<10112x8xf32, #tpu.memory_space<hbm>>
        tpu.enqueue_indirect_dma source(%dma_start3A_304 : memref<10112x8xf32, #tpu.memory_space<hbm>>) target(%arg15 : memref<128x8xf32, #tpu.memory_space<vmem>>) offsets(%dma_start3A_301 : memref<128xi32, #tpu.memory_space<vmem>>) semaphore(%arg24 : memref<!tpu.dma_semaphore, #tpu.memory_space<semaphore_mem>>)
      } else {
      }
      %mul3A_185 = arith.constant 8 : i32
      %mul3A_186 = arith.muli %mul3A_185, %while3A_121 : i32
      %add3A_187 = arith.constant 3 : i32
      %add3A_188 = arith.addi %mul3A_186, %add3A_187 : i32
      %dma_wait3A_189 = arith.constant 0 : i32
      %dma_wait3A_190 = tpu.memref_slice %arg7[%add3A_188, %dma_wait3A_189] : memref<80x128xi32, #tpu.memory_space<vmem>> -> memref<1x128xi32, #tpu.memory_space<vmem>>
      %dma_wait3A_191 = tpu.memref_squeeze %dma_wait3A_190 : memref<1x128xi32, #tpu.memory_space<vmem>> -> memref<128xi32, #tpu.memory_space<vmem>>
      %dma_wait3A_192 = arith.constant 0 : i32
      %dma_wait3A_193 = arith.constant 0 : i32
      %dma_wait3A_194 = tpu.memref_slice %arg2[%dma_wait3A_192, %dma_wait3A_193] : memref<10112x8xf32, #tpu.memory_space<hbm>> -> memref<10112x8xf32, #tpu.memory_space<hbm>>
      tpu.wait_indirect_dma semaphore(%arg21 : memref<!tpu.dma_semaphore, #tpu.memory_space<semaphore_mem>>) src(%dma_wait3A_194 : memref<10112x8xf32, #tpu.memory_space<hbm>>) dst(%arg12 : memref<128x8xf32, #tpu.memory_space<vmem>>)
      %dma_start3A_195 = arith.constant 0 : i32
      %dma_start3A_196 = tpu.memref_slice %arg8[%add3A_188, %dma_start3A_195] : memref<80x128xi32, #tpu.memory_space<vmem>> -> memref<1x128xi32, #tpu.memory_space<vmem>>
      %dma_start3A_197 = tpu.memref_squeeze %dma_start3A_196 : memref<1x128xi32, #tpu.memory_space<vmem>> -> memref<128xi32, #tpu.memory_space<vmem>>
      %dma_start3A_198 = arith.constant 0 : i32
      %dma_start3A_199 = arith.constant 0 : i32
      %dma_start3A_200 = tpu.memref_slice %arg17[%dma_start3A_198, %dma_start3A_199] : memref<10112x8xf32, #tpu.memory_space<vmem_shared>> -> memref<10112x8xf32, #tpu.memory_space<vmem_shared>>
      tpu.enqueue_indirect_dma source(%arg12 : memref<128x8xf32, #tpu.memory_space<vmem>>) target(%dma_start3A_200 : memref<10112x8xf32, #tpu.memory_space<vmem_shared>>) offsets(%dma_start3A_197 : memref<128xi32, #tpu.memory_space<vmem>>) semaphore(%arg29 : memref<!tpu.dma_semaphore, #tpu.memory_space<semaphore_mem>>) {add = true}
      %add3A_201 = arith.constant 4 : i32
      %add3A_202 = arith.addi %add3A_188, %add3A_201 : i32
      %lt3A_203 = arith.cmpi slt, %add3A_202, %select_n3A : i32
      %convert_element_type3A_204 = arith.extui %lt3A_203 : i1 to i32
      %cond3A_205 = arith.constant 0 : i32
      %cond3A_206 = arith.cmpi ne, %convert_element_type3A_204, %cond3A_205 : i32
      scf.if %cond3A_206 {
        %ge3A = arith.constant 8 : i32
        %ge3A_295 = arith.cmpi sge, %add3A_202, %ge3A : i32
        %convert_element_type3A_296 = arith.extui %ge3A_295 : i1 to i32
        %cond3A_297 = arith.constant 0 : i32
        %cond3A_298 = arith.cmpi ne, %convert_element_type3A_296, %cond3A_297 : i32
        scf.if %cond3A_298 {
          %dma_wait3A_305 = arith.constant 0 : i32
          %dma_wait3A_306 = tpu.memref_slice %arg8[%add3A_188, %dma_wait3A_305] : memref<80x128xi32, #tpu.memory_space<vmem>> -> memref<1x128xi32, #tpu.memory_space<vmem>>
          %dma_wait3A_307 = tpu.memref_squeeze %dma_wait3A_306 : memref<1x128xi32, #tpu.memory_space<vmem>> -> memref<128xi32, #tpu.memory_space<vmem>>
          %dma_wait3A_308 = arith.constant 0 : i32
          %dma_wait3A_309 = arith.constant 0 : i32
          %dma_wait3A_310 = tpu.memref_slice %arg17[%dma_wait3A_308, %dma_wait3A_309] : memref<10112x8xf32, #tpu.memory_space<vmem_shared>> -> memref<10112x8xf32, #tpu.memory_space<vmem_shared>>
          tpu.wait_indirect_dma semaphore(%arg33 : memref<!tpu.dma_semaphore, #tpu.memory_space<semaphore_mem>>) src(%arg16 : memref<128x8xf32, #tpu.memory_space<vmem>>) dst(%dma_wait3A_310 : memref<10112x8xf32, #tpu.memory_space<vmem_shared>>)
        } else {
        }
        %dma_start3A_299 = arith.constant 0 : i32
        %dma_start3A_300 = tpu.memref_slice %arg7[%add3A_202, %dma_start3A_299] : memref<80x128xi32, #tpu.memory_space<vmem>> -> memref<1x128xi32, #tpu.memory_space<vmem>>
        %dma_start3A_301 = tpu.memref_squeeze %dma_start3A_300 : memref<1x128xi32, #tpu.memory_space<vmem>> -> memref<128xi32, #tpu.memory_space<vmem>>
        %dma_start3A_302 = arith.constant 0 : i32
        %dma_start3A_303 = arith.constant 0 : i32
        %dma_start3A_304 = tpu.memref_slice %arg2[%dma_start3A_302, %dma_start3A_303] : memref<10112x8xf32, #tpu.memory_space<hbm>> -> memref<10112x8xf32, #tpu.memory_space<hbm>>
        tpu.enqueue_indirect_dma source(%dma_start3A_304 : memref<10112x8xf32, #tpu.memory_space<hbm>>) target(%arg16 : memref<128x8xf32, #tpu.memory_space<vmem>>) offsets(%dma_start3A_301 : memref<128xi32, #tpu.memory_space<vmem>>) semaphore(%arg25 : memref<!tpu.dma_semaphore, #tpu.memory_space<semaphore_mem>>)
      } else {
      }
      %mul3A_207 = arith.constant 8 : i32
      %mul3A_208 = arith.muli %mul3A_207, %while3A_121 : i32
      %add3A_209 = arith.constant 4 : i32
      %add3A_210 = arith.addi %mul3A_208, %add3A_209 : i32
      %dma_wait3A_211 = arith.constant 0 : i32
      %dma_wait3A_212 = tpu.memref_slice %arg7[%add3A_210, %dma_wait3A_211] : memref<80x128xi32, #tpu.memory_space<vmem>> -> memref<1x128xi32, #tpu.memory_space<vmem>>
      %dma_wait3A_213 = tpu.memref_squeeze %dma_wait3A_212 : memref<1x128xi32, #tpu.memory_space<vmem>> -> memref<128xi32, #tpu.memory_space<vmem>>
      %dma_wait3A_214 = arith.constant 0 : i32
      %dma_wait3A_215 = arith.constant 0 : i32
      %dma_wait3A_216 = tpu.memref_slice %arg2[%dma_wait3A_214, %dma_wait3A_215] : memref<10112x8xf32, #tpu.memory_space<hbm>> -> memref<10112x8xf32, #tpu.memory_space<hbm>>
      tpu.wait_indirect_dma semaphore(%arg22 : memref<!tpu.dma_semaphore, #tpu.memory_space<semaphore_mem>>) src(%dma_wait3A_216 : memref<10112x8xf32, #tpu.memory_space<hbm>>) dst(%arg13 : memref<128x8xf32, #tpu.memory_space<vmem>>)
      %dma_start3A_217 = arith.constant 0 : i32
      %dma_start3A_218 = tpu.memref_slice %arg8[%add3A_210, %dma_start3A_217] : memref<80x128xi32, #tpu.memory_space<vmem>> -> memref<1x128xi32, #tpu.memory_space<vmem>>
      %dma_start3A_219 = tpu.memref_squeeze %dma_start3A_218 : memref<1x128xi32, #tpu.memory_space<vmem>> -> memref<128xi32, #tpu.memory_space<vmem>>
      %dma_start3A_220 = arith.constant 0 : i32
      %dma_start3A_221 = arith.constant 0 : i32
      %dma_start3A_222 = tpu.memref_slice %arg17[%dma_start3A_220, %dma_start3A_221] : memref<10112x8xf32, #tpu.memory_space<vmem_shared>> -> memref<10112x8xf32, #tpu.memory_space<vmem_shared>>
      tpu.enqueue_indirect_dma source(%arg13 : memref<128x8xf32, #tpu.memory_space<vmem>>) target(%dma_start3A_222 : memref<10112x8xf32, #tpu.memory_space<vmem_shared>>) offsets(%dma_start3A_219 : memref<128xi32, #tpu.memory_space<vmem>>) semaphore(%arg30 : memref<!tpu.dma_semaphore, #tpu.memory_space<semaphore_mem>>) {add = true}
      %add3A_223 = arith.constant 4 : i32
      %add3A_224 = arith.addi %add3A_210, %add3A_223 : i32
      %lt3A_225 = arith.cmpi slt, %add3A_224, %select_n3A : i32
      %convert_element_type3A_226 = arith.extui %lt3A_225 : i1 to i32
      %cond3A_227 = arith.constant 0 : i32
      %cond3A_228 = arith.cmpi ne, %convert_element_type3A_226, %cond3A_227 : i32
      scf.if %cond3A_228 {
        %ge3A = arith.constant 8 : i32
        %ge3A_295 = arith.cmpi sge, %add3A_224, %ge3A : i32
        %convert_element_type3A_296 = arith.extui %ge3A_295 : i1 to i32
        %cond3A_297 = arith.constant 0 : i32
        %cond3A_298 = arith.cmpi ne, %convert_element_type3A_296, %cond3A_297 : i32
        scf.if %cond3A_298 {
          %dma_wait3A_305 = arith.constant 0 : i32
          %dma_wait3A_306 = tpu.memref_slice %arg8[%add3A_210, %dma_wait3A_305] : memref<80x128xi32, #tpu.memory_space<vmem>> -> memref<1x128xi32, #tpu.memory_space<vmem>>
          %dma_wait3A_307 = tpu.memref_squeeze %dma_wait3A_306 : memref<1x128xi32, #tpu.memory_space<vmem>> -> memref<128xi32, #tpu.memory_space<vmem>>
          %dma_wait3A_308 = arith.constant 0 : i32
          %dma_wait3A_309 = arith.constant 0 : i32
          %dma_wait3A_310 = tpu.memref_slice %arg17[%dma_wait3A_308, %dma_wait3A_309] : memref<10112x8xf32, #tpu.memory_space<vmem_shared>> -> memref<10112x8xf32, #tpu.memory_space<vmem_shared>>
          tpu.wait_indirect_dma semaphore(%arg26 : memref<!tpu.dma_semaphore, #tpu.memory_space<semaphore_mem>>) src(%arg9 : memref<128x8xf32, #tpu.memory_space<vmem>>) dst(%dma_wait3A_310 : memref<10112x8xf32, #tpu.memory_space<vmem_shared>>)
        } else {
        }
        %dma_start3A_299 = arith.constant 0 : i32
        %dma_start3A_300 = tpu.memref_slice %arg7[%add3A_224, %dma_start3A_299] : memref<80x128xi32, #tpu.memory_space<vmem>> -> memref<1x128xi32, #tpu.memory_space<vmem>>
        %dma_start3A_301 = tpu.memref_squeeze %dma_start3A_300 : memref<1x128xi32, #tpu.memory_space<vmem>> -> memref<128xi32, #tpu.memory_space<vmem>>
        %dma_start3A_302 = arith.constant 0 : i32
        %dma_start3A_303 = arith.constant 0 : i32
        %dma_start3A_304 = tpu.memref_slice %arg2[%dma_start3A_302, %dma_start3A_303] : memref<10112x8xf32, #tpu.memory_space<hbm>> -> memref<10112x8xf32, #tpu.memory_space<hbm>>
        tpu.enqueue_indirect_dma source(%dma_start3A_304 : memref<10112x8xf32, #tpu.memory_space<hbm>>) target(%arg9 : memref<128x8xf32, #tpu.memory_space<vmem>>) offsets(%dma_start3A_301 : memref<128xi32, #tpu.memory_space<vmem>>) semaphore(%arg18 : memref<!tpu.dma_semaphore, #tpu.memory_space<semaphore_mem>>)
      } else {
      }
      %mul3A_229 = arith.constant 8 : i32
      %mul3A_230 = arith.muli %mul3A_229, %while3A_121 : i32
      %add3A_231 = arith.constant 5 : i32
      %add3A_232 = arith.addi %mul3A_230, %add3A_231 : i32
      %dma_wait3A_233 = arith.constant 0 : i32
      %dma_wait3A_234 = tpu.memref_slice %arg7[%add3A_232, %dma_wait3A_233] : memref<80x128xi32, #tpu.memory_space<vmem>> -> memref<1x128xi32, #tpu.memory_space<vmem>>
      %dma_wait3A_235 = tpu.memref_squeeze %dma_wait3A_234 : memref<1x128xi32, #tpu.memory_space<vmem>> -> memref<128xi32, #tpu.memory_space<vmem>>
      %dma_wait3A_236 = arith.constant 0 : i32
      %dma_wait3A_237 = arith.constant 0 : i32
      %dma_wait3A_238 = tpu.memref_slice %arg2[%dma_wait3A_236, %dma_wait3A_237] : memref<10112x8xf32, #tpu.memory_space<hbm>> -> memref<10112x8xf32, #tpu.memory_space<hbm>>
      tpu.wait_indirect_dma semaphore(%arg23 : memref<!tpu.dma_semaphore, #tpu.memory_space<semaphore_mem>>) src(%dma_wait3A_238 : memref<10112x8xf32, #tpu.memory_space<hbm>>) dst(%arg14 : memref<128x8xf32, #tpu.memory_space<vmem>>)
      %dma_start3A_239 = arith.constant 0 : i32
      %dma_start3A_240 = tpu.memref_slice %arg8[%add3A_232, %dma_start3A_239] : memref<80x128xi32, #tpu.memory_space<vmem>> -> memref<1x128xi32, #tpu.memory_space<vmem>>
      %dma_start3A_241 = tpu.memref_squeeze %dma_start3A_240 : memref<1x128xi32, #tpu.memory_space<vmem>> -> memref<128xi32, #tpu.memory_space<vmem>>
      %dma_start3A_242 = arith.constant 0 : i32
      %dma_start3A_243 = arith.constant 0 : i32
      %dma_start3A_244 = tpu.memref_slice %arg17[%dma_start3A_242, %dma_start3A_243] : memref<10112x8xf32, #tpu.memory_space<vmem_shared>> -> memref<10112x8xf32, #tpu.memory_space<vmem_shared>>
      tpu.enqueue_indirect_dma source(%arg14 : memref<128x8xf32, #tpu.memory_space<vmem>>) target(%dma_start3A_244 : memref<10112x8xf32, #tpu.memory_space<vmem_shared>>) offsets(%dma_start3A_241 : memref<128xi32, #tpu.memory_space<vmem>>) semaphore(%arg31 : memref<!tpu.dma_semaphore, #tpu.memory_space<semaphore_mem>>) {add = true}
      %add3A_245 = arith.constant 4 : i32
      %add3A_246 = arith.addi %add3A_232, %add3A_245 : i32
      %lt3A_247 = arith.cmpi slt, %add3A_246, %select_n3A : i32
      %convert_element_type3A_248 = arith.extui %lt3A_247 : i1 to i32
      %cond3A_249 = arith.constant 0 : i32
      %cond3A_250 = arith.cmpi ne, %convert_element_type3A_248, %cond3A_249 : i32
      scf.if %cond3A_250 {
        %ge3A = arith.constant 8 : i32
        %ge3A_295 = arith.cmpi sge, %add3A_246, %ge3A : i32
        %convert_element_type3A_296 = arith.extui %ge3A_295 : i1 to i32
        %cond3A_297 = arith.constant 0 : i32
        %cond3A_298 = arith.cmpi ne, %convert_element_type3A_296, %cond3A_297 : i32
        scf.if %cond3A_298 {
          %dma_wait3A_305 = arith.constant 0 : i32
          %dma_wait3A_306 = tpu.memref_slice %arg8[%add3A_232, %dma_wait3A_305] : memref<80x128xi32, #tpu.memory_space<vmem>> -> memref<1x128xi32, #tpu.memory_space<vmem>>
          %dma_wait3A_307 = tpu.memref_squeeze %dma_wait3A_306 : memref<1x128xi32, #tpu.memory_space<vmem>> -> memref<128xi32, #tpu.memory_space<vmem>>
          %dma_wait3A_308 = arith.constant 0 : i32
          %dma_wait3A_309 = arith.constant 0 : i32
          %dma_wait3A_310 = tpu.memref_slice %arg17[%dma_wait3A_308, %dma_wait3A_309] : memref<10112x8xf32, #tpu.memory_space<vmem_shared>> -> memref<10112x8xf32, #tpu.memory_space<vmem_shared>>
          tpu.wait_indirect_dma semaphore(%arg27 : memref<!tpu.dma_semaphore, #tpu.memory_space<semaphore_mem>>) src(%arg10 : memref<128x8xf32, #tpu.memory_space<vmem>>) dst(%dma_wait3A_310 : memref<10112x8xf32, #tpu.memory_space<vmem_shared>>)
        } else {
        }
        %dma_start3A_299 = arith.constant 0 : i32
        %dma_start3A_300 = tpu.memref_slice %arg7[%add3A_246, %dma_start3A_299] : memref<80x128xi32, #tpu.memory_space<vmem>> -> memref<1x128xi32, #tpu.memory_space<vmem>>
        %dma_start3A_301 = tpu.memref_squeeze %dma_start3A_300 : memref<1x128xi32, #tpu.memory_space<vmem>> -> memref<128xi32, #tpu.memory_space<vmem>>
        %dma_start3A_302 = arith.constant 0 : i32
        %dma_start3A_303 = arith.constant 0 : i32
        %dma_start3A_304 = tpu.memref_slice %arg2[%dma_start3A_302, %dma_start3A_303] : memref<10112x8xf32, #tpu.memory_space<hbm>> -> memref<10112x8xf32, #tpu.memory_space<hbm>>
        tpu.enqueue_indirect_dma source(%dma_start3A_304 : memref<10112x8xf32, #tpu.memory_space<hbm>>) target(%arg10 : memref<128x8xf32, #tpu.memory_space<vmem>>) offsets(%dma_start3A_301 : memref<128xi32, #tpu.memory_space<vmem>>) semaphore(%arg19 : memref<!tpu.dma_semaphore, #tpu.memory_space<semaphore_mem>>)
      } else {
      }
      %mul3A_251 = arith.constant 8 : i32
      %mul3A_252 = arith.muli %mul3A_251, %while3A_121 : i32
      %add3A_253 = arith.constant 6 : i32
      %add3A_254 = arith.addi %mul3A_252, %add3A_253 : i32
      %dma_wait3A_255 = arith.constant 0 : i32
      %dma_wait3A_256 = tpu.memref_slice %arg7[%add3A_254, %dma_wait3A_255] : memref<80x128xi32, #tpu.memory_space<vmem>> -> memref<1x128xi32, #tpu.memory_space<vmem>>
      %dma_wait3A_257 = tpu.memref_squeeze %dma_wait3A_256 : memref<1x128xi32, #tpu.memory_space<vmem>> -> memref<128xi32, #tpu.memory_space<vmem>>
      %dma_wait3A_258 = arith.constant 0 : i32
      %dma_wait3A_259 = arith.constant 0 : i32
      %dma_wait3A_260 = tpu.memref_slice %arg2[%dma_wait3A_258, %dma_wait3A_259] : memref<10112x8xf32, #tpu.memory_space<hbm>> -> memref<10112x8xf32, #tpu.memory_space<hbm>>
      tpu.wait_indirect_dma semaphore(%arg24 : memref<!tpu.dma_semaphore, #tpu.memory_space<semaphore_mem>>) src(%dma_wait3A_260 : memref<10112x8xf32, #tpu.memory_space<hbm>>) dst(%arg15 : memref<128x8xf32, #tpu.memory_space<vmem>>)
      %dma_start3A_261 = arith.constant 0 : i32
      %dma_start3A_262 = tpu.memref_slice %arg8[%add3A_254, %dma_start3A_261] : memref<80x128xi32, #tpu.memory_space<vmem>> -> memref<1x128xi32, #tpu.memory_space<vmem>>
      %dma_start3A_263 = tpu.memref_squeeze %dma_start3A_262 : memref<1x128xi32, #tpu.memory_space<vmem>> -> memref<128xi32, #tpu.memory_space<vmem>>
      %dma_start3A_264 = arith.constant 0 : i32
      %dma_start3A_265 = arith.constant 0 : i32
      %dma_start3A_266 = tpu.memref_slice %arg17[%dma_start3A_264, %dma_start3A_265] : memref<10112x8xf32, #tpu.memory_space<vmem_shared>> -> memref<10112x8xf32, #tpu.memory_space<vmem_shared>>
      tpu.enqueue_indirect_dma source(%arg15 : memref<128x8xf32, #tpu.memory_space<vmem>>) target(%dma_start3A_266 : memref<10112x8xf32, #tpu.memory_space<vmem_shared>>) offsets(%dma_start3A_263 : memref<128xi32, #tpu.memory_space<vmem>>) semaphore(%arg32 : memref<!tpu.dma_semaphore, #tpu.memory_space<semaphore_mem>>) {add = true}
      %add3A_267 = arith.constant 4 : i32
      %add3A_268 = arith.addi %add3A_254, %add3A_267 : i32
      %lt3A_269 = arith.cmpi slt, %add3A_268, %select_n3A : i32
      %convert_element_type3A_270 = arith.extui %lt3A_269 : i1 to i32
      %cond3A_271 = arith.constant 0 : i32
      %cond3A_272 = arith.cmpi ne, %convert_element_type3A_270, %cond3A_271 : i32
      scf.if %cond3A_272 {
        %ge3A = arith.constant 8 : i32
        %ge3A_295 = arith.cmpi sge, %add3A_268, %ge3A : i32
        %convert_element_type3A_296 = arith.extui %ge3A_295 : i1 to i32
        %cond3A_297 = arith.constant 0 : i32
        %cond3A_298 = arith.cmpi ne, %convert_element_type3A_296, %cond3A_297 : i32
        scf.if %cond3A_298 {
          %dma_wait3A_305 = arith.constant 0 : i32
          %dma_wait3A_306 = tpu.memref_slice %arg8[%add3A_254, %dma_wait3A_305] : memref<80x128xi32, #tpu.memory_space<vmem>> -> memref<1x128xi32, #tpu.memory_space<vmem>>
          %dma_wait3A_307 = tpu.memref_squeeze %dma_wait3A_306 : memref<1x128xi32, #tpu.memory_space<vmem>> -> memref<128xi32, #tpu.memory_space<vmem>>
          %dma_wait3A_308 = arith.constant 0 : i32
          %dma_wait3A_309 = arith.constant 0 : i32
          %dma_wait3A_310 = tpu.memref_slice %arg17[%dma_wait3A_308, %dma_wait3A_309] : memref<10112x8xf32, #tpu.memory_space<vmem_shared>> -> memref<10112x8xf32, #tpu.memory_space<vmem_shared>>
          tpu.wait_indirect_dma semaphore(%arg28 : memref<!tpu.dma_semaphore, #tpu.memory_space<semaphore_mem>>) src(%arg11 : memref<128x8xf32, #tpu.memory_space<vmem>>) dst(%dma_wait3A_310 : memref<10112x8xf32, #tpu.memory_space<vmem_shared>>)
        } else {
        }
        %dma_start3A_299 = arith.constant 0 : i32
        %dma_start3A_300 = tpu.memref_slice %arg7[%add3A_268, %dma_start3A_299] : memref<80x128xi32, #tpu.memory_space<vmem>> -> memref<1x128xi32, #tpu.memory_space<vmem>>
        %dma_start3A_301 = tpu.memref_squeeze %dma_start3A_300 : memref<1x128xi32, #tpu.memory_space<vmem>> -> memref<128xi32, #tpu.memory_space<vmem>>
        %dma_start3A_302 = arith.constant 0 : i32
        %dma_start3A_303 = arith.constant 0 : i32
        %dma_start3A_304 = tpu.memref_slice %arg2[%dma_start3A_302, %dma_start3A_303] : memref<10112x8xf32, #tpu.memory_space<hbm>> -> memref<10112x8xf32, #tpu.memory_space<hbm>>
        tpu.enqueue_indirect_dma source(%dma_start3A_304 : memref<10112x8xf32, #tpu.memory_space<hbm>>) target(%arg11 : memref<128x8xf32, #tpu.memory_space<vmem>>) offsets(%dma_start3A_301 : memref<128xi32, #tpu.memory_space<vmem>>) semaphore(%arg20 : memref<!tpu.dma_semaphore, #tpu.memory_space<semaphore_mem>>)
      } else {
      }
      %mul3A_273 = arith.constant 8 : i32
      %mul3A_274 = arith.muli %mul3A_273, %while3A_121 : i32
      %add3A_275 = arith.constant 7 : i32
      %add3A_276 = arith.addi %mul3A_274, %add3A_275 : i32
      %dma_wait3A_277 = arith.constant 0 : i32
      %dma_wait3A_278 = tpu.memref_slice %arg7[%add3A_276, %dma_wait3A_277] : memref<80x128xi32, #tpu.memory_space<vmem>> -> memref<1x128xi32, #tpu.memory_space<vmem>>
      %dma_wait3A_279 = tpu.memref_squeeze %dma_wait3A_278 : memref<1x128xi32, #tpu.memory_space<vmem>> -> memref<128xi32, #tpu.memory_space<vmem>>
      %dma_wait3A_280 = arith.constant 0 : i32
      %dma_wait3A_281 = arith.constant 0 : i32
      %dma_wait3A_282 = tpu.memref_slice %arg2[%dma_wait3A_280, %dma_wait3A_281] : memref<10112x8xf32, #tpu.memory_space<hbm>> -> memref<10112x8xf32, #tpu.memory_space<hbm>>
      tpu.wait_indirect_dma semaphore(%arg25 : memref<!tpu.dma_semaphore, #tpu.memory_space<semaphore_mem>>) src(%dma_wait3A_282 : memref<10112x8xf32, #tpu.memory_space<hbm>>) dst(%arg16 : memref<128x8xf32, #tpu.memory_space<vmem>>)
      %dma_start3A_283 = arith.constant 0 : i32
      %dma_start3A_284 = tpu.memref_slice %arg8[%add3A_276, %dma_start3A_283] : memref<80x128xi32, #tpu.memory_space<vmem>> -> memref<1x128xi32, #tpu.memory_space<vmem>>
      %dma_start3A_285 = tpu.memref_squeeze %dma_start3A_284 : memref<1x128xi32, #tpu.memory_space<vmem>> -> memref<128xi32, #tpu.memory_space<vmem>>
      %dma_start3A_286 = arith.constant 0 : i32
      %dma_start3A_287 = arith.constant 0 : i32
      %dma_start3A_288 = tpu.memref_slice %arg17[%dma_start3A_286, %dma_start3A_287] : memref<10112x8xf32, #tpu.memory_space<vmem_shared>> -> memref<10112x8xf32, #tpu.memory_space<vmem_shared>>
      tpu.enqueue_indirect_dma source(%arg16 : memref<128x8xf32, #tpu.memory_space<vmem>>) target(%dma_start3A_288 : memref<10112x8xf32, #tpu.memory_space<vmem_shared>>) offsets(%dma_start3A_285 : memref<128xi32, #tpu.memory_space<vmem>>) semaphore(%arg33 : memref<!tpu.dma_semaphore, #tpu.memory_space<semaphore_mem>>) {add = true}
      %add3A_289 = arith.constant 4 : i32
      %add3A_290 = arith.addi %add3A_276, %add3A_289 : i32
      %lt3A_291 = arith.cmpi slt, %add3A_290, %select_n3A : i32
      %convert_element_type3A_292 = arith.extui %lt3A_291 : i1 to i32
      %cond3A_293 = arith.constant 0 : i32
      %cond3A_294 = arith.cmpi ne, %convert_element_type3A_292, %cond3A_293 : i32
      scf.if %cond3A_294 {
        %ge3A = arith.constant 8 : i32
        %ge3A_295 = arith.cmpi sge, %add3A_290, %ge3A : i32
        %convert_element_type3A_296 = arith.extui %ge3A_295 : i1 to i32
        %cond3A_297 = arith.constant 0 : i32
        %cond3A_298 = arith.cmpi ne, %convert_element_type3A_296, %cond3A_297 : i32
        scf.if %cond3A_298 {
          %dma_wait3A_305 = arith.constant 0 : i32
          %dma_wait3A_306 = tpu.memref_slice %arg8[%add3A_276, %dma_wait3A_305] : memref<80x128xi32, #tpu.memory_space<vmem>> -> memref<1x128xi32, #tpu.memory_space<vmem>>
          %dma_wait3A_307 = tpu.memref_squeeze %dma_wait3A_306 : memref<1x128xi32, #tpu.memory_space<vmem>> -> memref<128xi32, #tpu.memory_space<vmem>>
          %dma_wait3A_308 = arith.constant 0 : i32
          %dma_wait3A_309 = arith.constant 0 : i32
          %dma_wait3A_310 = tpu.memref_slice %arg17[%dma_wait3A_308, %dma_wait3A_309] : memref<10112x8xf32, #tpu.memory_space<vmem_shared>> -> memref<10112x8xf32, #tpu.memory_space<vmem_shared>>
          tpu.wait_indirect_dma semaphore(%arg29 : memref<!tpu.dma_semaphore, #tpu.memory_space<semaphore_mem>>) src(%arg12 : memref<128x8xf32, #tpu.memory_space<vmem>>) dst(%dma_wait3A_310 : memref<10112x8xf32, #tpu.memory_space<vmem_shared>>)
        } else {
        }
        %dma_start3A_299 = arith.constant 0 : i32
        %dma_start3A_300 = tpu.memref_slice %arg7[%add3A_290, %dma_start3A_299] : memref<80x128xi32, #tpu.memory_space<vmem>> -> memref<1x128xi32, #tpu.memory_space<vmem>>
        %dma_start3A_301 = tpu.memref_squeeze %dma_start3A_300 : memref<1x128xi32, #tpu.memory_space<vmem>> -> memref<128xi32, #tpu.memory_space<vmem>>
        %dma_start3A_302 = arith.constant 0 : i32
        %dma_start3A_303 = arith.constant 0 : i32
        %dma_start3A_304 = tpu.memref_slice %arg2[%dma_start3A_302, %dma_start3A_303] : memref<10112x8xf32, #tpu.memory_space<hbm>> -> memref<10112x8xf32, #tpu.memory_space<hbm>>
        tpu.enqueue_indirect_dma source(%dma_start3A_304 : memref<10112x8xf32, #tpu.memory_space<hbm>>) target(%arg12 : memref<128x8xf32, #tpu.memory_space<vmem>>) offsets(%dma_start3A_301 : memref<128xi32, #tpu.memory_space<vmem>>) semaphore(%arg21 : memref<!tpu.dma_semaphore, #tpu.memory_space<semaphore_mem>>)
      } else {
      }
    }
    %while3A_60 = arith.constant 1 : i32
    scf.for %while3A_121 = %while3A_58 to %while3A_54 step %while3A_60  : i32 {
      %mul3A_122 = arith.constant 8 : i32
      %mul3A_123 = arith.muli %mul3A_122, %while3A_121 : i32
      %add3A_124 = arith.constant 0 : i32
      %add3A_125 = arith.addi %mul3A_123, %add3A_124 : i32
      %dma_wait3A_126 = arith.constant 0 : i32
      %dma_wait3A_127 = tpu.memref_slice %arg7[%add3A_125, %dma_wait3A_126] : memref<80x128xi32, #tpu.memory_space<vmem>> -> memref<1x128xi32, #tpu.memory_space<vmem>>
      %dma_wait3A_128 = tpu.memref_squeeze %dma_wait3A_127 : memref<1x128xi32, #tpu.memory_space<vmem>> -> memref<128xi32, #tpu.memory_space<vmem>>
      %dma_wait3A_129 = arith.constant 0 : i32
      %dma_wait3A_130 = arith.constant 0 : i32
      %dma_wait3A_131 = tpu.memref_slice %arg2[%dma_wait3A_129, %dma_wait3A_130] : memref<10112x8xf32, #tpu.memory_space<hbm>> -> memref<10112x8xf32, #tpu.memory_space<hbm>>
      tpu.wait_indirect_dma semaphore(%arg18 : memref<!tpu.dma_semaphore, #tpu.memory_space<semaphore_mem>>) src(%dma_wait3A_131 : memref<10112x8xf32, #tpu.memory_space<hbm>>) dst(%arg9 : memref<128x8xf32, #tpu.memory_space<vmem>>)
      %dma_start3A_132 = arith.constant 0 : i32
      %dma_start3A_133 = tpu.memref_slice %arg8[%add3A_125, %dma_start3A_132] : memref<80x128xi32, #tpu.memory_space<vmem>> -> memref<1x128xi32, #tpu.memory_space<vmem>>
      %dma_start3A_134 = tpu.memref_squeeze %dma_start3A_133 : memref<1x128xi32, #tpu.memory_space<vmem>> -> memref<128xi32, #tpu.memory_space<vmem>>
      %dma_start3A_135 = arith.constant 0 : i32
      %dma_start3A_136 = arith.constant 0 : i32
      %dma_start3A_137 = tpu.memref_slice %arg17[%dma_start3A_135, %dma_start3A_136] : memref<10112x8xf32, #tpu.memory_space<vmem_shared>> -> memref<10112x8xf32, #tpu.memory_space<vmem_shared>>
      tpu.enqueue_indirect_dma source(%arg9 : memref<128x8xf32, #tpu.memory_space<vmem>>) target(%dma_start3A_137 : memref<10112x8xf32, #tpu.memory_space<vmem_shared>>) offsets(%dma_start3A_134 : memref<128xi32, #tpu.memory_space<vmem>>) semaphore(%arg26 : memref<!tpu.dma_semaphore, #tpu.memory_space<semaphore_mem>>) {add = true}
      %add3A_138 = arith.constant 4 : i32
      %add3A_139 = arith.addi %add3A_125, %add3A_138 : i32
      %lt3A = arith.cmpi slt, %add3A_139, %select_n3A : i32
      %convert_element_type3A = arith.extui %lt3A : i1 to i32
      %cond3A = arith.constant 0 : i32
      %cond3A_140 = arith.cmpi ne, %convert_element_type3A, %cond3A : i32
      scf.if %cond3A_140 {
        %ge3A = arith.constant 8 : i32
        %ge3A_295 = arith.cmpi sge, %add3A_139, %ge3A : i32
        %convert_element_type3A_296 = arith.extui %ge3A_295 : i1 to i32
        %cond3A_297 = arith.constant 0 : i32
        %cond3A_298 = arith.cmpi ne, %convert_element_type3A_296, %cond3A_297 : i32
        scf.if %cond3A_298 {
          %dma_wait3A_305 = arith.constant 0 : i32
          %dma_wait3A_306 = tpu.memref_slice %arg8[%add3A_125, %dma_wait3A_305] : memref<80x128xi32, #tpu.memory_space<vmem>> -> memref<1x128xi32, #tpu.memory_space<vmem>>
          %dma_wait3A_307 = tpu.memref_squeeze %dma_wait3A_306 : memref<1x128xi32, #tpu.memory_space<vmem>> -> memref<128xi32, #tpu.memory_space<vmem>>
          %dma_wait3A_308 = arith.constant 0 : i32
          %dma_wait3A_309 = arith.constant 0 : i32
          %dma_wait3A_310 = tpu.memref_slice %arg17[%dma_wait3A_308, %dma_wait3A_309] : memref<10112x8xf32, #tpu.memory_space<vmem_shared>> -> memref<10112x8xf32, #tpu.memory_space<vmem_shared>>
          tpu.wait_indirect_dma semaphore(%arg30 : memref<!tpu.dma_semaphore, #tpu.memory_space<semaphore_mem>>) src(%arg13 : memref<128x8xf32, #tpu.memory_space<vmem>>) dst(%dma_wait3A_310 : memref<10112x8xf32, #tpu.memory_space<vmem_shared>>)
        } else {
        }
        %dma_start3A_299 = arith.constant 0 : i32
        %dma_start3A_300 = tpu.memref_slice %arg7[%add3A_139, %dma_start3A_299] : memref<80x128xi32, #tpu.memory_space<vmem>> -> memref<1x128xi32, #tpu.memory_space<vmem>>
        %dma_start3A_301 = tpu.memref_squeeze %dma_start3A_300 : memref<1x128xi32, #tpu.memory_space<vmem>> -> memref<128xi32, #tpu.memory_space<vmem>>
        %dma_start3A_302 = arith.constant 0 : i32
        %dma_start3A_303 = arith.constant 0 : i32
        %dma_start3A_304 = tpu.memref_slice %arg2[%dma_start3A_302, %dma_start3A_303] : memref<10112x8xf32, #tpu.memory_space<hbm>> -> memref<10112x8xf32, #tpu.memory_space<hbm>>
        tpu.enqueue_indirect_dma source(%dma_start3A_304 : memref<10112x8xf32, #tpu.memory_space<hbm>>) target(%arg13 : memref<128x8xf32, #tpu.memory_space<vmem>>) offsets(%dma_start3A_301 : memref<128xi32, #tpu.memory_space<vmem>>) semaphore(%arg22 : memref<!tpu.dma_semaphore, #tpu.memory_space<semaphore_mem>>)
      } else {
      }
      %mul3A_141 = arith.constant 8 : i32
      %mul3A_142 = arith.muli %mul3A_141, %while3A_121 : i32
      %add3A_143 = arith.constant 1 : i32
      %add3A_144 = arith.addi %mul3A_142, %add3A_143 : i32
      %dma_wait3A_145 = arith.constant 0 : i32
      %dma_wait3A_146 = tpu.memref_slice %arg7[%add3A_144, %dma_wait3A_145] : memref<80x128xi32, #tpu.memory_space<vmem>> -> memref<1x128xi32, #tpu.memory_space<vmem>>
      %dma_wait3A_147 = tpu.memref_squeeze %dma_wait3A_146 : memref<1x128xi32, #tpu.memory_space<vmem>> -> memref<128xi32, #tpu.memory_space<vmem>>
      %dma_wait3A_148 = arith.constant 0 : i32
      %dma_wait3A_149 = arith.constant 0 : i32
      %dma_wait3A_150 = tpu.memref_slice %arg2[%dma_wait3A_148, %dma_wait3A_149] : memref<10112x8xf32, #tpu.memory_space<hbm>> -> memref<10112x8xf32, #tpu.memory_space<hbm>>
      tpu.wait_indirect_dma semaphore(%arg19 : memref<!tpu.dma_semaphore, #tpu.memory_space<semaphore_mem>>) src(%dma_wait3A_150 : memref<10112x8xf32, #tpu.memory_space<hbm>>) dst(%arg10 : memref<128x8xf32, #tpu.memory_space<vmem>>)
      %dma_start3A_151 = arith.constant 0 : i32
      %dma_start3A_152 = tpu.memref_slice %arg8[%add3A_144, %dma_start3A_151] : memref<80x128xi32, #tpu.memory_space<vmem>> -> memref<1x128xi32, #tpu.memory_space<vmem>>
      %dma_start3A_153 = tpu.memref_squeeze %dma_start3A_152 : memref<1x128xi32, #tpu.memory_space<vmem>> -> memref<128xi32, #tpu.memory_space<vmem>>
      %dma_start3A_154 = arith.constant 0 : i32
      %dma_start3A_155 = arith.constant 0 : i32
      %dma_start3A_156 = tpu.memref_slice %arg17[%dma_start3A_154, %dma_start3A_155] : memref<10112x8xf32, #tpu.memory_space<vmem_shared>> -> memref<10112x8xf32, #tpu.memory_space<vmem_shared>>
      tpu.enqueue_indirect_dma source(%arg10 : memref<128x8xf32, #tpu.memory_space<vmem>>) target(%dma_start3A_156 : memref<10112x8xf32, #tpu.memory_space<vmem_shared>>) offsets(%dma_start3A_153 : memref<128xi32, #tpu.memory_space<vmem>>) semaphore(%arg27 : memref<!tpu.dma_semaphore, #tpu.memory_space<semaphore_mem>>) {add = true}
      %add3A_157 = arith.constant 4 : i32
      %add3A_158 = arith.addi %add3A_144, %add3A_157 : i32
      %lt3A_159 = arith.cmpi slt, %add3A_158, %select_n3A : i32
      %convert_element_type3A_160 = arith.extui %lt3A_159 : i1 to i32
      %cond3A_161 = arith.constant 0 : i32
      %cond3A_162 = arith.cmpi ne, %convert_element_type3A_160, %cond3A_161 : i32
      scf.if %cond3A_162 {
        %ge3A = arith.constant 8 : i32
        %ge3A_295 = arith.cmpi sge, %add3A_158, %ge3A : i32
        %convert_element_type3A_296 = arith.extui %ge3A_295 : i1 to i32
        %cond3A_297 = arith.constant 0 : i32
        %cond3A_298 = arith.cmpi ne, %convert_element_type3A_296, %cond3A_297 : i32
        scf.if %cond3A_298 {
          %dma_wait3A_305 = arith.constant 0 : i32
          %dma_wait3A_306 = tpu.memref_slice %arg8[%add3A_144, %dma_wait3A_305] : memref<80x128xi32, #tpu.memory_space<vmem>> -> memref<1x128xi32, #tpu.memory_space<vmem>>
          %dma_wait3A_307 = tpu.memref_squeeze %dma_wait3A_306 : memref<1x128xi32, #tpu.memory_space<vmem>> -> memref<128xi32, #tpu.memory_space<vmem>>
          %dma_wait3A_308 = arith.constant 0 : i32
          %dma_wait3A_309 = arith.constant 0 : i32
          %dma_wait3A_310 = tpu.memref_slice %arg17[%dma_wait3A_308, %dma_wait3A_309] : memref<10112x8xf32, #tpu.memory_space<vmem_shared>> -> memref<10112x8xf32, #tpu.memory_space<vmem_shared>>
          tpu.wait_indirect_dma semaphore(%arg31 : memref<!tpu.dma_semaphore, #tpu.memory_space<semaphore_mem>>) src(%arg14 : memref<128x8xf32, #tpu.memory_space<vmem>>) dst(%dma_wait3A_310 : memref<10112x8xf32, #tpu.memory_space<vmem_shared>>)
        } else {
        }
        %dma_start3A_299 = arith.constant 0 : i32
        %dma_start3A_300 = tpu.memref_slice %arg7[%add3A_158, %dma_start3A_299] : memref<80x128xi32, #tpu.memory_space<vmem>> -> memref<1x128xi32, #tpu.memory_space<vmem>>
        %dma_start3A_301 = tpu.memref_squeeze %dma_start3A_300 : memref<1x128xi32, #tpu.memory_space<vmem>> -> memref<128xi32, #tpu.memory_space<vmem>>
        %dma_start3A_302 = arith.constant 0 : i32
        %dma_start3A_303 = arith.constant 0 : i32
        %dma_start3A_304 = tpu.memref_slice %arg2[%dma_start3A_302, %dma_start3A_303] : memref<10112x8xf32, #tpu.memory_space<hbm>> -> memref<10112x8xf32, #tpu.memory_space<hbm>>
        tpu.enqueue_indirect_dma source(%dma_start3A_304 : memref<10112x8xf32, #tpu.memory_space<hbm>>) target(%arg14 : memref<128x8xf32, #tpu.memory_space<vmem>>) offsets(%dma_start3A_301 : memref<128xi32, #tpu.memory_space<vmem>>) semaphore(%arg23 : memref<!tpu.dma_semaphore, #tpu.memory_space<semaphore_mem>>)
      } else {
      }
      %mul3A_163 = arith.constant 8 : i32
      %mul3A_164 = arith.muli %mul3A_163, %while3A_121 : i32
      %add3A_165 = arith.constant 2 : i32
      %add3A_166 = arith.addi %mul3A_164, %add3A_165 : i32
      %dma_wait3A_167 = arith.constant 0 : i32
      %dma_wait3A_168 = tpu.memref_slice %arg7[%add3A_166, %dma_wait3A_167] : memref<80x128xi32, #tpu.memory_space<vmem>> -> memref<1x128xi32, #tpu.memory_space<vmem>>
      %dma_wait3A_169 = tpu.memref_squeeze %dma_wait3A_168 : memref<1x128xi32, #tpu.memory_space<vmem>> -> memref<128xi32, #tpu.memory_space<vmem>>
      %dma_wait3A_170 = arith.constant 0 : i32
      %dma_wait3A_171 = arith.constant 0 : i32
      %dma_wait3A_172 = tpu.memref_slice %arg2[%dma_wait3A_170, %dma_wait3A_171] : memref<10112x8xf32, #tpu.memory_space<hbm>> -> memref<10112x8xf32, #tpu.memory_space<hbm>>
      tpu.wait_indirect_dma semaphore(%arg20 : memref<!tpu.dma_semaphore, #tpu.memory_space<semaphore_mem>>) src(%dma_wait3A_172 : memref<10112x8xf32, #tpu.memory_space<hbm>>) dst(%arg11 : memref<128x8xf32, #tpu.memory_space<vmem>>)
      %dma_start3A_173 = arith.constant 0 : i32
      %dma_start3A_174 = tpu.memref_slice %arg8[%add3A_166, %dma_start3A_173] : memref<80x128xi32, #tpu.memory_space<vmem>> -> memref<1x128xi32, #tpu.memory_space<vmem>>
      %dma_start3A_175 = tpu.memref_squeeze %dma_start3A_174 : memref<1x128xi32, #tpu.memory_space<vmem>> -> memref<128xi32, #tpu.memory_space<vmem>>
      %dma_start3A_176 = arith.constant 0 : i32
      %dma_start3A_177 = arith.constant 0 : i32
      %dma_start3A_178 = tpu.memref_slice %arg17[%dma_start3A_176, %dma_start3A_177] : memref<10112x8xf32, #tpu.memory_space<vmem_shared>> -> memref<10112x8xf32, #tpu.memory_space<vmem_shared>>
      tpu.enqueue_indirect_dma source(%arg11 : memref<128x8xf32, #tpu.memory_space<vmem>>) target(%dma_start3A_178 : memref<10112x8xf32, #tpu.memory_space<vmem_shared>>) offsets(%dma_start3A_175 : memref<128xi32, #tpu.memory_space<vmem>>) semaphore(%arg28 : memref<!tpu.dma_semaphore, #tpu.memory_space<semaphore_mem>>) {add = true}
      %add3A_179 = arith.constant 4 : i32
      %add3A_180 = arith.addi %add3A_166, %add3A_179 : i32
      %lt3A_181 = arith.cmpi slt, %add3A_180, %select_n3A : i32
      %convert_element_type3A_182 = arith.extui %lt3A_181 : i1 to i32
      %cond3A_183 = arith.constant 0 : i32
      %cond3A_184 = arith.cmpi ne, %convert_element_type3A_182, %cond3A_183 : i32
      scf.if %cond3A_184 {
        %ge3A = arith.constant 8 : i32
        %ge3A_295 = arith.cmpi sge, %add3A_180, %ge3A : i32
        %convert_element_type3A_296 = arith.extui %ge3A_295 : i1 to i32
        %cond3A_297 = arith.constant 0 : i32
        %cond3A_298 = arith.cmpi ne, %convert_element_type3A_296, %cond3A_297 : i32
        scf.if %cond3A_298 {
          %dma_wait3A_305 = arith.constant 0 : i32
          %dma_wait3A_306 = tpu.memref_slice %arg8[%add3A_166, %dma_wait3A_305] : memref<80x128xi32, #tpu.memory_space<vmem>> -> memref<1x128xi32, #tpu.memory_space<vmem>>
          %dma_wait3A_307 = tpu.memref_squeeze %dma_wait3A_306 : memref<1x128xi32, #tpu.memory_space<vmem>> -> memref<128xi32, #tpu.memory_space<vmem>>
          %dma_wait3A_308 = arith.constant 0 : i32
          %dma_wait3A_309 = arith.constant 0 : i32
          %dma_wait3A_310 = tpu.memref_slice %arg17[%dma_wait3A_308, %dma_wait3A_309] : memref<10112x8xf32, #tpu.memory_space<vmem_shared>> -> memref<10112x8xf32, #tpu.memory_space<vmem_shared>>
          tpu.wait_indirect_dma semaphore(%arg32 : memref<!tpu.dma_semaphore, #tpu.memory_space<semaphore_mem>>) src(%arg15 : memref<128x8xf32, #tpu.memory_space<vmem>>) dst(%dma_wait3A_310 : memref<10112x8xf32, #tpu.memory_space<vmem_shared>>)
        } else {
        }
        %dma_start3A_299 = arith.constant 0 : i32
        %dma_start3A_300 = tpu.memref_slice %arg7[%add3A_180, %dma_start3A_299] : memref<80x128xi32, #tpu.memory_space<vmem>> -> memref<1x128xi32, #tpu.memory_space<vmem>>
        %dma_start3A_301 = tpu.memref_squeeze %dma_start3A_300 : memref<1x128xi32, #tpu.memory_space<vmem>> -> memref<128xi32, #tpu.memory_space<vmem>>
        %dma_start3A_302 = arith.constant 0 : i32
        %dma_start3A_303 = arith.constant 0 : i32
        %dma_start3A_304 = tpu.memref_slice %arg2[%dma_start3A_302, %dma_start3A_303] : memref<10112x8xf32, #tpu.memory_space<hbm>> -> memref<10112x8xf32, #tpu.memory_space<hbm>>
        tpu.enqueue_indirect_dma source(%dma_start3A_304 : memref<10112x8xf32, #tpu.memory_space<hbm>>) target(%arg15 : memref<128x8xf32, #tpu.memory_space<vmem>>) offsets(%dma_start3A_301 : memref<128xi32, #tpu.memory_space<vmem>>) semaphore(%arg24 : memref<!tpu.dma_semaphore, #tpu.memory_space<semaphore_mem>>)
      } else {
      }
      %mul3A_185 = arith.constant 8 : i32
      %mul3A_186 = arith.muli %mul3A_185, %while3A_121 : i32
      %add3A_187 = arith.constant 3 : i32
      %add3A_188 = arith.addi %mul3A_186, %add3A_187 : i32
      %dma_wait3A_189 = arith.constant 0 : i32
      %dma_wait3A_190 = tpu.memref_slice %arg7[%add3A_188, %dma_wait3A_189] : memref<80x128xi32, #tpu.memory_space<vmem>> -> memref<1x128xi32, #tpu.memory_space<vmem>>
      %dma_wait3A_191 = tpu.memref_squeeze %dma_wait3A_190 : memref<1x128xi32, #tpu.memory_space<vmem>> -> memref<128xi32, #tpu.memory_space<vmem>>
      %dma_wait3A_192 = arith.constant 0 : i32
      %dma_wait3A_193 = arith.constant 0 : i32
      %dma_wait3A_194 = tpu.memref_slice %arg2[%dma_wait3A_192, %dma_wait3A_193] : memref<10112x8xf32, #tpu.memory_space<hbm>> -> memref<10112x8xf32, #tpu.memory_space<hbm>>
      tpu.wait_indirect_dma semaphore(%arg21 : memref<!tpu.dma_semaphore, #tpu.memory_space<semaphore_mem>>) src(%dma_wait3A_194 : memref<10112x8xf32, #tpu.memory_space<hbm>>) dst(%arg12 : memref<128x8xf32, #tpu.memory_space<vmem>>)
      %dma_start3A_195 = arith.constant 0 : i32
      %dma_start3A_196 = tpu.memref_slice %arg8[%add3A_188, %dma_start3A_195] : memref<80x128xi32, #tpu.memory_space<vmem>> -> memref<1x128xi32, #tpu.memory_space<vmem>>
      %dma_start3A_197 = tpu.memref_squeeze %dma_start3A_196 : memref<1x128xi32, #tpu.memory_space<vmem>> -> memref<128xi32, #tpu.memory_space<vmem>>
      %dma_start3A_198 = arith.constant 0 : i32
      %dma_start3A_199 = arith.constant 0 : i32
      %dma_start3A_200 = tpu.memref_slice %arg17[%dma_start3A_198, %dma_start3A_199] : memref<10112x8xf32, #tpu.memory_space<vmem_shared>> -> memref<10112x8xf32, #tpu.memory_space<vmem_shared>>
      tpu.enqueue_indirect_dma source(%arg12 : memref<128x8xf32, #tpu.memory_space<vmem>>) target(%dma_start3A_200 : memref<10112x8xf32, #tpu.memory_space<vmem_shared>>) offsets(%dma_start3A_197 : memref<128xi32, #tpu.memory_space<vmem>>) semaphore(%arg29 : memref<!tpu.dma_semaphore, #tpu.memory_space<semaphore_mem>>) {add = true}
      %add3A_201 = arith.constant 4 : i32
      %add3A_202 = arith.addi %add3A_188, %add3A_201 : i32
      %lt3A_203 = arith.cmpi slt, %add3A_202, %select_n3A : i32
      %convert_element_type3A_204 = arith.extui %lt3A_203 : i1 to i32
      %cond3A_205 = arith.constant 0 : i32
      %cond3A_206 = arith.cmpi ne, %convert_element_type3A_204, %cond3A_205 : i32
      scf.if %cond3A_206 {
        %ge3A = arith.constant 8 : i32
        %ge3A_295 = arith.cmpi sge, %add3A_202, %ge3A : i32
        %convert_element_type3A_296 = arith.extui %ge3A_295 : i1 to i32
        %cond3A_297 = arith.constant 0 : i32
        %cond3A_298 = arith.cmpi ne, %convert_element_type3A_296, %cond3A_297 : i32
        scf.if %cond3A_298 {
          %dma_wait3A_305 = arith.constant 0 : i32
          %dma_wait3A_306 = tpu.memref_slice %arg8[%add3A_188, %dma_wait3A_305] : memref<80x128xi32, #tpu.memory_space<vmem>> -> memref<1x128xi32, #tpu.memory_space<vmem>>
          %dma_wait3A_307 = tpu.memref_squeeze %dma_wait3A_306 : memref<1x128xi32, #tpu.memory_space<vmem>> -> memref<128xi32, #tpu.memory_space<vmem>>
          %dma_wait3A_308 = arith.constant 0 : i32
          %dma_wait3A_309 = arith.constant 0 : i32
          %dma_wait3A_310 = tpu.memref_slice %arg17[%dma_wait3A_308, %dma_wait3A_309] : memref<10112x8xf32, #tpu.memory_space<vmem_shared>> -> memref<10112x8xf32, #tpu.memory_space<vmem_shared>>
          tpu.wait_indirect_dma semaphore(%arg33 : memref<!tpu.dma_semaphore, #tpu.memory_space<semaphore_mem>>) src(%arg16 : memref<128x8xf32, #tpu.memory_space<vmem>>) dst(%dma_wait3A_310 : memref<10112x8xf32, #tpu.memory_space<vmem_shared>>)
        } else {
        }
        %dma_start3A_299 = arith.constant 0 : i32
        %dma_start3A_300 = tpu.memref_slice %arg7[%add3A_202, %dma_start3A_299] : memref<80x128xi32, #tpu.memory_space<vmem>> -> memref<1x128xi32, #tpu.memory_space<vmem>>
        %dma_start3A_301 = tpu.memref_squeeze %dma_start3A_300 : memref<1x128xi32, #tpu.memory_space<vmem>> -> memref<128xi32, #tpu.memory_space<vmem>>
        %dma_start3A_302 = arith.constant 0 : i32
        %dma_start3A_303 = arith.constant 0 : i32
        %dma_start3A_304 = tpu.memref_slice %arg2[%dma_start3A_302, %dma_start3A_303] : memref<10112x8xf32, #tpu.memory_space<hbm>> -> memref<10112x8xf32, #tpu.memory_space<hbm>>
        tpu.enqueue_indirect_dma source(%dma_start3A_304 : memref<10112x8xf32, #tpu.memory_space<hbm>>) target(%arg16 : memref<128x8xf32, #tpu.memory_space<vmem>>) offsets(%dma_start3A_301 : memref<128xi32, #tpu.memory_space<vmem>>) semaphore(%arg25 : memref<!tpu.dma_semaphore, #tpu.memory_space<semaphore_mem>>)
      } else {
      }
      %mul3A_207 = arith.constant 8 : i32
      %mul3A_208 = arith.muli %mul3A_207, %while3A_121 : i32
      %add3A_209 = arith.constant 4 : i32
      %add3A_210 = arith.addi %mul3A_208, %add3A_209 : i32
      %dma_wait3A_211 = arith.constant 0 : i32
      %dma_wait3A_212 = tpu.memref_slice %arg7[%add3A_210, %dma_wait3A_211] : memref<80x128xi32, #tpu.memory_space<vmem>> -> memref<1x128xi32, #tpu.memory_space<vmem>>
      %dma_wait3A_213 = tpu.memref_squeeze %dma_wait3A_212 : memref<1x128xi32, #tpu.memory_space<vmem>> -> memref<128xi32, #tpu.memory_space<vmem>>
      %dma_wait3A_214 = arith.constant 0 : i32
      %dma_wait3A_215 = arith.constant 0 : i32
      %dma_wait3A_216 = tpu.memref_slice %arg2[%dma_wait3A_214, %dma_wait3A_215] : memref<10112x8xf32, #tpu.memory_space<hbm>> -> memref<10112x8xf32, #tpu.memory_space<hbm>>
      tpu.wait_indirect_dma semaphore(%arg22 : memref<!tpu.dma_semaphore, #tpu.memory_space<semaphore_mem>>) src(%dma_wait3A_216 : memref<10112x8xf32, #tpu.memory_space<hbm>>) dst(%arg13 : memref<128x8xf32, #tpu.memory_space<vmem>>)
      %dma_start3A_217 = arith.constant 0 : i32
      %dma_start3A_218 = tpu.memref_slice %arg8[%add3A_210, %dma_start3A_217] : memref<80x128xi32, #tpu.memory_space<vmem>> -> memref<1x128xi32, #tpu.memory_space<vmem>>
      %dma_start3A_219 = tpu.memref_squeeze %dma_start3A_218 : memref<1x128xi32, #tpu.memory_space<vmem>> -> memref<128xi32, #tpu.memory_space<vmem>>
      %dma_start3A_220 = arith.constant 0 : i32
      %dma_start3A_221 = arith.constant 0 : i32
      %dma_start3A_222 = tpu.memref_slice %arg17[%dma_start3A_220, %dma_start3A_221] : memref<10112x8xf32, #tpu.memory_space<vmem_shared>> -> memref<10112x8xf32, #tpu.memory_space<vmem_shared>>
      tpu.enqueue_indirect_dma source(%arg13 : memref<128x8xf32, #tpu.memory_space<vmem>>) target(%dma_start3A_222 : memref<10112x8xf32, #tpu.memory_space<vmem_shared>>) offsets(%dma_start3A_219 : memref<128xi32, #tpu.memory_space<vmem>>) semaphore(%arg30 : memref<!tpu.dma_semaphore, #tpu.memory_space<semaphore_mem>>) {add = true}
      %add3A_223 = arith.constant 4 : i32
      %add3A_224 = arith.addi %add3A_210, %add3A_223 : i32
      %lt3A_225 = arith.cmpi slt, %add3A_224, %select_n3A : i32
      %convert_element_type3A_226 = arith.extui %lt3A_225 : i1 to i32
      %cond3A_227 = arith.constant 0 : i32
      %cond3A_228 = arith.cmpi ne, %convert_element_type3A_226, %cond3A_227 : i32
      scf.if %cond3A_228 {
        %ge3A = arith.constant 8 : i32
        %ge3A_295 = arith.cmpi sge, %add3A_224, %ge3A : i32
        %convert_element_type3A_296 = arith.extui %ge3A_295 : i1 to i32
        %cond3A_297 = arith.constant 0 : i32
        %cond3A_298 = arith.cmpi ne, %convert_element_type3A_296, %cond3A_297 : i32
        scf.if %cond3A_298 {
          %dma_wait3A_305 = arith.constant 0 : i32
          %dma_wait3A_306 = tpu.memref_slice %arg8[%add3A_210, %dma_wait3A_305] : memref<80x128xi32, #tpu.memory_space<vmem>> -> memref<1x128xi32, #tpu.memory_space<vmem>>
          %dma_wait3A_307 = tpu.memref_squeeze %dma_wait3A_306 : memref<1x128xi32, #tpu.memory_space<vmem>> -> memref<128xi32, #tpu.memory_space<vmem>>
          %dma_wait3A_308 = arith.constant 0 : i32
          %dma_wait3A_309 = arith.constant 0 : i32
          %dma_wait3A_310 = tpu.memref_slice %arg17[%dma_wait3A_308, %dma_wait3A_309] : memref<10112x8xf32, #tpu.memory_space<vmem_shared>> -> memref<10112x8xf32, #tpu.memory_space<vmem_shared>>
          tpu.wait_indirect_dma semaphore(%arg26 : memref<!tpu.dma_semaphore, #tpu.memory_space<semaphore_mem>>) src(%arg9 : memref<128x8xf32, #tpu.memory_space<vmem>>) dst(%dma_wait3A_310 : memref<10112x8xf32, #tpu.memory_space<vmem_shared>>)
        } else {
        }
        %dma_start3A_299 = arith.constant 0 : i32
        %dma_start3A_300 = tpu.memref_slice %arg7[%add3A_224, %dma_start3A_299] : memref<80x128xi32, #tpu.memory_space<vmem>> -> memref<1x128xi32, #tpu.memory_space<vmem>>
        %dma_start3A_301 = tpu.memref_squeeze %dma_start3A_300 : memref<1x128xi32, #tpu.memory_space<vmem>> -> memref<128xi32, #tpu.memory_space<vmem>>
        %dma_start3A_302 = arith.constant 0 : i32
        %dma_start3A_303 = arith.constant 0 : i32
        %dma_start3A_304 = tpu.memref_slice %arg2[%dma_start3A_302, %dma_start3A_303] : memref<10112x8xf32, #tpu.memory_space<hbm>> -> memref<10112x8xf32, #tpu.memory_space<hbm>>
        tpu.enqueue_indirect_dma source(%dma_start3A_304 : memref<10112x8xf32, #tpu.memory_space<hbm>>) target(%arg9 : memref<128x8xf32, #tpu.memory_space<vmem>>) offsets(%dma_start3A_301 : memref<128xi32, #tpu.memory_space<vmem>>) semaphore(%arg18 : memref<!tpu.dma_semaphore, #tpu.memory_space<semaphore_mem>>)
      } else {
      }
      %mul3A_229 = arith.constant 8 : i32
      %mul3A_230 = arith.muli %mul3A_229, %while3A_121 : i32
      %add3A_231 = arith.constant 5 : i32
      %add3A_232 = arith.addi %mul3A_230, %add3A_231 : i32
      %dma_wait3A_233 = arith.constant 0 : i32
      %dma_wait3A_234 = tpu.memref_slice %arg7[%add3A_232, %dma_wait3A_233] : memref<80x128xi32, #tpu.memory_space<vmem>> -> memref<1x128xi32, #tpu.memory_space<vmem>>
      %dma_wait3A_235 = tpu.memref_squeeze %dma_wait3A_234 : memref<1x128xi32, #tpu.memory_space<vmem>> -> memref<128xi32, #tpu.memory_space<vmem>>
      %dma_wait3A_236 = arith.constant 0 : i32
      %dma_wait3A_237 = arith.constant 0 : i32
      %dma_wait3A_238 = tpu.memref_slice %arg2[%dma_wait3A_236, %dma_wait3A_237] : memref<10112x8xf32, #tpu.memory_space<hbm>> -> memref<10112x8xf32, #tpu.memory_space<hbm>>
      tpu.wait_indirect_dma semaphore(%arg23 : memref<!tpu.dma_semaphore, #tpu.memory_space<semaphore_mem>>) src(%dma_wait3A_238 : memref<10112x8xf32, #tpu.memory_space<hbm>>) dst(%arg14 : memref<128x8xf32, #tpu.memory_space<vmem>>)
      %dma_start3A_239 = arith.constant 0 : i32
      %dma_start3A_240 = tpu.memref_slice %arg8[%add3A_232, %dma_start3A_239] : memref<80x128xi32, #tpu.memory_space<vmem>> -> memref<1x128xi32, #tpu.memory_space<vmem>>
      %dma_start3A_241 = tpu.memref_squeeze %dma_start3A_240 : memref<1x128xi32, #tpu.memory_space<vmem>> -> memref<128xi32, #tpu.memory_space<vmem>>
      %dma_start3A_242 = arith.constant 0 : i32
      %dma_start3A_243 = arith.constant 0 : i32
      %dma_start3A_244 = tpu.memref_slice %arg17[%dma_start3A_242, %dma_start3A_243] : memref<10112x8xf32, #tpu.memory_space<vmem_shared>> -> memref<10112x8xf32, #tpu.memory_space<vmem_shared>>
      tpu.enqueue_indirect_dma source(%arg14 : memref<128x8xf32, #tpu.memory_space<vmem>>) target(%dma_start3A_244 : memref<10112x8xf32, #tpu.memory_space<vmem_shared>>) offsets(%dma_start3A_241 : memref<128xi32, #tpu.memory_space<vmem>>) semaphore(%arg31 : memref<!tpu.dma_semaphore, #tpu.memory_space<semaphore_mem>>) {add = true}
      %add3A_245 = arith.constant 4 : i32
      %add3A_246 = arith.addi %add3A_232, %add3A_245 : i32
      %lt3A_247 = arith.cmpi slt, %add3A_246, %select_n3A : i32
      %convert_element_type3A_248 = arith.extui %lt3A_247 : i1 to i32
      %cond3A_249 = arith.constant 0 : i32
      %cond3A_250 = arith.cmpi ne, %convert_element_type3A_248, %cond3A_249 : i32
      scf.if %cond3A_250 {
        %ge3A = arith.constant 8 : i32
        %ge3A_295 = arith.cmpi sge, %add3A_246, %ge3A : i32
        %convert_element_type3A_296 = arith.extui %ge3A_295 : i1 to i32
        %cond3A_297 = arith.constant 0 : i32
        %cond3A_298 = arith.cmpi ne, %convert_element_type3A_296, %cond3A_297 : i32
        scf.if %cond3A_298 {
          %dma_wait3A_305 = arith.constant 0 : i32
          %dma_wait3A_306 = tpu.memref_slice %arg8[%add3A_232, %dma_wait3A_305] : memref<80x128xi32, #tpu.memory_space<vmem>> -> memref<1x128xi32, #tpu.memory_space<vmem>>
          %dma_wait3A_307 = tpu.memref_squeeze %dma_wait3A_306 : memref<1x128xi32, #tpu.memory_space<vmem>> -> memref<128xi32, #tpu.memory_space<vmem>>
          %dma_wait3A_308 = arith.constant 0 : i32
          %dma_wait3A_309 = arith.constant 0 : i32
          %dma_wait3A_310 = tpu.memref_slice %arg17[%dma_wait3A_308, %dma_wait3A_309] : memref<10112x8xf32, #tpu.memory_space<vmem_shared>> -> memref<10112x8xf32, #tpu.memory_space<vmem_shared>>
          tpu.wait_indirect_dma semaphore(%arg27 : memref<!tpu.dma_semaphore, #tpu.memory_space<semaphore_mem>>) src(%arg10 : memref<128x8xf32, #tpu.memory_space<vmem>>) dst(%dma_wait3A_310 : memref<10112x8xf32, #tpu.memory_space<vmem_shared>>)
        } else {
        }
        %dma_start3A_299 = arith.constant 0 : i32
        %dma_start3A_300 = tpu.memref_slice %arg7[%add3A_246, %dma_start3A_299] : memref<80x128xi32, #tpu.memory_space<vmem>> -> memref<1x128xi32, #tpu.memory_space<vmem>>
        %dma_start3A_301 = tpu.memref_squeeze %dma_start3A_300 : memref<1x128xi32, #tpu.memory_space<vmem>> -> memref<128xi32, #tpu.memory_space<vmem>>
        %dma_start3A_302 = arith.constant 0 : i32
        %dma_start3A_303 = arith.constant 0 : i32
        %dma_start3A_304 = tpu.memref_slice %arg2[%dma_start3A_302, %dma_start3A_303] : memref<10112x8xf32, #tpu.memory_space<hbm>> -> memref<10112x8xf32, #tpu.memory_space<hbm>>
        tpu.enqueue_indirect_dma source(%dma_start3A_304 : memref<10112x8xf32, #tpu.memory_space<hbm>>) target(%arg10 : memref<128x8xf32, #tpu.memory_space<vmem>>) offsets(%dma_start3A_301 : memref<128xi32, #tpu.memory_space<vmem>>) semaphore(%arg19 : memref<!tpu.dma_semaphore, #tpu.memory_space<semaphore_mem>>)
      } else {
      }
      %mul3A_251 = arith.constant 8 : i32
      %mul3A_252 = arith.muli %mul3A_251, %while3A_121 : i32
      %add3A_253 = arith.constant 6 : i32
      %add3A_254 = arith.addi %mul3A_252, %add3A_253 : i32
      %dma_wait3A_255 = arith.constant 0 : i32
      %dma_wait3A_256 = tpu.memref_slice %arg7[%add3A_254, %dma_wait3A_255] : memref<80x128xi32, #tpu.memory_space<vmem>> -> memref<1x128xi32, #tpu.memory_space<vmem>>
      %dma_wait3A_257 = tpu.memref_squeeze %dma_wait3A_256 : memref<1x128xi32, #tpu.memory_space<vmem>> -> memref<128xi32, #tpu.memory_space<vmem>>
      %dma_wait3A_258 = arith.constant 0 : i32
      %dma_wait3A_259 = arith.constant 0 : i32
      %dma_wait3A_260 = tpu.memref_slice %arg2[%dma_wait3A_258, %dma_wait3A_259] : memref<10112x8xf32, #tpu.memory_space<hbm>> -> memref<10112x8xf32, #tpu.memory_space<hbm>>
      tpu.wait_indirect_dma semaphore(%arg24 : memref<!tpu.dma_semaphore, #tpu.memory_space<semaphore_mem>>) src(%dma_wait3A_260 : memref<10112x8xf32, #tpu.memory_space<hbm>>) dst(%arg15 : memref<128x8xf32, #tpu.memory_space<vmem>>)
      %dma_start3A_261 = arith.constant 0 : i32
      %dma_start3A_262 = tpu.memref_slice %arg8[%add3A_254, %dma_start3A_261] : memref<80x128xi32, #tpu.memory_space<vmem>> -> memref<1x128xi32, #tpu.memory_space<vmem>>
      %dma_start3A_263 = tpu.memref_squeeze %dma_start3A_262 : memref<1x128xi32, #tpu.memory_space<vmem>> -> memref<128xi32, #tpu.memory_space<vmem>>
      %dma_start3A_264 = arith.constant 0 : i32
      %dma_start3A_265 = arith.constant 0 : i32
      %dma_start3A_266 = tpu.memref_slice %arg17[%dma_start3A_264, %dma_start3A_265] : memref<10112x8xf32, #tpu.memory_space<vmem_shared>> -> memref<10112x8xf32, #tpu.memory_space<vmem_shared>>
      tpu.enqueue_indirect_dma source(%arg15 : memref<128x8xf32, #tpu.memory_space<vmem>>) target(%dma_start3A_266 : memref<10112x8xf32, #tpu.memory_space<vmem_shared>>) offsets(%dma_start3A_263 : memref<128xi32, #tpu.memory_space<vmem>>) semaphore(%arg32 : memref<!tpu.dma_semaphore, #tpu.memory_space<semaphore_mem>>) {add = true}
      %add3A_267 = arith.constant 4 : i32
      %add3A_268 = arith.addi %add3A_254, %add3A_267 : i32
      %lt3A_269 = arith.cmpi slt, %add3A_268, %select_n3A : i32
      %convert_element_type3A_270 = arith.extui %lt3A_269 : i1 to i32
      %cond3A_271 = arith.constant 0 : i32
      %cond3A_272 = arith.cmpi ne, %convert_element_type3A_270, %cond3A_271 : i32
      scf.if %cond3A_272 {
        %ge3A = arith.constant 8 : i32
        %ge3A_295 = arith.cmpi sge, %add3A_268, %ge3A : i32
        %convert_element_type3A_296 = arith.extui %ge3A_295 : i1 to i32
        %cond3A_297 = arith.constant 0 : i32
        %cond3A_298 = arith.cmpi ne, %convert_element_type3A_296, %cond3A_297 : i32
        scf.if %cond3A_298 {
          %dma_wait3A_305 = arith.constant 0 : i32
          %dma_wait3A_306 = tpu.memref_slice %arg8[%add3A_254, %dma_wait3A_305] : memref<80x128xi32, #tpu.memory_space<vmem>> -> memref<1x128xi32, #tpu.memory_space<vmem>>
          %dma_wait3A_307 = tpu.memref_squeeze %dma_wait3A_306 : memref<1x128xi32, #tpu.memory_space<vmem>> -> memref<128xi32, #tpu.memory_space<vmem>>
          %dma_wait3A_308 = arith.constant 0 : i32
          %dma_wait3A_309 = arith.constant 0 : i32
          %dma_wait3A_310 = tpu.memref_slice %arg17[%dma_wait3A_308, %dma_wait3A_309] : memref<10112x8xf32, #tpu.memory_space<vmem_shared>> -> memref<10112x8xf32, #tpu.memory_space<vmem_shared>>
          tpu.wait_indirect_dma semaphore(%arg28 : memref<!tpu.dma_semaphore, #tpu.memory_space<semaphore_mem>>) src(%arg11 : memref<128x8xf32, #tpu.memory_space<vmem>>) dst(%dma_wait3A_310 : memref<10112x8xf32, #tpu.memory_space<vmem_shared>>)
        } else {
        }
        %dma_start3A_299 = arith.constant 0 : i32
        %dma_start3A_300 = tpu.memref_slice %arg7[%add3A_268, %dma_start3A_299] : memref<80x128xi32, #tpu.memory_space<vmem>> -> memref<1x128xi32, #tpu.memory_space<vmem>>
        %dma_start3A_301 = tpu.memref_squeeze %dma_start3A_300 : memref<1x128xi32, #tpu.memory_space<vmem>> -> memref<128xi32, #tpu.memory_space<vmem>>
        %dma_start3A_302 = arith.constant 0 : i32
        %dma_start3A_303 = arith.constant 0 : i32
        %dma_start3A_304 = tpu.memref_slice %arg2[%dma_start3A_302, %dma_start3A_303] : memref<10112x8xf32, #tpu.memory_space<hbm>> -> memref<10112x8xf32, #tpu.memory_space<hbm>>
        tpu.enqueue_indirect_dma source(%dma_start3A_304 : memref<10112x8xf32, #tpu.memory_space<hbm>>) target(%arg11 : memref<128x8xf32, #tpu.memory_space<vmem>>) offsets(%dma_start3A_301 : memref<128xi32, #tpu.memory_space<vmem>>) semaphore(%arg20 : memref<!tpu.dma_semaphore, #tpu.memory_space<semaphore_mem>>)
      } else {
      }
      %mul3A_273 = arith.constant 8 : i32
      %mul3A_274 = arith.muli %mul3A_273, %while3A_121 : i32
      %add3A_275 = arith.constant 7 : i32
      %add3A_276 = arith.addi %mul3A_274, %add3A_275 : i32
      %dma_wait3A_277 = arith.constant 0 : i32
      %dma_wait3A_278 = tpu.memref_slice %arg7[%add3A_276, %dma_wait3A_277] : memref<80x128xi32, #tpu.memory_space<vmem>> -> memref<1x128xi32, #tpu.memory_space<vmem>>
      %dma_wait3A_279 = tpu.memref_squeeze %dma_wait3A_278 : memref<1x128xi32, #tpu.memory_space<vmem>> -> memref<128xi32, #tpu.memory_space<vmem>>
      %dma_wait3A_280 = arith.constant 0 : i32
      %dma_wait3A_281 = arith.constant 0 : i32
      %dma_wait3A_282 = tpu.memref_slice %arg2[%dma_wait3A_280, %dma_wait3A_281] : memref<10112x8xf32, #tpu.memory_space<hbm>> -> memref<10112x8xf32, #tpu.memory_space<hbm>>
      tpu.wait_indirect_dma semaphore(%arg25 : memref<!tpu.dma_semaphore, #tpu.memory_space<semaphore_mem>>) src(%dma_wait3A_282 : memref<10112x8xf32, #tpu.memory_space<hbm>>) dst(%arg16 : memref<128x8xf32, #tpu.memory_space<vmem>>)
      %dma_start3A_283 = arith.constant 0 : i32
      %dma_start3A_284 = tpu.memref_slice %arg8[%add3A_276, %dma_start3A_283] : memref<80x128xi32, #tpu.memory_space<vmem>> -> memref<1x128xi32, #tpu.memory_space<vmem>>
      %dma_start3A_285 = tpu.memref_squeeze %dma_start3A_284 : memref<1x128xi32, #tpu.memory_space<vmem>> -> memref<128xi32, #tpu.memory_space<vmem>>
      %dma_start3A_286 = arith.constant 0 : i32
      %dma_start3A_287 = arith.constant 0 : i32
      %dma_start3A_288 = tpu.memref_slice %arg17[%dma_start3A_286, %dma_start3A_287] : memref<10112x8xf32, #tpu.memory_space<vmem_shared>> -> memref<10112x8xf32, #tpu.memory_space<vmem_shared>>
      tpu.enqueue_indirect_dma source(%arg16 : memref<128x8xf32, #tpu.memory_space<vmem>>) target(%dma_start3A_288 : memref<10112x8xf32, #tpu.memory_space<vmem_shared>>) offsets(%dma_start3A_285 : memref<128xi32, #tpu.memory_space<vmem>>) semaphore(%arg33 : memref<!tpu.dma_semaphore, #tpu.memory_space<semaphore_mem>>) {add = true}
      %add3A_289 = arith.constant 4 : i32
      %add3A_290 = arith.addi %add3A_276, %add3A_289 : i32
      %lt3A_291 = arith.cmpi slt, %add3A_290, %select_n3A : i32
      %convert_element_type3A_292 = arith.extui %lt3A_291 : i1 to i32
      %cond3A_293 = arith.constant 0 : i32
      %cond3A_294 = arith.cmpi ne, %convert_element_type3A_292, %cond3A_293 : i32
      scf.if %cond3A_294 {
        %ge3A = arith.constant 8 : i32
        %ge3A_295 = arith.cmpi sge, %add3A_290, %ge3A : i32
        %convert_element_type3A_296 = arith.extui %ge3A_295 : i1 to i32
        %cond3A_297 = arith.constant 0 : i32
        %cond3A_298 = arith.cmpi ne, %convert_element_type3A_296, %cond3A_297 : i32
        scf.if %cond3A_298 {
          %dma_wait3A_305 = arith.constant 0 : i32
          %dma_wait3A_306 = tpu.memref_slice %arg8[%add3A_276, %dma_wait3A_305] : memref<80x128xi32, #tpu.memory_space<vmem>> -> memref<1x128xi32, #tpu.memory_space<vmem>>
          %dma_wait3A_307 = tpu.memref_squeeze %dma_wait3A_306 : memref<1x128xi32, #tpu.memory_space<vmem>> -> memref<128xi32, #tpu.memory_space<vmem>>
          %dma_wait3A_308 = arith.constant 0 : i32
          %dma_wait3A_309 = arith.constant 0 : i32
          %dma_wait3A_310 = tpu.memref_slice %arg17[%dma_wait3A_308, %dma_wait3A_309] : memref<10112x8xf32, #tpu.memory_space<vmem_shared>> -> memref<10112x8xf32, #tpu.memory_space<vmem_shared>>
          tpu.wait_indirect_dma semaphore(%arg29 : memref<!tpu.dma_semaphore, #tpu.memory_space<semaphore_mem>>) src(%arg12 : memref<128x8xf32, #tpu.memory_space<vmem>>) dst(%dma_wait3A_310 : memref<10112x8xf32, #tpu.memory_space<vmem_shared>>)
        } else {
        }
        %dma_start3A_299 = arith.constant 0 : i32
        %dma_start3A_300 = tpu.memref_slice %arg7[%add3A_290, %dma_start3A_299] : memref<80x128xi32, #tpu.memory_space<vmem>> -> memref<1x128xi32, #tpu.memory_space<vmem>>
        %dma_start3A_301 = tpu.memref_squeeze %dma_start3A_300 : memref<1x128xi32, #tpu.memory_space<vmem>> -> memref<128xi32, #tpu.memory_space<vmem>>
        %dma_start3A_302 = arith.constant 0 : i32
        %dma_start3A_303 = arith.constant 0 : i32
        %dma_start3A_304 = tpu.memref_slice %arg2[%dma_start3A_302, %dma_start3A_303] : memref<10112x8xf32, #tpu.memory_space<hbm>> -> memref<10112x8xf32, #tpu.memory_space<hbm>>
        tpu.enqueue_indirect_dma source(%dma_start3A_304 : memref<10112x8xf32, #tpu.memory_space<hbm>>) target(%arg12 : memref<128x8xf32, #tpu.memory_space<vmem>>) offsets(%dma_start3A_301 : memref<128xi32, #tpu.memory_space<vmem>>) semaphore(%arg21 : memref<!tpu.dma_semaphore, #tpu.memory_space<semaphore_mem>>)
      } else {
      }
    }
    %dma_wait3A = arith.constant 0 : i32
    %dma_wait3A_61 = arith.constant 0 : i32
    %dma_wait3A_62 = tpu.memref_slice %arg8[%dma_wait3A, %dma_wait3A_61] : memref<80x128xi32, #tpu.memory_space<vmem>> -> memref<1x128xi32, #tpu.memory_space<vmem>>
    %dma_wait3A_63 = tpu.memref_squeeze %dma_wait3A_62 : memref<1x128xi32, #tpu.memory_space<vmem>> -> memref<128xi32, #tpu.memory_space<vmem>>
    %dma_wait3A_64 = arith.constant 0 : i32
    %dma_wait3A_65 = arith.constant 0 : i32
    %dma_wait3A_66 = tpu.memref_slice %arg17[%dma_wait3A_64, %dma_wait3A_65] : memref<10112x8xf32, #tpu.memory_space<vmem_shared>> -> memref<10112x8xf32, #tpu.memory_space<vmem_shared>>
    tpu.wait_indirect_dma semaphore(%arg26 : memref<!tpu.dma_semaphore, #tpu.memory_space<semaphore_mem>>) src(%arg9 : memref<128x8xf32, #tpu.memory_space<vmem>>) dst(%dma_wait3A_66 : memref<10112x8xf32, #tpu.memory_space<vmem_shared>>)
    %dma_wait3A_67 = arith.constant 0 : i32
    %dma_wait3A_68 = arith.constant 0 : i32
    %dma_wait3A_69 = tpu.memref_slice %arg8[%dma_wait3A_67, %dma_wait3A_68] : memref<80x128xi32, #tpu.memory_space<vmem>> -> memref<1x128xi32, #tpu.memory_space<vmem>>
    %dma_wait3A_70 = tpu.memref_squeeze %dma_wait3A_69 : memref<1x128xi32, #tpu.memory_space<vmem>> -> memref<128xi32, #tpu.memory_space<vmem>>
    %dma_wait3A_71 = arith.constant 0 : i32
    %dma_wait3A_72 = arith.constant 0 : i32
    %dma_wait3A_73 = tpu.memref_slice %arg17[%dma_wait3A_71, %dma_wait3A_72] : memref<10112x8xf32, #tpu.memory_space<vmem_shared>> -> memref<10112x8xf32, #tpu.memory_space<vmem_shared>>
    tpu.wait_indirect_dma semaphore(%arg27 : memref<!tpu.dma_semaphore, #tpu.memory_space<semaphore_mem>>) src(%arg10 : memref<128x8xf32, #tpu.memory_space<vmem>>) dst(%dma_wait3A_73 : memref<10112x8xf32, #tpu.memory_space<vmem_shared>>)
    %dma_wait3A_74 = arith.constant 0 : i32
    %dma_wait3A_75 = arith.constant 0 : i32
    %dma_wait3A_76 = tpu.memref_slice %arg8[%dma_wait3A_74, %dma_wait3A_75] : memref<80x128xi32, #tpu.memory_space<vmem>> -> memref<1x128xi32, #tpu.memory_space<vmem>>
    %dma_wait3A_77 = tpu.memref_squeeze %dma_wait3A_76 : memref<1x128xi32, #tpu.memory_space<vmem>> -> memref<128xi32, #tpu.memory_space<vmem>>
    %dma_wait3A_78 = arith.constant 0 : i32
    %dma_wait3A_79 = arith.constant 0 : i32
    %dma_wait3A_80 = tpu.memref_slice %arg17[%dma_wait3A_78, %dma_wait3A_79] : memref<10112x8xf32, #tpu.memory_space<vmem_shared>> -> memref<10112x8xf32, #tpu.memory_space<vmem_shared>>
    tpu.wait_indirect_dma semaphore(%arg28 : memref<!tpu.dma_semaphore, #tpu.memory_space<semaphore_mem>>) src(%arg11 : memref<128x8xf32, #tpu.memory_space<vmem>>) dst(%dma_wait3A_80 : memref<10112x8xf32, #tpu.memory_space<vmem_shared>>)
    %dma_wait3A_81 = arith.constant 0 : i32
    %dma_wait3A_82 = arith.constant 0 : i32
    %dma_wait3A_83 = tpu.memref_slice %arg8[%dma_wait3A_81, %dma_wait3A_82] : memref<80x128xi32, #tpu.memory_space<vmem>> -> memref<1x128xi32, #tpu.memory_space<vmem>>
    %dma_wait3A_84 = tpu.memref_squeeze %dma_wait3A_83 : memref<1x128xi32, #tpu.memory_space<vmem>> -> memref<128xi32, #tpu.memory_space<vmem>>
    %dma_wait3A_85 = arith.constant 0 : i32
    %dma_wait3A_86 = arith.constant 0 : i32
    %dma_wait3A_87 = tpu.memref_slice %arg17[%dma_wait3A_85, %dma_wait3A_86] : memref<10112x8xf32, #tpu.memory_space<vmem_shared>> -> memref<10112x8xf32, #tpu.memory_space<vmem_shared>>
    tpu.wait_indirect_dma semaphore(%arg29 : memref<!tpu.dma_semaphore, #tpu.memory_space<semaphore_mem>>) src(%arg12 : memref<128x8xf32, #tpu.memory_space<vmem>>) dst(%dma_wait3A_87 : memref<10112x8xf32, #tpu.memory_space<vmem_shared>>)
    %dma_wait3A_88 = arith.constant 0 : i32
    %dma_wait3A_89 = arith.constant 0 : i32
    %dma_wait3A_90 = tpu.memref_slice %arg8[%dma_wait3A_88, %dma_wait3A_89] : memref<80x128xi32, #tpu.memory_space<vmem>> -> memref<1x128xi32, #tpu.memory_space<vmem>>
    %dma_wait3A_91 = tpu.memref_squeeze %dma_wait3A_90 : memref<1x128xi32, #tpu.memory_space<vmem>> -> memref<128xi32, #tpu.memory_space<vmem>>
    %dma_wait3A_92 = arith.constant 0 : i32
    %dma_wait3A_93 = arith.constant 0 : i32
    %dma_wait3A_94 = tpu.memref_slice %arg17[%dma_wait3A_92, %dma_wait3A_93] : memref<10112x8xf32, #tpu.memory_space<vmem_shared>> -> memref<10112x8xf32, #tpu.memory_space<vmem_shared>>
    tpu.wait_indirect_dma semaphore(%arg30 : memref<!tpu.dma_semaphore, #tpu.memory_space<semaphore_mem>>) src(%arg13 : memref<128x8xf32, #tpu.memory_space<vmem>>) dst(%dma_wait3A_94 : memref<10112x8xf32, #tpu.memory_space<vmem_shared>>)
    %dma_wait3A_95 = arith.constant 0 : i32
    %dma_wait3A_96 = arith.constant 0 : i32
    %dma_wait3A_97 = tpu.memref_slice %arg8[%dma_wait3A_95, %dma_wait3A_96] : memref<80x128xi32, #tpu.memory_space<vmem>> -> memref<1x128xi32, #tpu.memory_space<vmem>>
    %dma_wait3A_98 = tpu.memref_squeeze %dma_wait3A_97 : memref<1x128xi32, #tpu.memory_space<vmem>> -> memref<128xi32, #tpu.memory_space<vmem>>
    %dma_wait3A_99 = arith.constant 0 : i32
    %dma_wait3A_100 = arith.constant 0 : i32
    %dma_wait3A_101 = tpu.memref_slice %arg17[%dma_wait3A_99, %dma_wait3A_100] : memref<10112x8xf32, #tpu.memory_space<vmem_shared>> -> memref<10112x8xf32, #tpu.memory_space<vmem_shared>>
    tpu.wait_indirect_dma semaphore(%arg31 : memref<!tpu.dma_semaphore, #tpu.memory_space<semaphore_mem>>) src(%arg14 : memref<128x8xf32, #tpu.memory_space<vmem>>) dst(%dma_wait3A_101 : memref<10112x8xf32, #tpu.memory_space<vmem_shared>>)
    %dma_wait3A_102 = arith.constant 0 : i32
    %dma_wait3A_103 = arith.constant 0 : i32
    %dma_wait3A_104 = tpu.memref_slice %arg8[%dma_wait3A_102, %dma_wait3A_103] : memref<80x128xi32, #tpu.memory_space<vmem>> -> memref<1x128xi32, #tpu.memory_space<vmem>>
    %dma_wait3A_105 = tpu.memref_squeeze %dma_wait3A_104 : memref<1x128xi32, #tpu.memory_space<vmem>> -> memref<128xi32, #tpu.memory_space<vmem>>
    %dma_wait3A_106 = arith.constant 0 : i32
    %dma_wait3A_107 = arith.constant 0 : i32
    %dma_wait3A_108 = tpu.memref_slice %arg17[%dma_wait3A_106, %dma_wait3A_107] : memref<10112x8xf32, #tpu.memory_space<vmem_shared>> -> memref<10112x8xf32, #tpu.memory_space<vmem_shared>>
    tpu.wait_indirect_dma semaphore(%arg32 : memref<!tpu.dma_semaphore, #tpu.memory_space<semaphore_mem>>) src(%arg15 : memref<128x8xf32, #tpu.memory_space<vmem>>) dst(%dma_wait3A_108 : memref<10112x8xf32, #tpu.memory_space<vmem_shared>>)
    %dma_wait3A_109 = arith.constant 0 : i32
    %dma_wait3A_110 = arith.constant 0 : i32
    %dma_wait3A_111 = tpu.memref_slice %arg8[%dma_wait3A_109, %dma_wait3A_110] : memref<80x128xi32, #tpu.memory_space<vmem>> -> memref<1x128xi32, #tpu.memory_space<vmem>>
    %dma_wait3A_112 = tpu.memref_squeeze %dma_wait3A_111 : memref<1x128xi32, #tpu.memory_space<vmem>> -> memref<128xi32, #tpu.memory_space<vmem>>
    %dma_wait3A_113 = arith.constant 0 : i32
    %dma_wait3A_114 = arith.constant 0 : i32
    %dma_wait3A_115 = tpu.memref_slice %arg17[%dma_wait3A_113, %dma_wait3A_114] : memref<10112x8xf32, #tpu.memory_space<vmem_shared>> -> memref<10112x8xf32, #tpu.memory_space<vmem_shared>>
    tpu.wait_indirect_dma semaphore(%arg33 : memref<!tpu.dma_semaphore, #tpu.memory_space<semaphore_mem>>) src(%arg16 : memref<128x8xf32, #tpu.memory_space<vmem>>) dst(%dma_wait3A_115 : memref<10112x8xf32, #tpu.memory_space<vmem_shared>>)
    %barrier3A_116 = arith.constant 0 : index
    tpu.barrier barrier_id(%barrier3A_116)
    %mul3A_117 = arith.constant 632 : i32
    %mul3A_118 = arith.muli %arg1, %mul3A_117 : i32
    %mul3A_119 = arith.constant 632 : i32
    %mul3A_120 = arith.muli %arg1, %mul3A_119 : i32
    "tpu.region"() ({
      %run_scoped3A = tpu.sem_alloc : memref<!tpu.dma_semaphore, #tpu.memory_space<semaphore_mem>>
      %dma_start3A_121 = arith.constant 0 : i32
      %dma_start3A_122 = tpu.memref_slice %arg6[%arg0, %mul3A_120, %dma_start3A_121] : memref<2x10112x8xf32, #tpu.memory_space<hbm>> -> memref<1x632x8xf32, #tpu.memory_space<hbm>>
      %dma_start3A_123 = tpu.memref_squeeze %dma_start3A_122 : memref<1x632x8xf32, #tpu.memory_space<hbm>> -> memref<632x8xf32, #tpu.memory_space<hbm>>
      %dma_start3A_124 = arith.constant 0 : i32
      %dma_start3A_125 = tpu.memref_slice %arg17[%mul3A_118, %dma_start3A_124] : memref<10112x8xf32, #tpu.memory_space<vmem_shared>> -> memref<632x8xf32, #tpu.memory_space<vmem_shared>>
      tpu.enqueue_dma source(%dma_start3A_125 : memref<632x8xf32, #tpu.memory_space<vmem_shared>>) target(%dma_start3A_123 : memref<632x8xf32, #tpu.memory_space<hbm>>) target_semaphore(%run_scoped3A : memref<!tpu.dma_semaphore, #tpu.memory_space<semaphore_mem>>)
      %dma_wait3A_126 = arith.constant 0 : i32
      %dma_wait3A_127 = tpu.memref_slice %arg6[%arg0, %mul3A_120, %dma_wait3A_126] : memref<2x10112x8xf32, #tpu.memory_space<hbm>> -> memref<1x632x8xf32, #tpu.memory_space<hbm>>
      %dma_wait3A_128 = tpu.memref_squeeze %dma_wait3A_127 : memref<1x632x8xf32, #tpu.memory_space<hbm>> -> memref<632x8xf32, #tpu.memory_space<hbm>>
      %dma_wait3A_129 = arith.constant 0 : i32
      %dma_wait3A_130 = tpu.memref_slice %arg17[%mul3A_118, %dma_wait3A_129] : memref<10112x8xf32, #tpu.memory_space<vmem_shared>> -> memref<632x8xf32, #tpu.memory_space<vmem_shared>>
      tpu.wait_dma2 semaphore(%run_scoped3A : memref<!tpu.dma_semaphore, #tpu.memory_space<semaphore_mem>>) src(%dma_wait3A_130 : memref<632x8xf32, #tpu.memory_space<vmem_shared>>) dst(%dma_wait3A_128 : memref<632x8xf32, #tpu.memory_space<hbm>>)
      tpu.yield
    }) : () -> ()
    return
  }
}

module attributes {stable_mosaic.version = 14 : i64} {
  func.func @body(%arg0: memref<2x10112x8xf32, #tpu.memory_space<vmem>>, %arg1: memref<10112x8xf32, #tpu.memory_space<vmem>>, %arg2: memref<10112x8xf32, #tpu.memory_space<vmem>>, %arg3: memref<10112x1xf32, #tpu.memory_space<vmem>>) attributes {dimension_semantics = [], scalar_prefetch = 0 : i64, scratch_operands = 0 : i64, tpu.core_type = #tpu.core_type<tc>} {
    %get3A = arith.constant 0 : index
    %get3A_0 = arith.constant 0 : index
    %get3A_1 = arith.constant 0 : index
    %get3A_2 = vector.load %arg0[%get3A, %get3A_0, %get3A_1] : memref<2x10112x8xf32, #tpu.memory_space<vmem>>, vector<1x10112x8xf32>
    %get3A_3 = vector.shape_cast %get3A_2 : vector<1x10112x8xf32> to vector<10112x8xf32>
    %slice3A = vector.extract_strided_slice %get3A_3 {offsets = [0, 0], sizes = [10112, 1], strides = [1, 1]} : vector<10112x8xf32> to vector<10112x1xf32>
    %get3A_4 = arith.constant 1 : index
    %get3A_5 = arith.constant 0 : index
    %get3A_6 = arith.constant 0 : index
    %get3A_7 = vector.load %arg0[%get3A_4, %get3A_5, %get3A_6] : memref<2x10112x8xf32, #tpu.memory_space<vmem>>, vector<1x10112x8xf32>
    %get3A_8 = vector.shape_cast %get3A_7 : vector<1x10112x8xf32> to vector<10112x8xf32>
    %slice3A_9 = vector.extract_strided_slice %get3A_8 {offsets = [0, 0], sizes = [10112, 1], strides = [1, 1]} : vector<10112x8xf32> to vector<10112x1xf32>
    %add3A = arith.addf %slice3A, %slice3A_9 : vector<10112x1xf32>
    %add3A_10 = arith.constant 1.000000e+00 : f32
    %add3A_11 = vector.broadcast %add3A_10 : f32 to vector<10112x1xf32>
    %add3A_12 = arith.addf %add3A, %add3A_11 : vector<10112x1xf32>
    %swap3A = arith.constant 0 : index
    %swap3A_13 = arith.constant 0 : index
    %swap3A_14 = vector.load %arg3[%swap3A, %swap3A_13] : memref<10112x1xf32, #tpu.memory_space<vmem>>, vector<10112x1xf32>
    tpu.vector_store %arg3[%swap3A, %swap3A_13], %add3A_12 {strides = array<i32>} : memref<10112x1xf32, #tpu.memory_space<vmem>>, vector<10112x1xf32>,
    %get3A_15 = arith.constant 0 : index
    %get3A_16 = arith.constant 0 : index
    %get3A_17 = vector.load %arg1[%get3A_15, %get3A_16] : memref<10112x8xf32, #tpu.memory_space<vmem>>, vector<10112x8xf32>
    %rsqrt3A = math.rsqrt %add3A_12 : vector<10112x1xf32>
    %mul3A = vector.broadcast %rsqrt3A : vector<10112x1xf32> to vector<10112x8xf32>
    %mul3A_18 = arith.mulf %get3A_17, %mul3A : vector<10112x8xf32>
    %swap3A_19 = arith.constant 0 : index
    %swap3A_20 = arith.constant 0 : index
    %swap3A_21 = vector.load %arg2[%swap3A_19, %swap3A_20] : memref<10112x8xf32, #tpu.memory_space<vmem>>, vector<10112x8xf32>
    tpu.vector_store %arg2[%swap3A_19, %swap3A_20], %mul3A_18 {strides = array<i32>} : memref<10112x8xf32, #tpu.memory_space<vmem>>, vector<10112x8xf32>,
    return
  }
}

module attributes {stable_mosaic.version = 14 : i64} {
  func.func @body(%arg0: memref<2x10112x8xf32, #tpu.memory_space<vmem>>, %arg1: memref<10112x8xf32, #tpu.memory_space<vmem>>, %arg2: memref<10112x1xf32, #tpu.memory_space<vmem>>, %arg3: memref<8x8xf32, #tpu.memory_space<vmem>>, %arg4: memref<1x8xf32, #tpu.memory_space<vmem>>, %arg5: memref<10112x8xf32, #tpu.memory_space<vmem>>, %arg6: memref<10112x8xf32, #tpu.memory_space<vmem>>) attributes {dimension_semantics = [], scalar_prefetch = 0 : i64, scratch_operands = 0 : i64, tpu.core_type = #tpu.core_type<tc>} {
    %get3A = arith.constant 0 : index
    %get3A_0 = arith.constant 0 : index
    %get3A_1 = vector.load %arg2[%get3A, %get3A_0] : memref<10112x1xf32, #tpu.memory_space<vmem>>, vector<10112x1xf32>
    %rsqrt3A = math.rsqrt %get3A_1 : vector<10112x1xf32>
    %get3A_2 = arith.constant 0 : index
    %get3A_3 = arith.constant 0 : index
    %get3A_4 = arith.constant 0 : index
    %get3A_5 = vector.load %arg0[%get3A_2, %get3A_3, %get3A_4] : memref<2x10112x8xf32, #tpu.memory_space<vmem>>, vector<1x10112x8xf32>
    %get3A_6 = vector.shape_cast %get3A_5 : vector<1x10112x8xf32> to vector<10112x8xf32>
    %get3A_7 = arith.constant 1 : index
    %get3A_8 = arith.constant 0 : index
    %get3A_9 = arith.constant 0 : index
    %get3A_10 = vector.load %arg0[%get3A_7, %get3A_8, %get3A_9] : memref<2x10112x8xf32, #tpu.memory_space<vmem>>, vector<1x10112x8xf32>
    %get3A_11 = vector.shape_cast %get3A_10 : vector<1x10112x8xf32> to vector<10112x8xf32>
    %add3A = arith.addf %get3A_6, %get3A_11 : vector<10112x8xf32>
    %mul3A = vector.broadcast %rsqrt3A : vector<10112x1xf32> to vector<10112x8xf32>
    %mul3A_12 = arith.mulf %mul3A, %add3A : vector<10112x8xf32>
    %get3A_13 = arith.constant 0 : index
    %get3A_14 = arith.constant 0 : index
    %get3A_15 = vector.load %arg1[%get3A_13, %get3A_14] : memref<10112x8xf32, #tpu.memory_space<vmem>>, vector<10112x8xf32>
    %div3A = vector.broadcast %get3A_1 : vector<10112x1xf32> to vector<10112x8xf32>
    %div3A_16 = arith.divf %get3A_15, %div3A : vector<10112x8xf32>
    %add3A_17 = arith.addf %mul3A_12, %div3A_16 : vector<10112x8xf32>
    %get3A_18 = arith.constant 0 : index
    %get3A_19 = arith.constant 0 : index
    %get3A_20 = vector.load %arg3[%get3A_18, %get3A_19] : memref<8x8xf32, #tpu.memory_space<vmem>>, vector<8x8xf32>
    %dot_general3A = arith.constant dense<0.000000e+00> : vector<10112x8xf32>
    %dot_general3A_21 = tpu.matmul %add3A_17, %get3A_20, %dot_general3A {dimension_numbers = #tpu.dot_dimension_numbers<[1], [0], [0], [1], [0, 0, 1, 1], [], []>, transpose_lhs_hint = false} : vector<10112x8xf32>, vector<8x8xf32>, vector<10112x8xf32> -> vector<10112x8xf32>
    %get3A_22 = arith.constant 0 : index
    %get3A_23 = arith.constant 0 : index
    %get3A_24 = vector.load %arg4[%get3A_22, %get3A_23] : memref<1x8xf32, #tpu.memory_space<vmem>>, vector<1x8xf32>
    %add3A_25 = vector.broadcast %get3A_24 : vector<1x8xf32> to vector<10112x8xf32>
    %add3A_26 = arith.addf %dot_general3A_21, %add3A_25 : vector<10112x8xf32>
    %max3A = arith.constant 0.000000e+00 : f32
    %max3A_27 = vector.broadcast %max3A : f32 to vector<10112x8xf32>
    %max3A_28 = arith.maximumf %add3A_26, %max3A_27 : vector<10112x8xf32>
    %swap3A = arith.constant 0 : index
    %swap3A_29 = arith.constant 0 : index
    %swap3A_30 = vector.load %arg5[%swap3A, %swap3A_29] : memref<10112x8xf32, #tpu.memory_space<vmem>>, vector<10112x8xf32>
    tpu.vector_store %arg5[%swap3A, %swap3A_29], %max3A_28 {strides = array<i32>} : memref<10112x8xf32, #tpu.memory_space<vmem>>, vector<10112x8xf32>,
    %mul3A_31 = vector.broadcast %rsqrt3A : vector<10112x1xf32> to vector<10112x8xf32>
    %mul3A_32 = arith.mulf %mul3A_31, %max3A_28 : vector<10112x8xf32>
    %swap3A_33 = arith.constant 0 : index
    %swap3A_34 = arith.constant 0 : index
    %swap3A_35 = vector.load %arg6[%swap3A_33, %swap3A_34] : memref<10112x8xf32, #tpu.memory_space<vmem>>, vector<10112x8xf32>
    tpu.vector_store %arg6[%swap3A_33, %swap3A_34], %mul3A_32 {strides = array<i32>} : memref<10112x8xf32, #tpu.memory_space<vmem>>, vector<10112x8xf32>,
    return
  }
}

module attributes {stable_mosaic.version = 14 : i64} {
  func.func @body(%arg0: memref<2x10112x8xf32, #tpu.memory_space<vmem>>, %arg1: memref<10112x8xf32, #tpu.memory_space<vmem>>, %arg2: memref<10112x1xf32, #tpu.memory_space<vmem>>, %arg3: memref<8x32xf32, #tpu.memory_space<vmem>>, %arg4: memref<1x32xf32, #tpu.memory_space<vmem>>, %arg5: memref<10112x32xf32, #tpu.memory_space<vmem>>, %arg6: memref<10112x32xf32, #tpu.memory_space<vmem>>) attributes {dimension_semantics = [], scalar_prefetch = 0 : i64, scratch_operands = 0 : i64, tpu.core_type = #tpu.core_type<tc>} {
    %get3A = arith.constant 0 : index
    %get3A_0 = arith.constant 0 : index
    %get3A_1 = vector.load %arg2[%get3A, %get3A_0] : memref<10112x1xf32, #tpu.memory_space<vmem>>, vector<10112x1xf32>
    %rsqrt3A = math.rsqrt %get3A_1 : vector<10112x1xf32>
    %get3A_2 = arith.constant 0 : index
    %get3A_3 = arith.constant 0 : index
    %get3A_4 = arith.constant 0 : index
    %get3A_5 = vector.load %arg0[%get3A_2, %get3A_3, %get3A_4] : memref<2x10112x8xf32, #tpu.memory_space<vmem>>, vector<1x10112x8xf32>
    %get3A_6 = vector.shape_cast %get3A_5 : vector<1x10112x8xf32> to vector<10112x8xf32>
    %get3A_7 = arith.constant 1 : index
    %get3A_8 = arith.constant 0 : index
    %get3A_9 = arith.constant 0 : index
    %get3A_10 = vector.load %arg0[%get3A_7, %get3A_8, %get3A_9] : memref<2x10112x8xf32, #tpu.memory_space<vmem>>, vector<1x10112x8xf32>
    %get3A_11 = vector.shape_cast %get3A_10 : vector<1x10112x8xf32> to vector<10112x8xf32>
    %add3A = arith.addf %get3A_6, %get3A_11 : vector<10112x8xf32>
    %mul3A = vector.broadcast %rsqrt3A : vector<10112x1xf32> to vector<10112x8xf32>
    %mul3A_12 = arith.mulf %mul3A, %add3A : vector<10112x8xf32>
    %get3A_13 = arith.constant 0 : index
    %get3A_14 = arith.constant 0 : index
    %get3A_15 = vector.load %arg1[%get3A_13, %get3A_14] : memref<10112x8xf32, #tpu.memory_space<vmem>>, vector<10112x8xf32>
    %div3A = vector.broadcast %get3A_1 : vector<10112x1xf32> to vector<10112x8xf32>
    %div3A_16 = arith.divf %get3A_15, %div3A : vector<10112x8xf32>
    %add3A_17 = arith.addf %mul3A_12, %div3A_16 : vector<10112x8xf32>
    %get3A_18 = arith.constant 0 : index
    %get3A_19 = arith.constant 0 : index
    %get3A_20 = vector.load %arg3[%get3A_18, %get3A_19] : memref<8x32xf32, #tpu.memory_space<vmem>>, vector<8x32xf32>
    %dot_general3A = arith.constant dense<0.000000e+00> : vector<10112x32xf32>
    %dot_general3A_21 = tpu.matmul %add3A_17, %get3A_20, %dot_general3A {dimension_numbers = #tpu.dot_dimension_numbers<[1], [0], [0], [1], [0, 0, 1, 1], [], []>, transpose_lhs_hint = false} : vector<10112x8xf32>, vector<8x32xf32>, vector<10112x32xf32> -> vector<10112x32xf32>
    %get3A_22 = arith.constant 0 : index
    %get3A_23 = arith.constant 0 : index
    %get3A_24 = vector.load %arg4[%get3A_22, %get3A_23] : memref<1x32xf32, #tpu.memory_space<vmem>>, vector<1x32xf32>
    %add3A_25 = vector.broadcast %get3A_24 : vector<1x32xf32> to vector<10112x32xf32>
    %add3A_26 = arith.addf %dot_general3A_21, %add3A_25 : vector<10112x32xf32>
    %max3A = arith.constant 0.000000e+00 : f32
    %max3A_27 = vector.broadcast %max3A : f32 to vector<10112x32xf32>
    %max3A_28 = arith.maximumf %add3A_26, %max3A_27 : vector<10112x32xf32>
    %swap3A = arith.constant 0 : index
    %swap3A_29 = arith.constant 0 : index
    %swap3A_30 = vector.load %arg5[%swap3A, %swap3A_29] : memref<10112x32xf32, #tpu.memory_space<vmem>>, vector<10112x32xf32>
    tpu.vector_store %arg5[%swap3A, %swap3A_29], %max3A_28 {strides = array<i32>} : memref<10112x32xf32, #tpu.memory_space<vmem>>, vector<10112x32xf32>,
    %mul3A_31 = vector.broadcast %rsqrt3A : vector<10112x1xf32> to vector<10112x32xf32>
    %mul3A_32 = arith.mulf %mul3A_31, %max3A_28 : vector<10112x32xf32>
    %swap3A_33 = arith.constant 0 : index
    %swap3A_34 = arith.constant 0 : index
    %swap3A_35 = vector.load %arg6[%swap3A_33, %swap3A_34] : memref<10112x32xf32, #tpu.memory_space<vmem>>, vector<10112x32xf32>
    tpu.vector_store %arg6[%swap3A_33, %swap3A_34], %mul3A_32 {strides = array<i32>} : memref<10112x32xf32, #tpu.memory_space<vmem>>, vector<10112x32xf32>,
    return
  }
}

module attributes {stable_mosaic.version = 14 : i64} {
  func.func @body(%arg0: memref<2x10112x32xf32, #tpu.memory_space<vmem>>, %arg1: memref<10112x32xf32, #tpu.memory_space<vmem>>, %arg2: memref<10112x1xf32, #tpu.memory_space<vmem>>, %arg3: memref<32x128xf32, #tpu.memory_space<vmem>>, %arg4: memref<1x128xf32, #tpu.memory_space<vmem>>, %arg5: memref<128x3xf32, #tpu.memory_space<vmem>>, %arg6: memref<1x3xf32, #tpu.memory_space<vmem>>, %arg7: memref<10112x1xi32, #tpu.memory_space<vmem>>, %arg8: memref<64x3xf32, #tpu.memory_space<vmem>>, %arg9: memref<64x128xf32, #tpu.memory_space<vmem>>) attributes {dimension_semantics = [], scalar_prefetch = 0 : i64, scratch_operands = 1 : i64, tpu.core_type = #tpu.core_type<tc>} {
    %get3A = arith.constant 0 : index
    %get3A_0 = arith.constant 0 : index
    %get3A_1 = vector.load %arg2[%get3A, %get3A_0] : memref<10112x1xf32, #tpu.memory_space<vmem>>, vector<10112x1xf32>
    %rsqrt3A = math.rsqrt %get3A_1 : vector<10112x1xf32>
    %get3A_2 = arith.constant 0 : index
    %get3A_3 = arith.constant 0 : index
    %get3A_4 = arith.constant 0 : index
    %get3A_5 = vector.load %arg0[%get3A_2, %get3A_3, %get3A_4] : memref<2x10112x32xf32, #tpu.memory_space<vmem>>, vector<1x10112x32xf32>
    %get3A_6 = vector.shape_cast %get3A_5 : vector<1x10112x32xf32> to vector<10112x32xf32>
    %get3A_7 = arith.constant 1 : index
    %get3A_8 = arith.constant 0 : index
    %get3A_9 = arith.constant 0 : index
    %get3A_10 = vector.load %arg0[%get3A_7, %get3A_8, %get3A_9] : memref<2x10112x32xf32, #tpu.memory_space<vmem>>, vector<1x10112x32xf32>
    %get3A_11 = vector.shape_cast %get3A_10 : vector<1x10112x32xf32> to vector<10112x32xf32>
    %add3A = arith.addf %get3A_6, %get3A_11 : vector<10112x32xf32>
    %mul3A = vector.broadcast %rsqrt3A : vector<10112x1xf32> to vector<10112x32xf32>
    %mul3A_12 = arith.mulf %mul3A, %add3A : vector<10112x32xf32>
    %get3A_13 = arith.constant 0 : index
    %get3A_14 = arith.constant 0 : index
    %get3A_15 = vector.load %arg1[%get3A_13, %get3A_14] : memref<10112x32xf32, #tpu.memory_space<vmem>>, vector<10112x32xf32>
    %div3A = vector.broadcast %get3A_1 : vector<10112x1xf32> to vector<10112x32xf32>
    %div3A_16 = arith.divf %get3A_15, %div3A : vector<10112x32xf32>
    %add3A_17 = arith.addf %mul3A_12, %div3A_16 : vector<10112x32xf32>
    %get3A_18 = arith.constant 0 : index
    %get3A_19 = arith.constant 0 : index
    %get3A_20 = vector.load %arg3[%get3A_18, %get3A_19] : memref<32x128xf32, #tpu.memory_space<vmem>>, vector<32x128xf32>
    %dot_general3A = arith.constant dense<0.000000e+00> : vector<10112x128xf32>
    %dot_general3A_21 = tpu.matmul %add3A_17, %get3A_20, %dot_general3A {dimension_numbers = #tpu.dot_dimension_numbers<[1], [0], [0], [1], [0, 0, 1, 1], [], []>, transpose_lhs_hint = false} : vector<10112x32xf32>, vector<32x128xf32>, vector<10112x128xf32> -> vector<10112x128xf32>
    %get3A_22 = arith.constant 0 : index
    %get3A_23 = arith.constant 0 : index
    %get3A_24 = vector.load %arg4[%get3A_22, %get3A_23] : memref<1x128xf32, #tpu.memory_space<vmem>>, vector<1x128xf32>
    %add3A_25 = vector.broadcast %get3A_24 : vector<1x128xf32> to vector<10112x128xf32>
    %add3A_26 = arith.addf %dot_general3A_21, %add3A_25 : vector<10112x128xf32>
    %get3A_27 = arith.constant 0 : index
    %get3A_28 = arith.constant 0 : index
    %get3A_29 = vector.load %arg7[%get3A_27, %get3A_28] : memref<10112x1xi32, #tpu.memory_space<vmem>>, vector<10112x1xi32>
    %scan3A = arith.constant 0xFF800000 : f32
    %scan3A_30 = arith.constant 0 : i32
    %scan3A_31 = arith.constant 64 : i32
    %scan3A_32 = arith.addi %scan3A_30, %scan3A_31 : i32
    %scan3A_33 = arith.constant 1 : i32
    scf.for %scan3A_57 = %scan3A_30 to %scan3A_32 step %scan3A_33  : i32 {
      %eq3A = vector.broadcast %scan3A_57 : i32 to vector<10112x1xi32>
      %eq3A_58 = arith.cmpi eq, %get3A_29, %eq3A : vector<10112x1xi32>
      %broadcast_in_dim3A_59 = vector.shape_cast %eq3A_58 : vector<10112x1xi1> to vector<10112x1xi1>
      %broadcast_in_dim3A_60 = vector.broadcast %broadcast_in_dim3A_59 : vector<10112x1xi1> to vector<10112x128xi1>
      %broadcast_in_dim3A_61 = vector.broadcast %scan3A : f32 to vector<10112x128xf32>
      %select_n3A = arith.select %broadcast_in_dim3A_60, %add3A_26, %broadcast_in_dim3A_61 : vector<10112x128xi1>, vector<10112x128xf32>
      %reduce_max3A_62 = arith.constant dense<0xFF800000> : vector<128xf32>
      %reduce_max3A_63 = vector.multi_reduction <maximumf>, %select_n3A, %reduce_max3A_62 [0] : vector<10112x128xf32> to vector<128xf32>
      %broadcast_in_dim3A_64 = vector.shape_cast %reduce_max3A_63 : vector<128xf32> to vector<1x128xf32>
      %swap3A_65 = arith.index_cast %scan3A_57 : i32 to index
      %swap3A_66 = arith.constant 0 : index
      %swap3A_67 = vector.load %arg9[%swap3A_65, %swap3A_66] : memref<64x128xf32, #tpu.memory_space<vmem>>, vector<1x128xf32>
      tpu.vector_store %arg9[%swap3A_65, %swap3A_66], %broadcast_in_dim3A_64 {strides = array<i32>} : memref<64x128xf32, #tpu.memory_space<vmem>>, vector<1x128xf32>,
    }
    %scan3A_34 = arith.constant 64 : i32
    %get3A_35 = arith.constant 0 : index
    %get3A_36 = arith.constant 0 : index
    %get3A_37 = vector.load %arg9[%get3A_35, %get3A_36] : memref<64x128xf32, #tpu.memory_space<vmem>>, vector<64x128xf32>
    %get3A_38 = arith.constant 0 : index
    %get3A_39 = arith.constant 0 : index
    %get3A_40 = vector.load %arg5[%get3A_38, %get3A_39] : memref<128x3xf32, #tpu.memory_space<vmem>>, vector<128x3xf32>
    %dot_general3A_41 = arith.constant dense<0.000000e+00> : vector<64x3xf32>
    %dot_general3A_42 = tpu.matmul %get3A_37, %get3A_40, %dot_general3A_41 {dimension_numbers = #tpu.dot_dimension_numbers<[1], [0], [0], [1], [0, 0, 1, 1], [], []>, transpose_lhs_hint = false} : vector<64x128xf32>, vector<128x3xf32>, vector<64x3xf32> -> vector<64x3xf32>
    %get3A_43 = arith.constant 0 : index
    %get3A_44 = arith.constant 0 : index
    %get3A_45 = vector.load %arg6[%get3A_43, %get3A_44] : memref<1x3xf32, #tpu.memory_space<vmem>>, vector<1x3xf32>
    %add3A_46 = vector.broadcast %get3A_45 : vector<1x3xf32> to vector<64x3xf32>
    %add3A_47 = arith.addf %dot_general3A_42, %add3A_46 : vector<64x3xf32>
    %reduce_max3A = arith.constant dense<0xFF800000> : vector<64xf32>
    %reduce_max3A_48 = vector.multi_reduction <maximumf>, %add3A_47, %reduce_max3A [1] : vector<64x3xf32> to vector<64xf32>
    %broadcast_in_dim3A = vector.shape_cast %reduce_max3A_48 : vector<64xf32> to vector<64x1xf32>
    %sub3A = vector.broadcast %broadcast_in_dim3A : vector<64x1xf32> to vector<64x3xf32>
    %sub3A_49 = arith.subf %add3A_47, %sub3A : vector<64x3xf32>
    %exp3A = math.exp %sub3A_49 : vector<64x3xf32>
    %reduce_sum3A = arith.constant dense<0.000000e+00> : vector<64xf32>
    %reduce_sum3A_50 = vector.multi_reduction <add>, %exp3A, %reduce_sum3A [1] : vector<64x3xf32> to vector<64xf32>
    %broadcast_in_dim3A_51 = vector.shape_cast %reduce_sum3A_50 : vector<64xf32> to vector<64x1xf32>
    %log3A = math.log %broadcast_in_dim3A_51 : vector<64x1xf32>
    %add3A_52 = arith.addf %broadcast_in_dim3A, %log3A : vector<64x1xf32>
    %sub3A_53 = vector.broadcast %add3A_52 : vector<64x1xf32> to vector<64x3xf32>
    %sub3A_54 = arith.subf %add3A_47, %sub3A_53 : vector<64x3xf32>
    %swap3A = arith.constant 0 : index
    %swap3A_55 = arith.constant 0 : index
    %swap3A_56 = vector.load %arg8[%swap3A, %swap3A_55] : memref<64x3xf32, #tpu.memory_space<vmem>>, vector<64x3xf32>
    tpu.vector_store %arg8[%swap3A, %swap3A_55], %sub3A_54 {strides = array<i32>} : memref<64x3xf32, #tpu.memory_space<vmem>>, vector<64x3xf32>,
    return
  }
}

</mosaic_0001>

<sc_bundles>
// kernel: kernel.10.cloned.1.call-start
scs
__scs_entry_jumppad:
0x0: {  	(pc) =	sbr.rel $0x88, $3  }
0x1: {  	(tag) =	ssettag $0x0;
	lr =	simm.s32 $0x1  }
0x2: {  	[smem:$0x3F96] =	sst lr;
	_ =	strace $0xD0000000  }
0x3: {  	_ = 	snop  }
0x4: {  	_ = 	snop  }
0x5: {  	_ = 	snop  }
0x6: {  	_ = 	snop  }
0x7: {  	_ = 	snop  }
__scs_overlays_trampoline_lowered:
0x8: {  	[smem:$0x3FA5] =	sst s0  }
0x9: {  	[smem:$0x3FA6] =	sst s1  }
0xa: {  	[smem:$0x3FA7] =	sst s2  }
0xb: {  	[smem:$0x3FA8] =	sst s3  }
0xc: {  	[smem:$0x3FA9] =	sst s4  }
0xd: {  	[smem:$0x3FAA] =	sst s5  }
0xe: {  	[smem:$0x3FAB] =	sst s6  }
0xf: {  	[smem:$0x3FAC] =	sst s7  }
0x10: {  	[smem:$0x3FAD] =	sst s8  }
0x11: {  	[smem:$0x3FAE] =	sst s9;
	s0 =	simm.s32 @!p0 $0x0  }
0x12: {  	s1 =	sld [smem:$0x3F94];
	s0 =	simm.s32 @p0 $0x1  }
0x13: {  	[smem:$0x3FAF] =	sst s0;
	s0 =	simm.s32 @!p1 $0x0  }
0x14: {  	s2 =	sld [smem:$0x3F93];
	s0 =	simm.s32 @p1 $0x1  }
0x15: {  	[smem:$0x3FB0] =	sst s0;
	s0 =	simm.s32 @!p2 $0x0  }
0x16: {  	s3 =	sld [smem:$0x3FDB];
	s0 =	simm.s32 @p2 $0x1  }
0x17: {  	s4 =	simm.s32 $0x1BF5;
	[smem:$0x3FB2] =	sst s0  }
0x18: {  	s0 =	sld [smem:$0x3F95];
	_ =	swait.ge [sflag:s4], $0x0  }
0x19: {  	s7 =	sld [smem:$0x3F96]  }
0x1a: {  	s8 =	sadd.s32 $0xFFFFE003, lr  }
0x1b: {  	s9 =	sadd.s32 $0xFFFFFEF7, lr;
	s5 =	simm.s32 $0xFFFFFFFF;
	p2 =	slt.u32 s8, $0xFFFFF086  }
0x1c: {  	p1 =	slt.u32 s9, $0xF7A;
	s5 =	simm.s32 @!p2 $0x0  }
0x1d: {  	s5 =	simm.s32 @p1 $0x1;
	p0 =	seq.s32 s7, s2  }
0x1e: {  	s7 =	smul.u32 @!p0 $0xF7A, s2;
	p2 =	seq.s32 @!p0 s5, $0x0  }
0x1f: {  	s9 =	smul.u32 $0xF7A, s1;
	s8 =	simm.s32 @!p0 $0x1BF5;
	p2 =	por !p2, p0  }
0x20: {  	[sflag:s8] =	ssyncset.s32 @!p0 $0xFFFFF086;
	s6 =	sadd.s32 @!p0 s3, s7;
	s7 =	simm.s32 @!p0 $0x108  }
0x21: {  	s3 =	sadd.s32 s3, s9;
	s6 =	sadd.s32 @!p0 $0x88, s6;
	s7 =	simm.s32 @p2 $0x1082  }
0x22: {  	[simem:s7], [sflag:s8] =	dma.local @!p0 [hbm:s6], $0xF7A  }
0x23: {  	s9 =	sor.u32 $0xD0000000, s2;
	s6 =	simm.s32 $0x108;
	_ =	swait.ge @!p0 [sflag:s8], $0x0  }
0x24: {  	s3 =	sadd.s32 $0x88, s3;
	s6 =	simm.s32 @!p1 $0x1082;
	[sflag:s4] =	ssyncset.s32 $0xFFFFF086  }
0x25: {  	[simem:s6], [sflag:s4] =	dma.local [hbm:s3], $0xF7A  }
0x26: {  	[smem:$0x3F96] =	sst s1;
	(tag) =	ssettag s2;
	_ =	strace s9  }
0x27: {  	s1 =	sld [smem:$0x3FA6]  }
0x28: {  	s2 =	sld [smem:$0x3FA7]  }
0x29: {  	s4 =	sld [smem:$0x3FA9]  }
0x2a: {  	p0 =	seq.s32 s5, $0x0;
	s5 =	sld [smem:$0x3FAA]  }
0x2b: {  	s6 =	sld [smem:$0x3FAB]  }
0x2c: {  	s7 =	sld [smem:$0x3FAC]  }
0x2d: {  	s3 =	simm.s32 $0x108;
	s8 =	sld [smem:$0x3FAD]  }
0x2e: {  	s3 =	simm.s32 @!p0 $0x1082;
	s9 =	sld [smem:$0x3FAE]  }
0x2f: {  	lr =	sadd.s32 s0, s3;
	s0 =	sld [smem:$0x3FA5]  }
0x30: {  	s3 =	sld [smem:$0x3FA8]  }
0x31: {  	[smem:$0x3FB1] =	sst s10  }
0x32: {  	s10 =	sld [smem:$0x3FAF];
	_ =	sdelay $0x3  }
0x33: {  	p0 =	seq.s32 s10, $0x1;
	s10 =	sld [smem:$0x3FB1];
	_ =	sdelay $0x3  }
0x34: {  	[smem:$0x3FB1] =	sst s10  }
0x35: {  	s10 =	sld [smem:$0x3FB0];
	_ =	sdelay $0x3  }
0x36: {  	p1 =	seq.s32 s10, $0x1;
	s10 =	sld [smem:$0x3FB1];
	_ =	sdelay $0x3  }
0x37: {  	[smem:$0x3FB1] =	sst s10  }
0x38: {  	s10 =	sld [smem:$0x3FB2]  }
0x39: {  	_ = 	snop;
	(pc) =	sbr.ind lr, $3  }
0x3a: {  	_ = 	snop  }
0x3b: {  	_ = 	snop  }
0x3c: {  	p2 =	seq.s32 s10, $0x1;
	s10 =	sld [smem:$0x3FB1]  }
0x3d: {  	_ =	shalt  }
0x3e: {  	_ =	shalt  }
0x3f: {  	_ =	shalt  }
0x40: {  	_ =	shalt  }
0x41: {  	_ =	shalt  }
0x42: {  	_ =	shalt  }
0x43: {  	_ =	shalt  }
0x44: {  	_ =	shalt  }
0x45: {  	_ =	shalt  }
0x46: {  	_ =	shalt  }
0x47: {  	_ =	shalt  }
0x48: {  	_ =	shalt  }
0x49: {  	_ =	shalt  }
0x4a: {  	_ =	shalt  }
0x4b: {  	_ =	shalt  }
0x4c: {  	_ =	shalt  }
0x4d: {  	_ =	shalt  }
0x4e: {  	_ =	shalt  }
0x4f: {  	_ =	shalt  }
0x50: {  	_ =	shalt  }
0x51: {  	_ =	shalt  }
0x52: {  	_ =	shalt  }
0x53: {  	_ =	shalt  }
0x54: {  	_ =	shalt  }
0x55: {  	_ =	shalt  }
0x56: {  	_ =	shalt  }
0x57: {  	_ =	shalt  }
0x58: {  	_ =	shalt  }
0x59: {  	_ =	shalt  }
0x5a: {  	_ =	shalt  }
0x5b: {  	_ =	shalt  }
0x5c: {  	_ =	shalt  }
0x5d: {  	_ =	shalt  }
0x5e: {  	_ =	shalt  }
0x5f: {  	_ =	shalt  }
0x60: {  	_ =	shalt  }
0x61: {  	_ =	shalt  }
0x62: {  	_ =	shalt  }
0x63: {  	_ =	shalt  }
0x64: {  	_ =	shalt  }
0x65: {  	_ =	shalt  }
0x66: {  	_ =	shalt  }
0x67: {  	_ =	shalt  }
0x68: {  	_ =	shalt  }
0x69: {  	_ =	shalt  }
0x6a: {  	_ =	shalt  }
0x6b: {  	_ =	shalt  }
0x6c: {  	_ =	shalt  }
0x6d: {  	_ =	shalt  }
0x6e: {  	_ =	shalt  }
0x6f: {  	_ =	shalt  }
0x70: {  	_ =	shalt  }
0x71: {  	_ =	shalt  }
0x72: {  	_ =	shalt  }
0x73: {  	_ =	shalt  }
0x74: {  	_ =	shalt  }
0x75: {  	_ =	shalt  }
0x76: {  	_ =	shalt  }
0x77: {  	_ =	shalt  }
0x78: {  	_ =	shalt  }
0x79: {  	_ =	shalt  }
0x7a: {  	_ =	shalt  }
0x7b: {  	_ =	shalt  }
0x7c: {  	_ =	shalt  }
0x7d: {  	_ =	shalt  }
0x7e: {  	_ =	shalt  }
0x7f: {  	_ =	shalt  }
0x80: {  	_ =	shalt  }
0x81: {  	_ =	shalt  }
0x82: {  	_ =	shalt  }
0x83: {  	_ =	shalt  }
0x84: {  	_ =	shalt  }
0x85: {  	_ =	shalt  }
0x86: {  	_ =	shalt  }
0x87: {  	_ =	shalt  }
.Lfunc_end0:
.L_simem_size_0:
called_computation_lowered:
.L_overlay_start_0:
0x88: {  	s2 =	sld [smem:$0x3FD9]  }
0x89: {  	s3 =	sld [smem:$0x3FFE];
	_ =	sdelay $0x1  }
0x8a: {  	s1 =	srdreg.scid  }
0x8b: {  	s0 =	sand.u32 $0x1, s1  }
0x8c: {  	s16 =	sshll.u32 s0, $0xA;
	s2 =	sadd.s32 s3, s2  }
0x8d: {  	s2 =	sadd.s32 s2, s16  }
0x8e: {  	[smem:$0x3FBD] =	sst s2  }
0x8f: {  	_ = 	snop  }
0x90: {  	(tm) =	ssettm $0x1  }
0x91: {  	s17 =	sld [smem:$0x3FFB];
	_ =	sdelay $0x3  }
0x92: {  	_ =	strace s17  }
0x93: {  	s2 =	sld [smem:$0x3FFC];
	_ =	sdelay $0x3  }
0x94: {  	_ =	strace s2  }
0x95: {  	s2 =	sld [smem:$0x3FFD];
	_ =	sdelay $0x3  }
0x96: {  	_ =	strace s2  }
0x97: {  	_ =	strace $0x8FFFFFFF  }
0x98: {  	s18 =	sld [smem:$0x3FDB];
	_ =	sdelay $0x1  }
0x99: {  	s19 =	simm.s32 $_scs_section_size  }
0x9a: {  	s4 =	simm.s32 $_size__tile_overlayer_lowered;
	s5 =	simm.s32 $_tile_overlayer_lowered  }
0x9b: {  	s22 =	simm.s32 $0x1BFF;
	s21 =	sshll.u32 s5, $0x1;
	s2 =	sadd.s32 s19, s18  }
0x9c: {  	s6 =	simm.s32 $0x0;
	s20 =	sshll.u32 s4, $0x1;
	s4 =	sadd.s32 s21, s2  }
0x9d: {  	[timem:s6], [sflag:s22] =	dma.local [hbm:s4], s20  }
0x9e: {  	_ =	swait.ge [sflag:s22], s20  }
0x9f: {  	s3 =	ssub.s32 $0x0, s20;
	[sflag:s22] =	ssyncset.done $0x0  }
0xa0: {  	[sflag:s22] =	ssyncadd.s32 s3;
	_ =	sdelay $0x1  }
0xa1: {  	s23 =	simm.s32 $0x1B8B  }
0xa2: {  	_ =	swait.ge [sflag:s23], $0x1  }
0xa3: {  	[sflag:s23] =	ssyncset.done $0x0  }
0xa4: {  	s25 =	simm.s32 $0x1B8E;
	s24 =	sld [smem:$0x3FFE];
	[sflag:s23] =	ssyncadd.s32 $0xFFFFFFFF  }
0xa5: {  	s26 =	simm.s32 $execute0_lowered;
	[smem:$0x3FD2] =	sst s25  }
0xa6: {  	s4 =	sshll.u32 s26, $0x1;
	_ =	strace $0x80000046;
	[dreg:$0x1] =	wrdreg $0xFFFFFFFF  }
0xa7: {  	s28 =	simm.s32 $_size_execute0_lowered;
	s2 =	sadd.s32 s2, s4;
	[dreg:$0x0] =	wrdreg $0x0  }
0xa8: {  	s4 =	sshll.u32 s28, $0x1;
	[dreg:$0x2] =	wrdreg s2  }
0xa9: {  	[dreg:$0x3] =	wrdreg s4  }
0xaa: {  	[dreg:$0x4] =	wrdreg $0xC0  }
0xab: {  	_ =	task [dreg:s6], $0x5FFFF  }
0xac: {  	[dreg:$0x1] =	wrdreg $0xFFFFFFFF  }
0xad: {  	[dreg:$0x0] =	wrdreg $0x60  }
0xae: {  	[dreg:$0x2] =	wrdreg s24  }
0xaf: {  	[dreg:$0x3] =	wrdreg $0x2C000  }
0xb0: {  	[dreg:$0x4] =	wrdreg $0x9  }
0xb1: {  	_ =	task.clear_ibuf [dreg:s6], $0x5FFFF;
	_ =	strace $0x90000046  }
0xb2: {  	s29 =	simm.s32 $0x9;
	_ =	strace $0x80000048  }
0xb3: {  	_ =	swait.ge [sflag:s29], $0x1  }
0xb4: {  	[sflag:s29] =	ssyncadd.s32 $0xFFFFFFFF  }
0xb5: {  	_ =	strace $0x90000048  }
0xb6: {  	_ =	sfence  }
0xb7: {  	s30 =	sld [smem:$0x0];
	_ =	sdelay $0x2  }
0xb8: {  	s31 =	sshll.u32 s1, $0xD;
	s1 =	sshrl.u32 s1, $0x2  }
0xb9: {  	s3 =	sand.u32 $0x4000, s31;
	s1 =	sadd.s32 s1, s30  }
0xba: {  	s0 =	sor.u32 s3, s0;
	s1 =	sshll.u32 s1, $0x11  }
0xbb: {  	s0 =	sor.u32 s1, s0  }
0xbc: {  	s0 =	sadd.s32 $0x8F2B, s0  }
0xbd: {  	[sflag:s0] =	ssyncadd.remote.s32 $0x1  }
0xbe: {  	_ =	sfence.sel $0xFFFF  }
0xbf: {  	[dreg:$0x0] =	wrdreg $0xFFFFFFFF;
	(pc) =	sbr.abs _section_cstart, $3  }
0xc0: {  	[dreg:$0x1] =	wrdreg $0xFFFFFFFF  }
0xc1: {  	_ =	task.clear_ibuf [dreg:s6], $0x2FFFF;
	_ =	strace $0x9FFFFFFF  }
0xc2: {  	(tm) =	ssettm $0x7FFFFFFF  }
0xc3: {  	_ =	shalt  }
tec
execute0_lowered:
.L_overlay_start_1:
0x0: {  	(tag) =	ssettag $0x1  }
0x1: {  	s6 =	rddreg [dreg:$0x0]  }
0x2: {  	s0 =	srdreg.scid;
	s2 =	rddreg [dreg:$0x1]  }
0x3: {  	s3 =	simm.s32 $0x0;
	s13 =	simm.s32 $0x80;
	s14 =	simm.s32 $0x100  }
0x4: {  	s15 =	simm.s32 $0x180;
	s5 =	sand.u32 $0x1, s0;
	s0 =	stileid.u32  }
0x5: {  	s16 =	simm.s32 $0x1;
	s17 =	simm.s32 $0x0;
	s7 =	smul.u32 $0x13C0, s0  }
0x6: {  	[smem:$0x7FF] =	sst s3;
	s1 =	sshll.u32 s5, $0x4;
	s8 =	smul.u32 $0x13C00, s5  }
0x7: {  	s5 =	ssub.s32 $0x2, s5;
	s31 =	sshll.u32 s0, $0x6;
	s1 =	sor.u32 s0, s1  }
0x8: {  	s11 =	sshrl.u32 s5, $0x1;
	s4 =	smul.u32 $0x500, s1;
	s1 =	rddreg [dreg:$0x2]  }
0x9: {  	_ =	strace $0x80000047;
	s8 =	sadd.s32 s7, s8;
	s10 =	sshrl.u32 s7, $0x3  }
0xa: {  	s11 =	ssub.s32 s5, s11;
	s12 =	sadd.s32 s7, s2;
	s8 =	sshrl.u32 s8, $0x3  }
0xb: {  	s10 =	sadd.s32 s10, s6;
	s12 =	sshrl.u32 s12, $0x3;
	s9 =	sadd.s32 s4, s6  }
0xc: {  	s4 =	sadd.s32 $0xEE00, s6;
	s8 =	sadd.s32 s8, s6;
	s6 =	sadd.s32 $0xC600, s10  }
0xd: {  	s10 =	simm.s32 $0x2800;
	s5 =	sadd.s32 $0x2600, s9;
	s7 =	sadd.s32 $0xF000, s8  }
0xe: {  	s8 =	smax.u32 s11, $0x1;
	s9 =	simm.s32 $0x2;
	s11 =	sor.u32 $0x1C02, s31  }
.LBB2_1:
0xf: {  	[tilespmem:s3], [sflag:$0x2] =	stream.linear.gather [hbm4b:s5+s3], $0x2800, $0x38;
	[tilespmem:$0x3FC0] =	vst v63  }
0x10: {  	_ =	swait.ge [sflag:s9], $0x2800  }
0x11: {  	[sflag:s9] =	ssyncset.done $0x0  }
0x12: {  	[sflag:s9] =	ssyncadd.s32 $0xFFFFD800  }
0x13: {  	[tilespmem:s10], [sflag:$0x2] =	stream.linear.gather [hbm4b:s4+s3], $0x400, $0x38;
	[tilespmem:$0x3FC0] =	vst v63  }
0x14: {  	_ =	swait.ge [sflag:s9], $0x400  }
0x15: {  	[sflag:s9] =	ssyncset.done $0x0  }
0x16: {  	[sflag:s9] =	ssyncadd.s32 $0xFFFFFC00  }
0x17: {  	[spmem:s12], [sflag:s11] =	dma.local [hbm:s6], $0x278  }
0x18: {  	_ =	swait.ge [sflag:s9], $0x278  }
0x19: {  	[sflag:s9] =	ssyncset.done $0x0  }
0x1a: {  	[sflag:s9] =	ssyncadd.s32 $0xFFFFFD88  }
0x1b: {  	[bflag:$0x0] =	sbarrier.arrive $0xFFFF  }
0x1c: {  	[spmem:s2] =	stream.indirect.scatter.add.f32 [tilespmem:s10], [sflag:$0x1], $0x8, s3, s13, $0xb8;
	[tilespmem:$0x3FC0] =	vst v63  }
0x1d: {  	_ = 	snop  }
0x1e: {  	[spmem:s2] =	stream.indirect.scatter.add.f32 [tilespmem:s10], [sflag:$0x1], $0x8, s13, s13, $0xb8;
	[tilespmem:$0x3FC0] =	vst v63  }
0x1f: {  	_ = 	snop  }
0x20: {  	[spmem:s2] =	stream.indirect.scatter.add.f32 [tilespmem:s10], [sflag:$0x1], $0x8, s14, s13, $0xb8;
	[tilespmem:$0x3FC0] =	vst v63  }
0x21: {  	_ = 	snop  }
0x22: {  	[spmem:s2] =	stream.indirect.scatter.add.f32 [tilespmem:s10], [sflag:$0x1], $0x8, s15, s13, $0xb8;
	[tilespmem:$0x3FC0] =	vst v63  }
0x23: {  	_ =	swait.ge [sflag:s16], $0x400  }
0x24: {  	[sflag:s16] =	ssyncset.done $0x0  }
0x25: {  	s18 =	simm.s32 $0xA00;
	s19 =	simm.s32 $0x200;
	[sflag:s16] =	ssyncadd.s32 $0xFFFFFC00  }
.LBB2_2:
0x26: {  	[spmem:s2] =	stream.indirect.scatter.add.f32 [tilespmem:s10], [sflag:$0x1], $0x8, s19, s13, $0xb8;
	[tilespmem:$0x3FC0] =	vst v63  }
0x27: {  	s19 =	smov.u32 s18;
	p0 =	sne.s32 s18, $0x9E00  }
.Ltmp0:
0x28: {  	s18 =	sadd.s32 $0x200, s18;
	(pc) =	sbr.rel @p0 .LBB2_2-.Ltmp0, $4  }
0x29: {  	_ = 	snop  }
0x2a: {  	_ =	swait.ge [sflag:s16], $0x400  }
0x2b: {  	[sflag:s16] =	ssyncset.done $0x0  }
0x2c: {  	s19 =	sshra.s32 s19, $0x2;
	[sflag:s16] =	ssyncadd.s32 $0xFFFFFC00  }
0x2d: {  	[spmem:s2] =	stream.indirect.scatter.add.f32 [tilespmem:s10], [sflag:$0x1], $0x8, s19, s13, $0xb8;
	[tilespmem:$0x3FC0] =	vst v63  }
0x2e: {  	_ =	swait.ge [sflag:s16], $0x400  }
0x2f: {  	[sflag:s16] =	ssyncset.done $0x0  }
0x30: {  	[sflag:s16] =	ssyncadd.s32 $0xFFFFFC00  }
0x31: {  	_ =	swait.ge [sflag:s16], $0x400  }
0x32: {  	[sflag:s16] =	ssyncset.done $0x0  }
0x33: {  	[sflag:s16] =	ssyncadd.s32 $0xFFFFFC00  }
0x34: {  	_ =	swait.ge [sflag:s16], $0x400  }
0x35: {  	[sflag:s16] =	ssyncset.done $0x0  }
0x36: {  	[sflag:s16] =	ssyncadd.s32 $0xFFFFFC00  }
0x37: {  	_ =	swait.ge [sflag:s16], $0x400  }
0x38: {  	s17 =	sadd.s32 $0x1, s17;
	[sflag:s16] =	ssyncset.done $0x0  }
0x39: {  	p0 =	sne.s32 s17, s8;
	[sflag:s16] =	ssyncadd.s32 $0xFFFFFC00  }
.Ltmp1:
0x3a: {  	[bflag:$0x0] =	sbarrier.arrive $0xFFFF;
	(pc) =	sbr.rel @p0 .LBB2_1-.Ltmp1, $4  }
0x3b: {  	[hbm:s7], [sflag:s11] =	dma.local [spmem:s12], $0x278  }
0x3c: {  	_ =	swait.ge [sflag:s9], $0x278  }
0x3d: {  	[sflag:s9] =	ssyncset.done $0x0  }
0x3e: {  	[sflag:s9] =	ssyncadd.s32 $0xFFFFFD88  }
0x3f: {  	_ =	sfence.sel $0x180000  }
0x40: {  	[bflag:$0x0] =	sbarrier.arrive $0xFFFF  }
0x41: {  	p0 =	sne.s32 s0, $0x0;
	_ =	strace $0x90000047  }
0x42: {  	s0 =	sadd.s32 @!p0 $0x100000, s1;
	[bflag:$0x2] =	sbarrier.arrive $0xFFFF  }
0x43: {  	[sflag:s0] =	ssyncadd.tile.s32 @!p0 $0x1;
	_ =	shalt  }
.Lfunc_end2:
_tile_overlayer_lowered:
.L_overlay_start_2:
0x44: {  	(tag) =	ssettag $0x2  }
0x45: {  	s0 =	rddreg [dreg:$0x0];
	s2 =	stileid.u32  }
0x46: {  	s1 =	rddreg [dreg:$0x1];
	p0 =	sne.s32 s2, $0x0  }
0x47: {  	s3 =	rddreg [dreg:$0x2];
	[bflag:$0x3] =	sbarrier.arrive $0xFFFF;
	s2 =	simm.s32 @!p0 $0x1C02  }
0x48: {  	[timem:s3], [sflag:s2] =	dma.local @!p0 [hbm:s0], s1  }
0x49: {  	s0 =	simm.s32 @!p0 $0x2  }
0x4a: {  	_ =	swait.ge @!p0 [sflag:s0], s1  }
0x4b: {  	s1 =	ssub.s32 @!p0 $0x0, s1;
	[sflag:s0] =	ssyncset.done @!p0 $0x0  }
0x4c: {  	[sflag:s0] =	ssyncadd.s32 @!p0 s1  }
0x4d: {  	[bflag:$0x3] =	sbarrier.arrive $0xFFFF  }
0x4e: {  	_ =	shalt  }

// kernel: kernel.13.cloned.1.call-start
scs
__scs_entry_jumppad:
0x0: {  	(pc) =	sbr.rel $0x88, $3  }
0x1: {  	(tag) =	ssettag $0x0;
	lr =	simm.s32 $0x1  }
0x2: {  	[smem:$0x3F96] =	sst lr;
	_ =	strace $0xD0000000  }
0x3: {  	_ = 	snop  }
0x4: {  	_ = 	snop  }
0x5: {  	_ = 	snop  }
0x6: {  	_ = 	snop  }
0x7: {  	_ = 	snop  }
__scs_overlays_trampoline_lowered:
0x8: {  	[smem:$0x3FA5] =	sst s0  }
0x9: {  	[smem:$0x3FA6] =	sst s1  }
0xa: {  	[smem:$0x3FA7] =	sst s2  }
0xb: {  	[smem:$0x3FA8] =	sst s3  }
0xc: {  	[smem:$0x3FA9] =	sst s4  }
0xd: {  	[smem:$0x3FAA] =	sst s5  }
0xe: {  	[smem:$0x3FAB] =	sst s6  }
0xf: {  	[smem:$0x3FAC] =	sst s7  }
0x10: {  	[smem:$0x3FAD] =	sst s8  }
0x11: {  	[smem:$0x3FAE] =	sst s9;
	s0 =	simm.s32 @!p0 $0x0  }
0x12: {  	s1 =	sld [smem:$0x3F94];
	s0 =	simm.s32 @p0 $0x1  }
0x13: {  	[smem:$0x3FAF] =	sst s0;
	s0 =	simm.s32 @!p1 $0x0  }
0x14: {  	s2 =	sld [smem:$0x3F93];
	s0 =	simm.s32 @p1 $0x1  }
0x15: {  	[smem:$0x3FB0] =	sst s0;
	s0 =	simm.s32 @!p2 $0x0  }
0x16: {  	s3 =	sld [smem:$0x3FDB];
	s0 =	simm.s32 @p2 $0x1  }
0x17: {  	s4 =	simm.s32 $0x1BF5;
	[smem:$0x3FB2] =	sst s0  }
0x18: {  	s0 =	sld [smem:$0x3F95];
	_ =	swait.ge [sflag:s4], $0x0  }
0x19: {  	s7 =	sld [smem:$0x3F96]  }
0x1a: {  	s8 =	sadd.s32 $0xFFFFE003, lr  }
0x1b: {  	s9 =	sadd.s32 $0xFFFFFEF7, lr;
	s5 =	simm.s32 $0xFFFFFFFF;
	p2 =	slt.u32 s8, $0xFFFFF086  }
0x1c: {  	p1 =	slt.u32 s9, $0xF7A;
	s5 =	simm.s32 @!p2 $0x0  }
0x1d: {  	s5 =	simm.s32 @p1 $0x1;
	p0 =	seq.s32 s7, s2  }
0x1e: {  	s7 =	smul.u32 @!p0 $0xF7A, s2;
	p2 =	seq.s32 @!p0 s5, $0x0  }
0x1f: {  	s9 =	smul.u32 $0xF7A, s1;
	s8 =	simm.s32 @!p0 $0x1BF5;
	p2 =	por !p2, p0  }
0x20: {  	[sflag:s8] =	ssyncset.s32 @!p0 $0xFFFFF086;
	s6 =	sadd.s32 @!p0 s3, s7;
	s7 =	simm.s32 @!p0 $0x108  }
0x21: {  	s3 =	sadd.s32 s3, s9;
	s6 =	sadd.s32 @!p0 $0x88, s6;
	s7 =	simm.s32 @p2 $0x1082  }
0x22: {  	[simem:s7], [sflag:s8] =	dma.local @!p0 [hbm:s6], $0xF7A  }
0x23: {  	s9 =	sor.u32 $0xD0000000, s2;
	s6 =	simm.s32 $0x108;
	_ =	swait.ge @!p0 [sflag:s8], $0x0  }
0x24: {  	s3 =	sadd.s32 $0x88, s3;
	s6 =	simm.s32 @!p1 $0x1082;
	[sflag:s4] =	ssyncset.s32 $0xFFFFF086  }
0x25: {  	[simem:s6], [sflag:s4] =	dma.local [hbm:s3], $0xF7A  }
0x26: {  	[smem:$0x3F96] =	sst s1;
	(tag) =	ssettag s2;
	_ =	strace s9  }
0x27: {  	s1 =	sld [smem:$0x3FA6]  }
0x28: {  	s2 =	sld [smem:$0x3FA7]  }
0x29: {  	s4 =	sld [smem:$0x3FA9]  }
0x2a: {  	p0 =	seq.s32 s5, $0x0;
	s5 =	sld [smem:$0x3FAA]  }
0x2b: {  	s6 =	sld [smem:$0x3FAB]  }
0x2c: {  	s7 =	sld [smem:$0x3FAC]  }
0x2d: {  	s3 =	simm.s32 $0x108;
	s8 =	sld [smem:$0x3FAD]  }
0x2e: {  	s3 =	simm.s32 @!p0 $0x1082;
	s9 =	sld [smem:$0x3FAE]  }
0x2f: {  	lr =	sadd.s32 s0, s3;
	s0 =	sld [smem:$0x3FA5]  }
0x30: {  	s3 =	sld [smem:$0x3FA8]  }
0x31: {  	[smem:$0x3FB1] =	sst s10  }
0x32: {  	s10 =	sld [smem:$0x3FAF];
	_ =	sdelay $0x3  }
0x33: {  	p0 =	seq.s32 s10, $0x1;
	s10 =	sld [smem:$0x3FB1];
	_ =	sdelay $0x3  }
0x34: {  	[smem:$0x3FB1] =	sst s10  }
0x35: {  	s10 =	sld [smem:$0x3FB0];
	_ =	sdelay $0x3  }
0x36: {  	p1 =	seq.s32 s10, $0x1;
	s10 =	sld [smem:$0x3FB1];
	_ =	sdelay $0x3  }
0x37: {  	[smem:$0x3FB1] =	sst s10  }
0x38: {  	s10 =	sld [smem:$0x3FB2]  }
0x39: {  	_ = 	snop;
	(pc) =	sbr.ind lr, $3  }
0x3a: {  	_ = 	snop  }
0x3b: {  	_ = 	snop  }
0x3c: {  	p2 =	seq.s32 s10, $0x1;
	s10 =	sld [smem:$0x3FB1]  }
0x3d: {  	_ =	shalt  }
0x3e: {  	_ =	shalt  }
0x3f: {  	_ =	shalt  }
0x40: {  	_ =	shalt  }
0x41: {  	_ =	shalt  }
0x42: {  	_ =	shalt  }
0x43: {  	_ =	shalt  }
0x44: {  	_ =	shalt  }
0x45: {  	_ =	shalt  }
0x46: {  	_ =	shalt  }
0x47: {  	_ =	shalt  }
0x48: {  	_ =	shalt  }
0x49: {  	_ =	shalt  }
0x4a: {  	_ =	shalt  }
0x4b: {  	_ =	shalt  }
0x4c: {  	_ =	shalt  }
0x4d: {  	_ =	shalt  }
0x4e: {  	_ =	shalt  }
0x4f: {  	_ =	shalt  }
0x50: {  	_ =	shalt  }
0x51: {  	_ =	shalt  }
0x52: {  	_ =	shalt  }
0x53: {  	_ =	shalt  }
0x54: {  	_ =	shalt  }
0x55: {  	_ =	shalt  }
0x56: {  	_ =	shalt  }
0x57: {  	_ =	shalt  }
0x58: {  	_ =	shalt  }
0x59: {  	_ =	shalt  }
0x5a: {  	_ =	shalt  }
0x5b: {  	_ =	shalt  }
0x5c: {  	_ =	shalt  }
0x5d: {  	_ =	shalt  }
0x5e: {  	_ =	shalt  }
0x5f: {  	_ =	shalt  }
0x60: {  	_ =	shalt  }
0x61: {  	_ =	shalt  }
0x62: {  	_ =	shalt  }
0x63: {  	_ =	shalt  }
0x64: {  	_ =	shalt  }
0x65: {  	_ =	shalt  }
0x66: {  	_ =	shalt  }
0x67: {  	_ =	shalt  }
0x68: {  	_ =	shalt  }
0x69: {  	_ =	shalt  }
0x6a: {  	_ =	shalt  }
0x6b: {  	_ =	shalt  }
0x6c: {  	_ =	shalt  }
0x6d: {  	_ =	shalt  }
0x6e: {  	_ =	shalt  }
0x6f: {  	_ =	shalt  }
0x70: {  	_ =	shalt  }
0x71: {  	_ =	shalt  }
0x72: {  	_ =	shalt  }
0x73: {  	_ =	shalt  }
0x74: {  	_ =	shalt  }
0x75: {  	_ =	shalt  }
0x76: {  	_ =	shalt  }
0x77: {  	_ =	shalt  }
0x78: {  	_ =	shalt  }
0x79: {  	_ =	shalt  }
0x7a: {  	_ =	shalt  }
0x7b: {  	_ =	shalt  }
0x7c: {  	_ =	shalt  }
0x7d: {  	_ =	shalt  }
0x7e: {  	_ =	shalt  }
0x7f: {  	_ =	shalt  }
0x80: {  	_ =	shalt  }
0x81: {  	_ =	shalt  }
0x82: {  	_ =	shalt  }
0x83: {  	_ =	shalt  }
0x84: {  	_ =	shalt  }
0x85: {  	_ =	shalt  }
0x86: {  	_ =	shalt  }
0x87: {  	_ =	shalt  }
.Lfunc_end0:
.L_simem_size_0:
called_computation.1_lowered:
.L_overlay_start_0:
0x88: {  	s2 =	sld [smem:$0x3FD9]  }
0x89: {  	s3 =	sld [smem:$0x3FFE];
	_ =	sdelay $0x1  }
0x8a: {  	s1 =	srdreg.scid  }
0x8b: {  	s0 =	sand.u32 $0x1, s1  }
0x8c: {  	s16 =	sshll.u32 s0, $0xA;
	s2 =	sadd.s32 s3, s2  }
0x8d: {  	s2 =	sadd.s32 s2, s16  }
0x8e: {  	[smem:$0x3FBD] =	sst s2  }
0x8f: {  	_ = 	snop  }
0x90: {  	(tm) =	ssettm $0x1  }
0x91: {  	s17 =	sld [smem:$0x3FFB];
	_ =	sdelay $0x3  }
0x92: {  	_ =	strace s17  }
0x93: {  	s2 =	sld [smem:$0x3FFC];
	_ =	sdelay $0x3  }
0x94: {  	_ =	strace s2  }
0x95: {  	s2 =	sld [smem:$0x3FFD];
	_ =	sdelay $0x3  }
0x96: {  	_ =	strace s2  }
0x97: {  	_ =	strace $0x8FFFFFFF  }
0x98: {  	s18 =	sld [smem:$0x3FDB];
	_ =	sdelay $0x1  }
0x99: {  	s19 =	simm.s32 $_scs_section_size  }
0x9a: {  	s4 =	simm.s32 $_size__tile_overlayer_lowered;
	s5 =	simm.s32 $_tile_overlayer_lowered  }
0x9b: {  	s22 =	simm.s32 $0x1BFF;
	s21 =	sshll.u32 s5, $0x1;
	s2 =	sadd.s32 s19, s18  }
0x9c: {  	s6 =	simm.s32 $0x0;
	s20 =	sshll.u32 s4, $0x1;
	s4 =	sadd.s32 s21, s2  }
0x9d: {  	[timem:s6], [sflag:s22] =	dma.local [hbm:s4], s20  }
0x9e: {  	_ =	swait.ge [sflag:s22], s20  }
0x9f: {  	s3 =	ssub.s32 $0x0, s20;
	[sflag:s22] =	ssyncset.done $0x0  }
0xa0: {  	[sflag:s22] =	ssyncadd.s32 s3;
	_ =	sdelay $0x1  }
0xa1: {  	s23 =	simm.s32 $0x1B8B  }
0xa2: {  	_ =	swait.ge [sflag:s23], $0x1  }
0xa3: {  	[sflag:s23] =	ssyncset.done $0x0  }
0xa4: {  	s25 =	simm.s32 $0x1B8E;
	s24 =	sld [smem:$0x3FFE];
	[sflag:s23] =	ssyncadd.s32 $0xFFFFFFFF  }
0xa5: {  	s26 =	simm.s32 $execute0_lowered;
	[smem:$0x3FD2] =	sst s25  }
0xa6: {  	s4 =	sshll.u32 s26, $0x1;
	_ =	strace $0x80000049;
	[dreg:$0x1] =	wrdreg $0xFFFFFFFF  }
0xa7: {  	s28 =	simm.s32 $_size_execute0_lowered;
	s2 =	sadd.s32 s2, s4;
	[dreg:$0x0] =	wrdreg $0x0  }
0xa8: {  	s4 =	sshll.u32 s28, $0x1;
	[dreg:$0x2] =	wrdreg s2  }
0xa9: {  	[dreg:$0x3] =	wrdreg s4  }
0xaa: {  	[dreg:$0x4] =	wrdreg $0xC0  }
0xab: {  	_ =	task [dreg:s6], $0x5FFFF  }
0xac: {  	[dreg:$0x1] =	wrdreg $0xFFFFFFFF  }
0xad: {  	[dreg:$0x0] =	wrdreg $0x60  }
0xae: {  	[dreg:$0x2] =	wrdreg s24  }
0xaf: {  	[dreg:$0x3] =	wrdreg $0x70000  }
0xb0: {  	[dreg:$0x4] =	wrdreg $0x9  }
0xb1: {  	_ =	task.clear_ibuf [dreg:s6], $0x5FFFF;
	_ =	strace $0x90000049  }
0xb2: {  	s29 =	simm.s32 $0x9;
	_ =	strace $0x8000004B  }
0xb3: {  	_ =	swait.ge [sflag:s29], $0x1  }
0xb4: {  	[sflag:s29] =	ssyncadd.s32 $0xFFFFFFFF  }
0xb5: {  	_ =	strace $0x9000004B  }
0xb6: {  	_ =	sfence  }
0xb7: {  	s30 =	sld [smem:$0x0];
	_ =	sdelay $0x2  }
0xb8: {  	s31 =	sshll.u32 s1, $0xD;
	s1 =	sshrl.u32 s1, $0x2  }
0xb9: {  	s3 =	sand.u32 $0x4000, s31;
	s1 =	sadd.s32 s1, s30  }
0xba: {  	s0 =	sor.u32 s3, s0;
	s1 =	sshll.u32 s1, $0x11  }
0xbb: {  	s0 =	sor.u32 s1, s0  }
0xbc: {  	s0 =	sadd.s32 $0x8F2B, s0  }
0xbd: {  	[sflag:s0] =	ssyncadd.remote.s32 $0x1  }
0xbe: {  	_ =	sfence.sel $0xFFFF  }
0xbf: {  	[dreg:$0x0] =	wrdreg $0xFFFFFFFF;
	(pc) =	sbr.abs _section_cstart, $3  }
0xc0: {  	[dreg:$0x1] =	wrdreg $0xFFFFFFFF  }
0xc1: {  	_ =	task.clear_ibuf [dreg:s6], $0x2FFFF;
	_ =	strace $0x9FFFFFFF  }
0xc2: {  	(tm) =	ssettm $0x7FFFFFFF  }
0xc3: {  	_ =	shalt  }
tec
execute0_lowered:
.L_overlay_start_1:
0x0: {  	(tag) =	ssettag $0x1  }
0x1: {  	s0 =	srdreg.scid;
	s3 =	rddreg [dreg:$0x0]  }
0x2: {  	s8 =	stileid.u32;
	s2 =	rddreg [dreg:$0x1];
	s4 =	simm.s32 $0x0  }
0x3: {  	s10 =	simm.s32 $0x11;
	s14 =	simm.s32 $0x80;
	s15 =	simm.s32 $0x5000  }
0x4: {  	s16 =	simm.s32 $0x5400;
	s18 =	simm.s32 $0x5800;
	s20 =	simm.s32 $0x5C00  }
0x5: {  	s21 =	simm.s32 $0x1;
	s28 =	simm.s32 $0x4;
	s29 =	simm.s32 $0x6C00  }
0x6: {  	s30 =	simm.s32 $0x5;
	s31 =	simm.s32 $0x7;
	s17 =	simm.s32 $0xB  }
0x7: {  	s19 =	simm.s32 $0xC;
	s9 =	simm.s32 $0x0;
	s0 =	sand.u32 $0x1, s0  }
0x8: {  	s5 =	smul.u32 $0x13C0, s8;
	[smem:$0x7FF] =	sst s4;
	s4 =	sadd.s32 $0xEE00, s3  }
0x9: {  	s26 =	sshll.u32 s8, $0x6;
	s1 =	sshll.u32 s0, $0x4;
	s6 =	smul.u32 $0x13C00, s0  }
0xa: {  	_ =	strace $0x8000004A;
	s0 =	ssub.s32 $0x2, s0;
	s12 =	sor.u32 $0x1C11, s26  }
0xb: {  	s26 =	simm.s32 $0x6800;
	s1 =	sor.u32 s8, s1;
	s7 =	sshrl.u32 s5, $0x3  }
0xc: {  	s22 =	sshrl.u32 s0, $0x1;
	s24 =	sadd.s32 s5, s2;
	s8 =	simm.s32 $0x10  }
0xd: {  	s1 =	smul.u32 $0x500, s1;
	s6 =	sadd.s32 s5, s6;
	s7 =	sadd.s32 s7, s3  }
0xe: {  	s0 =	ssub.s32 s0, s22;
	s13 =	sshrl.u32 s24, $0x3;
	s22 =	simm.s32 $0x6000  }
0xf: {  	s24 =	simm.s32 $0x6400;
	s25 =	sadd.s32 $0xC600, s7;
	s0 =	smax.u32 s0, $0x1  }
.Ltmp0:
0x10: {  	s1 =	sadd.s32 s1, s3;
	[dreg:$0x5] =	wrdreg s25;
	(pc) =	sbr.rel .LBB2_1-.Ltmp0, $4  }
0x11: {  	s6 =	sshrl.u32 s6, $0x3;
	[dreg:$0x7] =	wrdreg s0;
	s23 =	sadd.s32 $0x14000, s1  }
0x12: {  	s3 =	sadd.s32 s6, s3;
	s1 =	sadd.s32 $0x2600, s1;
	[dreg:$0x3] =	wrdreg s23  }
0x13: {  	s25 =	simm.s32 $0x3;
	s3 =	sadd.s32 $0x1E000, s3;
	[dreg:$0x4] =	wrdreg s1  }
0x14: {  	[dreg:$0x6] =	wrdreg s3;
	s23 =	simm.s32 $0x2;
	s1 =	simm.s32 $0x8  }
.LBB2_4:
0x15: {  	_ =	swait.ge [sflag:s1], $0x400  }
0x16: {  	[sflag:s1] =	ssyncset.done $0x0  }
0x17: {  	s0 =	simm.s32 $0x9;
	[sflag:s1] =	ssyncadd.s32 $0xFFFFFC00  }
0x18: {  	[spmem:s2] =	stream.indirect.scatter.add.f32 [tilespmem:s29], [sflag:$0x10], $0x8, s11, s14, $0xb8;
	[tilespmem:$0x83C0] =	vst v63  }
0x19: {  	_ =	swait.ge [sflag:s0], $0x400  }
0x1a: {  	[sflag:s0] =	ssyncset.done $0x0  }
0x1b: {  	s11 =	simm.s32 $0xA;
	[sflag:s0] =	ssyncadd.s32 $0xFFFFFC00  }
0x1c: {  	_ =	swait.ge [sflag:s11], $0x400  }
0x1d: {  	[sflag:s11] =	ssyncset.done $0x0  }
0x1e: {  	[sflag:s11] =	ssyncadd.s32 $0xFFFFFC00  }
0x1f: {  	_ =	swait.ge [sflag:s17], $0x400  }
0x20: {  	[sflag:s17] =	ssyncset.done $0x0  }
0x21: {  	[sflag:s17] =	ssyncadd.s32 $0xFFFFFC00  }
0x22: {  	_ =	swait.ge [sflag:s19], $0x400  }
0x23: {  	[sflag:s19] =	ssyncset.done $0x0  }
0x24: {  	s3 =	simm.s32 $0xD;
	[sflag:s19] =	ssyncadd.s32 $0xFFFFFC00  }
0x25: {  	_ =	swait.ge [sflag:s3], $0x400  }
0x26: {  	[sflag:s3] =	ssyncset.done $0x0  }
0x27: {  	s5 =	simm.s32 $0xE;
	[sflag:s3] =	ssyncadd.s32 $0xFFFFFC00  }
0x28: {  	_ =	swait.ge [sflag:s5], $0x400  }
0x29: {  	[sflag:s5] =	ssyncset.done $0x0  }
0x2a: {  	s6 =	simm.s32 $0xF;
	[sflag:s5] =	ssyncadd.s32 $0xFFFFFC00  }
0x2b: {  	_ =	swait.ge [sflag:s6], $0x400  }
0x2c: {  	[sflag:s6] =	ssyncset.done $0x0  }
0x2d: {  	[sflag:s6] =	ssyncadd.s32 $0xFFFFFC00  }
0x2e: {  	_ =	swait.ge [sflag:s8], $0x400  }
0x2f: {  	[sflag:s8] =	ssyncset.done $0x0  }
0x30: {  	[sflag:s8] =	ssyncadd.s32 $0xFFFFFC00  }
0x31: {  	[bflag:$0x0] =	sbarrier.arrive $0xFFFF  }
0x32: {  	s7 =	rddreg [dreg:$0x6]  }
0x33: {  	[hbm:s7], [sflag:s12] =	dma.local [spmem:s13], $0x278  }
0x34: {  	_ =	swait.ge [sflag:s10], $0x278  }
0x35: {  	s9 =	sadd.s32 $0x1, s9;
	s11 =	rddreg [dreg:$0x7]  }
0x36: {  	p0 =	sne.s32 s9, s11  }
.Ltmp1:
0x37: {  	_ = 	snop;
	(pc) =	sbr.rel @!p0 .LBB2_5-.Ltmp1, $3  }
0x38: {  	_ =	sdelay $0x1  }
0x39: {  	[sflag:s10] =	ssyncset.done $0x0  }
0x3a: {  	[sflag:s10] =	ssyncadd.s32 $0xFFFFFD88  }
.LBB2_1:
0x3b: {  	s0 =	simm.s32 $0x0;
	s3 =	rddreg [dreg:$0x3]  }
0x3c: {  	[tilespmem:s0], [sflag:$0x11] =	stream.linear.gather [hbm4b:s3+s0], $0x2800, $0x38;
	[tilespmem:$0x83C0] =	vst v63  }
0x3d: {  	_ =	swait.ge [sflag:s10], $0x2800  }
0x3e: {  	[sflag:s10] =	ssyncset.done $0x0  }
0x3f: {  	s5 =	simm.s32 $0x2800;
	s11 =	rddreg [dreg:$0x4];
	[sflag:s10] =	ssyncadd.s32 $0xFFFFD800  }
0x40: {  	[tilespmem:s5], [sflag:$0x11] =	stream.linear.gather [hbm4b:s11+s0], $0x2800, $0x38;
	[tilespmem:$0x83C0] =	vst v63  }
0x41: {  	_ =	swait.ge [sflag:s10], $0x2800  }
0x42: {  	[sflag:s10] =	ssyncset.done $0x0  }
0x43: {  	s6 =	rddreg [dreg:$0x5];
	[sflag:s10] =	ssyncadd.s32 $0xFFFFD800  }
0x44: {  	[spmem:s13], [sflag:s12] =	dma.local [hbm:s6], $0x278  }
0x45: {  	_ =	swait.ge [sflag:s10], $0x278  }
0x46: {  	[sflag:s10] =	ssyncset.done $0x0  }
0x47: {  	[sflag:s10] =	ssyncadd.s32 $0xFFFFFD88  }
0x48: {  	[bflag:$0x0] =	sbarrier.arrive $0xFFFF  }
0x49: {  	[tilespmem:s15], [sflag:$0x1] =	stream.indirect.gather [hbm4b:s4+s14], $0x8, s0, s14, $0xb8;
	[tilespmem:$0x83C0] =	vst v63  }
0x4a: {  	_ = 	snop  }
0x4b: {  	[tilespmem:s16], [sflag:$0x2] =	stream.indirect.gather [hbm4b:s4+s14], $0x8, s14, s14, $0xb8;
	[tilespmem:$0x83C0] =	vst v63  }
0x4c: {  	s7 =	simm.s32 $0x100  }
0x4d: {  	[tilespmem:s18], [sflag:$0x3] =	stream.indirect.gather [hbm4b:s4+s14], $0x8, s7, s14, $0xb8;
	[tilespmem:$0x83C0] =	vst v63  }
0x4e: {  	s3 =	simm.s32 $0x0;
	s11 =	simm.s32 $0x180  }
0x4f: {  	[tilespmem:s20], [sflag:$0x4] =	stream.indirect.gather [hbm4b:s4+s14], $0x8, s11, s14, $0xb8;
	[tilespmem:$0x83C0] =	vst v63  }
.LBB2_2:
0x50: {  	_ =	swait.ge [sflag:s21], $0x400  }
0x51: {  	s0 =	sshra.s32 s3, $0x2;
	[sflag:s21] =	ssyncset.done $0x0  }
0x52: {  	p0 =	seq.s32 s3, $0x0;
	s11 =	sadd.s32 $0x2800, s0;
	[sflag:s21] =	ssyncadd.s32 $0xFFFFFC00  }
0x53: {  	[spmem:s2] =	stream.indirect.scatter.add.f32 [tilespmem:s15], [sflag:$0x9], $0x8, s11, s14, $0xb8;
	[tilespmem:$0x83C0] =	vst v63  }
0x54: {  	s11 =	simm.s32 @!p0 $0xD  }
0x55: {  	_ =	swait.ge @!p0 [sflag:s11], $0x400  }
0x56: {  	[sflag:s11] =	ssyncset.done @!p0 $0x0  }
0x57: {  	s6 =	sadd.s32 $0x200, s0;
	[sflag:s11] =	ssyncadd.s32 @!p0 $0xFFFFFC00  }
0x58: {  	[tilespmem:s22], [sflag:$0x5] =	stream.indirect.gather [hbm4b:s4+s14], $0x8, s6, s14, $0xb8;
	[tilespmem:$0x83C0] =	vst v63  }
0x59: {  	_ =	swait.ge [sflag:s23], $0x400  }
0x5a: {  	[sflag:s23] =	ssyncset.done $0x0  }
0x5b: {  	s7 =	sadd.s32 $0x2880, s0;
	s11 =	simm.s32 @!p0 $0xE;
	[sflag:s23] =	ssyncadd.s32 $0xFFFFFC00  }
0x5c: {  	[spmem:s2] =	stream.indirect.scatter.add.f32 [tilespmem:s16], [sflag:$0xA], $0x8, s7, s14, $0xb8;
	[tilespmem:$0x83C0] =	vst v63  }
0x5d: {  	_ =	swait.ge @!p0 [sflag:s11], $0x400  }
0x5e: {  	[sflag:s11] =	ssyncset.done @!p0 $0x0  }
0x5f: {  	s5 =	sadd.s32 $0x280, s0;
	[sflag:s11] =	ssyncadd.s32 @!p0 $0xFFFFFC00  }
0x60: {  	[tilespmem:s24], [sflag:$0x6] =	stream.indirect.gather [hbm4b:s4+s14], $0x8, s5, s14, $0xb8;
	[tilespmem:$0x83C0] =	vst v63  }
0x61: {  	_ =	swait.ge [sflag:s25], $0x400  }
0x62: {  	[sflag:s25] =	ssyncset.done $0x0  }
0x63: {  	s6 =	sadd.s32 $0x2900, s0;
	s11 =	simm.s32 @!p0 $0xF;
	[sflag:s25] =	ssyncadd.s32 $0xFFFFFC00  }
0x64: {  	[spmem:s2] =	stream.indirect.scatter.add.f32 [tilespmem:s18], [sflag:$0xB], $0x8, s6, s14, $0xb8;
	[tilespmem:$0x83C0] =	vst v63  }
0x65: {  	_ =	swait.ge @!p0 [sflag:s11], $0x400  }
0x66: {  	[sflag:s11] =	ssyncset.done @!p0 $0x0  }
0x67: {  	s7 =	sadd.s32 $0x300, s0;
	[sflag:s11] =	ssyncadd.s32 @!p0 $0xFFFFFC00  }
0x68: {  	[tilespmem:s26], [sflag:$0x7] =	stream.indirect.gather [hbm4b:s4+s14], $0x8, s7, s14, $0xb8;
	[tilespmem:$0x83C0] =	vst v63  }
0x69: {  	_ =	swait.ge [sflag:s28], $0x400  }
0x6a: {  	[sflag:s28] =	ssyncset.done $0x0  }
0x6b: {  	s5 =	sadd.s32 $0x2980, s0;
	s11 =	simm.s32 @!p0 $0x10;
	[sflag:s28] =	ssyncadd.s32 $0xFFFFFC00  }
0x6c: {  	[spmem:s2] =	stream.indirect.scatter.add.f32 [tilespmem:s20], [sflag:$0xC], $0x8, s5, s14, $0xb8;
	[tilespmem:$0x83C0] =	vst v63  }
0x6d: {  	_ =	swait.ge @!p0 [sflag:s11], $0x400  }
0x6e: {  	[sflag:s11] =	ssyncset.done @!p0 $0x0  }
0x6f: {  	s6 =	sadd.s32 $0x380, s0;
	[sflag:s11] =	ssyncadd.s32 @!p0 $0xFFFFFC00  }
0x70: {  	[tilespmem:s29], [sflag:$0x8] =	stream.indirect.gather [hbm4b:s4+s14], $0x8, s6, s14, $0xb8;
	[tilespmem:$0x83C0] =	vst v63  }
0x71: {  	_ =	swait.ge [sflag:s30], $0x400  }
0x72: {  	p0 =	seq.s32 s3, $0x9000;
	[sflag:s30] =	ssyncset.done $0x0  }
0x73: {  	s7 =	sadd.s32 $0x2A00, s0;
	s11 =	simm.s32 @p0 $0x6;
	[sflag:s30] =	ssyncadd.s32 $0xFFFFFC00  }
0x74: {  	[spmem:s2] =	stream.indirect.scatter.add.f32 [tilespmem:s22], [sflag:$0xD], $0x8, s7, s14, $0xb8;
	[tilespmem:$0x83C0] =	vst v63  }
0x75: {  	_ =	swait.ge @p0 [sflag:s11], $0x400  }
0x76: {  	[sflag:s11] =	ssyncset.done @p0 $0x0  }
0x77: {  	[sflag:s11] =	ssyncadd.s32 @p0 $0xFFFFFC00;
	s11 =	sshra.s32 @p0 s3, $0x2  }
0x78: {  	s5 =	simm.s32 @p0 $0x80;
	s6 =	simm.s32 @p0 $0x6400;
	s11 =	sadd.s32 @p0 $0x2A80, s11  }
0x79: {  	[spmem:s2] =	stream.indirect.scatter.add.f32 @p0 [tilespmem:s6], [sflag:$0xE], $0x8, s11, s5, $0xb8;
	[tilespmem:$0x83C0] =	vst v63  }
0x7a: {  	s5 =	simm.s32 @!p0 $0x9  }
0x7b: {  	_ =	swait.ge @!p0 [sflag:s5], $0x400  }
0x7c: {  	[sflag:s5] =	ssyncset.done @!p0 $0x0  }
0x7d: {  	[sflag:s5] =	ssyncadd.s32 @!p0 $0xFFFFFC00;
	s5 =	sshra.s32 @!p0 s3, $0x2  }
0x7e: {  	s7 =	simm.s32 @!p0 $0x5000;
	s11 =	simm.s32 @!p0 $0x80;
	s6 =	sadd.s32 @!p0 $0x400, s5  }
0x7f: {  	[tilespmem:s7], [sflag:$0x1] =	stream.indirect.gather @!p0 [hbm4b:s4+s11], $0x8, s6, s11, $0xb8;
	[tilespmem:$0x83C0] =	vst v63  }
0x80: {  	s6 =	simm.s32 @!p0 $0x6  }
0x81: {  	_ =	swait.ge @!p0 [sflag:s6], $0x400  }
0x82: {  	[sflag:s6] =	ssyncset.done @!p0 $0x0  }
0x83: {  	s7 =	simm.s32 @!p0 $0x6400;
	[sflag:s6] =	ssyncadd.s32 @!p0 $0xFFFFFC00;
	s6 =	sadd.s32 @!p0 $0x2A80, s5  }
0x84: {  	[spmem:s2] =	stream.indirect.scatter.add.f32 @!p0 [tilespmem:s7], [sflag:$0xE], $0x8, s6, s11, $0xb8;
	[tilespmem:$0x83C0] =	vst v63  }
0x85: {  	s6 =	simm.s32 @!p0 $0xA  }
0x86: {  	_ =	swait.ge @!p0 [sflag:s6], $0x400  }
0x87: {  	[sflag:s6] =	ssyncset.done @!p0 $0x0  }
0x88: {  	s5 =	sadd.s32 @!p0 $0x480, s5;
	[sflag:s6] =	ssyncadd.s32 @!p0 $0xFFFFFC00;
	s6 =	simm.s32 @!p0 $0x5400  }
0x89: {  	[tilespmem:s6], [sflag:$0x2] =	stream.indirect.gather @!p0 [hbm4b:s4+s11], $0x8, s5, s11, $0xb8;
	[tilespmem:$0x83C0] =	vst v63  }
.Ltmp2:
0x8a: {  	_ =	swait.ge [sflag:s31], $0x400;
	(pc) =	sbr.rel @p0 .LBB2_4-.Ltmp2, $4  }
0x8b: {  	[sflag:s31] =	ssyncset.done $0x0  }
0x8c: {  	s11 =	sadd.s32 $0x2B00, s0;
	[sflag:s31] =	ssyncadd.s32 $0xFFFFFC00  }
0x8d: {  	[spmem:s2] =	stream.indirect.scatter.add.f32 [tilespmem:s26], [sflag:$0xF], $0x8, s11, s14, $0xb8;
	[tilespmem:$0x83C0] =	vst v63  }
0x8e: {  	s11 =	sadd.s32 $0x2B80, s0  }
0x8f: {  	_ =	swait.ge [sflag:s17], $0x400  }
0x90: {  	[sflag:s17] =	ssyncset.done $0x0  }
0x91: {  	s5 =	sadd.s32 $0x500, s0;
	[sflag:s17] =	ssyncadd.s32 $0xFFFFFC00  }
0x92: {  	[tilespmem:s18], [sflag:$0x3] =	stream.indirect.gather [hbm4b:s4+s14], $0x8, s5, s14, $0xb8;
	[tilespmem:$0x83C0] =	vst v63  }
0x93: {  	_ =	swait.ge [sflag:s1], $0x400  }
0x94: {  	[sflag:s1] =	ssyncset.done $0x0  }
0x95: {  	[sflag:s1] =	ssyncadd.s32 $0xFFFFFC00  }
0x96: {  	[spmem:s2] =	stream.indirect.scatter.add.f32 [tilespmem:s29], [sflag:$0x10], $0x8, s11, s14, $0xb8;
	[tilespmem:$0x83C0] =	vst v63  }
.Ltmp3:
0x97: {  	_ = 	snop;
	(pc) =	sbr.rel .LBB2_2-.Ltmp3, $4  }
0x98: {  	_ =	swait.ge [sflag:s19], $0x400  }
0x99: {  	[sflag:s19] =	ssyncset.done $0x0  }
0x9a: {  	s3 =	sadd.s32 $0x1000, s3;
	s11 =	sadd.s32 $0x580, s0;
	[sflag:s19] =	ssyncadd.s32 $0xFFFFFC00  }
0x9b: {  	[tilespmem:s20], [sflag:$0x4] =	stream.indirect.gather [hbm4b:s4+s14], $0x8, s11, s14, $0xb8;
	[tilespmem:$0x83C0] =	vst v63  }
.LBB2_5:
0x9c: {  	_ =	sfence.sel $0x180000  }
0x9d: {  	[bflag:$0x0] =	sbarrier.arrive $0xFFFF  }
0x9e: {  	_ =	strace $0x9000004A  }
0x9f: {  	s0 =	stileid.u32;
	[bflag:$0x2] =	sbarrier.arrive $0xFFFF  }
0xa0: {  	p0 =	sne.s32 s0, $0x0;
	s0 =	rddreg [dreg:$0x2]  }
0xa1: {  	s0 =	sadd.s32 @!p0 $0x100000, s0  }
0xa2: {  	[sflag:s0] =	ssyncadd.tile.s32 @!p0 $0x1;
	_ =	shalt  }
.Lfunc_end2:
_tile_overlayer_lowered:
.L_overlay_start_2:
0xa3: {  	(tag) =	ssettag $0x2  }
0xa4: {  	s0 =	rddreg [dreg:$0x0];
	s2 =	stileid.u32  }
0xa5: {  	s1 =	rddreg [dreg:$0x1];
	p0 =	sne.s32 s2, $0x0  }
0xa6: {  	s3 =	rddreg [dreg:$0x2];
	[bflag:$0x3] =	sbarrier.arrive $0xFFFF;
	s2 =	simm.s32 @!p0 $0x1C11  }
0xa7: {  	[timem:s3], [sflag:s2] =	dma.local @!p0 [hbm:s0], s1  }
0xa8: {  	s0 =	simm.s32 @!p0 $0x11  }
0xa9: {  	_ =	swait.ge @!p0 [sflag:s0], s1  }
0xaa: {  	s1 =	ssub.s32 @!p0 $0x0, s1;
	[sflag:s0] =	ssyncset.done @!p0 $0x0  }
0xab: {  	[sflag:s0] =	ssyncadd.s32 @!p0 s1  }
0xac: {  	[bflag:$0x3] =	sbarrier.arrive $0xFFFF  }
0xad: {  	_ =	shalt  }

// kernel: kernel.16.cloned.1.call-start
scs
__scs_entry_jumppad:
0x0: {  	(pc) =	sbr.rel $0x88, $3  }
0x1: {  	(tag) =	ssettag $0x0;
	lr =	simm.s32 $0x1  }
0x2: {  	[smem:$0x3F96] =	sst lr;
	_ =	strace $0xD0000000  }
0x3: {  	_ = 	snop  }
0x4: {  	_ = 	snop  }
0x5: {  	_ = 	snop  }
0x6: {  	_ = 	snop  }
0x7: {  	_ = 	snop  }
__scs_overlays_trampoline_lowered:
0x8: {  	[smem:$0x3FA5] =	sst s0  }
0x9: {  	[smem:$0x3FA6] =	sst s1  }
0xa: {  	[smem:$0x3FA7] =	sst s2  }
0xb: {  	[smem:$0x3FA8] =	sst s3  }
0xc: {  	[smem:$0x3FA9] =	sst s4  }
0xd: {  	[smem:$0x3FAA] =	sst s5  }
0xe: {  	[smem:$0x3FAB] =	sst s6  }
0xf: {  	[smem:$0x3FAC] =	sst s7  }
0x10: {  	[smem:$0x3FAD] =	sst s8  }
0x11: {  	[smem:$0x3FAE] =	sst s9;
	s0 =	simm.s32 @!p0 $0x0  }
0x12: {  	s1 =	sld [smem:$0x3F94];
	s0 =	simm.s32 @p0 $0x1  }
0x13: {  	[smem:$0x3FAF] =	sst s0;
	s0 =	simm.s32 @!p1 $0x0  }
0x14: {  	s2 =	sld [smem:$0x3F93];
	s0 =	simm.s32 @p1 $0x1  }
0x15: {  	[smem:$0x3FB0] =	sst s0;
	s0 =	simm.s32 @!p2 $0x0  }
0x16: {  	s3 =	sld [smem:$0x3FDB];
	s0 =	simm.s32 @p2 $0x1  }
0x17: {  	s4 =	simm.s32 $0x1BF5;
	[smem:$0x3FB2] =	sst s0  }
0x18: {  	s0 =	sld [smem:$0x3F95];
	_ =	swait.ge [sflag:s4], $0x0  }
0x19: {  	s7 =	sld [smem:$0x3F96]  }
0x1a: {  	s8 =	sadd.s32 $0xFFFFE003, lr  }
0x1b: {  	s9 =	sadd.s32 $0xFFFFFEF7, lr;
	s5 =	simm.s32 $0xFFFFFFFF;
	p2 =	slt.u32 s8, $0xFFFFF086  }
0x1c: {  	p1 =	slt.u32 s9, $0xF7A;
	s5 =	simm.s32 @!p2 $0x0  }
0x1d: {  	s5 =	simm.s32 @p1 $0x1;
	p0 =	seq.s32 s7, s2  }
0x1e: {  	s7 =	smul.u32 @!p0 $0xF7A, s2;
	p2 =	seq.s32 @!p0 s5, $0x0  }
0x1f: {  	s9 =	smul.u32 $0xF7A, s1;
	s8 =	simm.s32 @!p0 $0x1BF5;
	p2 =	por !p2, p0  }
0x20: {  	[sflag:s8] =	ssyncset.s32 @!p0 $0xFFFFF086;
	s6 =	sadd.s32 @!p0 s3, s7;
	s7 =	simm.s32 @!p0 $0x108  }
0x21: {  	s3 =	sadd.s32 s3, s9;
	s6 =	sadd.s32 @!p0 $0x88, s6;
	s7 =	simm.s32 @p2 $0x1082  }
0x22: {  	[simem:s7], [sflag:s8] =	dma.local @!p0 [hbm:s6], $0xF7A  }
0x23: {  	s9 =	sor.u32 $0xD0000000, s2;
	s6 =	simm.s32 $0x108;
	_ =	swait.ge @!p0 [sflag:s8], $0x0  }
0x24: {  	s3 =	sadd.s32 $0x88, s3;
	s6 =	simm.s32 @!p1 $0x1082;
	[sflag:s4] =	ssyncset.s32 $0xFFFFF086  }
0x25: {  	[simem:s6], [sflag:s4] =	dma.local [hbm:s3], $0xF7A  }
0x26: {  	[smem:$0x3F96] =	sst s1;
	(tag) =	ssettag s2;
	_ =	strace s9  }
0x27: {  	s1 =	sld [smem:$0x3FA6]  }
0x28: {  	s2 =	sld [smem:$0x3FA7]  }
0x29: {  	s4 =	sld [smem:$0x3FA9]  }
0x2a: {  	p0 =	seq.s32 s5, $0x0;
	s5 =	sld [smem:$0x3FAA]  }
0x2b: {  	s6 =	sld [smem:$0x3FAB]  }
0x2c: {  	s7 =	sld [smem:$0x3FAC]  }
0x2d: {  	s3 =	simm.s32 $0x108;
	s8 =	sld [smem:$0x3FAD]  }
0x2e: {  	s3 =	simm.s32 @!p0 $0x1082;
	s9 =	sld [smem:$0x3FAE]  }
0x2f: {  	lr =	sadd.s32 s0, s3;
	s0 =	sld [smem:$0x3FA5]  }
0x30: {  	s3 =	sld [smem:$0x3FA8]  }
0x31: {  	[smem:$0x3FB1] =	sst s10  }
0x32: {  	s10 =	sld [smem:$0x3FAF];
	_ =	sdelay $0x3  }
0x33: {  	p0 =	seq.s32 s10, $0x1;
	s10 =	sld [smem:$0x3FB1];
	_ =	sdelay $0x3  }
0x34: {  	[smem:$0x3FB1] =	sst s10  }
0x35: {  	s10 =	sld [smem:$0x3FB0];
	_ =	sdelay $0x3  }
0x36: {  	p1 =	seq.s32 s10, $0x1;
	s10 =	sld [smem:$0x3FB1];
	_ =	sdelay $0x3  }
0x37: {  	[smem:$0x3FB1] =	sst s10  }
0x38: {  	s10 =	sld [smem:$0x3FB2]  }
0x39: {  	_ = 	snop;
	(pc) =	sbr.ind lr, $3  }
0x3a: {  	_ = 	snop  }
0x3b: {  	_ = 	snop  }
0x3c: {  	p2 =	seq.s32 s10, $0x1;
	s10 =	sld [smem:$0x3FB1]  }
0x3d: {  	_ =	shalt  }
0x3e: {  	_ =	shalt  }
0x3f: {  	_ =	shalt  }
0x40: {  	_ =	shalt  }
0x41: {  	_ =	shalt  }
0x42: {  	_ =	shalt  }
0x43: {  	_ =	shalt  }
0x44: {  	_ =	shalt  }
0x45: {  	_ =	shalt  }
0x46: {  	_ =	shalt  }
0x47: {  	_ =	shalt  }
0x48: {  	_ =	shalt  }
0x49: {  	_ =	shalt  }
0x4a: {  	_ =	shalt  }
0x4b: {  	_ =	shalt  }
0x4c: {  	_ =	shalt  }
0x4d: {  	_ =	shalt  }
0x4e: {  	_ =	shalt  }
0x4f: {  	_ =	shalt  }
0x50: {  	_ =	shalt  }
0x51: {  	_ =	shalt  }
0x52: {  	_ =	shalt  }
0x53: {  	_ =	shalt  }
0x54: {  	_ =	shalt  }
0x55: {  	_ =	shalt  }
0x56: {  	_ =	shalt  }
0x57: {  	_ =	shalt  }
0x58: {  	_ =	shalt  }
0x59: {  	_ =	shalt  }
0x5a: {  	_ =	shalt  }
0x5b: {  	_ =	shalt  }
0x5c: {  	_ =	shalt  }
0x5d: {  	_ =	shalt  }
0x5e: {  	_ =	shalt  }
0x5f: {  	_ =	shalt  }
0x60: {  	_ =	shalt  }
0x61: {  	_ =	shalt  }
0x62: {  	_ =	shalt  }
0x63: {  	_ =	shalt  }
0x64: {  	_ =	shalt  }
0x65: {  	_ =	shalt  }
0x66: {  	_ =	shalt  }
0x67: {  	_ =	shalt  }
0x68: {  	_ =	shalt  }
0x69: {  	_ =	shalt  }
0x6a: {  	_ =	shalt  }
0x6b: {  	_ =	shalt  }
0x6c: {  	_ =	shalt  }
0x6d: {  	_ =	shalt  }
0x6e: {  	_ =	shalt  }
0x6f: {  	_ =	shalt  }
0x70: {  	_ =	shalt  }
0x71: {  	_ =	shalt  }
0x72: {  	_ =	shalt  }
0x73: {  	_ =	shalt  }
0x74: {  	_ =	shalt  }
0x75: {  	_ =	shalt  }
0x76: {  	_ =	shalt  }
0x77: {  	_ =	shalt  }
0x78: {  	_ =	shalt  }
0x79: {  	_ =	shalt  }
0x7a: {  	_ =	shalt  }
0x7b: {  	_ =	shalt  }
0x7c: {  	_ =	shalt  }
0x7d: {  	_ =	shalt  }
0x7e: {  	_ =	shalt  }
0x7f: {  	_ =	shalt  }
0x80: {  	_ =	shalt  }
0x81: {  	_ =	shalt  }
0x82: {  	_ =	shalt  }
0x83: {  	_ =	shalt  }
0x84: {  	_ =	shalt  }
0x85: {  	_ =	shalt  }
0x86: {  	_ =	shalt  }
0x87: {  	_ =	shalt  }
.Lfunc_end0:
.L_simem_size_0:
called_computation.2_lowered:
.L_overlay_start_0:
0x88: {  	s2 =	sld [smem:$0x3FD9]  }
0x89: {  	s3 =	sld [smem:$0x3FFE];
	_ =	sdelay $0x1  }
0x8a: {  	s1 =	srdreg.scid  }
0x8b: {  	s0 =	sand.u32 $0x1, s1  }
0x8c: {  	s16 =	sshll.u32 s0, $0xA;
	s2 =	sadd.s32 s3, s2  }
0x8d: {  	s2 =	sadd.s32 s2, s16  }
0x8e: {  	[smem:$0x3FBD] =	sst s2  }
0x8f: {  	_ = 	snop  }
0x90: {  	(tm) =	ssettm $0x1  }
0x91: {  	s17 =	sld [smem:$0x3FFB];
	_ =	sdelay $0x3  }
0x92: {  	_ =	strace s17  }
0x93: {  	s2 =	sld [smem:$0x3FFC];
	_ =	sdelay $0x3  }
0x94: {  	_ =	strace s2  }
0x95: {  	s2 =	sld [smem:$0x3FFD];
	_ =	sdelay $0x3  }
0x96: {  	_ =	strace s2  }
0x97: {  	_ =	strace $0x8FFFFFFF  }
0x98: {  	s18 =	sld [smem:$0x3FDB];
	_ =	sdelay $0x1  }
0x99: {  	s19 =	simm.s32 $_scs_section_size  }
0x9a: {  	s4 =	simm.s32 $_size__tile_overlayer_lowered;
	s5 =	simm.s32 $_tile_overlayer_lowered  }
0x9b: {  	s22 =	simm.s32 $0x1BFF;
	s21 =	sshll.u32 s5, $0x1;
	s2 =	sadd.s32 s19, s18  }
0x9c: {  	s6 =	simm.s32 $0x0;
	s20 =	sshll.u32 s4, $0x1;
	s4 =	sadd.s32 s21, s2  }
0x9d: {  	[timem:s6], [sflag:s22] =	dma.local [hbm:s4], s20  }
0x9e: {  	_ =	swait.ge [sflag:s22], s20  }
0x9f: {  	s3 =	ssub.s32 $0x0, s20;
	[sflag:s22] =	ssyncset.done $0x0  }
0xa0: {  	[sflag:s22] =	ssyncadd.s32 s3;
	_ =	sdelay $0x1  }
0xa1: {  	s23 =	simm.s32 $0x1B8B  }
0xa2: {  	_ =	swait.ge [sflag:s23], $0x1  }
0xa3: {  	[sflag:s23] =	ssyncset.done $0x0  }
0xa4: {  	s25 =	simm.s32 $0x1B8E;
	s24 =	sld [smem:$0x3FFE];
	[sflag:s23] =	ssyncadd.s32 $0xFFFFFFFF  }
0xa5: {  	s26 =	simm.s32 $execute0_lowered;
	[smem:$0x3FD2] =	sst s25  }
0xa6: {  	s4 =	sshll.u32 s26, $0x1;
	_ =	strace $0x8000004C;
	[dreg:$0x1] =	wrdreg $0xFFFFFFFF  }
0xa7: {  	s28 =	simm.s32 $_size_execute0_lowered;
	s2 =	sadd.s32 s2, s4;
	[dreg:$0x0] =	wrdreg $0x0  }
0xa8: {  	s4 =	sshll.u32 s28, $0x1;
	[dreg:$0x2] =	wrdreg s2  }
0xa9: {  	[dreg:$0x3] =	wrdreg s4  }
0xaa: {  	[dreg:$0x4] =	wrdreg $0xC0  }
0xab: {  	_ =	task [dreg:s6], $0x5FFFF  }
0xac: {  	[dreg:$0x1] =	wrdreg $0xFFFFFFFF  }
0xad: {  	[dreg:$0x0] =	wrdreg $0x60  }
0xae: {  	[dreg:$0x2] =	wrdreg s24  }
0xaf: {  	[dreg:$0x3] =	wrdreg $0x70000  }
0xb0: {  	[dreg:$0x4] =	wrdreg $0x9  }
0xb1: {  	_ =	task.clear_ibuf [dreg:s6], $0x5FFFF;
	_ =	strace $0x9000004C  }
0xb2: {  	s29 =	simm.s32 $0x9;
	_ =	strace $0x8000004E  }
0xb3: {  	_ =	swait.ge [sflag:s29], $0x1  }
0xb4: {  	[sflag:s29] =	ssyncadd.s32 $0xFFFFFFFF  }
0xb5: {  	_ =	strace $0x9000004E  }
0xb6: {  	_ =	sfence  }
0xb7: {  	s30 =	sld [smem:$0x0];
	_ =	sdelay $0x2  }
0xb8: {  	s31 =	sshll.u32 s1, $0xD;
	s1 =	sshrl.u32 s1, $0x2  }
0xb9: {  	s3 =	sand.u32 $0x4000, s31;
	s1 =	sadd.s32 s1, s30  }
0xba: {  	s0 =	sor.u32 s3, s0;
	s1 =	sshll.u32 s1, $0x11  }
0xbb: {  	s0 =	sor.u32 s1, s0  }
0xbc: {  	s0 =	sadd.s32 $0x8F2B, s0  }
0xbd: {  	[sflag:s0] =	ssyncadd.remote.s32 $0x1  }
0xbe: {  	_ =	sfence.sel $0xFFFF  }
0xbf: {  	[dreg:$0x0] =	wrdreg $0xFFFFFFFF;
	(pc) =	sbr.abs _section_cstart, $3  }
0xc0: {  	[dreg:$0x1] =	wrdreg $0xFFFFFFFF  }
0xc1: {  	_ =	task.clear_ibuf [dreg:s6], $0x2FFFF;
	_ =	strace $0x9FFFFFFF  }
0xc2: {  	(tm) =	ssettm $0x7FFFFFFF  }
0xc3: {  	_ =	shalt  }
tec
execute0_lowered:
.L_overlay_start_1:
0x0: {  	(tag) =	ssettag $0x1  }
0x1: {  	s0 =	srdreg.scid;
	s3 =	rddreg [dreg:$0x0]  }
0x2: {  	s8 =	stileid.u32;
	s2 =	rddreg [dreg:$0x1];
	s4 =	simm.s32 $0x0  }
0x3: {  	s10 =	simm.s32 $0x11;
	s14 =	simm.s32 $0x80;
	s15 =	simm.s32 $0x5000  }
0x4: {  	s16 =	simm.s32 $0x5400;
	s18 =	simm.s32 $0x5800;
	s20 =	simm.s32 $0x5C00  }
0x5: {  	s21 =	simm.s32 $0x1;
	s28 =	simm.s32 $0x4;
	s29 =	simm.s32 $0x6C00  }
0x6: {  	s30 =	simm.s32 $0x5;
	s31 =	simm.s32 $0x7;
	s17 =	simm.s32 $0xB  }
0x7: {  	s19 =	simm.s32 $0xC;
	s9 =	simm.s32 $0x0;
	s0 =	sand.u32 $0x1, s0  }
0x8: {  	s5 =	smul.u32 $0x13C0, s8;
	[smem:$0x7FF] =	sst s4;
	s4 =	sadd.s32 $0xEE00, s3  }
0x9: {  	s26 =	sshll.u32 s8, $0x6;
	s1 =	sshll.u32 s0, $0x4;
	s6 =	smul.u32 $0x13C00, s0  }
0xa: {  	_ =	strace $0x8000004D;
	s0 =	ssub.s32 $0x2, s0;
	s12 =	sor.u32 $0x1C11, s26  }
0xb: {  	s26 =	simm.s32 $0x6800;
	s1 =	sor.u32 s8, s1;
	s7 =	sshrl.u32 s5, $0x3  }
0xc: {  	s22 =	sshrl.u32 s0, $0x1;
	s24 =	sadd.s32 s5, s2;
	s8 =	simm.s32 $0x10  }
0xd: {  	s1 =	smul.u32 $0x500, s1;
	s6 =	sadd.s32 s5, s6;
	s7 =	sadd.s32 s7, s3  }
0xe: {  	s0 =	ssub.s32 s0, s22;
	s13 =	sshrl.u32 s24, $0x3;
	s22 =	simm.s32 $0x6000  }
0xf: {  	s24 =	simm.s32 $0x6400;
	s25 =	sadd.s32 $0xC600, s7;
	s0 =	smax.u32 s0, $0x1  }
.Ltmp0:
0x10: {  	s1 =	sadd.s32 s1, s3;
	[dreg:$0x5] =	wrdreg s25;
	(pc) =	sbr.rel .LBB2_1-.Ltmp0, $4  }
0x11: {  	s6 =	sshrl.u32 s6, $0x3;
	[dreg:$0x7] =	wrdreg s0;
	s23 =	sadd.s32 $0x14000, s1  }
0x12: {  	s3 =	sadd.s32 s6, s3;
	s1 =	sadd.s32 $0x2600, s1;
	[dreg:$0x3] =	wrdreg s23  }
0x13: {  	s25 =	simm.s32 $0x3;
	s3 =	sadd.s32 $0x1E000, s3;
	[dreg:$0x4] =	wrdreg s1  }
0x14: {  	[dreg:$0x6] =	wrdreg s3;
	s23 =	simm.s32 $0x2;
	s1 =	simm.s32 $0x8  }
.LBB2_4:
0x15: {  	_ =	swait.ge [sflag:s1], $0x400  }
0x16: {  	[sflag:s1] =	ssyncset.done $0x0  }
0x17: {  	s0 =	simm.s32 $0x9;
	[sflag:s1] =	ssyncadd.s32 $0xFFFFFC00  }
0x18: {  	[spmem:s2] =	stream.indirect.scatter.add.f32 [tilespmem:s29], [sflag:$0x10], $0x8, s11, s14, $0xb8;
	[tilespmem:$0x83C0] =	vst v63  }
0x19: {  	_ =	swait.ge [sflag:s0], $0x400  }
0x1a: {  	[sflag:s0] =	ssyncset.done $0x0  }
0x1b: {  	s11 =	simm.s32 $0xA;
	[sflag:s0] =	ssyncadd.s32 $0xFFFFFC00  }
0x1c: {  	_ =	swait.ge [sflag:s11], $0x400  }
0x1d: {  	[sflag:s11] =	ssyncset.done $0x0  }
0x1e: {  	[sflag:s11] =	ssyncadd.s32 $0xFFFFFC00  }
0x1f: {  	_ =	swait.ge [sflag:s17], $0x400  }
0x20: {  	[sflag:s17] =	ssyncset.done $0x0  }
0x21: {  	[sflag:s17] =	ssyncadd.s32 $0xFFFFFC00  }
0x22: {  	_ =	swait.ge [sflag:s19], $0x400  }
0x23: {  	[sflag:s19] =	ssyncset.done $0x0  }
0x24: {  	s3 =	simm.s32 $0xD;
	[sflag:s19] =	ssyncadd.s32 $0xFFFFFC00  }
0x25: {  	_ =	swait.ge [sflag:s3], $0x400  }
0x26: {  	[sflag:s3] =	ssyncset.done $0x0  }
0x27: {  	s5 =	simm.s32 $0xE;
	[sflag:s3] =	ssyncadd.s32 $0xFFFFFC00  }
0x28: {  	_ =	swait.ge [sflag:s5], $0x400  }
0x29: {  	[sflag:s5] =	ssyncset.done $0x0  }
0x2a: {  	s6 =	simm.s32 $0xF;
	[sflag:s5] =	ssyncadd.s32 $0xFFFFFC00  }
0x2b: {  	_ =	swait.ge [sflag:s6], $0x400  }
0x2c: {  	[sflag:s6] =	ssyncset.done $0x0  }
0x2d: {  	[sflag:s6] =	ssyncadd.s32 $0xFFFFFC00  }
0x2e: {  	_ =	swait.ge [sflag:s8], $0x400  }
0x2f: {  	[sflag:s8] =	ssyncset.done $0x0  }
0x30: {  	[sflag:s8] =	ssyncadd.s32 $0xFFFFFC00  }
0x31: {  	[bflag:$0x0] =	sbarrier.arrive $0xFFFF  }
0x32: {  	s7 =	rddreg [dreg:$0x6]  }
0x33: {  	[hbm:s7], [sflag:s12] =	dma.local [spmem:s13], $0x278  }
0x34: {  	_ =	swait.ge [sflag:s10], $0x278  }
0x35: {  	s9 =	sadd.s32 $0x1, s9;
	s11 =	rddreg [dreg:$0x7]  }
0x36: {  	p0 =	sne.s32 s9, s11  }
.Ltmp1:
0x37: {  	_ = 	snop;
	(pc) =	sbr.rel @!p0 .LBB2_5-.Ltmp1, $3  }
0x38: {  	_ =	sdelay $0x1  }
0x39: {  	[sflag:s10] =	ssyncset.done $0x0  }
0x3a: {  	[sflag:s10] =	ssyncadd.s32 $0xFFFFFD88  }
.LBB2_1:
0x3b: {  	s0 =	simm.s32 $0x0;
	s3 =	rddreg [dreg:$0x3]  }
0x3c: {  	[tilespmem:s0], [sflag:$0x11] =	stream.linear.gather [hbm4b:s3+s0], $0x2800, $0x38;
	[tilespmem:$0x83C0] =	vst v63  }
0x3d: {  	_ =	swait.ge [sflag:s10], $0x2800  }
0x3e: {  	[sflag:s10] =	ssyncset.done $0x0  }
0x3f: {  	s5 =	simm.s32 $0x2800;
	s11 =	rddreg [dreg:$0x4];
	[sflag:s10] =	ssyncadd.s32 $0xFFFFD800  }
0x40: {  	[tilespmem:s5], [sflag:$0x11] =	stream.linear.gather [hbm4b:s11+s0], $0x2800, $0x38;
	[tilespmem:$0x83C0] =	vst v63  }
0x41: {  	_ =	swait.ge [sflag:s10], $0x2800  }
0x42: {  	[sflag:s10] =	ssyncset.done $0x0  }
0x43: {  	s6 =	rddreg [dreg:$0x5];
	[sflag:s10] =	ssyncadd.s32 $0xFFFFD800  }
0x44: {  	[spmem:s13], [sflag:s12] =	dma.local [hbm:s6], $0x278  }
0x45: {  	_ =	swait.ge [sflag:s10], $0x278  }
0x46: {  	[sflag:s10] =	ssyncset.done $0x0  }
0x47: {  	[sflag:s10] =	ssyncadd.s32 $0xFFFFFD88  }
0x48: {  	[bflag:$0x0] =	sbarrier.arrive $0xFFFF  }
0x49: {  	[tilespmem:s15], [sflag:$0x1] =	stream.indirect.gather [hbm4b:s4+s14], $0x8, s0, s14, $0xb8;
	[tilespmem:$0x83C0] =	vst v63  }
0x4a: {  	_ = 	snop  }
0x4b: {  	[tilespmem:s16], [sflag:$0x2] =	stream.indirect.gather [hbm4b:s4+s14], $0x8, s14, s14, $0xb8;
	[tilespmem:$0x83C0] =	vst v63  }
0x4c: {  	s7 =	simm.s32 $0x100  }
0x4d: {  	[tilespmem:s18], [sflag:$0x3] =	stream.indirect.gather [hbm4b:s4+s14], $0x8, s7, s14, $0xb8;
	[tilespmem:$0x83C0] =	vst v63  }
0x4e: {  	s3 =	simm.s32 $0x0;
	s11 =	simm.s32 $0x180  }
0x4f: {  	[tilespmem:s20], [sflag:$0x4] =	stream.indirect.gather [hbm4b:s4+s14], $0x8, s11, s14, $0xb8;
	[tilespmem:$0x83C0] =	vst v63  }
.LBB2_2:
0x50: {  	_ =	swait.ge [sflag:s21], $0x400  }
0x51: {  	s0 =	sshra.s32 s3, $0x2;
	[sflag:s21] =	ssyncset.done $0x0  }
0x52: {  	p0 =	seq.s32 s3, $0x0;
	s11 =	sadd.s32 $0x2800, s0;
	[sflag:s21] =	ssyncadd.s32 $0xFFFFFC00  }
0x53: {  	[spmem:s2] =	stream.indirect.scatter.add.f32 [tilespmem:s15], [sflag:$0x9], $0x8, s11, s14, $0xb8;
	[tilespmem:$0x83C0] =	vst v63  }
0x54: {  	s11 =	simm.s32 @!p0 $0xD  }
0x55: {  	_ =	swait.ge @!p0 [sflag:s11], $0x400  }
0x56: {  	[sflag:s11] =	ssyncset.done @!p0 $0x0  }
0x57: {  	s6 =	sadd.s32 $0x200, s0;
	[sflag:s11] =	ssyncadd.s32 @!p0 $0xFFFFFC00  }
0x58: {  	[tilespmem:s22], [sflag:$0x5] =	stream.indirect.gather [hbm4b:s4+s14], $0x8, s6, s14, $0xb8;
	[tilespmem:$0x83C0] =	vst v63  }
0x59: {  	_ =	swait.ge [sflag:s23], $0x400  }
0x5a: {  	[sflag:s23] =	ssyncset.done $0x0  }
0x5b: {  	s7 =	sadd.s32 $0x2880, s0;
	s11 =	simm.s32 @!p0 $0xE;
	[sflag:s23] =	ssyncadd.s32 $0xFFFFFC00  }
0x5c: {  	[spmem:s2] =	stream.indirect.scatter.add.f32 [tilespmem:s16], [sflag:$0xA], $0x8, s7, s14, $0xb8;
	[tilespmem:$0x83C0] =	vst v63  }
0x5d: {  	_ =	swait.ge @!p0 [sflag:s11], $0x400  }
0x5e: {  	[sflag:s11] =	ssyncset.done @!p0 $0x0  }
0x5f: {  	s5 =	sadd.s32 $0x280, s0;
	[sflag:s11] =	ssyncadd.s32 @!p0 $0xFFFFFC00  }
0x60: {  	[tilespmem:s24], [sflag:$0x6] =	stream.indirect.gather [hbm4b:s4+s14], $0x8, s5, s14, $0xb8;
	[tilespmem:$0x83C0] =	vst v63  }
0x61: {  	_ =	swait.ge [sflag:s25], $0x400  }
0x62: {  	[sflag:s25] =	ssyncset.done $0x0  }
0x63: {  	s6 =	sadd.s32 $0x2900, s0;
	s11 =	simm.s32 @!p0 $0xF;
	[sflag:s25] =	ssyncadd.s32 $0xFFFFFC00  }
0x64: {  	[spmem:s2] =	stream.indirect.scatter.add.f32 [tilespmem:s18], [sflag:$0xB], $0x8, s6, s14, $0xb8;
	[tilespmem:$0x83C0] =	vst v63  }
0x65: {  	_ =	swait.ge @!p0 [sflag:s11], $0x400  }
0x66: {  	[sflag:s11] =	ssyncset.done @!p0 $0x0  }
0x67: {  	s7 =	sadd.s32 $0x300, s0;
	[sflag:s11] =	ssyncadd.s32 @!p0 $0xFFFFFC00  }
0x68: {  	[tilespmem:s26], [sflag:$0x7] =	stream.indirect.gather [hbm4b:s4+s14], $0x8, s7, s14, $0xb8;
	[tilespmem:$0x83C0] =	vst v63  }
0x69: {  	_ =	swait.ge [sflag:s28], $0x400  }
0x6a: {  	[sflag:s28] =	ssyncset.done $0x0  }
0x6b: {  	s5 =	sadd.s32 $0x2980, s0;
	s11 =	simm.s32 @!p0 $0x10;
	[sflag:s28] =	ssyncadd.s32 $0xFFFFFC00  }
0x6c: {  	[spmem:s2] =	stream.indirect.scatter.add.f32 [tilespmem:s20], [sflag:$0xC], $0x8, s5, s14, $0xb8;
	[tilespmem:$0x83C0] =	vst v63  }
0x6d: {  	_ =	swait.ge @!p0 [sflag:s11], $0x400  }
0x6e: {  	[sflag:s11] =	ssyncset.done @!p0 $0x0  }
0x6f: {  	s6 =	sadd.s32 $0x380, s0;
	[sflag:s11] =	ssyncadd.s32 @!p0 $0xFFFFFC00  }
0x70: {  	[tilespmem:s29], [sflag:$0x8] =	stream.indirect.gather [hbm4b:s4+s14], $0x8, s6, s14, $0xb8;
	[tilespmem:$0x83C0] =	vst v63  }
0x71: {  	_ =	swait.ge [sflag:s30], $0x400  }
0x72: {  	p0 =	seq.s32 s3, $0x9000;
	[sflag:s30] =	ssyncset.done $0x0  }
0x73: {  	s7 =	sadd.s32 $0x2A00, s0;
	s11 =	simm.s32 @p0 $0x6;
	[sflag:s30] =	ssyncadd.s32 $0xFFFFFC00  }
0x74: {  	[spmem:s2] =	stream.indirect.scatter.add.f32 [tilespmem:s22], [sflag:$0xD], $0x8, s7, s14, $0xb8;
	[tilespmem:$0x83C0] =	vst v63  }
0x75: {  	_ =	swait.ge @p0 [sflag:s11], $0x400  }
0x76: {  	[sflag:s11] =	ssyncset.done @p0 $0x0  }
0x77: {  	[sflag:s11] =	ssyncadd.s32 @p0 $0xFFFFFC00;
	s11 =	sshra.s32 @p0 s3, $0x2  }
0x78: {  	s5 =	simm.s32 @p0 $0x80;
	s6 =	simm.s32 @p0 $0x6400;
	s11 =	sadd.s32 @p0 $0x2A80, s11  }
0x79: {  	[spmem:s2] =	stream.indirect.scatter.add.f32 @p0 [tilespmem:s6], [sflag:$0xE], $0x8, s11, s5, $0xb8;
	[tilespmem:$0x83C0] =	vst v63  }
0x7a: {  	s5 =	simm.s32 @!p0 $0x9  }
0x7b: {  	_ =	swait.ge @!p0 [sflag:s5], $0x400  }
0x7c: {  	[sflag:s5] =	ssyncset.done @!p0 $0x0  }
0x7d: {  	[sflag:s5] =	ssyncadd.s32 @!p0 $0xFFFFFC00;
	s5 =	sshra.s32 @!p0 s3, $0x2  }
0x7e: {  	s7 =	simm.s32 @!p0 $0x5000;
	s11 =	simm.s32 @!p0 $0x80;
	s6 =	sadd.s32 @!p0 $0x400, s5  }
0x7f: {  	[tilespmem:s7], [sflag:$0x1] =	stream.indirect.gather @!p0 [hbm4b:s4+s11], $0x8, s6, s11, $0xb8;
	[tilespmem:$0x83C0] =	vst v63  }
0x80: {  	s6 =	simm.s32 @!p0 $0x6  }
0x81: {  	_ =	swait.ge @!p0 [sflag:s6], $0x400  }
0x82: {  	[sflag:s6] =	ssyncset.done @!p0 $0x0  }
0x83: {  	s7 =	simm.s32 @!p0 $0x6400;
	[sflag:s6] =	ssyncadd.s32 @!p0 $0xFFFFFC00;
	s6 =	sadd.s32 @!p0 $0x2A80, s5  }
0x84: {  	[spmem:s2] =	stream.indirect.scatter.add.f32 @!p0 [tilespmem:s7], [sflag:$0xE], $0x8, s6, s11, $0xb8;
	[tilespmem:$0x83C0] =	vst v63  }
0x85: {  	s6 =	simm.s32 @!p0 $0xA  }
0x86: {  	_ =	swait.ge @!p0 [sflag:s6], $0x400  }
0x87: {  	[sflag:s6] =	ssyncset.done @!p0 $0x0  }
0x88: {  	s5 =	sadd.s32 @!p0 $0x480, s5;
	[sflag:s6] =	ssyncadd.s32 @!p0 $0xFFFFFC00;
	s6 =	simm.s32 @!p0 $0x5400  }
0x89: {  	[tilespmem:s6], [sflag:$0x2] =	stream.indirect.gather @!p0 [hbm4b:s4+s11], $0x8, s5, s11, $0xb8;
	[tilespmem:$0x83C0] =	vst v63  }
.Ltmp2:
0x8a: {  	_ =	swait.ge [sflag:s31], $0x400;
	(pc) =	sbr.rel @p0 .LBB2_4-.Ltmp2, $4  }
0x8b: {  	[sflag:s31] =	ssyncset.done $0x0  }
0x8c: {  	s11 =	sadd.s32 $0x2B00, s0;
	[sflag:s31] =	ssyncadd.s32 $0xFFFFFC00  }
0x8d: {  	[spmem:s2] =	stream.indirect.scatter.add.f32 [tilespmem:s26], [sflag:$0xF], $0x8, s11, s14, $0xb8;
	[tilespmem:$0x83C0] =	vst v63  }
0x8e: {  	s11 =	sadd.s32 $0x2B80, s0  }
0x8f: {  	_ =	swait.ge [sflag:s17], $0x400  }
0x90: {  	[sflag:s17] =	ssyncset.done $0x0  }
0x91: {  	s5 =	sadd.s32 $0x500, s0;
	[sflag:s17] =	ssyncadd.s32 $0xFFFFFC00  }
0x92: {  	[tilespmem:s18], [sflag:$0x3] =	stream.indirect.gather [hbm4b:s4+s14], $0x8, s5, s14, $0xb8;
	[tilespmem:$0x83C0] =	vst v63  }
0x93: {  	_ =	swait.ge [sflag:s1], $0x400  }
0x94: {  	[sflag:s1] =	ssyncset.done $0x0  }
0x95: {  	[sflag:s1] =	ssyncadd.s32 $0xFFFFFC00  }
0x96: {  	[spmem:s2] =	stream.indirect.scatter.add.f32 [tilespmem:s29], [sflag:$0x10], $0x8, s11, s14, $0xb8;
	[tilespmem:$0x83C0] =	vst v63  }
.Ltmp3:
0x97: {  	_ = 	snop;
	(pc) =	sbr.rel .LBB2_2-.Ltmp3, $4  }
0x98: {  	_ =	swait.ge [sflag:s19], $0x400  }
0x99: {  	[sflag:s19] =	ssyncset.done $0x0  }
0x9a: {  	s3 =	sadd.s32 $0x1000, s3;
	s11 =	sadd.s32 $0x580, s0;
	[sflag:s19] =	ssyncadd.s32 $0xFFFFFC00  }
0x9b: {  	[tilespmem:s20], [sflag:$0x4] =	stream.indirect.gather [hbm4b:s4+s14], $0x8, s11, s14, $0xb8;
	[tilespmem:$0x83C0] =	vst v63  }
.LBB2_5:
0x9c: {  	_ =	sfence.sel $0x180000  }
0x9d: {  	[bflag:$0x0] =	sbarrier.arrive $0xFFFF  }
0x9e: {  	_ =	strace $0x9000004D  }
0x9f: {  	s0 =	stileid.u32;
	[bflag:$0x2] =	sbarrier.arrive $0xFFFF  }
0xa0: {  	p0 =	sne.s32 s0, $0x0;
	s0 =	rddreg [dreg:$0x2]  }
0xa1: {  	s0 =	sadd.s32 @!p0 $0x100000, s0  }
0xa2: {  	[sflag:s0] =	ssyncadd.tile.s32 @!p0 $0x1;
	_ =	shalt  }
.Lfunc_end2:
_tile_overlayer_lowered:
.L_overlay_start_2:
0xa3: {  	(tag) =	ssettag $0x2  }
0xa4: {  	s0 =	rddreg [dreg:$0x0];
	s2 =	stileid.u32  }
0xa5: {  	s1 =	rddreg [dreg:$0x1];
	p0 =	sne.s32 s2, $0x0  }
0xa6: {  	s3 =	rddreg [dreg:$0x2];
	[bflag:$0x3] =	sbarrier.arrive $0xFFFF;
	s2 =	simm.s32 @!p0 $0x1C11  }
0xa7: {  	[timem:s3], [sflag:s2] =	dma.local @!p0 [hbm:s0], s1  }
0xa8: {  	s0 =	simm.s32 @!p0 $0x11  }
0xa9: {  	_ =	swait.ge @!p0 [sflag:s0], s1  }
0xaa: {  	s1 =	ssub.s32 @!p0 $0x0, s1;
	[sflag:s0] =	ssyncset.done @!p0 $0x0  }
0xab: {  	[sflag:s0] =	ssyncadd.s32 @!p0 s1  }
0xac: {  	[bflag:$0x3] =	sbarrier.arrive $0xFFFF  }
0xad: {  	_ =	shalt  }

// kernel: kernel.19.cloned.1.call-start
scs
__scs_entry_jumppad:
0x0: {  	(pc) =	sbr.rel $0x88, $3  }
0x1: {  	(tag) =	ssettag $0x0;
	lr =	simm.s32 $0x1  }
0x2: {  	[smem:$0x3F96] =	sst lr;
	_ =	strace $0xD0000000  }
0x3: {  	_ = 	snop  }
0x4: {  	_ = 	snop  }
0x5: {  	_ = 	snop  }
0x6: {  	_ = 	snop  }
0x7: {  	_ = 	snop  }
__scs_overlays_trampoline_lowered:
0x8: {  	[smem:$0x3FA5] =	sst s0  }
0x9: {  	[smem:$0x3FA6] =	sst s1  }
0xa: {  	[smem:$0x3FA7] =	sst s2  }
0xb: {  	[smem:$0x3FA8] =	sst s3  }
0xc: {  	[smem:$0x3FA9] =	sst s4  }
0xd: {  	[smem:$0x3FAA] =	sst s5  }
0xe: {  	[smem:$0x3FAB] =	sst s6  }
0xf: {  	[smem:$0x3FAC] =	sst s7  }
0x10: {  	[smem:$0x3FAD] =	sst s8  }
0x11: {  	[smem:$0x3FAE] =	sst s9;
	s0 =	simm.s32 @!p0 $0x0  }
0x12: {  	s1 =	sld [smem:$0x3F94];
	s0 =	simm.s32 @p0 $0x1  }
0x13: {  	[smem:$0x3FAF] =	sst s0;
	s0 =	simm.s32 @!p1 $0x0  }
0x14: {  	s2 =	sld [smem:$0x3F93];
	s0 =	simm.s32 @p1 $0x1  }
0x15: {  	[smem:$0x3FB0] =	sst s0;
	s0 =	simm.s32 @!p2 $0x0  }
0x16: {  	s3 =	sld [smem:$0x3FDB];
	s0 =	simm.s32 @p2 $0x1  }
0x17: {  	s4 =	simm.s32 $0x1BF5;
	[smem:$0x3FB2] =	sst s0  }
0x18: {  	s0 =	sld [smem:$0x3F95];
	_ =	swait.ge [sflag:s4], $0x0  }
0x19: {  	s7 =	sld [smem:$0x3F96]  }
0x1a: {  	s8 =	sadd.s32 $0xFFFFE003, lr  }
0x1b: {  	s9 =	sadd.s32 $0xFFFFFEF7, lr;
	s5 =	simm.s32 $0xFFFFFFFF;
	p2 =	slt.u32 s8, $0xFFFFF086  }
0x1c: {  	p1 =	slt.u32 s9, $0xF7A;
	s5 =	simm.s32 @!p2 $0x0  }
0x1d: {  	s5 =	simm.s32 @p1 $0x1;
	p0 =	seq.s32 s7, s2  }
0x1e: {  	s7 =	smul.u32 @!p0 $0xF7A, s2;
	p2 =	seq.s32 @!p0 s5, $0x0  }
0x1f: {  	s9 =	smul.u32 $0xF7A, s1;
	s8 =	simm.s32 @!p0 $0x1BF5;
	p2 =	por !p2, p0  }
0x20: {  	[sflag:s8] =	ssyncset.s32 @!p0 $0xFFFFF086;
	s6 =	sadd.s32 @!p0 s3, s7;
	s7 =	simm.s32 @!p0 $0x108  }
0x21: {  	s3 =	sadd.s32 s3, s9;
	s6 =	sadd.s32 @!p0 $0x88, s6;
	s7 =	simm.s32 @p2 $0x1082  }
0x22: {  	[simem:s7], [sflag:s8] =	dma.local @!p0 [hbm:s6], $0xF7A  }
0x23: {  	s9 =	sor.u32 $0xD0000000, s2;
	s6 =	simm.s32 $0x108;
	_ =	swait.ge @!p0 [sflag:s8], $0x0  }
0x24: {  	s3 =	sadd.s32 $0x88, s3;
	s6 =	simm.s32 @!p1 $0x1082;
	[sflag:s4] =	ssyncset.s32 $0xFFFFF086  }
0x25: {  	[simem:s6], [sflag:s4] =	dma.local [hbm:s3], $0xF7A  }
0x26: {  	[smem:$0x3F96] =	sst s1;
	(tag) =	ssettag s2;
	_ =	strace s9  }
0x27: {  	s1 =	sld [smem:$0x3FA6]  }
0x28: {  	s2 =	sld [smem:$0x3FA7]  }
0x29: {  	s4 =	sld [smem:$0x3FA9]  }
0x2a: {  	p0 =	seq.s32 s5, $0x0;
	s5 =	sld [smem:$0x3FAA]  }
0x2b: {  	s6 =	sld [smem:$0x3FAB]  }
0x2c: {  	s7 =	sld [smem:$0x3FAC]  }
0x2d: {  	s3 =	simm.s32 $0x108;
	s8 =	sld [smem:$0x3FAD]  }
0x2e: {  	s3 =	simm.s32 @!p0 $0x1082;
	s9 =	sld [smem:$0x3FAE]  }
0x2f: {  	lr =	sadd.s32 s0, s3;
	s0 =	sld [smem:$0x3FA5]  }
0x30: {  	s3 =	sld [smem:$0x3FA8]  }
0x31: {  	[smem:$0x3FB1] =	sst s10  }
0x32: {  	s10 =	sld [smem:$0x3FAF];
	_ =	sdelay $0x3  }
0x33: {  	p0 =	seq.s32 s10, $0x1;
	s10 =	sld [smem:$0x3FB1];
	_ =	sdelay $0x3  }
0x34: {  	[smem:$0x3FB1] =	sst s10  }
0x35: {  	s10 =	sld [smem:$0x3FB0];
	_ =	sdelay $0x3  }
0x36: {  	p1 =	seq.s32 s10, $0x1;
	s10 =	sld [smem:$0x3FB1];
	_ =	sdelay $0x3  }
0x37: {  	[smem:$0x3FB1] =	sst s10  }
0x38: {  	s10 =	sld [smem:$0x3FB2]  }
0x39: {  	_ = 	snop;
	(pc) =	sbr.ind lr, $3  }
0x3a: {  	_ = 	snop  }
0x3b: {  	_ = 	snop  }
0x3c: {  	p2 =	seq.s32 s10, $0x1;
	s10 =	sld [smem:$0x3FB1]  }
0x3d: {  	_ =	shalt  }
0x3e: {  	_ =	shalt  }
0x3f: {  	_ =	shalt  }
0x40: {  	_ =	shalt  }
0x41: {  	_ =	shalt  }
0x42: {  	_ =	shalt  }
0x43: {  	_ =	shalt  }
0x44: {  	_ =	shalt  }
0x45: {  	_ =	shalt  }
0x46: {  	_ =	shalt  }
0x47: {  	_ =	shalt  }
0x48: {  	_ =	shalt  }
0x49: {  	_ =	shalt  }
0x4a: {  	_ =	shalt  }
0x4b: {  	_ =	shalt  }
0x4c: {  	_ =	shalt  }
0x4d: {  	_ =	shalt  }
0x4e: {  	_ =	shalt  }
0x4f: {  	_ =	shalt  }
0x50: {  	_ =	shalt  }
0x51: {  	_ =	shalt  }
0x52: {  	_ =	shalt  }
0x53: {  	_ =	shalt  }
0x54: {  	_ =	shalt  }
0x55: {  	_ =	shalt  }
0x56: {  	_ =	shalt  }
0x57: {  	_ =	shalt  }
0x58: {  	_ =	shalt  }
0x59: {  	_ =	shalt  }
0x5a: {  	_ =	shalt  }
0x5b: {  	_ =	shalt  }
0x5c: {  	_ =	shalt  }
0x5d: {  	_ =	shalt  }
0x5e: {  	_ =	shalt  }
0x5f: {  	_ =	shalt  }
0x60: {  	_ =	shalt  }
0x61: {  	_ =	shalt  }
0x62: {  	_ =	shalt  }
0x63: {  	_ =	shalt  }
0x64: {  	_ =	shalt  }
0x65: {  	_ =	shalt  }
0x66: {  	_ =	shalt  }
0x67: {  	_ =	shalt  }
0x68: {  	_ =	shalt  }
0x69: {  	_ =	shalt  }
0x6a: {  	_ =	shalt  }
0x6b: {  	_ =	shalt  }
0x6c: {  	_ =	shalt  }
0x6d: {  	_ =	shalt  }
0x6e: {  	_ =	shalt  }
0x6f: {  	_ =	shalt  }
0x70: {  	_ =	shalt  }
0x71: {  	_ =	shalt  }
0x72: {  	_ =	shalt  }
0x73: {  	_ =	shalt  }
0x74: {  	_ =	shalt  }
0x75: {  	_ =	shalt  }
0x76: {  	_ =	shalt  }
0x77: {  	_ =	shalt  }
0x78: {  	_ =	shalt  }
0x79: {  	_ =	shalt  }
0x7a: {  	_ =	shalt  }
0x7b: {  	_ =	shalt  }
0x7c: {  	_ =	shalt  }
0x7d: {  	_ =	shalt  }
0x7e: {  	_ =	shalt  }
0x7f: {  	_ =	shalt  }
0x80: {  	_ =	shalt  }
0x81: {  	_ =	shalt  }
0x82: {  	_ =	shalt  }
0x83: {  	_ =	shalt  }
0x84: {  	_ =	shalt  }
0x85: {  	_ =	shalt  }
0x86: {  	_ =	shalt  }
0x87: {  	_ =	shalt  }
.Lfunc_end0:
.L_simem_size_0:
called_computation.3_lowered:
.L_overlay_start_0:
0x88: {  	s2 =	sld [smem:$0x3FD9]  }
0x89: {  	s3 =	sld [smem:$0x3FFE];
	_ =	sdelay $0x1  }
0x8a: {  	s1 =	srdreg.scid  }
0x8b: {  	s0 =	sand.u32 $0x1, s1  }
0x8c: {  	s16 =	sshll.u32 s0, $0xA;
	s2 =	sadd.s32 s3, s2  }
0x8d: {  	s2 =	sadd.s32 s2, s16  }
0x8e: {  	[smem:$0x3FBD] =	sst s2  }
0x8f: {  	_ = 	snop  }
0x90: {  	(tm) =	ssettm $0x1  }
0x91: {  	s17 =	sld [smem:$0x3FFB];
	_ =	sdelay $0x3  }
0x92: {  	_ =	strace s17  }
0x93: {  	s2 =	sld [smem:$0x3FFC];
	_ =	sdelay $0x3  }
0x94: {  	_ =	strace s2  }
0x95: {  	s2 =	sld [smem:$0x3FFD];
	_ =	sdelay $0x3  }
0x96: {  	_ =	strace s2  }
0x97: {  	_ =	strace $0x8FFFFFFF  }
0x98: {  	s18 =	sld [smem:$0x3FDB];
	_ =	sdelay $0x1  }
0x99: {  	s19 =	simm.s32 $_scs_section_size  }
0x9a: {  	s4 =	simm.s32 $_size__tile_overlayer_lowered;
	s5 =	simm.s32 $_tile_overlayer_lowered  }
0x9b: {  	s22 =	simm.s32 $0x1BFF;
	s21 =	sshll.u32 s5, $0x1;
	s2 =	sadd.s32 s19, s18  }
0x9c: {  	s6 =	simm.s32 $0x0;
	s20 =	sshll.u32 s4, $0x1;
	s4 =	sadd.s32 s21, s2  }
0x9d: {  	[timem:s6], [sflag:s22] =	dma.local [hbm:s4], s20  }
0x9e: {  	_ =	swait.ge [sflag:s22], s20  }
0x9f: {  	s3 =	ssub.s32 $0x0, s20;
	[sflag:s22] =	ssyncset.done $0x0  }
0xa0: {  	[sflag:s22] =	ssyncadd.s32 s3;
	_ =	sdelay $0x1  }
0xa1: {  	s23 =	simm.s32 $0x1B8B  }
0xa2: {  	_ =	swait.ge [sflag:s23], $0x1  }
0xa3: {  	[sflag:s23] =	ssyncset.done $0x0  }
0xa4: {  	s25 =	simm.s32 $0x1B8E;
	s24 =	sld [smem:$0x3FFE];
	[sflag:s23] =	ssyncadd.s32 $0xFFFFFFFF  }
0xa5: {  	s26 =	simm.s32 $execute0_lowered;
	[smem:$0x3FD2] =	sst s25  }
0xa6: {  	s4 =	sshll.u32 s26, $0x1;
	_ =	strace $0x8000004F;
	[dreg:$0x1] =	wrdreg $0xFFFFFFFF  }
0xa7: {  	s28 =	simm.s32 $_size_execute0_lowered;
	s2 =	sadd.s32 s2, s4;
	[dreg:$0x0] =	wrdreg $0x0  }
0xa8: {  	s4 =	sshll.u32 s28, $0x1;
	[dreg:$0x2] =	wrdreg s2  }
0xa9: {  	[dreg:$0x3] =	wrdreg s4  }
0xaa: {  	[dreg:$0x4] =	wrdreg $0xC0  }
0xab: {  	_ =	task [dreg:s6], $0x5FFFF  }
0xac: {  	[dreg:$0x1] =	wrdreg $0xFFFFFFFF  }
0xad: {  	[dreg:$0x0] =	wrdreg $0x60  }
0xae: {  	[dreg:$0x2] =	wrdreg s24  }
0xaf: {  	[dreg:$0x3] =	wrdreg $0xD0000  }
0xb0: {  	[dreg:$0x4] =	wrdreg $0x9  }
0xb1: {  	_ =	task.clear_ibuf [dreg:s6], $0x5FFFF;
	_ =	strace $0x9000004F  }
0xb2: {  	s29 =	simm.s32 $0x9;
	_ =	strace $0x80000051  }
0xb3: {  	_ =	swait.ge [sflag:s29], $0x1  }
0xb4: {  	[sflag:s29] =	ssyncadd.s32 $0xFFFFFFFF  }
0xb5: {  	_ =	strace $0x90000051  }
0xb6: {  	_ =	sfence  }
0xb7: {  	s30 =	sld [smem:$0x0];
	_ =	sdelay $0x2  }
0xb8: {  	s31 =	sshll.u32 s1, $0xD;
	s1 =	sshrl.u32 s1, $0x2  }
0xb9: {  	s3 =	sand.u32 $0x4000, s31;
	s1 =	sadd.s32 s1, s30  }
0xba: {  	s0 =	sor.u32 s3, s0;
	s1 =	sshll.u32 s1, $0x11  }
0xbb: {  	s0 =	sor.u32 s1, s0  }
0xbc: {  	s0 =	sadd.s32 $0x8F2B, s0  }
0xbd: {  	[sflag:s0] =	ssyncadd.remote.s32 $0x1  }
0xbe: {  	_ =	sfence.sel $0xFFFF  }
0xbf: {  	[dreg:$0x0] =	wrdreg $0xFFFFFFFF;
	(pc) =	sbr.abs _section_cstart, $3  }
0xc0: {  	[dreg:$0x1] =	wrdreg $0xFFFFFFFF  }
0xc1: {  	_ =	task.clear_ibuf [dreg:s6], $0x2FFFF;
	_ =	strace $0x9FFFFFFF  }
0xc2: {  	(tm) =	ssettm $0x7FFFFFFF  }
0xc3: {  	_ =	shalt  }
tec
execute0_lowered:
.L_overlay_start_1:
0x0: {  	(tag) =	ssettag $0x1  }
0x1: {  	s0 =	srdreg.scid;
	s3 =	rddreg [dreg:$0x0]  }
0x2: {  	s8 =	stileid.u32;
	s2 =	rddreg [dreg:$0x1];
	s4 =	simm.s32 $0x0  }
0x3: {  	s10 =	simm.s32 $0x11;
	s14 =	simm.s32 $0x80;
	s15 =	simm.s32 $0x5000  }
0x4: {  	s16 =	simm.s32 $0x6000;
	s18 =	simm.s32 $0x7000;
	s20 =	simm.s32 $0x8000  }
0x5: {  	s21 =	simm.s32 $0x1;
	s28 =	simm.s32 $0x4;
	s29 =	simm.s32 $0xC000  }
0x6: {  	s30 =	simm.s32 $0x5;
	s31 =	simm.s32 $0x7;
	s17 =	simm.s32 $0xB  }
0x7: {  	s19 =	simm.s32 $0xC;
	s9 =	simm.s32 $0x0;
	s0 =	sand.u32 $0x1, s0  }
0x8: {  	s5 =	smul.u32 $0x4F00, s8;
	[smem:$0x7FF] =	sst s4;
	s4 =	sadd.s32 $0x1E000, s3  }
0x9: {  	s26 =	sshll.u32 s8, $0x6;
	s1 =	sshll.u32 s0, $0x4;
	s6 =	smul.u32 $0x4F000, s0  }
0xa: {  	_ =	strace $0x80000050;
	s0 =	ssub.s32 $0x2, s0;
	s12 =	sor.u32 $0x1C11, s26  }
0xb: {  	s26 =	simm.s32 $0xB000;
	s1 =	sor.u32 s8, s1;
	s7 =	sshrl.u32 s5, $0x3  }
0xc: {  	s22 =	sshrl.u32 s0, $0x1;
	s24 =	sadd.s32 s5, s2;
	s8 =	simm.s32 $0x10  }
0xd: {  	s1 =	smul.u32 $0x500, s1;
	s6 =	sadd.s32 s5, s6;
	s7 =	sadd.s32 s7, s3  }
0xe: {  	s0 =	ssub.s32 s0, s22;
	s13 =	sshrl.u32 s24, $0x3;
	s22 =	simm.s32 $0x9000  }
0xf: {  	s24 =	simm.s32 $0xA000;
	s25 =	sadd.s32 $0x27E00, s7;
	s0 =	smax.u32 s0, $0x1  }
.Ltmp0:
0x10: {  	s1 =	sadd.s32 s1, s3;
	[dreg:$0x5] =	wrdreg s25;
	(pc) =	sbr.rel .LBB2_1-.Ltmp0, $4  }
0x11: {  	s6 =	sshrl.u32 s6, $0x3;
	[dreg:$0x7] =	wrdreg s0;
	s23 =	sadd.s32 $0x14000, s1  }
0x12: {  	s3 =	sadd.s32 s6, s3;
	s1 =	sadd.s32 $0x2600, s1;
	[dreg:$0x3] =	wrdreg s23  }
0x13: {  	s25 =	simm.s32 $0x3;
	s3 =	sadd.s32 $0x31C00, s3;
	[dreg:$0x4] =	wrdreg s1  }
0x14: {  	[dreg:$0x6] =	wrdreg s3;
	s23 =	simm.s32 $0x2;
	s1 =	simm.s32 $0x8  }
.LBB2_4:
0x15: {  	_ =	swait.ge [sflag:s1], $0x1000  }
0x16: {  	[sflag:s1] =	ssyncset.done $0x0  }
0x17: {  	s0 =	simm.s32 $0x9;
	[sflag:s1] =	ssyncadd.s32 $0xFFFFF000  }
0x18: {  	[spmem:s2] =	stream.indirect.scatter.add.f32 [tilespmem:s29], [sflag:$0x10], $0x20, s11, s14, $0xb8;
	[tilespmem:$0x11F00] =	vst v63  }
0x19: {  	_ =	swait.ge [sflag:s0], $0x1000  }
0x1a: {  	[sflag:s0] =	ssyncset.done $0x0  }
0x1b: {  	s11 =	simm.s32 $0xA;
	[sflag:s0] =	ssyncadd.s32 $0xFFFFF000  }
0x1c: {  	_ =	swait.ge [sflag:s11], $0x1000  }
0x1d: {  	[sflag:s11] =	ssyncset.done $0x0  }
0x1e: {  	[sflag:s11] =	ssyncadd.s32 $0xFFFFF000  }
0x1f: {  	_ =	swait.ge [sflag:s17], $0x1000  }
0x20: {  	[sflag:s17] =	ssyncset.done $0x0  }
0x21: {  	[sflag:s17] =	ssyncadd.s32 $0xFFFFF000  }
0x22: {  	_ =	swait.ge [sflag:s19], $0x1000  }
0x23: {  	[sflag:s19] =	ssyncset.done $0x0  }
0x24: {  	s3 =	simm.s32 $0xD;
	[sflag:s19] =	ssyncadd.s32 $0xFFFFF000  }
0x25: {  	_ =	swait.ge [sflag:s3], $0x1000  }
0x26: {  	[sflag:s3] =	ssyncset.done $0x0  }
0x27: {  	s5 =	simm.s32 $0xE;
	[sflag:s3] =	ssyncadd.s32 $0xFFFFF000  }
0x28: {  	_ =	swait.ge [sflag:s5], $0x1000  }
0x29: {  	[sflag:s5] =	ssyncset.done $0x0  }
0x2a: {  	s6 =	simm.s32 $0xF;
	[sflag:s5] =	ssyncadd.s32 $0xFFFFF000  }
0x2b: {  	_ =	swait.ge [sflag:s6], $0x1000  }
0x2c: {  	[sflag:s6] =	ssyncset.done $0x0  }
0x2d: {  	[sflag:s6] =	ssyncadd.s32 $0xFFFFF000  }
0x2e: {  	_ =	swait.ge [sflag:s8], $0x1000  }
0x2f: {  	[sflag:s8] =	ssyncset.done $0x0  }
0x30: {  	[sflag:s8] =	ssyncadd.s32 $0xFFFFF000  }
0x31: {  	[bflag:$0x0] =	sbarrier.arrive $0xFFFF  }
0x32: {  	s7 =	rddreg [dreg:$0x6]  }
0x33: {  	[hbm:s7], [sflag:s12] =	dma.local [spmem:s13], $0x9E0  }
0x34: {  	_ =	swait.ge [sflag:s10], $0x9E0  }
0x35: {  	s9 =	sadd.s32 $0x1, s9;
	s11 =	rddreg [dreg:$0x7]  }
0x36: {  	p0 =	sne.s32 s9, s11  }
.Ltmp1:
0x37: {  	_ = 	snop;
	(pc) =	sbr.rel @!p0 .LBB2_5-.Ltmp1, $3  }
0x38: {  	_ =	sdelay $0x1  }
0x39: {  	[sflag:s10] =	ssyncset.done $0x0  }
0x3a: {  	[sflag:s10] =	ssyncadd.s32 $0xFFFFF620  }
.LBB2_1:
0x3b: {  	s0 =	simm.s32 $0x0;
	s3 =	rddreg [dreg:$0x3]  }
0x3c: {  	[tilespmem:s0], [sflag:$0x11] =	stream.linear.gather [hbm4b:s3+s0], $0x2800, $0x38;
	[tilespmem:$0x11F00] =	vst v63  }
0x3d: {  	_ =	swait.ge [sflag:s10], $0x2800  }
0x3e: {  	[sflag:s10] =	ssyncset.done $0x0  }
0x3f: {  	s5 =	simm.s32 $0x2800;
	s11 =	rddreg [dreg:$0x4];
	[sflag:s10] =	ssyncadd.s32 $0xFFFFD800  }
0x40: {  	[tilespmem:s5], [sflag:$0x11] =	stream.linear.gather [hbm4b:s11+s0], $0x2800, $0x38;
	[tilespmem:$0x11F00] =	vst v63  }
0x41: {  	_ =	swait.ge [sflag:s10], $0x2800  }
0x42: {  	[sflag:s10] =	ssyncset.done $0x0  }
0x43: {  	s6 =	rddreg [dreg:$0x5];
	[sflag:s10] =	ssyncadd.s32 $0xFFFFD800  }
0x44: {  	[spmem:s13], [sflag:s12] =	dma.local [hbm:s6], $0x9E0  }
0x45: {  	_ =	swait.ge [sflag:s10], $0x9E0  }
0x46: {  	[sflag:s10] =	ssyncset.done $0x0  }
0x47: {  	[sflag:s10] =	ssyncadd.s32 $0xFFFFF620  }
0x48: {  	[bflag:$0x0] =	sbarrier.arrive $0xFFFF  }
0x49: {  	[tilespmem:s15], [sflag:$0x1] =	stream.indirect.gather [hbm4b:s4+s14], $0x20, s0, s14, $0xb8;
	[tilespmem:$0x11F00] =	vst v63  }
0x4a: {  	_ = 	snop  }
0x4b: {  	[tilespmem:s16], [sflag:$0x2] =	stream.indirect.gather [hbm4b:s4+s14], $0x20, s14, s14, $0xb8;
	[tilespmem:$0x11F00] =	vst v63  }
0x4c: {  	s7 =	simm.s32 $0x100  }
0x4d: {  	[tilespmem:s18], [sflag:$0x3] =	stream.indirect.gather [hbm4b:s4+s14], $0x20, s7, s14, $0xb8;
	[tilespmem:$0x11F00] =	vst v63  }
0x4e: {  	s3 =	simm.s32 $0x0;
	s11 =	simm.s32 $0x180  }
0x4f: {  	[tilespmem:s20], [sflag:$0x4] =	stream.indirect.gather [hbm4b:s4+s14], $0x20, s11, s14, $0xb8;
	[tilespmem:$0x11F00] =	vst v63  }
.LBB2_2:
0x50: {  	_ =	swait.ge [sflag:s21], $0x1000  }
0x51: {  	s0 =	sshra.s32 s3, $0x2;
	[sflag:s21] =	ssyncset.done $0x0  }
0x52: {  	p0 =	seq.s32 s3, $0x0;
	s11 =	sadd.s32 $0x2800, s0;
	[sflag:s21] =	ssyncadd.s32 $0xFFFFF000  }
0x53: {  	[spmem:s2] =	stream.indirect.scatter.add.f32 [tilespmem:s15], [sflag:$0x9], $0x20, s11, s14, $0xb8;
	[tilespmem:$0x11F00] =	vst v63  }
0x54: {  	s11 =	simm.s32 @!p0 $0xD  }
0x55: {  	_ =	swait.ge @!p0 [sflag:s11], $0x1000  }
0x56: {  	[sflag:s11] =	ssyncset.done @!p0 $0x0  }
0x57: {  	s6 =	sadd.s32 $0x200, s0;
	[sflag:s11] =	ssyncadd.s32 @!p0 $0xFFFFF000  }
0x58: {  	[tilespmem:s22], [sflag:$0x5] =	stream.indirect.gather [hbm4b:s4+s14], $0x20, s6, s14, $0xb8;
	[tilespmem:$0x11F00] =	vst v63  }
0x59: {  	_ =	swait.ge [sflag:s23], $0x1000  }
0x5a: {  	[sflag:s23] =	ssyncset.done $0x0  }
0x5b: {  	s7 =	sadd.s32 $0x2880, s0;
	s11 =	simm.s32 @!p0 $0xE;
	[sflag:s23] =	ssyncadd.s32 $0xFFFFF000  }
0x5c: {  	[spmem:s2] =	stream.indirect.scatter.add.f32 [tilespmem:s16], [sflag:$0xA], $0x20, s7, s14, $0xb8;
	[tilespmem:$0x11F00] =	vst v63  }
0x5d: {  	_ =	swait.ge @!p0 [sflag:s11], $0x1000  }
0x5e: {  	[sflag:s11] =	ssyncset.done @!p0 $0x0  }
0x5f: {  	s5 =	sadd.s32 $0x280, s0;
	[sflag:s11] =	ssyncadd.s32 @!p0 $0xFFFFF000  }
0x60: {  	[tilespmem:s24], [sflag:$0x6] =	stream.indirect.gather [hbm4b:s4+s14], $0x20, s5, s14, $0xb8;
	[tilespmem:$0x11F00] =	vst v63  }
0x61: {  	_ =	swait.ge [sflag:s25], $0x1000  }
0x62: {  	[sflag:s25] =	ssyncset.done $0x0  }
0x63: {  	s6 =	sadd.s32 $0x2900, s0;
	s11 =	simm.s32 @!p0 $0xF;
	[sflag:s25] =	ssyncadd.s32 $0xFFFFF000  }
0x64: {  	[spmem:s2] =	stream.indirect.scatter.add.f32 [tilespmem:s18], [sflag:$0xB], $0x20, s6, s14, $0xb8;
	[tilespmem:$0x11F00] =	vst v63  }
0x65: {  	_ =	swait.ge @!p0 [sflag:s11], $0x1000  }
0x66: {  	[sflag:s11] =	ssyncset.done @!p0 $0x0  }
0x67: {  	s7 =	sadd.s32 $0x300, s0;
	[sflag:s11] =	ssyncadd.s32 @!p0 $0xFFFFF000  }
0x68: {  	[tilespmem:s26], [sflag:$0x7] =	stream.indirect.gather [hbm4b:s4+s14], $0x20, s7, s14, $0xb8;
	[tilespmem:$0x11F00] =	vst v63  }
0x69: {  	_ =	swait.ge [sflag:s28], $0x1000  }
0x6a: {  	[sflag:s28] =	ssyncset.done $0x0  }
0x6b: {  	s5 =	sadd.s32 $0x2980, s0;
	s11 =	simm.s32 @!p0 $0x10;
	[sflag:s28] =	ssyncadd.s32 $0xFFFFF000  }
0x6c: {  	[spmem:s2] =	stream.indirect.scatter.add.f32 [tilespmem:s20], [sflag:$0xC], $0x20, s5, s14, $0xb8;
	[tilespmem:$0x11F00] =	vst v63  }
0x6d: {  	_ =	swait.ge @!p0 [sflag:s11], $0x1000  }
0x6e: {  	[sflag:s11] =	ssyncset.done @!p0 $0x0  }
0x6f: {  	s6 =	sadd.s32 $0x380, s0;
	[sflag:s11] =	ssyncadd.s32 @!p0 $0xFFFFF000  }
0x70: {  	[tilespmem:s29], [sflag:$0x8] =	stream.indirect.gather [hbm4b:s4+s14], $0x20, s6, s14, $0xb8;
	[tilespmem:$0x11F00] =	vst v63  }
0x71: {  	_ =	swait.ge [sflag:s30], $0x1000  }
0x72: {  	p0 =	seq.s32 s3, $0x9000;
	[sflag:s30] =	ssyncset.done $0x0  }
0x73: {  	s7 =	sadd.s32 $0x2A00, s0;
	s11 =	simm.s32 @p0 $0x6;
	[sflag:s30] =	ssyncadd.s32 $0xFFFFF000  }
0x74: {  	[spmem:s2] =	stream.indirect.scatter.add.f32 [tilespmem:s22], [sflag:$0xD], $0x20, s7, s14, $0xb8;
	[tilespmem:$0x11F00] =	vst v63  }
0x75: {  	_ =	swait.ge @p0 [sflag:s11], $0x1000  }
0x76: {  	[sflag:s11] =	ssyncset.done @p0 $0x0  }
0x77: {  	[sflag:s11] =	ssyncadd.s32 @p0 $0xFFFFF000;
	s11 =	sshra.s32 @p0 s3, $0x2  }
0x78: {  	s5 =	simm.s32 @p0 $0x80;
	s6 =	simm.s32 @p0 $0xA000;
	s11 =	sadd.s32 @p0 $0x2A80, s11  }
0x79: {  	[spmem:s2] =	stream.indirect.scatter.add.f32 @p0 [tilespmem:s6], [sflag:$0xE], $0x20, s11, s5, $0xb8;
	[tilespmem:$0x11F00] =	vst v63  }
0x7a: {  	s5 =	simm.s32 @!p0 $0x9  }
0x7b: {  	_ =	swait.ge @!p0 [sflag:s5], $0x1000  }
0x7c: {  	[sflag:s5] =	ssyncset.done @!p0 $0x0  }
0x7d: {  	[sflag:s5] =	ssyncadd.s32 @!p0 $0xFFFFF000;
	s5 =	sshra.s32 @!p0 s3, $0x2  }
0x7e: {  	s7 =	simm.s32 @!p0 $0x5000;
	s11 =	simm.s32 @!p0 $0x80;
	s6 =	sadd.s32 @!p0 $0x400, s5  }
0x7f: {  	[tilespmem:s7], [sflag:$0x1] =	stream.indirect.gather @!p0 [hbm4b:s4+s11], $0x20, s6, s11, $0xb8;
	[tilespmem:$0x11F00] =	vst v63  }
0x80: {  	s6 =	simm.s32 @!p0 $0x6  }
0x81: {  	_ =	swait.ge @!p0 [sflag:s6], $0x1000  }
0x82: {  	[sflag:s6] =	ssyncset.done @!p0 $0x0  }
0x83: {  	s7 =	simm.s32 @!p0 $0xA000;
	[sflag:s6] =	ssyncadd.s32 @!p0 $0xFFFFF000;
	s6 =	sadd.s32 @!p0 $0x2A80, s5  }
0x84: {  	[spmem:s2] =	stream.indirect.scatter.add.f32 @!p0 [tilespmem:s7], [sflag:$0xE], $0x20, s6, s11, $0xb8;
	[tilespmem:$0x11F00] =	vst v63  }
0x85: {  	s6 =	simm.s32 @!p0 $0xA  }
0x86: {  	_ =	swait.ge @!p0 [sflag:s6], $0x1000  }
0x87: {  	[sflag:s6] =	ssyncset.done @!p0 $0x0  }
0x88: {  	s5 =	sadd.s32 @!p0 $0x480, s5;
	[sflag:s6] =	ssyncadd.s32 @!p0 $0xFFFFF000;
	s6 =	simm.s32 @!p0 $0x6000  }
0x89: {  	[tilespmem:s6], [sflag:$0x2] =	stream.indirect.gather @!p0 [hbm4b:s4+s11], $0x20, s5, s11, $0xb8;
	[tilespmem:$0x11F00] =	vst v63  }
.Ltmp2:
0x8a: {  	_ =	swait.ge [sflag:s31], $0x1000;
	(pc) =	sbr.rel @p0 .LBB2_4-.Ltmp2, $4  }
0x8b: {  	[sflag:s31] =	ssyncset.done $0x0  }
0x8c: {  	s11 =	sadd.s32 $0x2B00, s0;
	[sflag:s31] =	ssyncadd.s32 $0xFFFFF000  }
0x8d: {  	[spmem:s2] =	stream.indirect.scatter.add.f32 [tilespmem:s26], [sflag:$0xF], $0x20, s11, s14, $0xb8;
	[tilespmem:$0x11F00] =	vst v63  }
0x8e: {  	s11 =	sadd.s32 $0x2B80, s0  }
0x8f: {  	_ =	swait.ge [sflag:s17], $0x1000  }
0x90: {  	[sflag:s17] =	ssyncset.done $0x0  }
0x91: {  	s5 =	sadd.s32 $0x500, s0;
	[sflag:s17] =	ssyncadd.s32 $0xFFFFF000  }
0x92: {  	[tilespmem:s18], [sflag:$0x3] =	stream.indirect.gather [hbm4b:s4+s14], $0x20, s5, s14, $0xb8;
	[tilespmem:$0x11F00] =	vst v63  }
0x93: {  	_ =	swait.ge [sflag:s1], $0x1000  }
0x94: {  	[sflag:s1] =	ssyncset.done $0x0  }
0x95: {  	[sflag:s1] =	ssyncadd.s32 $0xFFFFF000  }
0x96: {  	[spmem:s2] =	stream.indirect.scatter.add.f32 [tilespmem:s29], [sflag:$0x10], $0x20, s11, s14, $0xb8;
	[tilespmem:$0x11F00] =	vst v63  }
.Ltmp3:
0x97: {  	_ = 	snop;
	(pc) =	sbr.rel .LBB2_2-.Ltmp3, $4  }
0x98: {  	_ =	swait.ge [sflag:s19], $0x1000  }
0x99: {  	[sflag:s19] =	ssyncset.done $0x0  }
0x9a: {  	s3 =	sadd.s32 $0x1000, s3;
	s11 =	sadd.s32 $0x580, s0;
	[sflag:s19] =	ssyncadd.s32 $0xFFFFF000  }
0x9b: {  	[tilespmem:s20], [sflag:$0x4] =	stream.indirect.gather [hbm4b:s4+s14], $0x20, s11, s14, $0xb8;
	[tilespmem:$0x11F00] =	vst v63  }
.LBB2_5:
0x9c: {  	_ =	sfence.sel $0x180000  }
0x9d: {  	[bflag:$0x0] =	sbarrier.arrive $0xFFFF  }
0x9e: {  	_ =	strace $0x90000050  }
0x9f: {  	s0 =	stileid.u32;
	[bflag:$0x2] =	sbarrier.arrive $0xFFFF  }
0xa0: {  	p0 =	sne.s32 s0, $0x0;
	s0 =	rddreg [dreg:$0x2]  }
0xa1: {  	s0 =	sadd.s32 @!p0 $0x100000, s0  }
0xa2: {  	[sflag:s0] =	ssyncadd.tile.s32 @!p0 $0x1;
	_ =	shalt  }
.Lfunc_end2:
_tile_overlayer_lowered:
.L_overlay_start_2:
0xa3: {  	(tag) =	ssettag $0x2  }
0xa4: {  	s0 =	rddreg [dreg:$0x0];
	s2 =	stileid.u32  }
0xa5: {  	s1 =	rddreg [dreg:$0x1];
	p0 =	sne.s32 s2, $0x0  }
0xa6: {  	s3 =	rddreg [dreg:$0x2];
	[bflag:$0x3] =	sbarrier.arrive $0xFFFF;
	s2 =	simm.s32 @!p0 $0x1C11  }
0xa7: {  	[timem:s3], [sflag:s2] =	dma.local @!p0 [hbm:s0], s1  }
0xa8: {  	s0 =	simm.s32 @!p0 $0x11  }
0xa9: {  	_ =	swait.ge @!p0 [sflag:s0], s1  }
0xaa: {  	s1 =	ssub.s32 @!p0 $0x0, s1;
	[sflag:s0] =	ssyncset.done @!p0 $0x0  }
0xab: {  	[sflag:s0] =	ssyncadd.s32 @!p0 s1  }
0xac: {  	[bflag:$0x3] =	sbarrier.arrive $0xFFFF  }
0xad: {  	_ =	shalt  }

</sc_bundles>
